<compile_context>
chip_gen: v7x
topology: tpu7x:2x2x1
jax: 0.10.2.dev20260603
libtpu: 0.0.44.dev20260713+nightly
codegen_flags: <defaults>
</compile_context>

<pallas_src>
import functools

import jax
import jax.numpy as jnp
from jax import lax
from jax.experimental import pallas as pl
from jax.experimental.pallas import tpu as pltpu
from jax.experimental.pallas import tpu_sc as plsc

N_NODES = 10000
N_EDGES = 160000
D = 256
H = 128
NT = 16
E_PER_TILE = N_EDGES // NT
CHUNK = 80
NCH = E_PER_TILE // CHUNK
ZROWS = 80


def _sc_body(nl_hbm, nr_hbm, efeat_hbm, src_hbm, dst_hbm,
             sum0_hbm, sum1_hbm, cnt_hbm,
             acc_sh, cnt_sh, srcring, dstring, gbuf, ebuf, ones_v, zflat,
             sem_in0, sem_in1, sem_sc0, sem_sc1, sem_ix0, sem_ix1):
    cid = lax.axis_index("c")
    sid = lax.axis_index("s")
    zero16 = jnp.zeros((16,), jnp.float32)
    one16 = jnp.ones((16,), jnp.float32)
    sem_in = (sem_in0, sem_in1)
    sem_sc = (sem_sc0, sem_sc1)
    sem_ix = (sem_ix0, sem_ix1)

    @plsc.parallel_loop(0, ZROWS * 8)
    def _(i):
        ebuf[0, i // 8, pl.ds((i % 8) * 16, 16)] = zero16

    @plsc.parallel_loop(0, 125)
    def _(i):
        zflat[pl.ds(i * 16, 16)] = zero16

    for p in range(5):
        ones_v[pl.ds(p * 16, 16)] = one16

    @pl.when(sid < 15)
    def _():
        for p in range(8):
            pltpu.sync_copy(ebuf.at[0], acc_sh.at[pl.ds(sid * 640 + p * ZROWS,
                                                        ZROWS)])

    @pl.when(sid == 15)
    def _():
        for p in range(5):
            pltpu.sync_copy(ebuf.at[0], acc_sh.at[pl.ds(9600 + p * ZROWS,
                                                        ZROWS)])

    @pl.when((cid == 0) & (sid < 5))
    def _():
        pltpu.sync_copy(zflat, cnt_sh.at[pl.ds(sid * 2000, 2000)])

    plsc.subcore_barrier()

    e_base = sid * E_PER_TILE

    def fire_idx(j, p):
        e0 = e_base + j * CHUNK
        r = j % 4
        pltpu.async_copy(src_hbm.at[pl.ds(e0, CHUNK)], srcring.at[r],
                         sem_ix[p])
        pltpu.async_copy(dst_hbm.at[pl.ds(e0, CHUNK)], dstring.at[r],
                         sem_ix[p])

    def wait_idx(j, p):
        e0 = e_base + j * CHUNK
        r = j % 4
        pltpu.make_async_copy(src_hbm.at[pl.ds(e0, CHUNK)], srcring.at[r],
                              sem_ix[p]).wait()
        pltpu.make_async_copy(dst_hbm.at[pl.ds(e0, CHUNK)], dstring.at[r],
                              sem_ix[p]).wait()

    def run_core(table_hbm, col0, with_cnt):
        def fire(j, b):
            r = j % 4
            pltpu.async_copy(table_hbm.at[srcring.at[r]], gbuf.at[b],
                             sem_in[b])
            e0 = e_base + j * CHUNK
            pltpu.async_copy(
                efeat_hbm.at[pl.ds(e0, CHUNK), pl.ds(col0, H)],
                ebuf.at[b], sem_in[b])

        def wait_in(j, b):
            r = j % 4
            pltpu.make_async_copy(table_hbm.at[srcring.at[r]], gbuf.at[b],
                                  sem_in[b]).wait()
            e0 = e_base + j * CHUNK
            pltpu.make_async_copy(
                efeat_hbm.at[pl.ds(e0, CHUNK), pl.ds(col0, H)],
                ebuf.at[b], sem_in[b]).wait()

        def compute(b):
            @plsc.parallel_loop(0, CHUNK, unroll=4)
            def _(r):
                for k in range(8):
                    c = k * 16
                    ebuf[b, r, pl.ds(c, 16)] = jnp.maximum(
                        ebuf[b, r, pl.ds(c, 16)] + gbuf[b, r, pl.ds(c, 16)],
                        0.0)

        def scatter(j, b):
            r = j % 4
            pltpu.async_copy(ebuf.at[b], acc_sh.at[dstring.at[r]],
                             sem_sc[b], add=True)
            if with_cnt:
                pltpu.async_copy(ones_v, cnt_sh.at[dstring.at[r]],
                                 sem_sc[b], add=True)

        def wait_sc(j, b):
            r = j % 4
            pltpu.make_async_copy(ebuf.at[b], acc_sh.at[dstring.at[r]],
                                  sem_sc[b]).wait()
            if with_cnt:
                pltpu.make_async_copy(ones_v, cnt_sh.at[dstring.at[r]],
                                      sem_sc[b]).wait()

        pltpu.sync_copy(src_hbm.at[pl.ds(e_base, CHUNK)], srcring.at[0])
        pltpu.sync_copy(dst_hbm.at[pl.ds(e_base, CHUNK)], dstring.at[0])
        fire(0, 0)
        fire_idx(1, 1)

        def pair(g, _):
            j0 = 2 * g
            j1 = j0 + 1
            wait_in(j0, 0)

            @pl.when(g > 0)
            def _():
                wait_sc(j0 - 1, 1)

            wait_idx(j1, 1)
            fire(j1, 1)
            fire_idx(j0 + 2, 0)
            compute(0)
            scatter(j0, 0)
            wait_in(j1, 1)
            wait_sc(j0, 0)
            wait_idx(j0 + 2, 0)
            fire(j0 + 2, 0)
            compute(1)
            scatter(j1, 1)

            @pl.when(g < (NCH - 1) // 2 - 1)
            def _():
                fire_idx(j1 + 2, 1)
            return 0

        lax.fori_loop(0, (NCH - 1) // 2, pair, 0)
        wait_in(NCH - 1, 0)
        wait_sc(NCH - 2, 1)
        compute(0)
        scatter(NCH - 1, 0)
        wait_sc(NCH - 1, 0)

    @pl.when(cid == 0)
    def _():
        run_core(nl_hbm, 0, True)

    @pl.when(cid == 1)
    def _():
        run_core(nr_hbm, H, False)

    plsc.subcore_barrier()

    for out_cid, out_hbm in ((0, sum0_hbm), (1, sum1_hbm)):
        @pl.when((cid == out_cid) & (sid < 15))
        def _(out_hbm=out_hbm):
            pltpu.sync_copy(acc_sh.at[pl.ds(sid * 640, 640)],
                            out_hbm.at[pl.ds(sid * 640, 640)])

        @pl.when((cid == out_cid) & (sid == 15))
        def _(out_hbm=out_hbm):
            pltpu.sync_copy(acc_sh.at[pl.ds(9600, 400)],
                            out_hbm.at[pl.ds(9600, 400)])

    @pl.when((cid == 0) & (sid < 5))
    def _():
        pltpu.sync_copy(cnt_sh.at[pl.ds(sid * 2000, 2000)], zflat)
        pltpu.sync_copy(zflat, cnt_hbm.at[pl.ds(sid * 2000, 2000)])


_sc_aggregate = functools.partial(
    pl.kernel,
    out_type=(
        jax.ShapeDtypeStruct((N_NODES, H), jnp.float32),
        jax.ShapeDtypeStruct((N_NODES, H), jnp.float32),
        jax.ShapeDtypeStruct((N_NODES,), jnp.float32),
    ),
    mesh=plsc.VectorSubcoreMesh(core_axis_name="c", subcore_axis_name="s"),
    scratch_types=(
        pltpu.VMEM_SHARED((N_NODES, H), jnp.float32),
        pltpu.VMEM_SHARED((N_NODES,), jnp.float32),
        pltpu.VMEM((4, CHUNK), jnp.int32),
        pltpu.VMEM((4, CHUNK), jnp.int32),
        pltpu.VMEM((2, CHUNK, H), jnp.float32),
        pltpu.VMEM((2, CHUNK, H), jnp.float32),
        pltpu.VMEM((CHUNK,), jnp.float32),
        pltpu.VMEM((2000,), jnp.float32),
        pltpu.SemaphoreType.DMA,
        pltpu.SemaphoreType.DMA,
        pltpu.SemaphoreType.DMA,
        pltpu.SemaphoreType.DMA,
        pltpu.SemaphoreType.DMA,
        pltpu.SemaphoreType.DMA,
    ),
)(_sc_body)


BLK = 2000


def _tc_body(cnt_ref, s0_ref, s1_ref, nl_ref, nr_ref, wt0_ref, wt1_ref,
             b_ref, out_ref):
    r = 1.0 / jnp.maximum(cnt_ref[...], 1.0)
    x0 = s0_ref[...] * r + nl_ref[...]
    x1 = s1_ref[...] * r + nr_ref[...]
    acc = jnp.dot(x0, wt0_ref[...], preferred_element_type=jnp.float32)
    acc = acc + jnp.dot(x1, wt1_ref[...], preferred_element_type=jnp.float32)
    out_ref[...] = acc + b_ref[...]


_tc_update = pl.pallas_call(
    _tc_body,
    grid=(N_NODES // BLK,),
    in_specs=[
        pl.BlockSpec((BLK, 1), lambda i: (i, 0)),
        pl.BlockSpec((BLK, H), lambda i: (i, 0)),
        pl.BlockSpec((BLK, H), lambda i: (i, 0)),
        pl.BlockSpec((BLK, H), lambda i: (i, 0)),
        pl.BlockSpec((BLK, H), lambda i: (i, 0)),
        pl.BlockSpec((H, D), lambda i: (0, 0)),
        pl.BlockSpec((H, D), lambda i: (0, 0)),
        pl.BlockSpec((1, D), lambda i: (0, 0)),
    ],
    out_specs=pl.BlockSpec((BLK, D), lambda i: (i, 0)),
    out_shape=jax.ShapeDtypeStruct((N_NODES, D), jnp.float32),
)


def kernel(nfeat, efeat, edge_index, W, b):
    src = edge_index[0].astype(jnp.int32)
    dst = edge_index[1].astype(jnp.int32)
    nl = nfeat[:, :H]
    nr = nfeat[:, H:]
    sum0, sum1, cnt = _sc_aggregate(nl, nr, efeat, src, dst)
    wt = W.T
    return _tc_update(cnt[:, None], sum0, sum1, nl, nr,
                      wt[:H], wt[H:], b[None, :])

# --- scband reference (transcript-rebuilt; emitter-appended) ---
"""Pipeline reference for scband-gcnconv-layer-26903675142660 (READ-ONLY COPY).

The authoritative reference and input builder live on the scoring server;
editing this copy changes nothing except your own understanding.
"""

import jax, jax.numpy as jnp
import numpy as np

N_NODES = 10000
N_EDGES = 160000
D = 256

def setup_inputs(seed: int = 0) -> dict:
    key = jax.random.key(seed)
    k1, k2, k3, k4, k5 = jax.random.split(key, 5)
    nfeat = jax.random.normal(k1, (N_NODES, D), dtype=jnp.float32)
    edge_index = jax.random.randint(k2, (2, N_EDGES), 0, N_NODES, dtype=jnp.int64)
    efeat = jax.random.normal(k3, (N_EDGES, D), dtype=jnp.float32)
    # nn.Linear(embed_dim, embed_dim): W [D, D], b [D]
    lim = 1.0 / np.sqrt(D)
    W = jax.random.uniform(k4, (D, D), minval=-lim, maxval=lim, dtype=jnp.float32)
    b = jax.random.uniform(k5, (D,), minval=-lim, maxval=lim, dtype=jnp.float32)
    return {"nfeat": nfeat, "efeat": efeat, "edge_index": edge_index, "W": W, "b": b}

def reference(nfeat, efeat, edge_index, W, b):
    src = edge_index[0]
    dst = edge_index[1]
    # apply_edges(fn.copy_u('feat','e')); edata['e'] = relu(efeat + e)
    m = jax.nn.relu(efeat + jnp.take(nfeat, src, axis=0))
    # update_all(copy_e, mean): mean-aggregate edge messages into dst nodes
    summed = jax.ops.segment_sum(m, dst, num_segments=N_NODES)
    cnt = jax.ops.segment_sum(jnp.ones((m.shape[0],), dtype=m.dtype), dst, num_segments=N_NODES)
    agg = summed / jnp.maximum(cnt, 1.0)[:, None]
    # rst = update_feat(agg + nfeat)
    rst = (agg + nfeat) @ W.T + b
    return rst

if __name__ == "__main__":
    import jax
    _d = setup_inputs()
    print(jax.jit(kernel)(*tuple(_d.values())))

</pallas_src>

<mosaic_0001>
#map = affine_map<(d0, d1) -> (0, 0)>
#map1 = affine_map<(d0, d1) -> (0)>
module attributes {stable_mosaic.version = 14 : i64} {
  func.func @_sc_body(%arg0: i32, %arg1: i32, %arg2: memref<10000x128xf32, #tpu.memory_space<hbm>>, %arg3: memref<10000x128xf32, #tpu.memory_space<hbm>>, %arg4: memref<160000x256xf32, #tpu.memory_space<hbm>>, %arg5: memref<160000xi32, #tpu.memory_space<hbm>>, %arg6: memref<160000xi32, #tpu.memory_space<hbm>>, %arg7: memref<10000x128xf32, #tpu.memory_space<hbm>>, %arg8: memref<10000x128xf32, #tpu.memory_space<hbm>>, %arg9: memref<10000xf32, #tpu.memory_space<hbm>>, %arg10: memref<10000x128xf32, #tpu.memory_space<vmem_shared>>, %arg11: memref<10000xf32, #tpu.memory_space<vmem_shared>>, %arg12: memref<4x80xi32, #tpu.memory_space<vmem>>, %arg13: memref<4x80xi32, #tpu.memory_space<vmem>>, %arg14: memref<2x80x128xf32, #tpu.memory_space<vmem>>, %arg15: memref<2x80x128xf32, #tpu.memory_space<vmem>>, %arg16: memref<80xf32, #tpu.memory_space<vmem>>, %arg17: memref<2000xf32, #tpu.memory_space<vmem>>, %arg18: memref<!tpu.dma_semaphore, #tpu.memory_space<semaphore_mem>>, %arg19: memref<!tpu.dma_semaphore, #tpu.memory_space<semaphore_mem>>, %arg20: memref<!tpu.dma_semaphore, #tpu.memory_space<semaphore_mem>>, %arg21: memref<!tpu.dma_semaphore, #tpu.memory_space<semaphore_mem>>, %arg22: memref<!tpu.dma_semaphore, #tpu.memory_space<semaphore_mem>>, %arg23: memref<!tpu.dma_semaphore, #tpu.memory_space<semaphore_mem>>) attributes {dimension_semantics = [#tpu.dimension_semantics<core_parallel>, #tpu.dimension_semantics<subcore_parallel>], iteration_bounds = array<i64: 2, 16>, scalar_prefetch = 0 : i64, scratch_operands = 14 : i64, tpu.core_type = #tpu.core_type<sc_vector_subcore>, window_params = [{transform_indices = #map}, {transform_indices = #map}, {transform_indices = #map}, {transform_indices = #map1}, {transform_indices = #map1}, {transform_indices = #map}, {transform_indices = #map}, {transform_indices = #map1}]} {
    %broadcast_in_dim3A = arith.constant 0.000000e+00 : f32
    %broadcast_in_dim3A_0 = vector.broadcast %broadcast_in_dim3A : f32 to vector<16xf32>
    %broadcast_in_dim3A_1 = arith.constant 1.000000e+00 : f32
    %broadcast_in_dim3A_2 = vector.broadcast %broadcast_in_dim3A_1 : f32 to vector<16xf32>
    %parallel_loop3A = arith.constant 0 : i32
    %parallel_loop3A_3 = arith.constant 640 : i32
    %parallel_loop3A_4 = arith.constant 1 : i32
    scf.for %parallel_loop3A_92 = %parallel_loop3A to %parallel_loop3A_3 step %parallel_loop3A_4  : i32 {
      %parallel_loop3A_93 = arith.constant 8 : i32
      %parallel_loop3A_94 = arith.divsi %parallel_loop3A_92, %parallel_loop3A_93 : i32
      %parallel_loop3A_95 = arith.constant 0 : i32
      %parallel_loop3A_96 = arith.cmpi sgt, %parallel_loop3A_92, %parallel_loop3A_95 : i32
      %parallel_loop3A_97 = arith.extui %parallel_loop3A_96 : i1 to i32
      %parallel_loop3A_98 = arith.constant 0 : i32
      %parallel_loop3A_99 = arith.cmpi slt, %parallel_loop3A_92, %parallel_loop3A_98 : i32
      %parallel_loop3A_100 = arith.extui %parallel_loop3A_99 : i1 to i32
      %parallel_loop3A_101 = arith.subi %parallel_loop3A_97, %parallel_loop3A_100 : i32
      %parallel_loop3A_102 = arith.constant 0 : i32
      %parallel_loop3A_103 = arith.cmpi sgt, %parallel_loop3A_93, %parallel_loop3A_102 : i32
      %parallel_loop3A_104 = arith.extui %parallel_loop3A_103 : i1 to i32
      %parallel_loop3A_105 = arith.constant 0 : i32
      %parallel_loop3A_106 = arith.cmpi slt, %parallel_loop3A_93, %parallel_loop3A_105 : i32
      %parallel_loop3A_107 = arith.extui %parallel_loop3A_106 : i1 to i32
      %parallel_loop3A_108 = arith.subi %parallel_loop3A_104, %parallel_loop3A_107 : i32
      %parallel_loop3A_109 = arith.cmpi ne, %parallel_loop3A_101, %parallel_loop3A_108 : i32
      %parallel_loop3A_110 = arith.remsi %parallel_loop3A_92, %parallel_loop3A_93 : i32
      %parallel_loop3A_111 = arith.constant 0 : i32
      %parallel_loop3A_112 = arith.cmpi ne, %parallel_loop3A_110, %parallel_loop3A_111 : i32
      %parallel_loop3A_113 = arith.andi %parallel_loop3A_109, %parallel_loop3A_112 : i1
      %parallel_loop3A_114 = arith.constant 1 : i32
      %parallel_loop3A_115 = arith.subi %parallel_loop3A_94, %parallel_loop3A_114 : i32
      %parallel_loop3A_116 = arith.select %parallel_loop3A_113, %parallel_loop3A_115, %parallel_loop3A_94 : i32
      %parallel_loop3A_117 = arith.constant 8 : i32
      %parallel_loop3A_118 = arith.constant 0 : i32
      %parallel_loop3A_119 = arith.cmpi eq, %parallel_loop3A_117, %parallel_loop3A_118 : i32
      %parallel_loop3A_120 = arith.constant 1 : i32
      %parallel_loop3A_121 = arith.select %parallel_loop3A_119, %parallel_loop3A_120, %parallel_loop3A_117 : i32
      %parallel_loop3A_122 = arith.remsi %parallel_loop3A_92, %parallel_loop3A_121 : i32
      %parallel_loop3A_123 = arith.constant 0 : i32
      %parallel_loop3A_124 = arith.cmpi ne, %parallel_loop3A_122, %parallel_loop3A_123 : i32
      %parallel_loop3A_125 = arith.constant 0 : i32
      %parallel_loop3A_126 = arith.cmpi slt, %parallel_loop3A_122, %parallel_loop3A_125 : i32
      %parallel_loop3A_127 = arith.constant 0 : i32
      %parallel_loop3A_128 = arith.cmpi slt, %parallel_loop3A_121, %parallel_loop3A_127 : i32
      %parallel_loop3A_129 = arith.xori %parallel_loop3A_126, %parallel_loop3A_128 : i1
      %parallel_loop3A_130 = arith.andi %parallel_loop3A_129, %parallel_loop3A_124 : i1
      %parallel_loop3A_131 = arith.addi %parallel_loop3A_122, %parallel_loop3A_121 : i32
      %parallel_loop3A_132 = arith.select %parallel_loop3A_130, %parallel_loop3A_131, %parallel_loop3A_122 : i32
      %parallel_loop3A_133 = arith.constant 16 : i32
      %parallel_loop3A_134 = arith.muli %parallel_loop3A_132, %parallel_loop3A_133 : i32
      %parallel_loop3A_135 = arith.constant 0 : i32
      %parallel_loop3A_136 = arith.index_cast %parallel_loop3A_135 : i32 to index
      %parallel_loop3A_137 = arith.index_cast %parallel_loop3A_116 : i32 to index
      %parallel_loop3A_138 = arith.index_cast %parallel_loop3A_134 : i32 to index
      %parallel_loop3A_139 = tpu.vector_load %arg15[%parallel_loop3A_136, %parallel_loop3A_137, %parallel_loop3A_138] {strides = array<i32>} : memref<2x80x128xf32, #tpu.memory_space<vmem>>, vector<1x1x16xf32>,
      %parallel_loop3A_140 = vector.shape_cast %parallel_loop3A_139 : vector<1x1x16xf32> to vector<16xf32>
      %parallel_loop3A_141 = vector.shape_cast %broadcast_in_dim3A_0 : vector<16xf32> to vector<1x1x16xf32>
      tpu.vector_store %arg15[%parallel_loop3A_136, %parallel_loop3A_137, %parallel_loop3A_138], %parallel_loop3A_141 {strides = array<i32>} : memref<2x80x128xf32, #tpu.memory_space<vmem>>, vector<1x1x16xf32>,
    } {sc.loop_unroll_factor = 1 : i64, sc.parallel_access}
    %parallel_loop3A_5 = arith.constant 0 : i32
    %parallel_loop3A_6 = arith.constant 125 : i32
    %parallel_loop3A_7 = arith.constant 1 : i32
    scf.for %parallel_loop3A_92 = %parallel_loop3A_5 to %parallel_loop3A_6 step %parallel_loop3A_7  : i32 {
      %parallel_loop3A_93 = arith.constant 16 : i32
      %parallel_loop3A_94 = arith.muli %parallel_loop3A_92, %parallel_loop3A_93 : i32
      %parallel_loop3A_95 = arith.index_cast %parallel_loop3A_94 : i32 to index
      %parallel_loop3A_96 = tpu.vector_load %arg17[%parallel_loop3A_95] {strides = array<i32>} : memref<2000xf32, #tpu.memory_space<vmem>>, vector<16xf32>,
      %parallel_loop3A_97 = vector.shape_cast %parallel_loop3A_96 : vector<16xf32> to vector<16xf32>
      %parallel_loop3A_98 = vector.shape_cast %broadcast_in_dim3A_0 : vector<16xf32> to vector<16xf32>
      tpu.vector_store %arg17[%parallel_loop3A_95], %parallel_loop3A_98 {strides = array<i32>} : memref<2000xf32, #tpu.memory_space<vmem>>, vector<16xf32>,
    } {sc.loop_unroll_factor = 1 : i64, sc.parallel_access}
    %swap3A = arith.constant 0 : index
    %swap3A_8 = tpu.vector_load %arg16[%swap3A] {strides = array<i32>} : memref<80xf32, #tpu.memory_space<vmem>>, vector<16xf32>,
    %swap3A_9 = vector.shape_cast %swap3A_8 : vector<16xf32> to vector<16xf32>
    %swap3A_10 = vector.shape_cast %broadcast_in_dim3A_2 : vector<16xf32> to vector<16xf32>
    tpu.vector_store %arg16[%swap3A], %swap3A_10 {strides = array<i32>} : memref<80xf32, #tpu.memory_space<vmem>>, vector<16xf32>,
    %swap3A_11 = arith.constant 16 : index
    %swap3A_12 = tpu.vector_load %arg16[%swap3A_11] {strides = array<i32>} : memref<80xf32, #tpu.memory_space<vmem>>, vector<16xf32>,
    %swap3A_13 = vector.shape_cast %swap3A_12 : vector<16xf32> to vector<16xf32>
    %swap3A_14 = vector.shape_cast %broadcast_in_dim3A_2 : vector<16xf32> to vector<16xf32>
    tpu.vector_store %arg16[%swap3A_11], %swap3A_14 {strides = array<i32>} : memref<80xf32, #tpu.memory_space<vmem>>, vector<16xf32>,
    %swap3A_15 = arith.constant 32 : index
    %swap3A_16 = tpu.vector_load %arg16[%swap3A_15] {strides = array<i32>} : memref<80xf32, #tpu.memory_space<vmem>>, vector<16xf32>,
    %swap3A_17 = vector.shape_cast %swap3A_16 : vector<16xf32> to vector<16xf32>
    %swap3A_18 = vector.shape_cast %broadcast_in_dim3A_2 : vector<16xf32> to vector<16xf32>
    tpu.vector_store %arg16[%swap3A_15], %swap3A_18 {strides = array<i32>} : memref<80xf32, #tpu.memory_space<vmem>>, vector<16xf32>,
    %swap3A_19 = arith.constant 48 : index
    %swap3A_20 = tpu.vector_load %arg16[%swap3A_19] {strides = array<i32>} : memref<80xf32, #tpu.memory_space<vmem>>, vector<16xf32>,
    %swap3A_21 = vector.shape_cast %swap3A_20 : vector<16xf32> to vector<16xf32>
    %swap3A_22 = vector.shape_cast %broadcast_in_dim3A_2 : vector<16xf32> to vector<16xf32>
    tpu.vector_store %arg16[%swap3A_19], %swap3A_22 {strides = array<i32>} : memref<80xf32, #tpu.memory_space<vmem>>, vector<16xf32>,
    %swap3A_23 = arith.constant 64 : index
    %swap3A_24 = tpu.vector_load %arg16[%swap3A_23] {strides = array<i32>} : memref<80xf32, #tpu.memory_space<vmem>>, vector<16xf32>,
    %swap3A_25 = vector.shape_cast %swap3A_24 : vector<16xf32> to vector<16xf32>
    %swap3A_26 = vector.shape_cast %broadcast_in_dim3A_2 : vector<16xf32> to vector<16xf32>
    tpu.vector_store %arg16[%swap3A_23], %swap3A_26 {strides = array<i32>} : memref<80xf32, #tpu.memory_space<vmem>>, vector<16xf32>,
    %lt3A = arith.constant 15 : i32
    %lt3A_27 = arith.cmpi slt, %arg1, %lt3A : i32
    %convert_element_type3A = arith.extui %lt3A_27 : i1 to i32
    %cond3A = arith.constant 0 : i32
    %cond3A_28 = arith.cmpi ne, %convert_element_type3A, %cond3A : i32
    scf.if %cond3A_28 {
      %mul3A_92 = arith.constant 640 : i32
      %mul3A_93 = arith.muli %arg1, %mul3A_92 : i32
      %add3A = arith.constant 0 : i32
      %add3A_94 = arith.addi %mul3A_93, %add3A : i32
      %run_scoped3A = arith.constant 0 : i32
      "tpu.region"() ({
        %run_scoped3A_130 = tpu.sem_alloc : memref<!tpu.dma_semaphore, #tpu.memory_space<semaphore_mem>>
        %dma_start3A = arith.constant 0 : i32
        %dma_start3A_131 = arith.constant 0 : i32
        %dma_start3A_132 = tpu.memref_slice %arg15[%run_scoped3A, %dma_start3A, %dma_start3A_131] : memref<2x80x128xf32, #tpu.memory_space<vmem>> -> memref<1x80x128xf32, #tpu.memory_space<vmem>>
        %dma_start3A_133 = tpu.memref_squeeze %dma_start3A_132 : memref<1x80x128xf32, #tpu.memory_space<vmem>> -> memref<80x128xf32, #tpu.memory_space<vmem>>
        %dma_start3A_134 = arith.constant 0 : i32
        %dma_start3A_135 = tpu.memref_slice %arg10[%add3A_94, %dma_start3A_134] : memref<10000x128xf32, #tpu.memory_space<vmem_shared>> -> memref<80x128xf32, #tpu.memory_space<vmem_shared>>
        %dma_start3A_136 = arith.constant 0 : i32
        %dma_start3A_137 = tpu.memref_slice %arg10[%add3A_94, %dma_start3A_136] : memref<10000x128xf32, #tpu.memory_space<vmem_shared>> -> memref<80x128xf32, #tpu.memory_space<vmem_shared>>
        %dma_start3A_138 = arith.constant 0 : i32
        %dma_start3A_139 = arith.constant 0 : i32
        %dma_start3A_140 = tpu.memref_slice %arg15[%run_scoped3A, %dma_start3A_138, %dma_start3A_139] : memref<2x80x128xf32, #tpu.memory_space<vmem>> -> memref<1x80x128xf32, #tpu.memory_space<vmem>>
        %dma_start3A_141 = tpu.memref_squeeze %dma_start3A_140 : memref<1x80x128xf32, #tpu.memory_space<vmem>> -> memref<80x128xf32, #tpu.memory_space<vmem>>
        tpu.enqueue_dma source(%dma_start3A_141 : memref<80x128xf32, #tpu.memory_space<vmem>>) target(%dma_start3A_137 : memref<80x128xf32, #tpu.memory_space<vmem_shared>>) target_semaphore(%run_scoped3A_130 : memref<!tpu.dma_semaphore, #tpu.memory_space<semaphore_mem>>)
        %dma_wait3A = arith.constant 0 : i32
        %dma_wait3A_142 = arith.constant 0 : i32
        %dma_wait3A_143 = tpu.memref_slice %arg15[%run_scoped3A, %dma_wait3A, %dma_wait3A_142] : memref<2x80x128xf32, #tpu.memory_space<vmem>> -> memref<1x80x128xf32, #tpu.memory_space<vmem>>
        %dma_wait3A_144 = tpu.memref_squeeze %dma_wait3A_143 : memref<1x80x128xf32, #tpu.memory_space<vmem>> -> memref<80x128xf32, #tpu.memory_space<vmem>>
        %dma_wait3A_145 = arith.constant 0 : i32
        %dma_wait3A_146 = tpu.memref_slice %arg10[%add3A_94, %dma_wait3A_145] : memref<10000x128xf32, #tpu.memory_space<vmem_shared>> -> memref<80x128xf32, #tpu.memory_space<vmem_shared>>
        %dma_wait3A_147 = arith.constant 0 : i32
        %dma_wait3A_148 = tpu.memref_slice %arg10[%add3A_94, %dma_wait3A_147] : memref<10000x128xf32, #tpu.memory_space<vmem_shared>> -> memref<80x128xf32, #tpu.memory_space<vmem_shared>>
        %dma_wait3A_149 = arith.constant 0 : i32
        %dma_wait3A_150 = arith.constant 0 : i32
        %dma_wait3A_151 = tpu.memref_slice %arg15[%run_scoped3A, %dma_wait3A_149, %dma_wait3A_150] : memref<2x80x128xf32, #tpu.memory_space<vmem>> -> memref<1x80x128xf32, #tpu.memory_space<vmem>>
        %dma_wait3A_152 = tpu.memref_squeeze %dma_wait3A_151 : memref<1x80x128xf32, #tpu.memory_space<vmem>> -> memref<80x128xf32, #tpu.memory_space<vmem>>
        tpu.wait_dma2 semaphore(%run_scoped3A_130 : memref<!tpu.dma_semaphore, #tpu.memory_space<semaphore_mem>>) src(%dma_wait3A_152 : memref<80x128xf32, #tpu.memory_space<vmem>>) dst(%dma_wait3A_148 : memref<80x128xf32, #tpu.memory_space<vmem_shared>>)
        tpu.yield
      }) : () -> ()
      %mul3A_95 = arith.constant 640 : i32
      %mul3A_96 = arith.muli %arg1, %mul3A_95 : i32
      %add3A_97 = arith.constant 80 : i32
      %add3A_98 = arith.addi %mul3A_96, %add3A_97 : i32
      %run_scoped3A_99 = arith.constant 0 : i32
      "tpu.region"() ({
        %run_scoped3A_130 = tpu.sem_alloc : memref<!tpu.dma_semaphore, #tpu.memory_space<semaphore_mem>>
        %dma_start3A = arith.constant 0 : i32
        %dma_start3A_131 = arith.constant 0 : i32
        %dma_start3A_132 = tpu.memref_slice %arg15[%run_scoped3A_99, %dma_start3A, %dma_start3A_131] : memref<2x80x128xf32, #tpu.memory_space<vmem>> -> memref<1x80x128xf32, #tpu.memory_space<vmem>>
        %dma_start3A_133 = tpu.memref_squeeze %dma_start3A_132 : memref<1x80x128xf32, #tpu.memory_space<vmem>> -> memref<80x128xf32, #tpu.memory_space<vmem>>
        %dma_start3A_134 = arith.constant 0 : i32
        %dma_start3A_135 = tpu.memref_slice %arg10[%add3A_98, %dma_start3A_134] : memref<10000x128xf32, #tpu.memory_space<vmem_shared>> -> memref<80x128xf32, #tpu.memory_space<vmem_shared>>
        %dma_start3A_136 = arith.constant 0 : i32
        %dma_start3A_137 = tpu.memref_slice %arg10[%add3A_98, %dma_start3A_136] : memref<10000x128xf32, #tpu.memory_space<vmem_shared>> -> memref<80x128xf32, #tpu.memory_space<vmem_shared>>
        %dma_start3A_138 = arith.constant 0 : i32
        %dma_start3A_139 = arith.constant 0 : i32
        %dma_start3A_140 = tpu.memref_slice %arg15[%run_scoped3A_99, %dma_start3A_138, %dma_start3A_139] : memref<2x80x128xf32, #tpu.memory_space<vmem>> -> memref<1x80x128xf32, #tpu.memory_space<vmem>>
        %dma_start3A_141 = tpu.memref_squeeze %dma_start3A_140 : memref<1x80x128xf32, #tpu.memory_space<vmem>> -> memref<80x128xf32, #tpu.memory_space<vmem>>
        tpu.enqueue_dma source(%dma_start3A_141 : memref<80x128xf32, #tpu.memory_space<vmem>>) target(%dma_start3A_137 : memref<80x128xf32, #tpu.memory_space<vmem_shared>>) target_semaphore(%run_scoped3A_130 : memref<!tpu.dma_semaphore, #tpu.memory_space<semaphore_mem>>)
        %dma_wait3A = arith.constant 0 : i32
        %dma_wait3A_142 = arith.constant 0 : i32
        %dma_wait3A_143 = tpu.memref_slice %arg15[%run_scoped3A_99, %dma_wait3A, %dma_wait3A_142] : memref<2x80x128xf32, #tpu.memory_space<vmem>> -> memref<1x80x128xf32, #tpu.memory_space<vmem>>
        %dma_wait3A_144 = tpu.memref_squeeze %dma_wait3A_143 : memref<1x80x128xf32, #tpu.memory_space<vmem>> -> memref<80x128xf32, #tpu.memory_space<vmem>>
        %dma_wait3A_145 = arith.constant 0 : i32
        %dma_wait3A_146 = tpu.memref_slice %arg10[%add3A_98, %dma_wait3A_145] : memref<10000x128xf32, #tpu.memory_space<vmem_shared>> -> memref<80x128xf32, #tpu.memory_space<vmem_shared>>
        %dma_wait3A_147 = arith.constant 0 : i32
        %dma_wait3A_148 = tpu.memref_slice %arg10[%add3A_98, %dma_wait3A_147] : memref<10000x128xf32, #tpu.memory_space<vmem_shared>> -> memref<80x128xf32, #tpu.memory_space<vmem_shared>>
        %dma_wait3A_149 = arith.constant 0 : i32
        %dma_wait3A_150 = arith.constant 0 : i32
        %dma_wait3A_151 = tpu.memref_slice %arg15[%run_scoped3A_99, %dma_wait3A_149, %dma_wait3A_150] : memref<2x80x128xf32, #tpu.memory_space<vmem>> -> memref<1x80x128xf32, #tpu.memory_space<vmem>>
        %dma_wait3A_152 = tpu.memref_squeeze %dma_wait3A_151 : memref<1x80x128xf32, #tpu.memory_space<vmem>> -> memref<80x128xf32, #tpu.memory_space<vmem>>
        tpu.wait_dma2 semaphore(%run_scoped3A_130 : memref<!tpu.dma_semaphore, #tpu.memory_space<semaphore_mem>>) src(%dma_wait3A_152 : memref<80x128xf32, #tpu.memory_space<vmem>>) dst(%dma_wait3A_148 : memref<80x128xf32, #tpu.memory_space<vmem_shared>>)
        tpu.yield
      }) : () -> ()
      %mul3A_100 = arith.constant 640 : i32
      %mul3A_101 = arith.muli %arg1, %mul3A_100 : i32
      %add3A_102 = arith.constant 160 : i32
      %add3A_103 = arith.addi %mul3A_101, %add3A_102 : i32
      %run_scoped3A_104 = arith.constant 0 : i32
      "tpu.region"() ({
        %run_scoped3A_130 = tpu.sem_alloc : memref<!tpu.dma_semaphore, #tpu.memory_space<semaphore_mem>>
        %dma_start3A = arith.constant 0 : i32
        %dma_start3A_131 = arith.constant 0 : i32
        %dma_start3A_132 = tpu.memref_slice %arg15[%run_scoped3A_104, %dma_start3A, %dma_start3A_131] : memref<2x80x128xf32, #tpu.memory_space<vmem>> -> memref<1x80x128xf32, #tpu.memory_space<vmem>>
        %dma_start3A_133 = tpu.memref_squeeze %dma_start3A_132 : memref<1x80x128xf32, #tpu.memory_space<vmem>> -> memref<80x128xf32, #tpu.memory_space<vmem>>
        %dma_start3A_134 = arith.constant 0 : i32
        %dma_start3A_135 = tpu.memref_slice %arg10[%add3A_103, %dma_start3A_134] : memref<10000x128xf32, #tpu.memory_space<vmem_shared>> -> memref<80x128xf32, #tpu.memory_space<vmem_shared>>
        %dma_start3A_136 = arith.constant 0 : i32
        %dma_start3A_137 = tpu.memref_slice %arg10[%add3A_103, %dma_start3A_136] : memref<10000x128xf32, #tpu.memory_space<vmem_shared>> -> memref<80x128xf32, #tpu.memory_space<vmem_shared>>
        %dma_start3A_138 = arith.constant 0 : i32
        %dma_start3A_139 = arith.constant 0 : i32
        %dma_start3A_140 = tpu.memref_slice %arg15[%run_scoped3A_104, %dma_start3A_138, %dma_start3A_139] : memref<2x80x128xf32, #tpu.memory_space<vmem>> -> memref<1x80x128xf32, #tpu.memory_space<vmem>>
        %dma_start3A_141 = tpu.memref_squeeze %dma_start3A_140 : memref<1x80x128xf32, #tpu.memory_space<vmem>> -> memref<80x128xf32, #tpu.memory_space<vmem>>
        tpu.enqueue_dma source(%dma_start3A_141 : memref<80x128xf32, #tpu.memory_space<vmem>>) target(%dma_start3A_137 : memref<80x128xf32, #tpu.memory_space<vmem_shared>>) target_semaphore(%run_scoped3A_130 : memref<!tpu.dma_semaphore, #tpu.memory_space<semaphore_mem>>)
        %dma_wait3A = arith.constant 0 : i32
        %dma_wait3A_142 = arith.constant 0 : i32
        %dma_wait3A_143 = tpu.memref_slice %arg15[%run_scoped3A_104, %dma_wait3A, %dma_wait3A_142] : memref<2x80x128xf32, #tpu.memory_space<vmem>> -> memref<1x80x128xf32, #tpu.memory_space<vmem>>
        %dma_wait3A_144 = tpu.memref_squeeze %dma_wait3A_143 : memref<1x80x128xf32, #tpu.memory_space<vmem>> -> memref<80x128xf32, #tpu.memory_space<vmem>>
        %dma_wait3A_145 = arith.constant 0 : i32
        %dma_wait3A_146 = tpu.memref_slice %arg10[%add3A_103, %dma_wait3A_145] : memref<10000x128xf32, #tpu.memory_space<vmem_shared>> -> memref<80x128xf32, #tpu.memory_space<vmem_shared>>
        %dma_wait3A_147 = arith.constant 0 : i32
        %dma_wait3A_148 = tpu.memref_slice %arg10[%add3A_103, %dma_wait3A_147] : memref<10000x128xf32, #tpu.memory_space<vmem_shared>> -> memref<80x128xf32, #tpu.memory_space<vmem_shared>>
        %dma_wait3A_149 = arith.constant 0 : i32
        %dma_wait3A_150 = arith.constant 0 : i32
        %dma_wait3A_151 = tpu.memref_slice %arg15[%run_scoped3A_104, %dma_wait3A_149, %dma_wait3A_150] : memref<2x80x128xf32, #tpu.memory_space<vmem>> -> memref<1x80x128xf32, #tpu.memory_space<vmem>>
        %dma_wait3A_152 = tpu.memref_squeeze %dma_wait3A_151 : memref<1x80x128xf32, #tpu.memory_space<vmem>> -> memref<80x128xf32, #tpu.memory_space<vmem>>
        tpu.wait_dma2 semaphore(%run_scoped3A_130 : memref<!tpu.dma_semaphore, #tpu.memory_space<semaphore_mem>>) src(%dma_wait3A_152 : memref<80x128xf32, #tpu.memory_space<vmem>>) dst(%dma_wait3A_148 : memref<80x128xf32, #tpu.memory_space<vmem_shared>>)
        tpu.yield
      }) : () -> ()
      %mul3A_105 = arith.constant 640 : i32
      %mul3A_106 = arith.muli %arg1, %mul3A_105 : i32
      %add3A_107 = arith.constant 240 : i32
      %add3A_108 = arith.addi %mul3A_106, %add3A_107 : i32
      %run_scoped3A_109 = arith.constant 0 : i32
      "tpu.region"() ({
        %run_scoped3A_130 = tpu.sem_alloc : memref<!tpu.dma_semaphore, #tpu.memory_space<semaphore_mem>>
        %dma_start3A = arith.constant 0 : i32
        %dma_start3A_131 = arith.constant 0 : i32
        %dma_start3A_132 = tpu.memref_slice %arg15[%run_scoped3A_109, %dma_start3A, %dma_start3A_131] : memref<2x80x128xf32, #tpu.memory_space<vmem>> -> memref<1x80x128xf32, #tpu.memory_space<vmem>>
        %dma_start3A_133 = tpu.memref_squeeze %dma_start3A_132 : memref<1x80x128xf32, #tpu.memory_space<vmem>> -> memref<80x128xf32, #tpu.memory_space<vmem>>
        %dma_start3A_134 = arith.constant 0 : i32
        %dma_start3A_135 = tpu.memref_slice %arg10[%add3A_108, %dma_start3A_134] : memref<10000x128xf32, #tpu.memory_space<vmem_shared>> -> memref<80x128xf32, #tpu.memory_space<vmem_shared>>
        %dma_start3A_136 = arith.constant 0 : i32
        %dma_start3A_137 = tpu.memref_slice %arg10[%add3A_108, %dma_start3A_136] : memref<10000x128xf32, #tpu.memory_space<vmem_shared>> -> memref<80x128xf32, #tpu.memory_space<vmem_shared>>
        %dma_start3A_138 = arith.constant 0 : i32
        %dma_start3A_139 = arith.constant 0 : i32
        %dma_start3A_140 = tpu.memref_slice %arg15[%run_scoped3A_109, %dma_start3A_138, %dma_start3A_139] : memref<2x80x128xf32, #tpu.memory_space<vmem>> -> memref<1x80x128xf32, #tpu.memory_space<vmem>>
        %dma_start3A_141 = tpu.memref_squeeze %dma_start3A_140 : memref<1x80x128xf32, #tpu.memory_space<vmem>> -> memref<80x128xf32, #tpu.memory_space<vmem>>
        tpu.enqueue_dma source(%dma_start3A_141 : memref<80x128xf32, #tpu.memory_space<vmem>>) target(%dma_start3A_137 : memref<80x128xf32, #tpu.memory_space<vmem_shared>>) target_semaphore(%run_scoped3A_130 : memref<!tpu.dma_semaphore, #tpu.memory_space<semaphore_mem>>)
        %dma_wait3A = arith.constant 0 : i32
        %dma_wait3A_142 = arith.constant 0 : i32
        %dma_wait3A_143 = tpu.memref_slice %arg15[%run_scoped3A_109, %dma_wait3A, %dma_wait3A_142] : memref<2x80x128xf32, #tpu.memory_space<vmem>> -> memref<1x80x128xf32, #tpu.memory_space<vmem>>
        %dma_wait3A_144 = tpu.memref_squeeze %dma_wait3A_143 : memref<1x80x128xf32, #tpu.memory_space<vmem>> -> memref<80x128xf32, #tpu.memory_space<vmem>>
        %dma_wait3A_145 = arith.constant 0 : i32
        %dma_wait3A_146 = tpu.memref_slice %arg10[%add3A_108, %dma_wait3A_145] : memref<10000x128xf32, #tpu.memory_space<vmem_shared>> -> memref<80x128xf32, #tpu.memory_space<vmem_shared>>
        %dma_wait3A_147 = arith.constant 0 : i32
        %dma_wait3A_148 = tpu.memref_slice %arg10[%add3A_108, %dma_wait3A_147] : memref<10000x128xf32, #tpu.memory_space<vmem_shared>> -> memref<80x128xf32, #tpu.memory_space<vmem_shared>>
        %dma_wait3A_149 = arith.constant 0 : i32
        %dma_wait3A_150 = arith.constant 0 : i32
        %dma_wait3A_151 = tpu.memref_slice %arg15[%run_scoped3A_109, %dma_wait3A_149, %dma_wait3A_150] : memref<2x80x128xf32, #tpu.memory_space<vmem>> -> memref<1x80x128xf32, #tpu.memory_space<vmem>>
        %dma_wait3A_152 = tpu.memref_squeeze %dma_wait3A_151 : memref<1x80x128xf32, #tpu.memory_space<vmem>> -> memref<80x128xf32, #tpu.memory_space<vmem>>
        tpu.wait_dma2 semaphore(%run_scoped3A_130 : memref<!tpu.dma_semaphore, #tpu.memory_space<semaphore_mem>>) src(%dma_wait3A_152 : memref<80x128xf32, #tpu.memory_space<vmem>>) dst(%dma_wait3A_148 : memref<80x128xf32, #tpu.memory_space<vmem_shared>>)
        tpu.yield
      }) : () -> ()
      %mul3A_110 = arith.constant 640 : i32
      %mul3A_111 = arith.muli %arg1, %mul3A_110 : i32
      %add3A_112 = arith.constant 320 : i32
      %add3A_113 = arith.addi %mul3A_111, %add3A_112 : i32
      %run_scoped3A_114 = arith.constant 0 : i32
      "tpu.region"() ({
        %run_scoped3A_130 = tpu.sem_alloc : memref<!tpu.dma_semaphore, #tpu.memory_space<semaphore_mem>>
        %dma_start3A = arith.constant 0 : i32
        %dma_start3A_131 = arith.constant 0 : i32
        %dma_start3A_132 = tpu.memref_slice %arg15[%run_scoped3A_114, %dma_start3A, %dma_start3A_131] : memref<2x80x128xf32, #tpu.memory_space<vmem>> -> memref<1x80x128xf32, #tpu.memory_space<vmem>>
        %dma_start3A_133 = tpu.memref_squeeze %dma_start3A_132 : memref<1x80x128xf32, #tpu.memory_space<vmem>> -> memref<80x128xf32, #tpu.memory_space<vmem>>
        %dma_start3A_134 = arith.constant 0 : i32
        %dma_start3A_135 = tpu.memref_slice %arg10[%add3A_113, %dma_start3A_134] : memref<10000x128xf32, #tpu.memory_space<vmem_shared>> -> memref<80x128xf32, #tpu.memory_space<vmem_shared>>
        %dma_start3A_136 = arith.constant 0 : i32
        %dma_start3A_137 = tpu.memref_slice %arg10[%add3A_113, %dma_start3A_136] : memref<10000x128xf32, #tpu.memory_space<vmem_shared>> -> memref<80x128xf32, #tpu.memory_space<vmem_shared>>
        %dma_start3A_138 = arith.constant 0 : i32
        %dma_start3A_139 = arith.constant 0 : i32
        %dma_start3A_140 = tpu.memref_slice %arg15[%run_scoped3A_114, %dma_start3A_138, %dma_start3A_139] : memref<2x80x128xf32, #tpu.memory_space<vmem>> -> memref<1x80x128xf32, #tpu.memory_space<vmem>>
        %dma_start3A_141 = tpu.memref_squeeze %dma_start3A_140 : memref<1x80x128xf32, #tpu.memory_space<vmem>> -> memref<80x128xf32, #tpu.memory_space<vmem>>
        tpu.enqueue_dma source(%dma_start3A_141 : memref<80x128xf32, #tpu.memory_space<vmem>>) target(%dma_start3A_137 : memref<80x128xf32, #tpu.memory_space<vmem_shared>>) target_semaphore(%run_scoped3A_130 : memref<!tpu.dma_semaphore, #tpu.memory_space<semaphore_mem>>)
        %dma_wait3A = arith.constant 0 : i32
        %dma_wait3A_142 = arith.constant 0 : i32
        %dma_wait3A_143 = tpu.memref_slice %arg15[%run_scoped3A_114, %dma_wait3A, %dma_wait3A_142] : memref<2x80x128xf32, #tpu.memory_space<vmem>> -> memref<1x80x128xf32, #tpu.memory_space<vmem>>
        %dma_wait3A_144 = tpu.memref_squeeze %dma_wait3A_143 : memref<1x80x128xf32, #tpu.memory_space<vmem>> -> memref<80x128xf32, #tpu.memory_space<vmem>>
        %dma_wait3A_145 = arith.constant 0 : i32
        %dma_wait3A_146 = tpu.memref_slice %arg10[%add3A_113, %dma_wait3A_145] : memref<10000x128xf32, #tpu.memory_space<vmem_shared>> -> memref<80x128xf32, #tpu.memory_space<vmem_shared>>
        %dma_wait3A_147 = arith.constant 0 : i32
        %dma_wait3A_148 = tpu.memref_slice %arg10[%add3A_113, %dma_wait3A_147] : memref<10000x128xf32, #tpu.memory_space<vmem_shared>> -> memref<80x128xf32, #tpu.memory_space<vmem_shared>>
        %dma_wait3A_149 = arith.constant 0 : i32
        %dma_wait3A_150 = arith.constant 0 : i32
        %dma_wait3A_151 = tpu.memref_slice %arg15[%run_scoped3A_114, %dma_wait3A_149, %dma_wait3A_150] : memref<2x80x128xf32, #tpu.memory_space<vmem>> -> memref<1x80x128xf32, #tpu.memory_space<vmem>>
        %dma_wait3A_152 = tpu.memref_squeeze %dma_wait3A_151 : memref<1x80x128xf32, #tpu.memory_space<vmem>> -> memref<80x128xf32, #tpu.memory_space<vmem>>
        tpu.wait_dma2 semaphore(%run_scoped3A_130 : memref<!tpu.dma_semaphore, #tpu.memory_space<semaphore_mem>>) src(%dma_wait3A_152 : memref<80x128xf32, #tpu.memory_space<vmem>>) dst(%dma_wait3A_148 : memref<80x128xf32, #tpu.memory_space<vmem_shared>>)
        tpu.yield
      }) : () -> ()
      %mul3A_115 = arith.constant 640 : i32
      %mul3A_116 = arith.muli %arg1, %mul3A_115 : i32
      %add3A_117 = arith.constant 400 : i32
      %add3A_118 = arith.addi %mul3A_116, %add3A_117 : i32
      %run_scoped3A_119 = arith.constant 0 : i32
      "tpu.region"() ({
        %run_scoped3A_130 = tpu.sem_alloc : memref<!tpu.dma_semaphore, #tpu.memory_space<semaphore_mem>>
        %dma_start3A = arith.constant 0 : i32
        %dma_start3A_131 = arith.constant 0 : i32
        %dma_start3A_132 = tpu.memref_slice %arg15[%run_scoped3A_119, %dma_start3A, %dma_start3A_131] : memref<2x80x128xf32, #tpu.memory_space<vmem>> -> memref<1x80x128xf32, #tpu.memory_space<vmem>>
        %dma_start3A_133 = tpu.memref_squeeze %dma_start3A_132 : memref<1x80x128xf32, #tpu.memory_space<vmem>> -> memref<80x128xf32, #tpu.memory_space<vmem>>
        %dma_start3A_134 = arith.constant 0 : i32
        %dma_start3A_135 = tpu.memref_slice %arg10[%add3A_118, %dma_start3A_134] : memref<10000x128xf32, #tpu.memory_space<vmem_shared>> -> memref<80x128xf32, #tpu.memory_space<vmem_shared>>
        %dma_start3A_136 = arith.constant 0 : i32
        %dma_start3A_137 = tpu.memref_slice %arg10[%add3A_118, %dma_start3A_136] : memref<10000x128xf32, #tpu.memory_space<vmem_shared>> -> memref<80x128xf32, #tpu.memory_space<vmem_shared>>
        %dma_start3A_138 = arith.constant 0 : i32
        %dma_start3A_139 = arith.constant 0 : i32
        %dma_start3A_140 = tpu.memref_slice %arg15[%run_scoped3A_119, %dma_start3A_138, %dma_start3A_139] : memref<2x80x128xf32, #tpu.memory_space<vmem>> -> memref<1x80x128xf32, #tpu.memory_space<vmem>>
        %dma_start3A_141 = tpu.memref_squeeze %dma_start3A_140 : memref<1x80x128xf32, #tpu.memory_space<vmem>> -> memref<80x128xf32, #tpu.memory_space<vmem>>
        tpu.enqueue_dma source(%dma_start3A_141 : memref<80x128xf32, #tpu.memory_space<vmem>>) target(%dma_start3A_137 : memref<80x128xf32, #tpu.memory_space<vmem_shared>>) target_semaphore(%run_scoped3A_130 : memref<!tpu.dma_semaphore, #tpu.memory_space<semaphore_mem>>)
        %dma_wait3A = arith.constant 0 : i32
        %dma_wait3A_142 = arith.constant 0 : i32
        %dma_wait3A_143 = tpu.memref_slice %arg15[%run_scoped3A_119, %dma_wait3A, %dma_wait3A_142] : memref<2x80x128xf32, #tpu.memory_space<vmem>> -> memref<1x80x128xf32, #tpu.memory_space<vmem>>
        %dma_wait3A_144 = tpu.memref_squeeze %dma_wait3A_143 : memref<1x80x128xf32, #tpu.memory_space<vmem>> -> memref<80x128xf32, #tpu.memory_space<vmem>>
        %dma_wait3A_145 = arith.constant 0 : i32
        %dma_wait3A_146 = tpu.memref_slice %arg10[%add3A_118, %dma_wait3A_145] : memref<10000x128xf32, #tpu.memory_space<vmem_shared>> -> memref<80x128xf32, #tpu.memory_space<vmem_shared>>
        %dma_wait3A_147 = arith.constant 0 : i32
        %dma_wait3A_148 = tpu.memref_slice %arg10[%add3A_118, %dma_wait3A_147] : memref<10000x128xf32, #tpu.memory_space<vmem_shared>> -> memref<80x128xf32, #tpu.memory_space<vmem_shared>>
        %dma_wait3A_149 = arith.constant 0 : i32
        %dma_wait3A_150 = arith.constant 0 : i32
        %dma_wait3A_151 = tpu.memref_slice %arg15[%run_scoped3A_119, %dma_wait3A_149, %dma_wait3A_150] : memref<2x80x128xf32, #tpu.memory_space<vmem>> -> memref<1x80x128xf32, #tpu.memory_space<vmem>>
        %dma_wait3A_152 = tpu.memref_squeeze %dma_wait3A_151 : memref<1x80x128xf32, #tpu.memory_space<vmem>> -> memref<80x128xf32, #tpu.memory_space<vmem>>
        tpu.wait_dma2 semaphore(%run_scoped3A_130 : memref<!tpu.dma_semaphore, #tpu.memory_space<semaphore_mem>>) src(%dma_wait3A_152 : memref<80x128xf32, #tpu.memory_space<vmem>>) dst(%dma_wait3A_148 : memref<80x128xf32, #tpu.memory_space<vmem_shared>>)
        tpu.yield
      }) : () -> ()
      %mul3A_120 = arith.constant 640 : i32
      %mul3A_121 = arith.muli %arg1, %mul3A_120 : i32
      %add3A_122 = arith.constant 480 : i32
      %add3A_123 = arith.addi %mul3A_121, %add3A_122 : i32
      %run_scoped3A_124 = arith.constant 0 : i32
      "tpu.region"() ({
        %run_scoped3A_130 = tpu.sem_alloc : memref<!tpu.dma_semaphore, #tpu.memory_space<semaphore_mem>>
        %dma_start3A = arith.constant 0 : i32
        %dma_start3A_131 = arith.constant 0 : i32
        %dma_start3A_132 = tpu.memref_slice %arg15[%run_scoped3A_124, %dma_start3A, %dma_start3A_131] : memref<2x80x128xf32, #tpu.memory_space<vmem>> -> memref<1x80x128xf32, #tpu.memory_space<vmem>>
        %dma_start3A_133 = tpu.memref_squeeze %dma_start3A_132 : memref<1x80x128xf32, #tpu.memory_space<vmem>> -> memref<80x128xf32, #tpu.memory_space<vmem>>
        %dma_start3A_134 = arith.constant 0 : i32
        %dma_start3A_135 = tpu.memref_slice %arg10[%add3A_123, %dma_start3A_134] : memref<10000x128xf32, #tpu.memory_space<vmem_shared>> -> memref<80x128xf32, #tpu.memory_space<vmem_shared>>
        %dma_start3A_136 = arith.constant 0 : i32
        %dma_start3A_137 = tpu.memref_slice %arg10[%add3A_123, %dma_start3A_136] : memref<10000x128xf32, #tpu.memory_space<vmem_shared>> -> memref<80x128xf32, #tpu.memory_space<vmem_shared>>
        %dma_start3A_138 = arith.constant 0 : i32
        %dma_start3A_139 = arith.constant 0 : i32
        %dma_start3A_140 = tpu.memref_slice %arg15[%run_scoped3A_124, %dma_start3A_138, %dma_start3A_139] : memref<2x80x128xf32, #tpu.memory_space<vmem>> -> memref<1x80x128xf32, #tpu.memory_space<vmem>>
        %dma_start3A_141 = tpu.memref_squeeze %dma_start3A_140 : memref<1x80x128xf32, #tpu.memory_space<vmem>> -> memref<80x128xf32, #tpu.memory_space<vmem>>
        tpu.enqueue_dma source(%dma_start3A_141 : memref<80x128xf32, #tpu.memory_space<vmem>>) target(%dma_start3A_137 : memref<80x128xf32, #tpu.memory_space<vmem_shared>>) target_semaphore(%run_scoped3A_130 : memref<!tpu.dma_semaphore, #tpu.memory_space<semaphore_mem>>)
        %dma_wait3A = arith.constant 0 : i32
        %dma_wait3A_142 = arith.constant 0 : i32
        %dma_wait3A_143 = tpu.memref_slice %arg15[%run_scoped3A_124, %dma_wait3A, %dma_wait3A_142] : memref<2x80x128xf32, #tpu.memory_space<vmem>> -> memref<1x80x128xf32, #tpu.memory_space<vmem>>
        %dma_wait3A_144 = tpu.memref_squeeze %dma_wait3A_143 : memref<1x80x128xf32, #tpu.memory_space<vmem>> -> memref<80x128xf32, #tpu.memory_space<vmem>>
        %dma_wait3A_145 = arith.constant 0 : i32
        %dma_wait3A_146 = tpu.memref_slice %arg10[%add3A_123, %dma_wait3A_145] : memref<10000x128xf32, #tpu.memory_space<vmem_shared>> -> memref<80x128xf32, #tpu.memory_space<vmem_shared>>
        %dma_wait3A_147 = arith.constant 0 : i32
        %dma_wait3A_148 = tpu.memref_slice %arg10[%add3A_123, %dma_wait3A_147] : memref<10000x128xf32, #tpu.memory_space<vmem_shared>> -> memref<80x128xf32, #tpu.memory_space<vmem_shared>>
        %dma_wait3A_149 = arith.constant 0 : i32
        %dma_wait3A_150 = arith.constant 0 : i32
        %dma_wait3A_151 = tpu.memref_slice %arg15[%run_scoped3A_124, %dma_wait3A_149, %dma_wait3A_150] : memref<2x80x128xf32, #tpu.memory_space<vmem>> -> memref<1x80x128xf32, #tpu.memory_space<vmem>>
        %dma_wait3A_152 = tpu.memref_squeeze %dma_wait3A_151 : memref<1x80x128xf32, #tpu.memory_space<vmem>> -> memref<80x128xf32, #tpu.memory_space<vmem>>
        tpu.wait_dma2 semaphore(%run_scoped3A_130 : memref<!tpu.dma_semaphore, #tpu.memory_space<semaphore_mem>>) src(%dma_wait3A_152 : memref<80x128xf32, #tpu.memory_space<vmem>>) dst(%dma_wait3A_148 : memref<80x128xf32, #tpu.memory_space<vmem_shared>>)
        tpu.yield
      }) : () -> ()
      %mul3A_125 = arith.constant 640 : i32
      %mul3A_126 = arith.muli %arg1, %mul3A_125 : i32
      %add3A_127 = arith.constant 560 : i32
      %add3A_128 = arith.addi %mul3A_126, %add3A_127 : i32
      %run_scoped3A_129 = arith.constant 0 : i32
      "tpu.region"() ({
        %run_scoped3A_130 = tpu.sem_alloc : memref<!tpu.dma_semaphore, #tpu.memory_space<semaphore_mem>>
        %dma_start3A = arith.constant 0 : i32
        %dma_start3A_131 = arith.constant 0 : i32
        %dma_start3A_132 = tpu.memref_slice %arg15[%run_scoped3A_129, %dma_start3A, %dma_start3A_131] : memref<2x80x128xf32, #tpu.memory_space<vmem>> -> memref<1x80x128xf32, #tpu.memory_space<vmem>>
        %dma_start3A_133 = tpu.memref_squeeze %dma_start3A_132 : memref<1x80x128xf32, #tpu.memory_space<vmem>> -> memref<80x128xf32, #tpu.memory_space<vmem>>
        %dma_start3A_134 = arith.constant 0 : i32
        %dma_start3A_135 = tpu.memref_slice %arg10[%add3A_128, %dma_start3A_134] : memref<10000x128xf32, #tpu.memory_space<vmem_shared>> -> memref<80x128xf32, #tpu.memory_space<vmem_shared>>
        %dma_start3A_136 = arith.constant 0 : i32
        %dma_start3A_137 = tpu.memref_slice %arg10[%add3A_128, %dma_start3A_136] : memref<10000x128xf32, #tpu.memory_space<vmem_shared>> -> memref<80x128xf32, #tpu.memory_space<vmem_shared>>
        %dma_start3A_138 = arith.constant 0 : i32
        %dma_start3A_139 = arith.constant 0 : i32
        %dma_start3A_140 = tpu.memref_slice %arg15[%run_scoped3A_129, %dma_start3A_138, %dma_start3A_139] : memref<2x80x128xf32, #tpu.memory_space<vmem>> -> memref<1x80x128xf32, #tpu.memory_space<vmem>>
        %dma_start3A_141 = tpu.memref_squeeze %dma_start3A_140 : memref<1x80x128xf32, #tpu.memory_space<vmem>> -> memref<80x128xf32, #tpu.memory_space<vmem>>
        tpu.enqueue_dma source(%dma_start3A_141 : memref<80x128xf32, #tpu.memory_space<vmem>>) target(%dma_start3A_137 : memref<80x128xf32, #tpu.memory_space<vmem_shared>>) target_semaphore(%run_scoped3A_130 : memref<!tpu.dma_semaphore, #tpu.memory_space<semaphore_mem>>)
        %dma_wait3A = arith.constant 0 : i32
        %dma_wait3A_142 = arith.constant 0 : i32
        %dma_wait3A_143 = tpu.memref_slice %arg15[%run_scoped3A_129, %dma_wait3A, %dma_wait3A_142] : memref<2x80x128xf32, #tpu.memory_space<vmem>> -> memref<1x80x128xf32, #tpu.memory_space<vmem>>
        %dma_wait3A_144 = tpu.memref_squeeze %dma_wait3A_143 : memref<1x80x128xf32, #tpu.memory_space<vmem>> -> memref<80x128xf32, #tpu.memory_space<vmem>>
        %dma_wait3A_145 = arith.constant 0 : i32
        %dma_wait3A_146 = tpu.memref_slice %arg10[%add3A_128, %dma_wait3A_145] : memref<10000x128xf32, #tpu.memory_space<vmem_shared>> -> memref<80x128xf32, #tpu.memory_space<vmem_shared>>
        %dma_wait3A_147 = arith.constant 0 : i32
        %dma_wait3A_148 = tpu.memref_slice %arg10[%add3A_128, %dma_wait3A_147] : memref<10000x128xf32, #tpu.memory_space<vmem_shared>> -> memref<80x128xf32, #tpu.memory_space<vmem_shared>>
        %dma_wait3A_149 = arith.constant 0 : i32
        %dma_wait3A_150 = arith.constant 0 : i32
        %dma_wait3A_151 = tpu.memref_slice %arg15[%run_scoped3A_129, %dma_wait3A_149, %dma_wait3A_150] : memref<2x80x128xf32, #tpu.memory_space<vmem>> -> memref<1x80x128xf32, #tpu.memory_space<vmem>>
        %dma_wait3A_152 = tpu.memref_squeeze %dma_wait3A_151 : memref<1x80x128xf32, #tpu.memory_space<vmem>> -> memref<80x128xf32, #tpu.memory_space<vmem>>
        tpu.wait_dma2 semaphore(%run_scoped3A_130 : memref<!tpu.dma_semaphore, #tpu.memory_space<semaphore_mem>>) src(%dma_wait3A_152 : memref<80x128xf32, #tpu.memory_space<vmem>>) dst(%dma_wait3A_148 : memref<80x128xf32, #tpu.memory_space<vmem_shared>>)
        tpu.yield
      }) : () -> ()
    } else {
    }
    %eq3A = arith.constant 15 : i32
    %eq3A_29 = arith.cmpi eq, %arg1, %eq3A : i32
    %convert_element_type3A_30 = arith.extui %eq3A_29 : i1 to i32
    %cond3A_31 = arith.constant 0 : i32
    %cond3A_32 = arith.cmpi ne, %convert_element_type3A_30, %cond3A_31 : i32
    scf.if %cond3A_32 {
      %run_scoped3A = arith.constant 0 : i32
      "tpu.region"() ({
        %run_scoped3A_96 = tpu.sem_alloc : memref<!tpu.dma_semaphore, #tpu.memory_space<semaphore_mem>>
        %dma_start3A = arith.constant 0 : i32
        %dma_start3A_97 = arith.constant 0 : i32
        %dma_start3A_98 = tpu.memref_slice %arg15[%run_scoped3A, %dma_start3A, %dma_start3A_97] : memref<2x80x128xf32, #tpu.memory_space<vmem>> -> memref<1x80x128xf32, #tpu.memory_space<vmem>>
        %dma_start3A_99 = tpu.memref_squeeze %dma_start3A_98 : memref<1x80x128xf32, #tpu.memory_space<vmem>> -> memref<80x128xf32, #tpu.memory_space<vmem>>
        %dma_start3A_100 = arith.constant 9600 : i32
        %dma_start3A_101 = arith.constant 0 : i32
        %dma_start3A_102 = tpu.memref_slice %arg10[%dma_start3A_100, %dma_start3A_101] : memref<10000x128xf32, #tpu.memory_space<vmem_shared>> -> memref<80x128xf32, #tpu.memory_space<vmem_shared>>
        %dma_start3A_103 = arith.constant 9600 : i32
        %dma_start3A_104 = arith.constant 0 : i32
        %dma_start3A_105 = tpu.memref_slice %arg10[%dma_start3A_103, %dma_start3A_104] : memref<10000x128xf32, #tpu.memory_space<vmem_shared>> -> memref<80x128xf32, #tpu.memory_space<vmem_shared>>
        %dma_start3A_106 = arith.constant 0 : i32
        %dma_start3A_107 = arith.constant 0 : i32
        %dma_start3A_108 = tpu.memref_slice %arg15[%run_scoped3A, %dma_start3A_106, %dma_start3A_107] : memref<2x80x128xf32, #tpu.memory_space<vmem>> -> memref<1x80x128xf32, #tpu.memory_space<vmem>>
        %dma_start3A_109 = tpu.memref_squeeze %dma_start3A_108 : memref<1x80x128xf32, #tpu.memory_space<vmem>> -> memref<80x128xf32, #tpu.memory_space<vmem>>
        tpu.enqueue_dma source(%dma_start3A_109 : memref<80x128xf32, #tpu.memory_space<vmem>>) target(%dma_start3A_105 : memref<80x128xf32, #tpu.memory_space<vmem_shared>>) target_semaphore(%run_scoped3A_96 : memref<!tpu.dma_semaphore, #tpu.memory_space<semaphore_mem>>)
        %dma_wait3A = arith.constant 0 : i32
        %dma_wait3A_110 = arith.constant 0 : i32
        %dma_wait3A_111 = tpu.memref_slice %arg15[%run_scoped3A, %dma_wait3A, %dma_wait3A_110] : memref<2x80x128xf32, #tpu.memory_space<vmem>> -> memref<1x80x128xf32, #tpu.memory_space<vmem>>
        %dma_wait3A_112 = tpu.memref_squeeze %dma_wait3A_111 : memref<1x80x128xf32, #tpu.memory_space<vmem>> -> memref<80x128xf32, #tpu.memory_space<vmem>>
        %dma_wait3A_113 = arith.constant 9600 : i32
        %dma_wait3A_114 = arith.constant 0 : i32
        %dma_wait3A_115 = tpu.memref_slice %arg10[%dma_wait3A_113, %dma_wait3A_114] : memref<10000x128xf32, #tpu.memory_space<vmem_shared>> -> memref<80x128xf32, #tpu.memory_space<vmem_shared>>
        %dma_wait3A_116 = arith.constant 9600 : i32
        %dma_wait3A_117 = arith.constant 0 : i32
        %dma_wait3A_118 = tpu.memref_slice %arg10[%dma_wait3A_116, %dma_wait3A_117] : memref<10000x128xf32, #tpu.memory_space<vmem_shared>> -> memref<80x128xf32, #tpu.memory_space<vmem_shared>>
        %dma_wait3A_119 = arith.constant 0 : i32
        %dma_wait3A_120 = arith.constant 0 : i32
        %dma_wait3A_121 = tpu.memref_slice %arg15[%run_scoped3A, %dma_wait3A_119, %dma_wait3A_120] : memref<2x80x128xf32, #tpu.memory_space<vmem>> -> memref<1x80x128xf32, #tpu.memory_space<vmem>>
        %dma_wait3A_122 = tpu.memref_squeeze %dma_wait3A_121 : memref<1x80x128xf32, #tpu.memory_space<vmem>> -> memref<80x128xf32, #tpu.memory_space<vmem>>
        tpu.wait_dma2 semaphore(%run_scoped3A_96 : memref<!tpu.dma_semaphore, #tpu.memory_space<semaphore_mem>>) src(%dma_wait3A_122 : memref<80x128xf32, #tpu.memory_space<vmem>>) dst(%dma_wait3A_118 : memref<80x128xf32, #tpu.memory_space<vmem_shared>>)
        tpu.yield
      }) : () -> ()
      %run_scoped3A_92 = arith.constant 0 : i32
      "tpu.region"() ({
        %run_scoped3A_96 = tpu.sem_alloc : memref<!tpu.dma_semaphore, #tpu.memory_space<semaphore_mem>>
        %dma_start3A = arith.constant 0 : i32
        %dma_start3A_97 = arith.constant 0 : i32
        %dma_start3A_98 = tpu.memref_slice %arg15[%run_scoped3A_92, %dma_start3A, %dma_start3A_97] : memref<2x80x128xf32, #tpu.memory_space<vmem>> -> memref<1x80x128xf32, #tpu.memory_space<vmem>>
        %dma_start3A_99 = tpu.memref_squeeze %dma_start3A_98 : memref<1x80x128xf32, #tpu.memory_space<vmem>> -> memref<80x128xf32, #tpu.memory_space<vmem>>
        %dma_start3A_100 = arith.constant 9680 : i32
        %dma_start3A_101 = arith.constant 0 : i32
        %dma_start3A_102 = tpu.memref_slice %arg10[%dma_start3A_100, %dma_start3A_101] : memref<10000x128xf32, #tpu.memory_space<vmem_shared>> -> memref<80x128xf32, #tpu.memory_space<vmem_shared>>
        %dma_start3A_103 = arith.constant 9680 : i32
        %dma_start3A_104 = arith.constant 0 : i32
        %dma_start3A_105 = tpu.memref_slice %arg10[%dma_start3A_103, %dma_start3A_104] : memref<10000x128xf32, #tpu.memory_space<vmem_shared>> -> memref<80x128xf32, #tpu.memory_space<vmem_shared>>
        %dma_start3A_106 = arith.constant 0 : i32
        %dma_start3A_107 = arith.constant 0 : i32
        %dma_start3A_108 = tpu.memref_slice %arg15[%run_scoped3A_92, %dma_start3A_106, %dma_start3A_107] : memref<2x80x128xf32, #tpu.memory_space<vmem>> -> memref<1x80x128xf32, #tpu.memory_space<vmem>>
        %dma_start3A_109 = tpu.memref_squeeze %dma_start3A_108 : memref<1x80x128xf32, #tpu.memory_space<vmem>> -> memref<80x128xf32, #tpu.memory_space<vmem>>
        tpu.enqueue_dma source(%dma_start3A_109 : memref<80x128xf32, #tpu.memory_space<vmem>>) target(%dma_start3A_105 : memref<80x128xf32, #tpu.memory_space<vmem_shared>>) target_semaphore(%run_scoped3A_96 : memref<!tpu.dma_semaphore, #tpu.memory_space<semaphore_mem>>)
        %dma_wait3A = arith.constant 0 : i32
        %dma_wait3A_110 = arith.constant 0 : i32
        %dma_wait3A_111 = tpu.memref_slice %arg15[%run_scoped3A_92, %dma_wait3A, %dma_wait3A_110] : memref<2x80x128xf32, #tpu.memory_space<vmem>> -> memref<1x80x128xf32, #tpu.memory_space<vmem>>
        %dma_wait3A_112 = tpu.memref_squeeze %dma_wait3A_111 : memref<1x80x128xf32, #tpu.memory_space<vmem>> -> memref<80x128xf32, #tpu.memory_space<vmem>>
        %dma_wait3A_113 = arith.constant 9680 : i32
        %dma_wait3A_114 = arith.constant 0 : i32
        %dma_wait3A_115 = tpu.memref_slice %arg10[%dma_wait3A_113, %dma_wait3A_114] : memref<10000x128xf32, #tpu.memory_space<vmem_shared>> -> memref<80x128xf32, #tpu.memory_space<vmem_shared>>
        %dma_wait3A_116 = arith.constant 9680 : i32
        %dma_wait3A_117 = arith.constant 0 : i32
        %dma_wait3A_118 = tpu.memref_slice %arg10[%dma_wait3A_116, %dma_wait3A_117] : memref<10000x128xf32, #tpu.memory_space<vmem_shared>> -> memref<80x128xf32, #tpu.memory_space<vmem_shared>>
        %dma_wait3A_119 = arith.constant 0 : i32
        %dma_wait3A_120 = arith.constant 0 : i32
        %dma_wait3A_121 = tpu.memref_slice %arg15[%run_scoped3A_92, %dma_wait3A_119, %dma_wait3A_120] : memref<2x80x128xf32, #tpu.memory_space<vmem>> -> memref<1x80x128xf32, #tpu.memory_space<vmem>>
        %dma_wait3A_122 = tpu.memref_squeeze %dma_wait3A_121 : memref<1x80x128xf32, #tpu.memory_space<vmem>> -> memref<80x128xf32, #tpu.memory_space<vmem>>
        tpu.wait_dma2 semaphore(%run_scoped3A_96 : memref<!tpu.dma_semaphore, #tpu.memory_space<semaphore_mem>>) src(%dma_wait3A_122 : memref<80x128xf32, #tpu.memory_space<vmem>>) dst(%dma_wait3A_118 : memref<80x128xf32, #tpu.memory_space<vmem_shared>>)
        tpu.yield
      }) : () -> ()
      %run_scoped3A_93 = arith.constant 0 : i32
      "tpu.region"() ({
        %run_scoped3A_96 = tpu.sem_alloc : memref<!tpu.dma_semaphore, #tpu.memory_space<semaphore_mem>>
        %dma_start3A = arith.constant 0 : i32
        %dma_start3A_97 = arith.constant 0 : i32
        %dma_start3A_98 = tpu.memref_slice %arg15[%run_scoped3A_93, %dma_start3A, %dma_start3A_97] : memref<2x80x128xf32, #tpu.memory_space<vmem>> -> memref<1x80x128xf32, #tpu.memory_space<vmem>>
        %dma_start3A_99 = tpu.memref_squeeze %dma_start3A_98 : memref<1x80x128xf32, #tpu.memory_space<vmem>> -> memref<80x128xf32, #tpu.memory_space<vmem>>
        %dma_start3A_100 = arith.constant 9760 : i32
        %dma_start3A_101 = arith.constant 0 : i32
        %dma_start3A_102 = tpu.memref_slice %arg10[%dma_start3A_100, %dma_start3A_101] : memref<10000x128xf32, #tpu.memory_space<vmem_shared>> -> memref<80x128xf32, #tpu.memory_space<vmem_shared>>
        %dma_start3A_103 = arith.constant 9760 : i32
        %dma_start3A_104 = arith.constant 0 : i32
        %dma_start3A_105 = tpu.memref_slice %arg10[%dma_start3A_103, %dma_start3A_104] : memref<10000x128xf32, #tpu.memory_space<vmem_shared>> -> memref<80x128xf32, #tpu.memory_space<vmem_shared>>
        %dma_start3A_106 = arith.constant 0 : i32
        %dma_start3A_107 = arith.constant 0 : i32
        %dma_start3A_108 = tpu.memref_slice %arg15[%run_scoped3A_93, %dma_start3A_106, %dma_start3A_107] : memref<2x80x128xf32, #tpu.memory_space<vmem>> -> memref<1x80x128xf32, #tpu.memory_space<vmem>>
        %dma_start3A_109 = tpu.memref_squeeze %dma_start3A_108 : memref<1x80x128xf32, #tpu.memory_space<vmem>> -> memref<80x128xf32, #tpu.memory_space<vmem>>
        tpu.enqueue_dma source(%dma_start3A_109 : memref<80x128xf32, #tpu.memory_space<vmem>>) target(%dma_start3A_105 : memref<80x128xf32, #tpu.memory_space<vmem_shared>>) target_semaphore(%run_scoped3A_96 : memref<!tpu.dma_semaphore, #tpu.memory_space<semaphore_mem>>)
        %dma_wait3A = arith.constant 0 : i32
        %dma_wait3A_110 = arith.constant 0 : i32
        %dma_wait3A_111 = tpu.memref_slice %arg15[%run_scoped3A_93, %dma_wait3A, %dma_wait3A_110] : memref<2x80x128xf32, #tpu.memory_space<vmem>> -> memref<1x80x128xf32, #tpu.memory_space<vmem>>
        %dma_wait3A_112 = tpu.memref_squeeze %dma_wait3A_111 : memref<1x80x128xf32, #tpu.memory_space<vmem>> -> memref<80x128xf32, #tpu.memory_space<vmem>>
        %dma_wait3A_113 = arith.constant 9760 : i32
        %dma_wait3A_114 = arith.constant 0 : i32
        %dma_wait3A_115 = tpu.memref_slice %arg10[%dma_wait3A_113, %dma_wait3A_114] : memref<10000x128xf32, #tpu.memory_space<vmem_shared>> -> memref<80x128xf32, #tpu.memory_space<vmem_shared>>
        %dma_wait3A_116 = arith.constant 9760 : i32
        %dma_wait3A_117 = arith.constant 0 : i32
        %dma_wait3A_118 = tpu.memref_slice %arg10[%dma_wait3A_116, %dma_wait3A_117] : memref<10000x128xf32, #tpu.memory_space<vmem_shared>> -> memref<80x128xf32, #tpu.memory_space<vmem_shared>>
        %dma_wait3A_119 = arith.constant 0 : i32
        %dma_wait3A_120 = arith.constant 0 : i32
        %dma_wait3A_121 = tpu.memref_slice %arg15[%run_scoped3A_93, %dma_wait3A_119, %dma_wait3A_120] : memref<2x80x128xf32, #tpu.memory_space<vmem>> -> memref<1x80x128xf32, #tpu.memory_space<vmem>>
        %dma_wait3A_122 = tpu.memref_squeeze %dma_wait3A_121 : memref<1x80x128xf32, #tpu.memory_space<vmem>> -> memref<80x128xf32, #tpu.memory_space<vmem>>
        tpu.wait_dma2 semaphore(%run_scoped3A_96 : memref<!tpu.dma_semaphore, #tpu.memory_space<semaphore_mem>>) src(%dma_wait3A_122 : memref<80x128xf32, #tpu.memory_space<vmem>>) dst(%dma_wait3A_118 : memref<80x128xf32, #tpu.memory_space<vmem_shared>>)
        tpu.yield
      }) : () -> ()
      %run_scoped3A_94 = arith.constant 0 : i32
      "tpu.region"() ({
        %run_scoped3A_96 = tpu.sem_alloc : memref<!tpu.dma_semaphore, #tpu.memory_space<semaphore_mem>>
        %dma_start3A = arith.constant 0 : i32
        %dma_start3A_97 = arith.constant 0 : i32
        %dma_start3A_98 = tpu.memref_slice %arg15[%run_scoped3A_94, %dma_start3A, %dma_start3A_97] : memref<2x80x128xf32, #tpu.memory_space<vmem>> -> memref<1x80x128xf32, #tpu.memory_space<vmem>>
        %dma_start3A_99 = tpu.memref_squeeze %dma_start3A_98 : memref<1x80x128xf32, #tpu.memory_space<vmem>> -> memref<80x128xf32, #tpu.memory_space<vmem>>
        %dma_start3A_100 = arith.constant 9840 : i32
        %dma_start3A_101 = arith.constant 0 : i32
        %dma_start3A_102 = tpu.memref_slice %arg10[%dma_start3A_100, %dma_start3A_101] : memref<10000x128xf32, #tpu.memory_space<vmem_shared>> -> memref<80x128xf32, #tpu.memory_space<vmem_shared>>
        %dma_start3A_103 = arith.constant 9840 : i32
        %dma_start3A_104 = arith.constant 0 : i32
        %dma_start3A_105 = tpu.memref_slice %arg10[%dma_start3A_103, %dma_start3A_104] : memref<10000x128xf32, #tpu.memory_space<vmem_shared>> -> memref<80x128xf32, #tpu.memory_space<vmem_shared>>
        %dma_start3A_106 = arith.constant 0 : i32
        %dma_start3A_107 = arith.constant 0 : i32
        %dma_start3A_108 = tpu.memref_slice %arg15[%run_scoped3A_94, %dma_start3A_106, %dma_start3A_107] : memref<2x80x128xf32, #tpu.memory_space<vmem>> -> memref<1x80x128xf32, #tpu.memory_space<vmem>>
        %dma_start3A_109 = tpu.memref_squeeze %dma_start3A_108 : memref<1x80x128xf32, #tpu.memory_space<vmem>> -> memref<80x128xf32, #tpu.memory_space<vmem>>
        tpu.enqueue_dma source(%dma_start3A_109 : memref<80x128xf32, #tpu.memory_space<vmem>>) target(%dma_start3A_105 : memref<80x128xf32, #tpu.memory_space<vmem_shared>>) target_semaphore(%run_scoped3A_96 : memref<!tpu.dma_semaphore, #tpu.memory_space<semaphore_mem>>)
        %dma_wait3A = arith.constant 0 : i32
        %dma_wait3A_110 = arith.constant 0 : i32
        %dma_wait3A_111 = tpu.memref_slice %arg15[%run_scoped3A_94, %dma_wait3A, %dma_wait3A_110] : memref<2x80x128xf32, #tpu.memory_space<vmem>> -> memref<1x80x128xf32, #tpu.memory_space<vmem>>
        %dma_wait3A_112 = tpu.memref_squeeze %dma_wait3A_111 : memref<1x80x128xf32, #tpu.memory_space<vmem>> -> memref<80x128xf32, #tpu.memory_space<vmem>>
        %dma_wait3A_113 = arith.constant 9840 : i32
        %dma_wait3A_114 = arith.constant 0 : i32
        %dma_wait3A_115 = tpu.memref_slice %arg10[%dma_wait3A_113, %dma_wait3A_114] : memref<10000x128xf32, #tpu.memory_space<vmem_shared>> -> memref<80x128xf32, #tpu.memory_space<vmem_shared>>
        %dma_wait3A_116 = arith.constant 9840 : i32
        %dma_wait3A_117 = arith.constant 0 : i32
        %dma_wait3A_118 = tpu.memref_slice %arg10[%dma_wait3A_116, %dma_wait3A_117] : memref<10000x128xf32, #tpu.memory_space<vmem_shared>> -> memref<80x128xf32, #tpu.memory_space<vmem_shared>>
        %dma_wait3A_119 = arith.constant 0 : i32
        %dma_wait3A_120 = arith.constant 0 : i32
        %dma_wait3A_121 = tpu.memref_slice %arg15[%run_scoped3A_94, %dma_wait3A_119, %dma_wait3A_120] : memref<2x80x128xf32, #tpu.memory_space<vmem>> -> memref<1x80x128xf32, #tpu.memory_space<vmem>>
        %dma_wait3A_122 = tpu.memref_squeeze %dma_wait3A_121 : memref<1x80x128xf32, #tpu.memory_space<vmem>> -> memref<80x128xf32, #tpu.memory_space<vmem>>
        tpu.wait_dma2 semaphore(%run_scoped3A_96 : memref<!tpu.dma_semaphore, #tpu.memory_space<semaphore_mem>>) src(%dma_wait3A_122 : memref<80x128xf32, #tpu.memory_space<vmem>>) dst(%dma_wait3A_118 : memref<80x128xf32, #tpu.memory_space<vmem_shared>>)
        tpu.yield
      }) : () -> ()
      %run_scoped3A_95 = arith.constant 0 : i32
      "tpu.region"() ({
        %run_scoped3A_96 = tpu.sem_alloc : memref<!tpu.dma_semaphore, #tpu.memory_space<semaphore_mem>>
        %dma_start3A = arith.constant 0 : i32
        %dma_start3A_97 = arith.constant 0 : i32
        %dma_start3A_98 = tpu.memref_slice %arg15[%run_scoped3A_95, %dma_start3A, %dma_start3A_97] : memref<2x80x128xf32, #tpu.memory_space<vmem>> -> memref<1x80x128xf32, #tpu.memory_space<vmem>>
        %dma_start3A_99 = tpu.memref_squeeze %dma_start3A_98 : memref<1x80x128xf32, #tpu.memory_space<vmem>> -> memref<80x128xf32, #tpu.memory_space<vmem>>
        %dma_start3A_100 = arith.constant 9920 : i32
        %dma_start3A_101 = arith.constant 0 : i32
        %dma_start3A_102 = tpu.memref_slice %arg10[%dma_start3A_100, %dma_start3A_101] : memref<10000x128xf32, #tpu.memory_space<vmem_shared>> -> memref<80x128xf32, #tpu.memory_space<vmem_shared>>
        %dma_start3A_103 = arith.constant 9920 : i32
        %dma_start3A_104 = arith.constant 0 : i32
        %dma_start3A_105 = tpu.memref_slice %arg10[%dma_start3A_103, %dma_start3A_104] : memref<10000x128xf32, #tpu.memory_space<vmem_shared>> -> memref<80x128xf32, #tpu.memory_space<vmem_shared>>
        %dma_start3A_106 = arith.constant 0 : i32
        %dma_start3A_107 = arith.constant 0 : i32
        %dma_start3A_108 = tpu.memref_slice %arg15[%run_scoped3A_95, %dma_start3A_106, %dma_start3A_107] : memref<2x80x128xf32, #tpu.memory_space<vmem>> -> memref<1x80x128xf32, #tpu.memory_space<vmem>>
        %dma_start3A_109 = tpu.memref_squeeze %dma_start3A_108 : memref<1x80x128xf32, #tpu.memory_space<vmem>> -> memref<80x128xf32, #tpu.memory_space<vmem>>
        tpu.enqueue_dma source(%dma_start3A_109 : memref<80x128xf32, #tpu.memory_space<vmem>>) target(%dma_start3A_105 : memref<80x128xf32, #tpu.memory_space<vmem_shared>>) target_semaphore(%run_scoped3A_96 : memref<!tpu.dma_semaphore, #tpu.memory_space<semaphore_mem>>)
        %dma_wait3A = arith.constant 0 : i32
        %dma_wait3A_110 = arith.constant 0 : i32
        %dma_wait3A_111 = tpu.memref_slice %arg15[%run_scoped3A_95, %dma_wait3A, %dma_wait3A_110] : memref<2x80x128xf32, #tpu.memory_space<vmem>> -> memref<1x80x128xf32, #tpu.memory_space<vmem>>
        %dma_wait3A_112 = tpu.memref_squeeze %dma_wait3A_111 : memref<1x80x128xf32, #tpu.memory_space<vmem>> -> memref<80x128xf32, #tpu.memory_space<vmem>>
        %dma_wait3A_113 = arith.constant 9920 : i32
        %dma_wait3A_114 = arith.constant 0 : i32
        %dma_wait3A_115 = tpu.memref_slice %arg10[%dma_wait3A_113, %dma_wait3A_114] : memref<10000x128xf32, #tpu.memory_space<vmem_shared>> -> memref<80x128xf32, #tpu.memory_space<vmem_shared>>
        %dma_wait3A_116 = arith.constant 9920 : i32
        %dma_wait3A_117 = arith.constant 0 : i32
        %dma_wait3A_118 = tpu.memref_slice %arg10[%dma_wait3A_116, %dma_wait3A_117] : memref<10000x128xf32, #tpu.memory_space<vmem_shared>> -> memref<80x128xf32, #tpu.memory_space<vmem_shared>>
        %dma_wait3A_119 = arith.constant 0 : i32
        %dma_wait3A_120 = arith.constant 0 : i32
        %dma_wait3A_121 = tpu.memref_slice %arg15[%run_scoped3A_95, %dma_wait3A_119, %dma_wait3A_120] : memref<2x80x128xf32, #tpu.memory_space<vmem>> -> memref<1x80x128xf32, #tpu.memory_space<vmem>>
        %dma_wait3A_122 = tpu.memref_squeeze %dma_wait3A_121 : memref<1x80x128xf32, #tpu.memory_space<vmem>> -> memref<80x128xf32, #tpu.memory_space<vmem>>
        tpu.wait_dma2 semaphore(%run_scoped3A_96 : memref<!tpu.dma_semaphore, #tpu.memory_space<semaphore_mem>>) src(%dma_wait3A_122 : memref<80x128xf32, #tpu.memory_space<vmem>>) dst(%dma_wait3A_118 : memref<80x128xf32, #tpu.memory_space<vmem_shared>>)
        tpu.yield
      }) : () -> ()
    } else {
    }
    %eq3A_33 = arith.constant 0 : i32
    %eq3A_34 = arith.cmpi eq, %arg0, %eq3A_33 : i32
    %lt3A_35 = arith.constant 5 : i32
    %lt3A_36 = arith.cmpi slt, %arg1, %lt3A_35 : i32
    %and3A = arith.andi %eq3A_34, %lt3A_36 : i1
    %convert_element_type3A_37 = arith.extui %and3A : i1 to i32
    %cond3A_38 = arith.constant 0 : i32
    %cond3A_39 = arith.cmpi ne, %convert_element_type3A_37, %cond3A_38 : i32
    scf.if %cond3A_39 {
      %mul3A_92 = arith.constant 2000 : i32
      %mul3A_93 = arith.muli %arg1, %mul3A_92 : i32
      "tpu.region"() ({
        %run_scoped3A = tpu.sem_alloc : memref<!tpu.dma_semaphore, #tpu.memory_space<semaphore_mem>>
        %dma_start3A = tpu.memref_slice %arg11[%mul3A_93] : memref<10000xf32, #tpu.memory_space<vmem_shared>> -> memref<2000xf32, #tpu.memory_space<vmem_shared>>
        %dma_start3A_94 = tpu.memref_slice %arg11[%mul3A_93] : memref<10000xf32, #tpu.memory_space<vmem_shared>> -> memref<2000xf32, #tpu.memory_space<vmem_shared>>
        tpu.enqueue_dma source(%arg17 : memref<2000xf32, #tpu.memory_space<vmem>>) target(%dma_start3A_94 : memref<2000xf32, #tpu.memory_space<vmem_shared>>) target_semaphore(%run_scoped3A : memref<!tpu.dma_semaphore, #tpu.memory_space<semaphore_mem>>)
        %dma_wait3A = tpu.memref_slice %arg11[%mul3A_93] : memref<10000xf32, #tpu.memory_space<vmem_shared>> -> memref<2000xf32, #tpu.memory_space<vmem_shared>>
        %dma_wait3A_95 = tpu.memref_slice %arg11[%mul3A_93] : memref<10000xf32, #tpu.memory_space<vmem_shared>> -> memref<2000xf32, #tpu.memory_space<vmem_shared>>
        tpu.wait_dma2 semaphore(%run_scoped3A : memref<!tpu.dma_semaphore, #tpu.memory_space<semaphore_mem>>) src(%arg17 : memref<2000xf32, #tpu.memory_space<vmem>>) dst(%dma_wait3A_95 : memref<2000xf32, #tpu.memory_space<vmem_shared>>)
        tpu.yield
      }) : () -> ()
    } else {
    }
    %barrier3A = arith.constant 0 : index
    tpu.barrier barrier_id(%barrier3A)
    %mul3A = arith.constant 10000 : i32
    %mul3A_40 = arith.muli %arg1, %mul3A : i32
    %eq3A_41 = arith.constant 0 : i32
    %eq3A_42 = arith.cmpi eq, %arg0, %eq3A_41 : i32
    %convert_element_type3A_43 = arith.extui %eq3A_42 : i1 to i32
    %cond3A_44 = arith.constant 0 : i32
    %cond3A_45 = arith.cmpi ne, %convert_element_type3A_43, %cond3A_44 : i32
    scf.if %cond3A_45 {
      %run_scoped3A = arith.constant 0 : i32
      "tpu.region"() ({
        %run_scoped3A_227 = tpu.sem_alloc : memref<!tpu.dma_semaphore, #tpu.memory_space<semaphore_mem>>
        %dma_start3A_228 = arith.constant 0 : i32
        %dma_start3A_229 = tpu.memref_slice %arg12[%run_scoped3A, %dma_start3A_228] : memref<4x80xi32, #tpu.memory_space<vmem>> -> memref<1x80xi32, #tpu.memory_space<vmem>>
        %dma_start3A_230 = tpu.memref_squeeze %dma_start3A_229 : memref<1x80xi32, #tpu.memory_space<vmem>> -> memref<80xi32, #tpu.memory_space<vmem>>
        %dma_start3A_231 = tpu.memref_slice %arg5[%mul3A_40] : memref<160000xi32, #tpu.memory_space<hbm>> -> memref<80xi32, #tpu.memory_space<hbm>>
        %dma_start3A_232 = arith.constant 0 : i32
        %dma_start3A_233 = tpu.memref_slice %arg12[%run_scoped3A, %dma_start3A_232] : memref<4x80xi32, #tpu.memory_space<vmem>> -> memref<1x80xi32, #tpu.memory_space<vmem>>
        %dma_start3A_234 = tpu.memref_squeeze %dma_start3A_233 : memref<1x80xi32, #tpu.memory_space<vmem>> -> memref<80xi32, #tpu.memory_space<vmem>>
        %dma_start3A_235 = tpu.memref_slice %arg5[%mul3A_40] : memref<160000xi32, #tpu.memory_space<hbm>> -> memref<80xi32, #tpu.memory_space<hbm>>
        tpu.enqueue_dma source(%dma_start3A_235 : memref<80xi32, #tpu.memory_space<hbm>>) target(%dma_start3A_234 : memref<80xi32, #tpu.memory_space<vmem>>) target_semaphore(%run_scoped3A_227 : memref<!tpu.dma_semaphore, #tpu.memory_space<semaphore_mem>>)
        %dma_wait3A_236 = arith.constant 0 : i32
        %dma_wait3A_237 = tpu.memref_slice %arg12[%run_scoped3A, %dma_wait3A_236] : memref<4x80xi32, #tpu.memory_space<vmem>> -> memref<1x80xi32, #tpu.memory_space<vmem>>
        %dma_wait3A_238 = tpu.memref_squeeze %dma_wait3A_237 : memref<1x80xi32, #tpu.memory_space<vmem>> -> memref<80xi32, #tpu.memory_space<vmem>>
        %dma_wait3A_239 = tpu.memref_slice %arg5[%mul3A_40] : memref<160000xi32, #tpu.memory_space<hbm>> -> memref<80xi32, #tpu.memory_space<hbm>>
        %dma_wait3A_240 = arith.constant 0 : i32
        %dma_wait3A_241 = tpu.memref_slice %arg12[%run_scoped3A, %dma_wait3A_240] : memref<4x80xi32, #tpu.memory_space<vmem>> -> memref<1x80xi32, #tpu.memory_space<vmem>>
        %dma_wait3A_242 = tpu.memref_squeeze %dma_wait3A_241 : memref<1x80xi32, #tpu.memory_space<vmem>> -> memref<80xi32, #tpu.memory_space<vmem>>
        %dma_wait3A_243 = tpu.memref_slice %arg5[%mul3A_40] : memref<160000xi32, #tpu.memory_space<hbm>> -> memref<80xi32, #tpu.memory_space<hbm>>
        tpu.wait_dma2 semaphore(%run_scoped3A_227 : memref<!tpu.dma_semaphore, #tpu.memory_space<semaphore_mem>>) src(%dma_wait3A_243 : memref<80xi32, #tpu.memory_space<hbm>>) dst(%dma_wait3A_242 : memref<80xi32, #tpu.memory_space<vmem>>)
        tpu.yield
      }) : () -> ()
      %run_scoped3A_92 = arith.constant 0 : i32
      "tpu.region"() ({
        %run_scoped3A_227 = tpu.sem_alloc : memref<!tpu.dma_semaphore, #tpu.memory_space<semaphore_mem>>
        %dma_start3A_228 = arith.constant 0 : i32
        %dma_start3A_229 = tpu.memref_slice %arg13[%run_scoped3A_92, %dma_start3A_228] : memref<4x80xi32, #tpu.memory_space<vmem>> -> memref<1x80xi32, #tpu.memory_space<vmem>>
        %dma_start3A_230 = tpu.memref_squeeze %dma_start3A_229 : memref<1x80xi32, #tpu.memory_space<vmem>> -> memref<80xi32, #tpu.memory_space<vmem>>
        %dma_start3A_231 = tpu.memref_slice %arg6[%mul3A_40] : memref<160000xi32, #tpu.memory_space<hbm>> -> memref<80xi32, #tpu.memory_space<hbm>>
        %dma_start3A_232 = arith.constant 0 : i32
        %dma_start3A_233 = tpu.memref_slice %arg13[%run_scoped3A_92, %dma_start3A_232] : memref<4x80xi32, #tpu.memory_space<vmem>> -> memref<1x80xi32, #tpu.memory_space<vmem>>
        %dma_start3A_234 = tpu.memref_squeeze %dma_start3A_233 : memref<1x80xi32, #tpu.memory_space<vmem>> -> memref<80xi32, #tpu.memory_space<vmem>>
        %dma_start3A_235 = tpu.memref_slice %arg6[%mul3A_40] : memref<160000xi32, #tpu.memory_space<hbm>> -> memref<80xi32, #tpu.memory_space<hbm>>
        tpu.enqueue_dma source(%dma_start3A_235 : memref<80xi32, #tpu.memory_space<hbm>>) target(%dma_start3A_234 : memref<80xi32, #tpu.memory_space<vmem>>) target_semaphore(%run_scoped3A_227 : memref<!tpu.dma_semaphore, #tpu.memory_space<semaphore_mem>>)
        %dma_wait3A_236 = arith.constant 0 : i32
        %dma_wait3A_237 = tpu.memref_slice %arg13[%run_scoped3A_92, %dma_wait3A_236] : memref<4x80xi32, #tpu.memory_space<vmem>> -> memref<1x80xi32, #tpu.memory_space<vmem>>
        %dma_wait3A_238 = tpu.memref_squeeze %dma_wait3A_237 : memref<1x80xi32, #tpu.memory_space<vmem>> -> memref<80xi32, #tpu.memory_space<vmem>>
        %dma_wait3A_239 = tpu.memref_slice %arg6[%mul3A_40] : memref<160000xi32, #tpu.memory_space<hbm>> -> memref<80xi32, #tpu.memory_space<hbm>>
        %dma_wait3A_240 = arith.constant 0 : i32
        %dma_wait3A_241 = tpu.memref_slice %arg13[%run_scoped3A_92, %dma_wait3A_240] : memref<4x80xi32, #tpu.memory_space<vmem>> -> memref<1x80xi32, #tpu.memory_space<vmem>>
        %dma_wait3A_242 = tpu.memref_squeeze %dma_wait3A_241 : memref<1x80xi32, #tpu.memory_space<vmem>> -> memref<80xi32, #tpu.memory_space<vmem>>
        %dma_wait3A_243 = tpu.memref_slice %arg6[%mul3A_40] : memref<160000xi32, #tpu.memory_space<hbm>> -> memref<80xi32, #tpu.memory_space<hbm>>
        tpu.wait_dma2 semaphore(%run_scoped3A_227 : memref<!tpu.dma_semaphore, #tpu.memory_space<semaphore_mem>>) src(%dma_wait3A_243 : memref<80xi32, #tpu.memory_space<hbm>>) dst(%dma_wait3A_242 : memref<80xi32, #tpu.memory_space<vmem>>)
        tpu.yield
      }) : () -> ()
      %dma_start3A = arith.constant 0 : i32
      %dma_start3A_93 = arith.constant 0 : i32
      %dma_start3A_94 = arith.constant 0 : i32
      %dma_start3A_95 = arith.constant 0 : i32
      %dma_start3A_96 = tpu.memref_slice %arg14[%dma_start3A_93, %dma_start3A_94, %dma_start3A_95] : memref<2x80x128xf32, #tpu.memory_space<vmem>> -> memref<1x80x128xf32, #tpu.memory_space<vmem>>
      %dma_start3A_97 = tpu.memref_squeeze %dma_start3A_96 : memref<1x80x128xf32, #tpu.memory_space<vmem>> -> memref<80x128xf32, #tpu.memory_space<vmem>>
      %dma_start3A_98 = arith.constant 0 : i32
      %dma_start3A_99 = tpu.memref_slice %arg12[%dma_start3A, %dma_start3A_98] : memref<4x80xi32, #tpu.memory_space<vmem>> -> memref<1x80xi32, #tpu.memory_space<vmem>>
      %dma_start3A_100 = tpu.memref_squeeze %dma_start3A_99 : memref<1x80xi32, #tpu.memory_space<vmem>> -> memref<80xi32, #tpu.memory_space<vmem>>
      %dma_start3A_101 = arith.constant 0 : i32
      %dma_start3A_102 = arith.constant 0 : i32
      %dma_start3A_103 = tpu.memref_slice %arg2[%dma_start3A_101, %dma_start3A_102] : memref<10000x128xf32, #tpu.memory_space<hbm>> -> memref<10000x128xf32, #tpu.memory_space<hbm>>
      tpu.enqueue_indirect_dma source(%dma_start3A_103 : memref<10000x128xf32, #tpu.memory_space<hbm>>) target(%dma_start3A_97 : memref<80x128xf32, #tpu.memory_space<vmem>>) offsets(%dma_start3A_100 : memref<80xi32, #tpu.memory_space<vmem>>) semaphore(%arg18 : memref<!tpu.dma_semaphore, #tpu.memory_space<semaphore_mem>>)
      %add3A = arith.constant 0 : i32
      %add3A_104 = arith.addi %mul3A_40, %add3A : i32
      %dma_start3A_105 = arith.constant 0 : i32
      %dma_start3A_106 = arith.constant 0 : i32
      %dma_start3A_107 = arith.constant 0 : i32
      %dma_start3A_108 = tpu.memref_slice %arg15[%dma_start3A_105, %dma_start3A_106, %dma_start3A_107] : memref<2x80x128xf32, #tpu.memory_space<vmem>> -> memref<1x80x128xf32, #tpu.memory_space<vmem>>
      %dma_start3A_109 = tpu.memref_squeeze %dma_start3A_108 : memref<1x80x128xf32, #tpu.memory_space<vmem>> -> memref<80x128xf32, #tpu.memory_space<vmem>>
      %dma_start3A_110 = arith.constant 0 : i32
      %dma_start3A_111 = tpu.memref_slice %arg4[%add3A_104, %dma_start3A_110] : memref<160000x256xf32, #tpu.memory_space<hbm>> -> memref<80x128xf32, #tpu.memory_space<hbm>>
      %dma_start3A_112 = arith.constant 0 : i32
      %dma_start3A_113 = arith.constant 0 : i32
      %dma_start3A_114 = tpu.memref_slice %arg15[%dma_start3A_105, %dma_start3A_112, %dma_start3A_113] : memref<2x80x128xf32, #tpu.memory_space<vmem>> -> memref<1x80x128xf32, #tpu.memory_space<vmem>>
      %dma_start3A_115 = tpu.memref_squeeze %dma_start3A_114 : memref<1x80x128xf32, #tpu.memory_space<vmem>> -> memref<80x128xf32, #tpu.memory_space<vmem>>
      %dma_start3A_116 = arith.constant 0 : i32
      %dma_start3A_117 = tpu.memref_slice %arg4[%add3A_104, %dma_start3A_116] : memref<160000x256xf32, #tpu.memory_space<hbm>> -> memref<80x128xf32, #tpu.memory_space<hbm>>
      tpu.enqueue_dma source(%dma_start3A_117 : memref<80x128xf32, #tpu.memory_space<hbm>>) target(%dma_start3A_115 : memref<80x128xf32, #tpu.memory_space<vmem>>) target_semaphore(%arg18 : memref<!tpu.dma_semaphore, #tpu.memory_space<semaphore_mem>>)
      %add3A_118 = arith.constant 80 : i32
      %add3A_119 = arith.addi %mul3A_40, %add3A_118 : i32
      %dma_start3A_120 = arith.constant 1 : i32
      %dma_start3A_121 = arith.constant 0 : i32
      %dma_start3A_122 = tpu.memref_slice %arg12[%dma_start3A_120, %dma_start3A_121] : memref<4x80xi32, #tpu.memory_space<vmem>> -> memref<1x80xi32, #tpu.memory_space<vmem>>
      %dma_start3A_123 = tpu.memref_squeeze %dma_start3A_122 : memref<1x80xi32, #tpu.memory_space<vmem>> -> memref<80xi32, #tpu.memory_space<vmem>>
      %dma_start3A_124 = tpu.memref_slice %arg5[%add3A_119] : memref<160000xi32, #tpu.memory_space<hbm>> -> memref<80xi32, #tpu.memory_space<hbm>>
      %dma_start3A_125 = arith.constant 0 : i32
      %dma_start3A_126 = tpu.memref_slice %arg12[%dma_start3A_120, %dma_start3A_125] : memref<4x80xi32, #tpu.memory_space<vmem>> -> memref<1x80xi32, #tpu.memory_space<vmem>>
      %dma_start3A_127 = tpu.memref_squeeze %dma_start3A_126 : memref<1x80xi32, #tpu.memory_space<vmem>> -> memref<80xi32, #tpu.memory_space<vmem>>
      %dma_start3A_128 = tpu.memref_slice %arg5[%add3A_119] : memref<160000xi32, #tpu.memory_space<hbm>> -> memref<80xi32, #tpu.memory_space<hbm>>
      tpu.enqueue_dma source(%dma_start3A_128 : memref<80xi32, #tpu.memory_space<hbm>>) target(%dma_start3A_127 : memref<80xi32, #tpu.memory_space<vmem>>) target_semaphore(%arg23 : memref<!tpu.dma_semaphore, #tpu.memory_space<semaphore_mem>>)
      %dma_start3A_129 = arith.constant 1 : i32
      %dma_start3A_130 = arith.constant 0 : i32
      %dma_start3A_131 = tpu.memref_slice %arg13[%dma_start3A_129, %dma_start3A_130] : memref<4x80xi32, #tpu.memory_space<vmem>> -> memref<1x80xi32, #tpu.memory_space<vmem>>
      %dma_start3A_132 = tpu.memref_squeeze %dma_start3A_131 : memref<1x80xi32, #tpu.memory_space<vmem>> -> memref<80xi32, #tpu.memory_space<vmem>>
      %dma_start3A_133 = tpu.memref_slice %arg6[%add3A_119] : memref<160000xi32, #tpu.memory_space<hbm>> -> memref<80xi32, #tpu.memory_space<hbm>>
      %dma_start3A_134 = arith.constant 0 : i32
      %dma_start3A_135 = tpu.memref_slice %arg13[%dma_start3A_129, %dma_start3A_134] : memref<4x80xi32, #tpu.memory_space<vmem>> -> memref<1x80xi32, #tpu.memory_space<vmem>>
      %dma_start3A_136 = tpu.memref_squeeze %dma_start3A_135 : memref<1x80xi32, #tpu.memory_space<vmem>> -> memref<80xi32, #tpu.memory_space<vmem>>
      %dma_start3A_137 = tpu.memref_slice %arg6[%add3A_119] : memref<160000xi32, #tpu.memory_space<hbm>> -> memref<80xi32, #tpu.memory_space<hbm>>
      tpu.enqueue_dma source(%dma_start3A_137 : memref<80xi32, #tpu.memory_space<hbm>>) target(%dma_start3A_136 : memref<80xi32, #tpu.memory_space<vmem>>) target_semaphore(%arg23 : memref<!tpu.dma_semaphore, #tpu.memory_space<semaphore_mem>>)
      %scan3A = arith.constant 0 : i32
      %scan3A_138 = arith.constant 0 : i32
      %scan3A_139 = arith.constant 62 : i32
      %scan3A_140 = arith.addi %scan3A_138, %scan3A_139 : i32
      %scan3A_141 = arith.constant 1 : i32
      %scan3A_142 = scf.for %scan3A_227 = %scan3A_138 to %scan3A_140 step %scan3A_141 iter_args(%scan3A_228 = %scan3A) -> (i32)  : i32 {
        %mul3A_229 = arith.constant 2 : i32
        %mul3A_230 = arith.muli %mul3A_229, %scan3A_227 : i32
        %add3A_231 = arith.constant 1 : i32
        %add3A_232 = arith.addi %mul3A_230, %add3A_231 : i32
        %jit3A = arith.constant 4 : i32
        %eq3A_233 = arith.constant 0 : i32
        %eq3A_234 = arith.cmpi eq, %jit3A, %eq3A_233 : i32
        %jit3A_235 = arith.constant 1 : i32
        %select_n3A = arith.select %eq3A_234, %jit3A_235, %jit3A : i32
        %rem3A = arith.remsi %mul3A_230, %select_n3A : i32
        %ne3A = arith.constant 0 : i32
        %ne3A_236 = arith.cmpi ne, %rem3A, %ne3A : i32
        %lt3A_237 = arith.constant 0 : i32
        %lt3A_238 = arith.cmpi slt, %rem3A, %lt3A_237 : i32
        %lt3A_239 = arith.constant 0 : i32
        %lt3A_240 = arith.cmpi slt, %select_n3A, %lt3A_239 : i32
        %ne3A_241 = arith.xori %lt3A_238, %lt3A_240 : i1
        %and3A_242 = arith.andi %ne3A_241, %ne3A_236 : i1
        %add3A_243 = arith.addi %rem3A, %select_n3A : i32
        %select_n3A_244 = arith.select %and3A_242, %add3A_243, %rem3A : i32
        %dma_wait3A_245 = arith.constant 0 : i32
        %dma_wait3A_246 = arith.constant 0 : i32
        %dma_wait3A_247 = arith.constant 0 : i32
        %dma_wait3A_248 = tpu.memref_slice %arg14[%dma_wait3A_245, %dma_wait3A_246, %dma_wait3A_247] : memref<2x80x128xf32, #tpu.memory_space<vmem>> -> memref<1x80x128xf32, #tpu.memory_space<vmem>>
        %dma_wait3A_249 = tpu.memref_squeeze %dma_wait3A_248 : memref<1x80x128xf32, #tpu.memory_space<vmem>> -> memref<80x128xf32, #tpu.memory_space<vmem>>
        %dma_wait3A_250 = arith.constant 0 : i32
        %dma_wait3A_251 = tpu.memref_slice %arg12[%select_n3A_244, %dma_wait3A_250] : memref<4x80xi32, #tpu.memory_space<vmem>> -> memref<1x80xi32, #tpu.memory_space<vmem>>
        %dma_wait3A_252 = tpu.memref_squeeze %dma_wait3A_251 : memref<1x80xi32, #tpu.memory_space<vmem>> -> memref<80xi32, #tpu.memory_space<vmem>>
        %dma_wait3A_253 = arith.constant 0 : i32
        %dma_wait3A_254 = arith.constant 0 : i32
        %dma_wait3A_255 = tpu.memref_slice %arg2[%dma_wait3A_253, %dma_wait3A_254] : memref<10000x128xf32, #tpu.memory_space<hbm>> -> memref<10000x128xf32, #tpu.memory_space<hbm>>
        tpu.wait_indirect_dma semaphore(%arg18 : memref<!tpu.dma_semaphore, #tpu.memory_space<semaphore_mem>>) src(%dma_wait3A_255 : memref<10000x128xf32, #tpu.memory_space<hbm>>) dst(%dma_wait3A_249 : memref<80x128xf32, #tpu.memory_space<vmem>>)
        %mul3A_256 = arith.constant 80 : i32
        %mul3A_257 = arith.muli %mul3A_230, %mul3A_256 : i32
        %add3A_258 = arith.addi %mul3A_40, %mul3A_257 : i32
        %dma_wait3A_259 = arith.constant 0 : i32
        %dma_wait3A_260 = arith.constant 0 : i32
        %dma_wait3A_261 = arith.constant 0 : i32
        %dma_wait3A_262 = tpu.memref_slice %arg15[%dma_wait3A_259, %dma_wait3A_260, %dma_wait3A_261] : memref<2x80x128xf32, #tpu.memory_space<vmem>> -> memref<1x80x128xf32, #tpu.memory_space<vmem>>
        %dma_wait3A_263 = tpu.memref_squeeze %dma_wait3A_262 : memref<1x80x128xf32, #tpu.memory_space<vmem>> -> memref<80x128xf32, #tpu.memory_space<vmem>>
        %dma_wait3A_264 = arith.constant 0 : i32
        %dma_wait3A_265 = tpu.memref_slice %arg4[%add3A_258, %dma_wait3A_264] : memref<160000x256xf32, #tpu.memory_space<hbm>> -> memref<80x128xf32, #tpu.memory_space<hbm>>
        %dma_wait3A_266 = arith.constant 0 : i32
        %dma_wait3A_267 = arith.constant 0 : i32
        %dma_wait3A_268 = tpu.memref_slice %arg15[%dma_wait3A_259, %dma_wait3A_266, %dma_wait3A_267] : memref<2x80x128xf32, #tpu.memory_space<vmem>> -> memref<1x80x128xf32, #tpu.memory_space<vmem>>
        %dma_wait3A_269 = tpu.memref_squeeze %dma_wait3A_268 : memref<1x80x128xf32, #tpu.memory_space<vmem>> -> memref<80x128xf32, #tpu.memory_space<vmem>>
        %dma_wait3A_270 = arith.constant 0 : i32
        %dma_wait3A_271 = tpu.memref_slice %arg4[%add3A_258, %dma_wait3A_270] : memref<160000x256xf32, #tpu.memory_space<hbm>> -> memref<80x128xf32, #tpu.memory_space<hbm>>
        tpu.wait_dma2 semaphore(%arg18 : memref<!tpu.dma_semaphore, #tpu.memory_space<semaphore_mem>>) src(%dma_wait3A_271 : memref<80x128xf32, #tpu.memory_space<hbm>>) dst(%dma_wait3A_269 : memref<80x128xf32, #tpu.memory_space<vmem>>)
        %gt3A = arith.constant 0 : i32
        %gt3A_272 = arith.cmpi sgt, %scan3A_227, %gt3A : i32
        %convert_element_type3A_273 = arith.extui %gt3A_272 : i1 to i32
        %cond3A_274 = arith.constant 0 : i32
        %cond3A_275 = arith.cmpi ne, %convert_element_type3A_273, %cond3A_274 : i32
        scf.if %cond3A_275 {
          %sub3A = arith.constant 1 : i32
          %sub3A_624 = arith.subi %mul3A_230, %sub3A : i32
          %jit3A_625 = arith.constant 4 : i32
          %eq3A_626 = arith.constant 0 : i32
          %eq3A_627 = arith.cmpi eq, %jit3A_625, %eq3A_626 : i32
          %jit3A_628 = arith.constant 1 : i32
          %select_n3A_629 = arith.select %eq3A_627, %jit3A_628, %jit3A_625 : i32
          %rem3A_630 = arith.remsi %sub3A_624, %select_n3A_629 : i32
          %ne3A_631 = arith.constant 0 : i32
          %ne3A_632 = arith.cmpi ne, %rem3A_630, %ne3A_631 : i32
          %lt3A_633 = arith.constant 0 : i32
          %lt3A_634 = arith.cmpi slt, %rem3A_630, %lt3A_633 : i32
          %lt3A_635 = arith.constant 0 : i32
          %lt3A_636 = arith.cmpi slt, %select_n3A_629, %lt3A_635 : i32
          %ne3A_637 = arith.xori %lt3A_634, %lt3A_636 : i1
          %and3A_638 = arith.andi %ne3A_637, %ne3A_632 : i1
          %add3A_639 = arith.addi %rem3A_630, %select_n3A_629 : i32
          %select_n3A_640 = arith.select %and3A_638, %add3A_639, %rem3A_630 : i32
          %dma_wait3A_641 = arith.constant 1 : i32
          %dma_wait3A_642 = arith.constant 0 : i32
          %dma_wait3A_643 = arith.constant 0 : i32
          %dma_wait3A_644 = tpu.memref_slice %arg15[%dma_wait3A_641, %dma_wait3A_642, %dma_wait3A_643] : memref<2x80x128xf32, #tpu.memory_space<vmem>> -> memref<1x80x128xf32, #tpu.memory_space<vmem>>
          %dma_wait3A_645 = tpu.memref_squeeze %dma_wait3A_644 : memref<1x80x128xf32, #tpu.memory_space<vmem>> -> memref<80x128xf32, #tpu.memory_space<vmem>>
          %dma_wait3A_646 = arith.constant 0 : i32
          %dma_wait3A_647 = tpu.memref_slice %arg13[%select_n3A_640, %dma_wait3A_646] : memref<4x80xi32, #tpu.memory_space<vmem>> -> memref<1x80xi32, #tpu.memory_space<vmem>>
          %dma_wait3A_648 = tpu.memref_squeeze %dma_wait3A_647 : memref<1x80xi32, #tpu.memory_space<vmem>> -> memref<80xi32, #tpu.memory_space<vmem>>
          %dma_wait3A_649 = arith.constant 0 : i32
          %dma_wait3A_650 = arith.constant 0 : i32
          %dma_wait3A_651 = tpu.memref_slice %arg10[%dma_wait3A_649, %dma_wait3A_650] : memref<10000x128xf32, #tpu.memory_space<vmem_shared>> -> memref<10000x128xf32, #tpu.memory_space<vmem_shared>>
          tpu.wait_indirect_dma semaphore(%arg21 : memref<!tpu.dma_semaphore, #tpu.memory_space<semaphore_mem>>) src(%dma_wait3A_645 : memref<80x128xf32, #tpu.memory_space<vmem>>) dst(%dma_wait3A_651 : memref<10000x128xf32, #tpu.memory_space<vmem_shared>>)
          %dma_wait3A_652 = arith.constant 0 : i32
          %dma_wait3A_653 = tpu.memref_slice %arg13[%select_n3A_640, %dma_wait3A_652] : memref<4x80xi32, #tpu.memory_space<vmem>> -> memref<1x80xi32, #tpu.memory_space<vmem>>
          %dma_wait3A_654 = tpu.memref_squeeze %dma_wait3A_653 : memref<1x80xi32, #tpu.memory_space<vmem>> -> memref<80xi32, #tpu.memory_space<vmem>>
          %dma_wait3A_655 = arith.constant 0 : i32
          %dma_wait3A_656 = tpu.memref_slice %arg11[%dma_wait3A_655] : memref<10000xf32, #tpu.memory_space<vmem_shared>> -> memref<10000xf32, #tpu.memory_space<vmem_shared>>
          tpu.wait_indirect_dma semaphore(%arg21 : memref<!tpu.dma_semaphore, #tpu.memory_space<semaphore_mem>>) src(%arg16 : memref<80xf32, #tpu.memory_space<vmem>>) dst(%dma_wait3A_656 : memref<10000xf32, #tpu.memory_space<vmem_shared>>)
        } else {
        }
        %mul3A_276 = arith.constant 80 : i32
        %mul3A_277 = arith.muli %add3A_232, %mul3A_276 : i32
        %add3A_278 = arith.addi %mul3A_40, %mul3A_277 : i32
        %jit3A_279 = arith.constant 4 : i32
        %eq3A_280 = arith.constant 0 : i32
        %eq3A_281 = arith.cmpi eq, %jit3A_279, %eq3A_280 : i32
        %jit3A_282 = arith.constant 1 : i32
        %select_n3A_283 = arith.select %eq3A_281, %jit3A_282, %jit3A_279 : i32
        %rem3A_284 = arith.remsi %add3A_232, %select_n3A_283 : i32
        %ne3A_285 = arith.constant 0 : i32
        %ne3A_286 = arith.cmpi ne, %rem3A_284, %ne3A_285 : i32
        %lt3A_287 = arith.constant 0 : i32
        %lt3A_288 = arith.cmpi slt, %rem3A_284, %lt3A_287 : i32
        %lt3A_289 = arith.constant 0 : i32
        %lt3A_290 = arith.cmpi slt, %select_n3A_283, %lt3A_289 : i32
        %ne3A_291 = arith.xori %lt3A_288, %lt3A_290 : i1
        %and3A_292 = arith.andi %ne3A_291, %ne3A_286 : i1
        %add3A_293 = arith.addi %rem3A_284, %select_n3A_283 : i32
        %select_n3A_294 = arith.select %and3A_292, %add3A_293, %rem3A_284 : i32
        %dma_wait3A_295 = arith.constant 0 : i32
        %dma_wait3A_296 = tpu.memref_slice %arg12[%select_n3A_294, %dma_wait3A_295] : memref<4x80xi32, #tpu.memory_space<vmem>> -> memref<1x80xi32, #tpu.memory_space<vmem>>
        %dma_wait3A_297 = tpu.memref_squeeze %dma_wait3A_296 : memref<1x80xi32, #tpu.memory_space<vmem>> -> memref<80xi32, #tpu.memory_space<vmem>>
        %dma_wait3A_298 = tpu.memref_slice %arg5[%add3A_278] : memref<160000xi32, #tpu.memory_space<hbm>> -> memref<80xi32, #tpu.memory_space<hbm>>
        %dma_wait3A_299 = arith.constant 0 : i32
        %dma_wait3A_300 = tpu.memref_slice %arg12[%select_n3A_294, %dma_wait3A_299] : memref<4x80xi32, #tpu.memory_space<vmem>> -> memref<1x80xi32, #tpu.memory_space<vmem>>
        %dma_wait3A_301 = tpu.memref_squeeze %dma_wait3A_300 : memref<1x80xi32, #tpu.memory_space<vmem>> -> memref<80xi32, #tpu.memory_space<vmem>>
        %dma_wait3A_302 = tpu.memref_slice %arg5[%add3A_278] : memref<160000xi32, #tpu.memory_space<hbm>> -> memref<80xi32, #tpu.memory_space<hbm>>
        tpu.wait_dma2 semaphore(%arg23 : memref<!tpu.dma_semaphore, #tpu.memory_space<semaphore_mem>>) src(%dma_wait3A_302 : memref<80xi32, #tpu.memory_space<hbm>>) dst(%dma_wait3A_301 : memref<80xi32, #tpu.memory_space<vmem>>)
        %dma_wait3A_303 = arith.constant 0 : i32
        %dma_wait3A_304 = tpu.memref_slice %arg13[%select_n3A_294, %dma_wait3A_303] : memref<4x80xi32, #tpu.memory_space<vmem>> -> memref<1x80xi32, #tpu.memory_space<vmem>>
        %dma_wait3A_305 = tpu.memref_squeeze %dma_wait3A_304 : memref<1x80xi32, #tpu.memory_space<vmem>> -> memref<80xi32, #tpu.memory_space<vmem>>
        %dma_wait3A_306 = tpu.memref_slice %arg6[%add3A_278] : memref<160000xi32, #tpu.memory_space<hbm>> -> memref<80xi32, #tpu.memory_space<hbm>>
        %dma_wait3A_307 = arith.constant 0 : i32
        %dma_wait3A_308 = tpu.memref_slice %arg13[%select_n3A_294, %dma_wait3A_307] : memref<4x80xi32, #tpu.memory_space<vmem>> -> memref<1x80xi32, #tpu.memory_space<vmem>>
        %dma_wait3A_309 = tpu.memref_squeeze %dma_wait3A_308 : memref<1x80xi32, #tpu.memory_space<vmem>> -> memref<80xi32, #tpu.memory_space<vmem>>
        %dma_wait3A_310 = tpu.memref_slice %arg6[%add3A_278] : memref<160000xi32, #tpu.memory_space<hbm>> -> memref<80xi32, #tpu.memory_space<hbm>>
        tpu.wait_dma2 semaphore(%arg23 : memref<!tpu.dma_semaphore, #tpu.memory_space<semaphore_mem>>) src(%dma_wait3A_310 : memref<80xi32, #tpu.memory_space<hbm>>) dst(%dma_wait3A_309 : memref<80xi32, #tpu.memory_space<vmem>>)
        %jit3A_311 = arith.constant 4 : i32
        %eq3A_312 = arith.constant 0 : i32
        %eq3A_313 = arith.cmpi eq, %jit3A_311, %eq3A_312 : i32
        %jit3A_314 = arith.constant 1 : i32
        %select_n3A_315 = arith.select %eq3A_313, %jit3A_314, %jit3A_311 : i32
        %rem3A_316 = arith.remsi %add3A_232, %select_n3A_315 : i32
        %ne3A_317 = arith.constant 0 : i32
        %ne3A_318 = arith.cmpi ne, %rem3A_316, %ne3A_317 : i32
        %lt3A_319 = arith.constant 0 : i32
        %lt3A_320 = arith.cmpi slt, %rem3A_316, %lt3A_319 : i32
        %lt3A_321 = arith.constant 0 : i32
        %lt3A_322 = arith.cmpi slt, %select_n3A_315, %lt3A_321 : i32
        %ne3A_323 = arith.xori %lt3A_320, %lt3A_322 : i1
        %and3A_324 = arith.andi %ne3A_323, %ne3A_318 : i1
        %add3A_325 = arith.addi %rem3A_316, %select_n3A_315 : i32
        %select_n3A_326 = arith.select %and3A_324, %add3A_325, %rem3A_316 : i32
        %dma_start3A_327 = arith.constant 1 : i32
        %dma_start3A_328 = arith.constant 0 : i32
        %dma_start3A_329 = arith.constant 0 : i32
        %dma_start3A_330 = tpu.memref_slice %arg14[%dma_start3A_327, %dma_start3A_328, %dma_start3A_329] : memref<2x80x128xf32, #tpu.memory_space<vmem>> -> memref<1x80x128xf32, #tpu.memory_space<vmem>>
        %dma_start3A_331 = tpu.memref_squeeze %dma_start3A_330 : memref<1x80x128xf32, #tpu.memory_space<vmem>> -> memref<80x128xf32, #tpu.memory_space<vmem>>
        %dma_start3A_332 = arith.constant 0 : i32
        %dma_start3A_333 = tpu.memref_slice %arg12[%select_n3A_326, %dma_start3A_332] : memref<4x80xi32, #tpu.memory_space<vmem>> -> memref<1x80xi32, #tpu.memory_space<vmem>>
        %dma_start3A_334 = tpu.memref_squeeze %dma_start3A_333 : memref<1x80xi32, #tpu.memory_space<vmem>> -> memref<80xi32, #tpu.memory_space<vmem>>
        %dma_start3A_335 = arith.constant 0 : i32
        %dma_start3A_336 = arith.constant 0 : i32
        %dma_start3A_337 = tpu.memref_slice %arg2[%dma_start3A_335, %dma_start3A_336] : memref<10000x128xf32, #tpu.memory_space<hbm>> -> memref<10000x128xf32, #tpu.memory_space<hbm>>
        tpu.enqueue_indirect_dma source(%dma_start3A_337 : memref<10000x128xf32, #tpu.memory_space<hbm>>) target(%dma_start3A_331 : memref<80x128xf32, #tpu.memory_space<vmem>>) offsets(%dma_start3A_334 : memref<80xi32, #tpu.memory_space<vmem>>) semaphore(%arg19 : memref<!tpu.dma_semaphore, #tpu.memory_space<semaphore_mem>>)
        %mul3A_338 = arith.constant 80 : i32
        %mul3A_339 = arith.muli %add3A_232, %mul3A_338 : i32
        %add3A_340 = arith.addi %mul3A_40, %mul3A_339 : i32
        %dma_start3A_341 = arith.constant 1 : i32
        %dma_start3A_342 = arith.constant 0 : i32
        %dma_start3A_343 = arith.constant 0 : i32
        %dma_start3A_344 = tpu.memref_slice %arg15[%dma_start3A_341, %dma_start3A_342, %dma_start3A_343] : memref<2x80x128xf32, #tpu.memory_space<vmem>> -> memref<1x80x128xf32, #tpu.memory_space<vmem>>
        %dma_start3A_345 = tpu.memref_squeeze %dma_start3A_344 : memref<1x80x128xf32, #tpu.memory_space<vmem>> -> memref<80x128xf32, #tpu.memory_space<vmem>>
        %dma_start3A_346 = arith.constant 0 : i32
        %dma_start3A_347 = tpu.memref_slice %arg4[%add3A_340, %dma_start3A_346] : memref<160000x256xf32, #tpu.memory_space<hbm>> -> memref<80x128xf32, #tpu.memory_space<hbm>>
        %dma_start3A_348 = arith.constant 0 : i32
        %dma_start3A_349 = arith.constant 0 : i32
        %dma_start3A_350 = tpu.memref_slice %arg15[%dma_start3A_341, %dma_start3A_348, %dma_start3A_349] : memref<2x80x128xf32, #tpu.memory_space<vmem>> -> memref<1x80x128xf32, #tpu.memory_space<vmem>>
        %dma_start3A_351 = tpu.memref_squeeze %dma_start3A_350 : memref<1x80x128xf32, #tpu.memory_space<vmem>> -> memref<80x128xf32, #tpu.memory_space<vmem>>
        %dma_start3A_352 = arith.constant 0 : i32
        %dma_start3A_353 = tpu.memref_slice %arg4[%add3A_340, %dma_start3A_352] : memref<160000x256xf32, #tpu.memory_space<hbm>> -> memref<80x128xf32, #tpu.memory_space<hbm>>
        tpu.enqueue_dma source(%dma_start3A_353 : memref<80x128xf32, #tpu.memory_space<hbm>>) target(%dma_start3A_351 : memref<80x128xf32, #tpu.memory_space<vmem>>) target_semaphore(%arg19 : memref<!tpu.dma_semaphore, #tpu.memory_space<semaphore_mem>>)
        %add3A_354 = arith.constant 2 : i32
        %add3A_355 = arith.addi %mul3A_230, %add3A_354 : i32
        %mul3A_356 = arith.constant 80 : i32
        %mul3A_357 = arith.muli %add3A_355, %mul3A_356 : i32
        %add3A_358 = arith.addi %mul3A_40, %mul3A_357 : i32
        %jit3A_359 = arith.constant 4 : i32
        %eq3A_360 = arith.constant 0 : i32
        %eq3A_361 = arith.cmpi eq, %jit3A_359, %eq3A_360 : i32
        %jit3A_362 = arith.constant 1 : i32
        %select_n3A_363 = arith.select %eq3A_361, %jit3A_362, %jit3A_359 : i32
        %rem3A_364 = arith.remsi %add3A_355, %select_n3A_363 : i32
        %ne3A_365 = arith.constant 0 : i32
        %ne3A_366 = arith.cmpi ne, %rem3A_364, %ne3A_365 : i32
        %lt3A_367 = arith.constant 0 : i32
        %lt3A_368 = arith.cmpi slt, %rem3A_364, %lt3A_367 : i32
        %lt3A_369 = arith.constant 0 : i32
        %lt3A_370 = arith.cmpi slt, %select_n3A_363, %lt3A_369 : i32
        %ne3A_371 = arith.xori %lt3A_368, %lt3A_370 : i1
        %and3A_372 = arith.andi %ne3A_371, %ne3A_366 : i1
        %add3A_373 = arith.addi %rem3A_364, %select_n3A_363 : i32
        %select_n3A_374 = arith.select %and3A_372, %add3A_373, %rem3A_364 : i32
        %dma_start3A_375 = arith.constant 0 : i32
        %dma_start3A_376 = tpu.memref_slice %arg12[%select_n3A_374, %dma_start3A_375] : memref<4x80xi32, #tpu.memory_space<vmem>> -> memref<1x80xi32, #tpu.memory_space<vmem>>
        %dma_start3A_377 = tpu.memref_squeeze %dma_start3A_376 : memref<1x80xi32, #tpu.memory_space<vmem>> -> memref<80xi32, #tpu.memory_space<vmem>>
        %dma_start3A_378 = tpu.memref_slice %arg5[%add3A_358] : memref<160000xi32, #tpu.memory_space<hbm>> -> memref<80xi32, #tpu.memory_space<hbm>>
        %dma_start3A_379 = arith.constant 0 : i32
        %dma_start3A_380 = tpu.memref_slice %arg12[%select_n3A_374, %dma_start3A_379] : memref<4x80xi32, #tpu.memory_space<vmem>> -> memref<1x80xi32, #tpu.memory_space<vmem>>
        %dma_start3A_381 = tpu.memref_squeeze %dma_start3A_380 : memref<1x80xi32, #tpu.memory_space<vmem>> -> memref<80xi32, #tpu.memory_space<vmem>>
        %dma_start3A_382 = tpu.memref_slice %arg5[%add3A_358] : memref<160000xi32, #tpu.memory_space<hbm>> -> memref<80xi32, #tpu.memory_space<hbm>>
        tpu.enqueue_dma source(%dma_start3A_382 : memref<80xi32, #tpu.memory_space<hbm>>) target(%dma_start3A_381 : memref<80xi32, #tpu.memory_space<vmem>>) target_semaphore(%arg22 : memref<!tpu.dma_semaphore, #tpu.memory_space<semaphore_mem>>)
        %dma_start3A_383 = arith.constant 0 : i32
        %dma_start3A_384 = tpu.memref_slice %arg13[%select_n3A_374, %dma_start3A_383] : memref<4x80xi32, #tpu.memory_space<vmem>> -> memref<1x80xi32, #tpu.memory_space<vmem>>
        %dma_start3A_385 = tpu.memref_squeeze %dma_start3A_384 : memref<1x80xi32, #tpu.memory_space<vmem>> -> memref<80xi32, #tpu.memory_space<vmem>>
        %dma_start3A_386 = tpu.memref_slice %arg6[%add3A_358] : memref<160000xi32, #tpu.memory_space<hbm>> -> memref<80xi32, #tpu.memory_space<hbm>>
        %dma_start3A_387 = arith.constant 0 : i32
        %dma_start3A_388 = tpu.memref_slice %arg13[%select_n3A_374, %dma_start3A_387] : memref<4x80xi32, #tpu.memory_space<vmem>> -> memref<1x80xi32, #tpu.memory_space<vmem>>
        %dma_start3A_389 = tpu.memref_squeeze %dma_start3A_388 : memref<1x80xi32, #tpu.memory_space<vmem>> -> memref<80xi32, #tpu.memory_space<vmem>>
        %dma_start3A_390 = tpu.memref_slice %arg6[%add3A_358] : memref<160000xi32, #tpu.memory_space<hbm>> -> memref<80xi32, #tpu.memory_space<hbm>>
        tpu.enqueue_dma source(%dma_start3A_390 : memref<80xi32, #tpu.memory_space<hbm>>) target(%dma_start3A_389 : memref<80xi32, #tpu.memory_space<vmem>>) target_semaphore(%arg22 : memref<!tpu.dma_semaphore, #tpu.memory_space<semaphore_mem>>)
        %parallel_loop3A_391 = arith.constant 0 : i32
        %parallel_loop3A_392 = arith.constant 80 : i32
        %parallel_loop3A_393 = arith.constant 1 : i32
        scf.for %parallel_loop3A_624 = %parallel_loop3A_391 to %parallel_loop3A_392 step %parallel_loop3A_393  : i32 {
          %parallel_loop3A_625 = arith.constant 0 : i32
          %parallel_loop3A_626 = arith.index_cast %parallel_loop3A_625 : i32 to index
          %parallel_loop3A_627 = arith.index_cast %parallel_loop3A_624 : i32 to index
          %parallel_loop3A_628 = arith.constant 0 : index
          %parallel_loop3A_629 = tpu.vector_load %arg15[%parallel_loop3A_626, %parallel_loop3A_627, %parallel_loop3A_628] {strides = array<i32>} : memref<2x80x128xf32, #tpu.memory_space<vmem>>, vector<1x1x16xf32>,
          %parallel_loop3A_630 = vector.shape_cast %parallel_loop3A_629 : vector<1x1x16xf32> to vector<16xf32>
          %parallel_loop3A_631 = arith.constant 0 : i32
          %parallel_loop3A_632 = arith.index_cast %parallel_loop3A_631 : i32 to index
          %parallel_loop3A_633 = arith.index_cast %parallel_loop3A_624 : i32 to index
          %parallel_loop3A_634 = arith.constant 0 : index
          %parallel_loop3A_635 = tpu.vector_load %arg14[%parallel_loop3A_632, %parallel_loop3A_633, %parallel_loop3A_634] {strides = array<i32>} : memref<2x80x128xf32, #tpu.memory_space<vmem>>, vector<1x1x16xf32>,
          %parallel_loop3A_636 = vector.shape_cast %parallel_loop3A_635 : vector<1x1x16xf32> to vector<16xf32>
          %parallel_loop3A_637 = arith.addf %parallel_loop3A_630, %parallel_loop3A_636 : vector<16xf32>
          %parallel_loop3A_638 = arith.constant 0.000000e+00 : f32
          %parallel_loop3A_639 = vector.broadcast %parallel_loop3A_638 : f32 to vector<16xf32>
          %parallel_loop3A_640 = arith.maximumf %parallel_loop3A_637, %parallel_loop3A_639 : vector<16xf32>
          %parallel_loop3A_641 = arith.constant 0 : i32
          %parallel_loop3A_642 = arith.index_cast %parallel_loop3A_641 : i32 to index
          %parallel_loop3A_643 = arith.index_cast %parallel_loop3A_624 : i32 to index
          %parallel_loop3A_644 = arith.constant 0 : index
          %parallel_loop3A_645 = tpu.vector_load %arg15[%parallel_loop3A_642, %parallel_loop3A_643, %parallel_loop3A_644] {strides = array<i32>} : memref<2x80x128xf32, #tpu.memory_space<vmem>>, vector<1x1x16xf32>,
          %parallel_loop3A_646 = vector.shape_cast %parallel_loop3A_645 : vector<1x1x16xf32> to vector<16xf32>
          %parallel_loop3A_647 = vector.shape_cast %parallel_loop3A_640 : vector<16xf32> to vector<1x1x16xf32>
          tpu.vector_store %arg15[%parallel_loop3A_642, %parallel_loop3A_643, %parallel_loop3A_644], %parallel_loop3A_647 {strides = array<i32>} : memref<2x80x128xf32, #tpu.memory_space<vmem>>, vector<1x1x16xf32>,
          %parallel_loop3A_648 = arith.constant 0 : i32
          %parallel_loop3A_649 = arith.index_cast %parallel_loop3A_648 : i32 to index
          %parallel_loop3A_650 = arith.index_cast %parallel_loop3A_624 : i32 to index
          %parallel_loop3A_651 = arith.constant 16 : index
          %parallel_loop3A_652 = tpu.vector_load %arg15[%parallel_loop3A_649, %parallel_loop3A_650, %parallel_loop3A_651] {strides = array<i32>} : memref<2x80x128xf32, #tpu.memory_space<vmem>>, vector<1x1x16xf32>,
          %parallel_loop3A_653 = vector.shape_cast %parallel_loop3A_652 : vector<1x1x16xf32> to vector<16xf32>
          %parallel_loop3A_654 = arith.constant 0 : i32
          %parallel_loop3A_655 = arith.index_cast %parallel_loop3A_654 : i32 to index
          %parallel_loop3A_656 = arith.index_cast %parallel_loop3A_624 : i32 to index
          %parallel_loop3A_657 = arith.constant 16 : index
          %parallel_loop3A_658 = tpu.vector_load %arg14[%parallel_loop3A_655, %parallel_loop3A_656, %parallel_loop3A_657] {strides = array<i32>} : memref<2x80x128xf32, #tpu.memory_space<vmem>>, vector<1x1x16xf32>,
          %parallel_loop3A_659 = vector.shape_cast %parallel_loop3A_658 : vector<1x1x16xf32> to vector<16xf32>
          %parallel_loop3A_660 = arith.addf %parallel_loop3A_653, %parallel_loop3A_659 : vector<16xf32>
          %parallel_loop3A_661 = arith.constant 0.000000e+00 : f32
          %parallel_loop3A_662 = vector.broadcast %parallel_loop3A_661 : f32 to vector<16xf32>
          %parallel_loop3A_663 = arith.maximumf %parallel_loop3A_660, %parallel_loop3A_662 : vector<16xf32>
          %parallel_loop3A_664 = arith.constant 0 : i32
          %parallel_loop3A_665 = arith.index_cast %parallel_loop3A_664 : i32 to index
          %parallel_loop3A_666 = arith.index_cast %parallel_loop3A_624 : i32 to index
          %parallel_loop3A_667 = arith.constant 16 : index
          %parallel_loop3A_668 = tpu.vector_load %arg15[%parallel_loop3A_665, %parallel_loop3A_666, %parallel_loop3A_667] {strides = array<i32>} : memref<2x80x128xf32, #tpu.memory_space<vmem>>, vector<1x1x16xf32>,
          %parallel_loop3A_669 = vector.shape_cast %parallel_loop3A_668 : vector<1x1x16xf32> to vector<16xf32>
          %parallel_loop3A_670 = vector.shape_cast %parallel_loop3A_663 : vector<16xf32> to vector<1x1x16xf32>
          tpu.vector_store %arg15[%parallel_loop3A_665, %parallel_loop3A_666, %parallel_loop3A_667], %parallel_loop3A_670 {strides = array<i32>} : memref<2x80x128xf32, #tpu.memory_space<vmem>>, vector<1x1x16xf32>,
          %parallel_loop3A_671 = arith.constant 0 : i32
          %parallel_loop3A_672 = arith.index_cast %parallel_loop3A_671 : i32 to index
          %parallel_loop3A_673 = arith.index_cast %parallel_loop3A_624 : i32 to index
          %parallel_loop3A_674 = arith.constant 32 : index
          %parallel_loop3A_675 = tpu.vector_load %arg15[%parallel_loop3A_672, %parallel_loop3A_673, %parallel_loop3A_674] {strides = array<i32>} : memref<2x80x128xf32, #tpu.memory_space<vmem>>, vector<1x1x16xf32>,
          %parallel_loop3A_676 = vector.shape_cast %parallel_loop3A_675 : vector<1x1x16xf32> to vector<16xf32>
          %parallel_loop3A_677 = arith.constant 0 : i32
          %parallel_loop3A_678 = arith.index_cast %parallel_loop3A_677 : i32 to index
          %parallel_loop3A_679 = arith.index_cast %parallel_loop3A_624 : i32 to index
          %parallel_loop3A_680 = arith.constant 32 : index
          %parallel_loop3A_681 = tpu.vector_load %arg14[%parallel_loop3A_678, %parallel_loop3A_679, %parallel_loop3A_680] {strides = array<i32>} : memref<2x80x128xf32, #tpu.memory_space<vmem>>, vector<1x1x16xf32>,
          %parallel_loop3A_682 = vector.shape_cast %parallel_loop3A_681 : vector<1x1x16xf32> to vector<16xf32>
          %parallel_loop3A_683 = arith.addf %parallel_loop3A_676, %parallel_loop3A_682 : vector<16xf32>
          %parallel_loop3A_684 = arith.constant 0.000000e+00 : f32
          %parallel_loop3A_685 = vector.broadcast %parallel_loop3A_684 : f32 to vector<16xf32>
          %parallel_loop3A_686 = arith.maximumf %parallel_loop3A_683, %parallel_loop3A_685 : vector<16xf32>
          %parallel_loop3A_687 = arith.constant 0 : i32
          %parallel_loop3A_688 = arith.index_cast %parallel_loop3A_687 : i32 to index
          %parallel_loop3A_689 = arith.index_cast %parallel_loop3A_624 : i32 to index
          %parallel_loop3A_690 = arith.constant 32 : index
          %parallel_loop3A_691 = tpu.vector_load %arg15[%parallel_loop3A_688, %parallel_loop3A_689, %parallel_loop3A_690] {strides = array<i32>} : memref<2x80x128xf32, #tpu.memory_space<vmem>>, vector<1x1x16xf32>,
          %parallel_loop3A_692 = vector.shape_cast %parallel_loop3A_691 : vector<1x1x16xf32> to vector<16xf32>
          %parallel_loop3A_693 = vector.shape_cast %parallel_loop3A_686 : vector<16xf32> to vector<1x1x16xf32>
          tpu.vector_store %arg15[%parallel_loop3A_688, %parallel_loop3A_689, %parallel_loop3A_690], %parallel_loop3A_693 {strides = array<i32>} : memref<2x80x128xf32, #tpu.memory_space<vmem>>, vector<1x1x16xf32>,
          %parallel_loop3A_694 = arith.constant 0 : i32
          %parallel_loop3A_695 = arith.index_cast %parallel_loop3A_694 : i32 to index
          %parallel_loop3A_696 = arith.index_cast %parallel_loop3A_624 : i32 to index
          %parallel_loop3A_697 = arith.constant 48 : index
          %parallel_loop3A_698 = tpu.vector_load %arg15[%parallel_loop3A_695, %parallel_loop3A_696, %parallel_loop3A_697] {strides = array<i32>} : memref<2x80x128xf32, #tpu.memory_space<vmem>>, vector<1x1x16xf32>,
          %parallel_loop3A_699 = vector.shape_cast %parallel_loop3A_698 : vector<1x1x16xf32> to vector<16xf32>
          %parallel_loop3A_700 = arith.constant 0 : i32
          %parallel_loop3A_701 = arith.index_cast %parallel_loop3A_700 : i32 to index
          %parallel_loop3A_702 = arith.index_cast %parallel_loop3A_624 : i32 to index
          %parallel_loop3A_703 = arith.constant 48 : index
          %parallel_loop3A_704 = tpu.vector_load %arg14[%parallel_loop3A_701, %parallel_loop3A_702, %parallel_loop3A_703] {strides = array<i32>} : memref<2x80x128xf32, #tpu.memory_space<vmem>>, vector<1x1x16xf32>,
          %parallel_loop3A_705 = vector.shape_cast %parallel_loop3A_704 : vector<1x1x16xf32> to vector<16xf32>
          %parallel_loop3A_706 = arith.addf %parallel_loop3A_699, %parallel_loop3A_705 : vector<16xf32>
          %parallel_loop3A_707 = arith.constant 0.000000e+00 : f32
          %parallel_loop3A_708 = vector.broadcast %parallel_loop3A_707 : f32 to vector<16xf32>
          %parallel_loop3A_709 = arith.maximumf %parallel_loop3A_706, %parallel_loop3A_708 : vector<16xf32>
          %parallel_loop3A_710 = arith.constant 0 : i32
          %parallel_loop3A_711 = arith.index_cast %parallel_loop3A_710 : i32 to index
          %parallel_loop3A_712 = arith.index_cast %parallel_loop3A_624 : i32 to index
          %parallel_loop3A_713 = arith.constant 48 : index
          %parallel_loop3A_714 = tpu.vector_load %arg15[%parallel_loop3A_711, %parallel_loop3A_712, %parallel_loop3A_713] {strides = array<i32>} : memref<2x80x128xf32, #tpu.memory_space<vmem>>, vector<1x1x16xf32>,
          %parallel_loop3A_715 = vector.shape_cast %parallel_loop3A_714 : vector<1x1x16xf32> to vector<16xf32>
          %parallel_loop3A_716 = vector.shape_cast %parallel_loop3A_709 : vector<16xf32> to vector<1x1x16xf32>
          tpu.vector_store %arg15[%parallel_loop3A_711, %parallel_loop3A_712, %parallel_loop3A_713], %parallel_loop3A_716 {strides = array<i32>} : memref<2x80x128xf32, #tpu.memory_space<vmem>>, vector<1x1x16xf32>,
          %parallel_loop3A_717 = arith.constant 0 : i32
          %parallel_loop3A_718 = arith.index_cast %parallel_loop3A_717 : i32 to index
          %parallel_loop3A_719 = arith.index_cast %parallel_loop3A_624 : i32 to index
          %parallel_loop3A_720 = arith.constant 64 : index
          %parallel_loop3A_721 = tpu.vector_load %arg15[%parallel_loop3A_718, %parallel_loop3A_719, %parallel_loop3A_720] {strides = array<i32>} : memref<2x80x128xf32, #tpu.memory_space<vmem>>, vector<1x1x16xf32>,
          %parallel_loop3A_722 = vector.shape_cast %parallel_loop3A_721 : vector<1x1x16xf32> to vector<16xf32>
          %parallel_loop3A_723 = arith.constant 0 : i32
          %parallel_loop3A_724 = arith.index_cast %parallel_loop3A_723 : i32 to index
          %parallel_loop3A_725 = arith.index_cast %parallel_loop3A_624 : i32 to index
          %parallel_loop3A_726 = arith.constant 64 : index
          %parallel_loop3A_727 = tpu.vector_load %arg14[%parallel_loop3A_724, %parallel_loop3A_725, %parallel_loop3A_726] {strides = array<i32>} : memref<2x80x128xf32, #tpu.memory_space<vmem>>, vector<1x1x16xf32>,
          %parallel_loop3A_728 = vector.shape_cast %parallel_loop3A_727 : vector<1x1x16xf32> to vector<16xf32>
          %parallel_loop3A_729 = arith.addf %parallel_loop3A_722, %parallel_loop3A_728 : vector<16xf32>
          %parallel_loop3A_730 = arith.constant 0.000000e+00 : f32
          %parallel_loop3A_731 = vector.broadcast %parallel_loop3A_730 : f32 to vector<16xf32>
          %parallel_loop3A_732 = arith.maximumf %parallel_loop3A_729, %parallel_loop3A_731 : vector<16xf32>
          %parallel_loop3A_733 = arith.constant 0 : i32
          %parallel_loop3A_734 = arith.index_cast %parallel_loop3A_733 : i32 to index
          %parallel_loop3A_735 = arith.index_cast %parallel_loop3A_624 : i32 to index
          %parallel_loop3A_736 = arith.constant 64 : index
          %parallel_loop3A_737 = tpu.vector_load %arg15[%parallel_loop3A_734, %parallel_loop3A_735, %parallel_loop3A_736] {strides = array<i32>} : memref<2x80x128xf32, #tpu.memory_space<vmem>>, vector<1x1x16xf32>,
          %parallel_loop3A_738 = vector.shape_cast %parallel_loop3A_737 : vector<1x1x16xf32> to vector<16xf32>
          %parallel_loop3A_739 = vector.shape_cast %parallel_loop3A_732 : vector<16xf32> to vector<1x1x16xf32>
          tpu.vector_store %arg15[%parallel_loop3A_734, %parallel_loop3A_735, %parallel_loop3A_736], %parallel_loop3A_739 {strides = array<i32>} : memref<2x80x128xf32, #tpu.memory_space<vmem>>, vector<1x1x16xf32>,
          %parallel_loop3A_740 = arith.constant 0 : i32
          %parallel_loop3A_741 = arith.index_cast %parallel_loop3A_740 : i32 to index
          %parallel_loop3A_742 = arith.index_cast %parallel_loop3A_624 : i32 to index
          %parallel_loop3A_743 = arith.constant 80 : index
          %parallel_loop3A_744 = tpu.vector_load %arg15[%parallel_loop3A_741, %parallel_loop3A_742, %parallel_loop3A_743] {strides = array<i32>} : memref<2x80x128xf32, #tpu.memory_space<vmem>>, vector<1x1x16xf32>,
          %parallel_loop3A_745 = vector.shape_cast %parallel_loop3A_744 : vector<1x1x16xf32> to vector<16xf32>
          %parallel_loop3A_746 = arith.constant 0 : i32
          %parallel_loop3A_747 = arith.index_cast %parallel_loop3A_746 : i32 to index
          %parallel_loop3A_748 = arith.index_cast %parallel_loop3A_624 : i32 to index
          %parallel_loop3A_749 = arith.constant 80 : index
          %parallel_loop3A_750 = tpu.vector_load %arg14[%parallel_loop3A_747, %parallel_loop3A_748, %parallel_loop3A_749] {strides = array<i32>} : memref<2x80x128xf32, #tpu.memory_space<vmem>>, vector<1x1x16xf32>,
          %parallel_loop3A_751 = vector.shape_cast %parallel_loop3A_750 : vector<1x1x16xf32> to vector<16xf32>
          %parallel_loop3A_752 = arith.addf %parallel_loop3A_745, %parallel_loop3A_751 : vector<16xf32>
          %parallel_loop3A_753 = arith.constant 0.000000e+00 : f32
          %parallel_loop3A_754 = vector.broadcast %parallel_loop3A_753 : f32 to vector<16xf32>
          %parallel_loop3A_755 = arith.maximumf %parallel_loop3A_752, %parallel_loop3A_754 : vector<16xf32>
          %parallel_loop3A_756 = arith.constant 0 : i32
          %parallel_loop3A_757 = arith.index_cast %parallel_loop3A_756 : i32 to index
          %parallel_loop3A_758 = arith.index_cast %parallel_loop3A_624 : i32 to index
          %parallel_loop3A_759 = arith.constant 80 : index
          %parallel_loop3A_760 = tpu.vector_load %arg15[%parallel_loop3A_757, %parallel_loop3A_758, %parallel_loop3A_759] {strides = array<i32>} : memref<2x80x128xf32, #tpu.memory_space<vmem>>, vector<1x1x16xf32>,
          %parallel_loop3A_761 = vector.shape_cast %parallel_loop3A_760 : vector<1x1x16xf32> to vector<16xf32>
          %parallel_loop3A_762 = vector.shape_cast %parallel_loop3A_755 : vector<16xf32> to vector<1x1x16xf32>
          tpu.vector_store %arg15[%parallel_loop3A_757, %parallel_loop3A_758, %parallel_loop3A_759], %parallel_loop3A_762 {strides = array<i32>} : memref<2x80x128xf32, #tpu.memory_space<vmem>>, vector<1x1x16xf32>,
          %parallel_loop3A_763 = arith.constant 0 : i32
          %parallel_loop3A_764 = arith.index_cast %parallel_loop3A_763 : i32 to index
          %parallel_loop3A_765 = arith.index_cast %parallel_loop3A_624 : i32 to index
          %parallel_loop3A_766 = arith.constant 96 : index
          %parallel_loop3A_767 = tpu.vector_load %arg15[%parallel_loop3A_764, %parallel_loop3A_765, %parallel_loop3A_766] {strides = array<i32>} : memref<2x80x128xf32, #tpu.memory_space<vmem>>, vector<1x1x16xf32>,
          %parallel_loop3A_768 = vector.shape_cast %parallel_loop3A_767 : vector<1x1x16xf32> to vector<16xf32>
          %parallel_loop3A_769 = arith.constant 0 : i32
          %parallel_loop3A_770 = arith.index_cast %parallel_loop3A_769 : i32 to index
          %parallel_loop3A_771 = arith.index_cast %parallel_loop3A_624 : i32 to index
          %parallel_loop3A_772 = arith.constant 96 : index
          %parallel_loop3A_773 = tpu.vector_load %arg14[%parallel_loop3A_770, %parallel_loop3A_771, %parallel_loop3A_772] {strides = array<i32>} : memref<2x80x128xf32, #tpu.memory_space<vmem>>, vector<1x1x16xf32>,
          %parallel_loop3A_774 = vector.shape_cast %parallel_loop3A_773 : vector<1x1x16xf32> to vector<16xf32>
          %parallel_loop3A_775 = arith.addf %parallel_loop3A_768, %parallel_loop3A_774 : vector<16xf32>
          %parallel_loop3A_776 = arith.constant 0.000000e+00 : f32
          %parallel_loop3A_777 = vector.broadcast %parallel_loop3A_776 : f32 to vector<16xf32>
          %parallel_loop3A_778 = arith.maximumf %parallel_loop3A_775, %parallel_loop3A_777 : vector<16xf32>
          %parallel_loop3A_779 = arith.constant 0 : i32
          %parallel_loop3A_780 = arith.index_cast %parallel_loop3A_779 : i32 to index
          %parallel_loop3A_781 = arith.index_cast %parallel_loop3A_624 : i32 to index
          %parallel_loop3A_782 = arith.constant 96 : index
          %parallel_loop3A_783 = tpu.vector_load %arg15[%parallel_loop3A_780, %parallel_loop3A_781, %parallel_loop3A_782] {strides = array<i32>} : memref<2x80x128xf32, #tpu.memory_space<vmem>>, vector<1x1x16xf32>,
          %parallel_loop3A_784 = vector.shape_cast %parallel_loop3A_783 : vector<1x1x16xf32> to vector<16xf32>
          %parallel_loop3A_785 = vector.shape_cast %parallel_loop3A_778 : vector<16xf32> to vector<1x1x16xf32>
          tpu.vector_store %arg15[%parallel_loop3A_780, %parallel_loop3A_781, %parallel_loop3A_782], %parallel_loop3A_785 {strides = array<i32>} : memref<2x80x128xf32, #tpu.memory_space<vmem>>, vector<1x1x16xf32>,
          %parallel_loop3A_786 = arith.constant 0 : i32
          %parallel_loop3A_787 = arith.index_cast %parallel_loop3A_786 : i32 to index
          %parallel_loop3A_788 = arith.index_cast %parallel_loop3A_624 : i32 to index
          %parallel_loop3A_789 = arith.constant 112 : index
          %parallel_loop3A_790 = tpu.vector_load %arg15[%parallel_loop3A_787, %parallel_loop3A_788, %parallel_loop3A_789] {strides = array<i32>} : memref<2x80x128xf32, #tpu.memory_space<vmem>>, vector<1x1x16xf32>,
          %parallel_loop3A_791 = vector.shape_cast %parallel_loop3A_790 : vector<1x1x16xf32> to vector<16xf32>
          %parallel_loop3A_792 = arith.constant 0 : i32
          %parallel_loop3A_793 = arith.index_cast %parallel_loop3A_792 : i32 to index
          %parallel_loop3A_794 = arith.index_cast %parallel_loop3A_624 : i32 to index
          %parallel_loop3A_795 = arith.constant 112 : index
          %parallel_loop3A_796 = tpu.vector_load %arg14[%parallel_loop3A_793, %parallel_loop3A_794, %parallel_loop3A_795] {strides = array<i32>} : memref<2x80x128xf32, #tpu.memory_space<vmem>>, vector<1x1x16xf32>,
          %parallel_loop3A_797 = vector.shape_cast %parallel_loop3A_796 : vector<1x1x16xf32> to vector<16xf32>
          %parallel_loop3A_798 = arith.addf %parallel_loop3A_791, %parallel_loop3A_797 : vector<16xf32>
          %parallel_loop3A_799 = arith.constant 0.000000e+00 : f32
          %parallel_loop3A_800 = vector.broadcast %parallel_loop3A_799 : f32 to vector<16xf32>
          %parallel_loop3A_801 = arith.maximumf %parallel_loop3A_798, %parallel_loop3A_800 : vector<16xf32>
          %parallel_loop3A_802 = arith.constant 0 : i32
          %parallel_loop3A_803 = arith.index_cast %parallel_loop3A_802 : i32 to index
          %parallel_loop3A_804 = arith.index_cast %parallel_loop3A_624 : i32 to index
          %parallel_loop3A_805 = arith.constant 112 : index
          %parallel_loop3A_806 = tpu.vector_load %arg15[%parallel_loop3A_803, %parallel_loop3A_804, %parallel_loop3A_805] {strides = array<i32>} : memref<2x80x128xf32, #tpu.memory_space<vmem>>, vector<1x1x16xf32>,
          %parallel_loop3A_807 = vector.shape_cast %parallel_loop3A_806 : vector<1x1x16xf32> to vector<16xf32>
          %parallel_loop3A_808 = vector.shape_cast %parallel_loop3A_801 : vector<16xf32> to vector<1x1x16xf32>
          tpu.vector_store %arg15[%parallel_loop3A_803, %parallel_loop3A_804, %parallel_loop3A_805], %parallel_loop3A_808 {strides = array<i32>} : memref<2x80x128xf32, #tpu.memory_space<vmem>>, vector<1x1x16xf32>,
        } {sc.loop_unroll_factor = 4 : i64, sc.parallel_access}
        %jit3A_394 = arith.constant 4 : i32
        %eq3A_395 = arith.constant 0 : i32
        %eq3A_396 = arith.cmpi eq, %jit3A_394, %eq3A_395 : i32
        %jit3A_397 = arith.constant 1 : i32
        %select_n3A_398 = arith.select %eq3A_396, %jit3A_397, %jit3A_394 : i32
        %rem3A_399 = arith.remsi %mul3A_230, %select_n3A_398 : i32
        %ne3A_400 = arith.constant 0 : i32
        %ne3A_401 = arith.cmpi ne, %rem3A_399, %ne3A_400 : i32
        %lt3A_402 = arith.constant 0 : i32
        %lt3A_403 = arith.cmpi slt, %rem3A_399, %lt3A_402 : i32
        %lt3A_404 = arith.constant 0 : i32
        %lt3A_405 = arith.cmpi slt, %select_n3A_398, %lt3A_404 : i32
        %ne3A_406 = arith.xori %lt3A_403, %lt3A_405 : i1
        %and3A_407 = arith.andi %ne3A_406, %ne3A_401 : i1
        %add3A_408 = arith.addi %rem3A_399, %select_n3A_398 : i32
        %select_n3A_409 = arith.select %and3A_407, %add3A_408, %rem3A_399 : i32
        %dma_start3A_410 = arith.constant 0 : i32
        %dma_start3A_411 = arith.constant 0 : i32
        %dma_start3A_412 = arith.constant 0 : i32
        %dma_start3A_413 = tpu.memref_slice %arg15[%dma_start3A_410, %dma_start3A_411, %dma_start3A_412] : memref<2x80x128xf32, #tpu.memory_space<vmem>> -> memref<1x80x128xf32, #tpu.memory_space<vmem>>
        %dma_start3A_414 = tpu.memref_squeeze %dma_start3A_413 : memref<1x80x128xf32, #tpu.memory_space<vmem>> -> memref<80x128xf32, #tpu.memory_space<vmem>>
        %dma_start3A_415 = arith.constant 0 : i32
        %dma_start3A_416 = tpu.memref_slice %arg13[%select_n3A_409, %dma_start3A_415] : memref<4x80xi32, #tpu.memory_space<vmem>> -> memref<1x80xi32, #tpu.memory_space<vmem>>
        %dma_start3A_417 = tpu.memref_squeeze %dma_start3A_416 : memref<1x80xi32, #tpu.memory_space<vmem>> -> memref<80xi32, #tpu.memory_space<vmem>>
        %dma_start3A_418 = arith.constant 0 : i32
        %dma_start3A_419 = arith.constant 0 : i32
        %dma_start3A_420 = tpu.memref_slice %arg10[%dma_start3A_418, %dma_start3A_419] : memref<10000x128xf32, #tpu.memory_space<vmem_shared>> -> memref<10000x128xf32, #tpu.memory_space<vmem_shared>>
        tpu.enqueue_indirect_dma source(%dma_start3A_414 : memref<80x128xf32, #tpu.memory_space<vmem>>) target(%dma_start3A_420 : memref<10000x128xf32, #tpu.memory_space<vmem_shared>>) offsets(%dma_start3A_417 : memref<80xi32, #tpu.memory_space<vmem>>) semaphore(%arg20 : memref<!tpu.dma_semaphore, #tpu.memory_space<semaphore_mem>>) {add = true}
        %dma_start3A_421 = arith.constant 0 : i32
        %dma_start3A_422 = tpu.memref_slice %arg13[%select_n3A_409, %dma_start3A_421] : memref<4x80xi32, #tpu.memory_space<vmem>> -> memref<1x80xi32, #tpu.memory_space<vmem>>
        %dma_start3A_423 = tpu.memref_squeeze %dma_start3A_422 : memref<1x80xi32, #tpu.memory_space<vmem>> -> memref<80xi32, #tpu.memory_space<vmem>>
        %dma_start3A_424 = arith.constant 0 : i32
        %dma_start3A_425 = tpu.memref_slice %arg11[%dma_start3A_424] : memref<10000xf32, #tpu.memory_space<vmem_shared>> -> memref<10000xf32, #tpu.memory_space<vmem_shared>>
        tpu.enqueue_indirect_dma source(%arg16 : memref<80xf32, #tpu.memory_space<vmem>>) target(%dma_start3A_425 : memref<10000xf32, #tpu.memory_space<vmem_shared>>) offsets(%dma_start3A_423 : memref<80xi32, #tpu.memory_space<vmem>>) semaphore(%arg20 : memref<!tpu.dma_semaphore, #tpu.memory_space<semaphore_mem>>) {add = true}
        %jit3A_426 = arith.constant 4 : i32
        %eq3A_427 = arith.constant 0 : i32
        %eq3A_428 = arith.cmpi eq, %jit3A_426, %eq3A_427 : i32
        %jit3A_429 = arith.constant 1 : i32
        %select_n3A_430 = arith.select %eq3A_428, %jit3A_429, %jit3A_426 : i32
        %rem3A_431 = arith.remsi %add3A_232, %select_n3A_430 : i32
        %ne3A_432 = arith.constant 0 : i32
        %ne3A_433 = arith.cmpi ne, %rem3A_431, %ne3A_432 : i32
        %lt3A_434 = arith.constant 0 : i32
        %lt3A_435 = arith.cmpi slt, %rem3A_431, %lt3A_434 : i32
        %lt3A_436 = arith.constant 0 : i32
        %lt3A_437 = arith.cmpi slt, %select_n3A_430, %lt3A_436 : i32
        %ne3A_438 = arith.xori %lt3A_435, %lt3A_437 : i1
        %and3A_439 = arith.andi %ne3A_438, %ne3A_433 : i1
        %add3A_440 = arith.addi %rem3A_431, %select_n3A_430 : i32
        %select_n3A_441 = arith.select %and3A_439, %add3A_440, %rem3A_431 : i32
        %dma_wait3A_442 = arith.constant 1 : i32
        %dma_wait3A_443 = arith.constant 0 : i32
        %dma_wait3A_444 = arith.constant 0 : i32
        %dma_wait3A_445 = tpu.memref_slice %arg14[%dma_wait3A_442, %dma_wait3A_443, %dma_wait3A_444] : memref<2x80x128xf32, #tpu.memory_space<vmem>> -> memref<1x80x128xf32, #tpu.memory_space<vmem>>
        %dma_wait3A_446 = tpu.memref_squeeze %dma_wait3A_445 : memref<1x80x128xf32, #tpu.memory_space<vmem>> -> memref<80x128xf32, #tpu.memory_space<vmem>>
        %dma_wait3A_447 = arith.constant 0 : i32
        %dma_wait3A_448 = tpu.memref_slice %arg12[%select_n3A_441, %dma_wait3A_447] : memref<4x80xi32, #tpu.memory_space<vmem>> -> memref<1x80xi32, #tpu.memory_space<vmem>>
        %dma_wait3A_449 = tpu.memref_squeeze %dma_wait3A_448 : memref<1x80xi32, #tpu.memory_space<vmem>> -> memref<80xi32, #tpu.memory_space<vmem>>
        %dma_wait3A_450 = arith.constant 0 : i32
        %dma_wait3A_451 = arith.constant 0 : i32
        %dma_wait3A_452 = tpu.memref_slice %arg2[%dma_wait3A_450, %dma_wait3A_451] : memref<10000x128xf32, #tpu.memory_space<hbm>> -> memref<10000x128xf32, #tpu.memory_space<hbm>>
        tpu.wait_indirect_dma semaphore(%arg19 : memref<!tpu.dma_semaphore, #tpu.memory_space<semaphore_mem>>) src(%dma_wait3A_452 : memref<10000x128xf32, #tpu.memory_space<hbm>>) dst(%dma_wait3A_446 : memref<80x128xf32, #tpu.memory_space<vmem>>)
        %mul3A_453 = arith.constant 80 : i32
        %mul3A_454 = arith.muli %add3A_232, %mul3A_453 : i32
        %add3A_455 = arith.addi %mul3A_40, %mul3A_454 : i32
        %dma_wait3A_456 = arith.constant 1 : i32
        %dma_wait3A_457 = arith.constant 0 : i32
        %dma_wait3A_458 = arith.constant 0 : i32
        %dma_wait3A_459 = tpu.memref_slice %arg15[%dma_wait3A_456, %dma_wait3A_457, %dma_wait3A_458] : memref<2x80x128xf32, #tpu.memory_space<vmem>> -> memref<1x80x128xf32, #tpu.memory_space<vmem>>
        %dma_wait3A_460 = tpu.memref_squeeze %dma_wait3A_459 : memref<1x80x128xf32, #tpu.memory_space<vmem>> -> memref<80x128xf32, #tpu.memory_space<vmem>>
        %dma_wait3A_461 = arith.constant 0 : i32
        %dma_wait3A_462 = tpu.memref_slice %arg4[%add3A_455, %dma_wait3A_461] : memref<160000x256xf32, #tpu.memory_space<hbm>> -> memref<80x128xf32, #tpu.memory_space<hbm>>
        %dma_wait3A_463 = arith.constant 0 : i32
        %dma_wait3A_464 = arith.constant 0 : i32
        %dma_wait3A_465 = tpu.memref_slice %arg15[%dma_wait3A_456, %dma_wait3A_463, %dma_wait3A_464] : memref<2x80x128xf32, #tpu.memory_space<vmem>> -> memref<1x80x128xf32, #tpu.memory_space<vmem>>
        %dma_wait3A_466 = tpu.memref_squeeze %dma_wait3A_465 : memref<1x80x128xf32, #tpu.memory_space<vmem>> -> memref<80x128xf32, #tpu.memory_space<vmem>>
        %dma_wait3A_467 = arith.constant 0 : i32
        %dma_wait3A_468 = tpu.memref_slice %arg4[%add3A_455, %dma_wait3A_467] : memref<160000x256xf32, #tpu.memory_space<hbm>> -> memref<80x128xf32, #tpu.memory_space<hbm>>
        tpu.wait_dma2 semaphore(%arg19 : memref<!tpu.dma_semaphore, #tpu.memory_space<semaphore_mem>>) src(%dma_wait3A_468 : memref<80x128xf32, #tpu.memory_space<hbm>>) dst(%dma_wait3A_466 : memref<80x128xf32, #tpu.memory_space<vmem>>)
        %jit3A_469 = arith.constant 4 : i32
        %eq3A_470 = arith.constant 0 : i32
        %eq3A_471 = arith.cmpi eq, %jit3A_469, %eq3A_470 : i32
        %jit3A_472 = arith.constant 1 : i32
        %select_n3A_473 = arith.select %eq3A_471, %jit3A_472, %jit3A_469 : i32
        %rem3A_474 = arith.remsi %mul3A_230, %select_n3A_473 : i32
        %ne3A_475 = arith.constant 0 : i32
        %ne3A_476 = arith.cmpi ne, %rem3A_474, %ne3A_475 : i32
        %lt3A_477 = arith.constant 0 : i32
        %lt3A_478 = arith.cmpi slt, %rem3A_474, %lt3A_477 : i32
        %lt3A_479 = arith.constant 0 : i32
        %lt3A_480 = arith.cmpi slt, %select_n3A_473, %lt3A_479 : i32
        %ne3A_481 = arith.xori %lt3A_478, %lt3A_480 : i1
        %and3A_482 = arith.andi %ne3A_481, %ne3A_476 : i1
        %add3A_483 = arith.addi %rem3A_474, %select_n3A_473 : i32
        %select_n3A_484 = arith.select %and3A_482, %add3A_483, %rem3A_474 : i32
        %dma_wait3A_485 = arith.constant 0 : i32
        %dma_wait3A_486 = arith.constant 0 : i32
        %dma_wait3A_487 = arith.constant 0 : i32
        %dma_wait3A_488 = tpu.memref_slice %arg15[%dma_wait3A_485, %dma_wait3A_486, %dma_wait3A_487] : memref<2x80x128xf32, #tpu.memory_space<vmem>> -> memref<1x80x128xf32, #tpu.memory_space<vmem>>
        %dma_wait3A_489 = tpu.memref_squeeze %dma_wait3A_488 : memref<1x80x128xf32, #tpu.memory_space<vmem>> -> memref<80x128xf32, #tpu.memory_space<vmem>>
        %dma_wait3A_490 = arith.constant 0 : i32
        %dma_wait3A_491 = tpu.memref_slice %arg13[%select_n3A_484, %dma_wait3A_490] : memref<4x80xi32, #tpu.memory_space<vmem>> -> memref<1x80xi32, #tpu.memory_space<vmem>>
        %dma_wait3A_492 = tpu.memref_squeeze %dma_wait3A_491 : memref<1x80xi32, #tpu.memory_space<vmem>> -> memref<80xi32, #tpu.memory_space<vmem>>
        %dma_wait3A_493 = arith.constant 0 : i32
        %dma_wait3A_494 = arith.constant 0 : i32
        %dma_wait3A_495 = tpu.memref_slice %arg10[%dma_wait3A_493, %dma_wait3A_494] : memref<10000x128xf32, #tpu.memory_space<vmem_shared>> -> memref<10000x128xf32, #tpu.memory_space<vmem_shared>>
        tpu.wait_indirect_dma semaphore(%arg20 : memref<!tpu.dma_semaphore, #tpu.memory_space<semaphore_mem>>) src(%dma_wait3A_489 : memref<80x128xf32, #tpu.memory_space<vmem>>) dst(%dma_wait3A_495 : memref<10000x128xf32, #tpu.memory_space<vmem_shared>>)
        %dma_wait3A_496 = arith.constant 0 : i32
        %dma_wait3A_497 = tpu.memref_slice %arg13[%select_n3A_484, %dma_wait3A_496] : memref<4x80xi32, #tpu.memory_space<vmem>> -> memref<1x80xi32, #tpu.memory_space<vmem>>
        %dma_wait3A_498 = tpu.memref_squeeze %dma_wait3A_497 : memref<1x80xi32, #tpu.memory_space<vmem>> -> memref<80xi32, #tpu.memory_space<vmem>>
        %dma_wait3A_499 = arith.constant 0 : i32
        %dma_wait3A_500 = tpu.memref_slice %arg11[%dma_wait3A_499] : memref<10000xf32, #tpu.memory_space<vmem_shared>> -> memref<10000xf32, #tpu.memory_space<vmem_shared>>
        tpu.wait_indirect_dma semaphore(%arg20 : memref<!tpu.dma_semaphore, #tpu.memory_space<semaphore_mem>>) src(%arg16 : memref<80xf32, #tpu.memory_space<vmem>>) dst(%dma_wait3A_500 : memref<10000xf32, #tpu.memory_space<vmem_shared>>)
        %add3A_501 = arith.constant 2 : i32
        %add3A_502 = arith.addi %mul3A_230, %add3A_501 : i32
        %mul3A_503 = arith.constant 80 : i32
        %mul3A_504 = arith.muli %add3A_502, %mul3A_503 : i32
        %add3A_505 = arith.addi %mul3A_40, %mul3A_504 : i32
        %jit3A_506 = arith.constant 4 : i32
        %eq3A_507 = arith.constant 0 : i32
        %eq3A_508 = arith.cmpi eq, %jit3A_506, %eq3A_507 : i32
        %jit3A_509 = arith.constant 1 : i32
        %select_n3A_510 = arith.select %eq3A_508, %jit3A_509, %jit3A_506 : i32
        %rem3A_511 = arith.remsi %add3A_502, %select_n3A_510 : i32
        %ne3A_512 = arith.constant 0 : i32
        %ne3A_513 = arith.cmpi ne, %rem3A_511, %ne3A_512 : i32
        %lt3A_514 = arith.constant 0 : i32
        %lt3A_515 = arith.cmpi slt, %rem3A_511, %lt3A_514 : i32
        %lt3A_516 = arith.constant 0 : i32
        %lt3A_517 = arith.cmpi slt, %select_n3A_510, %lt3A_516 : i32
        %ne3A_518 = arith.xori %lt3A_515, %lt3A_517 : i1
        %and3A_519 = arith.andi %ne3A_518, %ne3A_513 : i1
        %add3A_520 = arith.addi %rem3A_511, %select_n3A_510 : i32
        %select_n3A_521 = arith.select %and3A_519, %add3A_520, %rem3A_511 : i32
        %dma_wait3A_522 = arith.constant 0 : i32
        %dma_wait3A_523 = tpu.memref_slice %arg12[%select_n3A_521, %dma_wait3A_522] : memref<4x80xi32, #tpu.memory_space<vmem>> -> memref<1x80xi32, #tpu.memory_space<vmem>>
        %dma_wait3A_524 = tpu.memref_squeeze %dma_wait3A_523 : memref<1x80xi32, #tpu.memory_space<vmem>> -> memref<80xi32, #tpu.memory_space<vmem>>
        %dma_wait3A_525 = tpu.memref_slice %arg5[%add3A_505] : memref<160000xi32, #tpu.memory_space<hbm>> -> memref<80xi32, #tpu.memory_space<hbm>>
        %dma_wait3A_526 = arith.constant 0 : i32
        %dma_wait3A_527 = tpu.memref_slice %arg12[%select_n3A_521, %dma_wait3A_526] : memref<4x80xi32, #tpu.memory_space<vmem>> -> memref<1x80xi32, #tpu.memory_space<vmem>>
        %dma_wait3A_528 = tpu.memref_squeeze %dma_wait3A_527 : memref<1x80xi32, #tpu.memory_space<vmem>> -> memref<80xi32, #tpu.memory_space<vmem>>
        %dma_wait3A_529 = tpu.memref_slice %arg5[%add3A_505] : memref<160000xi32, #tpu.memory_space<hbm>> -> memref<80xi32, #tpu.memory_space<hbm>>
        tpu.wait_dma2 semaphore(%arg22 : memref<!tpu.dma_semaphore, #tpu.memory_space<semaphore_mem>>) src(%dma_wait3A_529 : memref<80xi32, #tpu.memory_space<hbm>>) dst(%dma_wait3A_528 : memref<80xi32, #tpu.memory_space<vmem>>)
        %dma_wait3A_530 = arith.constant 0 : i32
        %dma_wait3A_531 = tpu.memref_slice %arg13[%select_n3A_521, %dma_wait3A_530] : memref<4x80xi32, #tpu.memory_space<vmem>> -> memref<1x80xi32, #tpu.memory_space<vmem>>
        %dma_wait3A_532 = tpu.memref_squeeze %dma_wait3A_531 : memref<1x80xi32, #tpu.memory_space<vmem>> -> memref<80xi32, #tpu.memory_space<vmem>>
        %dma_wait3A_533 = tpu.memref_slice %arg6[%add3A_505] : memref<160000xi32, #tpu.memory_space<hbm>> -> memref<80xi32, #tpu.memory_space<hbm>>
        %dma_wait3A_534 = arith.constant 0 : i32
        %dma_wait3A_535 = tpu.memref_slice %arg13[%select_n3A_521, %dma_wait3A_534] : memref<4x80xi32, #tpu.memory_space<vmem>> -> memref<1x80xi32, #tpu.memory_space<vmem>>
        %dma_wait3A_536 = tpu.memref_squeeze %dma_wait3A_535 : memref<1x80xi32, #tpu.memory_space<vmem>> -> memref<80xi32, #tpu.memory_space<vmem>>
        %dma_wait3A_537 = tpu.memref_slice %arg6[%add3A_505] : memref<160000xi32, #tpu.memory_space<hbm>> -> memref<80xi32, #tpu.memory_space<hbm>>
        tpu.wait_dma2 semaphore(%arg22 : memref<!tpu.dma_semaphore, #tpu.memory_space<semaphore_mem>>) src(%dma_wait3A_537 : memref<80xi32, #tpu.memory_space<hbm>>) dst(%dma_wait3A_536 : memref<80xi32, #tpu.memory_space<vmem>>)
        %add3A_538 = arith.constant 2 : i32
        %add3A_539 = arith.addi %mul3A_230, %add3A_538 : i32
        %jit3A_540 = arith.constant 4 : i32
        %eq3A_541 = arith.constant 0 : i32
        %eq3A_542 = arith.cmpi eq, %jit3A_540, %eq3A_541 : i32
        %jit3A_543 = arith.constant 1 : i32
        %select_n3A_544 = arith.select %eq3A_542, %jit3A_543, %jit3A_540 : i32
        %rem3A_545 = arith.remsi %add3A_539, %select_n3A_544 : i32
        %ne3A_546 = arith.constant 0 : i32
        %ne3A_547 = arith.cmpi ne, %rem3A_545, %ne3A_546 : i32
        %lt3A_548 = arith.constant 0 : i32
        %lt3A_549 = arith.cmpi slt, %rem3A_545, %lt3A_548 : i32
        %lt3A_550 = arith.constant 0 : i32
        %lt3A_551 = arith.cmpi slt, %select_n3A_544, %lt3A_550 : i32
        %ne3A_552 = arith.xori %lt3A_549, %lt3A_551 : i1
        %and3A_553 = arith.andi %ne3A_552, %ne3A_547 : i1
        %add3A_554 = arith.addi %rem3A_545, %select_n3A_544 : i32
        %select_n3A_555 = arith.select %and3A_553, %add3A_554, %rem3A_545 : i32
        %dma_start3A_556 = arith.constant 0 : i32
        %dma_start3A_557 = arith.constant 0 : i32
        %dma_start3A_558 = arith.constant 0 : i32
        %dma_start3A_559 = tpu.memref_slice %arg14[%dma_start3A_556, %dma_start3A_557, %dma_start3A_558] : memref<2x80x128xf32, #tpu.memory_space<vmem>> -> memref<1x80x128xf32, #tpu.memory_space<vmem>>
        %dma_start3A_560 = tpu.memref_squeeze %dma_start3A_559 : memref<1x80x128xf32, #tpu.memory_space<vmem>> -> memref<80x128xf32, #tpu.memory_space<vmem>>
        %dma_start3A_561 = arith.constant 0 : i32
        %dma_start3A_562 = tpu.memref_slice %arg12[%select_n3A_555, %dma_start3A_561] : memref<4x80xi32, #tpu.memory_space<vmem>> -> memref<1x80xi32, #tpu.memory_space<vmem>>
        %dma_start3A_563 = tpu.memref_squeeze %dma_start3A_562 : memref<1x80xi32, #tpu.memory_space<vmem>> -> memref<80xi32, #tpu.memory_space<vmem>>
        %dma_start3A_564 = arith.constant 0 : i32
        %dma_start3A_565 = arith.constant 0 : i32
        %dma_start3A_566 = tpu.memref_slice %arg2[%dma_start3A_564, %dma_start3A_565] : memref<10000x128xf32, #tpu.memory_space<hbm>> -> memref<10000x128xf32, #tpu.memory_space<hbm>>
        tpu.enqueue_indirect_dma source(%dma_start3A_566 : memref<10000x128xf32, #tpu.memory_space<hbm>>) target(%dma_start3A_560 : memref<80x128xf32, #tpu.memory_space<vmem>>) offsets(%dma_start3A_563 : memref<80xi32, #tpu.memory_space<vmem>>) semaphore(%arg18 : memref<!tpu.dma_semaphore, #tpu.memory_space<semaphore_mem>>)
        %mul3A_567 = arith.constant 80 : i32
        %mul3A_568 = arith.muli %add3A_539, %mul3A_567 : i32
        %add3A_569 = arith.addi %mul3A_40, %mul3A_568 : i32
        %dma_start3A_570 = arith.constant 0 : i32
        %dma_start3A_571 = arith.constant 0 : i32
        %dma_start3A_572 = arith.constant 0 : i32
        %dma_start3A_573 = tpu.memref_slice %arg15[%dma_start3A_570, %dma_start3A_571, %dma_start3A_572] : memref<2x80x128xf32, #tpu.memory_space<vmem>> -> memref<1x80x128xf32, #tpu.memory_space<vmem>>
        %dma_start3A_574 = tpu.memref_squeeze %dma_start3A_573 : memref<1x80x128xf32, #tpu.memory_space<vmem>> -> memref<80x128xf32, #tpu.memory_space<vmem>>
        %dma_start3A_575 = arith.constant 0 : i32
        %dma_start3A_576 = tpu.memref_slice %arg4[%add3A_569, %dma_start3A_575] : memref<160000x256xf32, #tpu.memory_space<hbm>> -> memref<80x128xf32, #tpu.memory_space<hbm>>
        %dma_start3A_577 = arith.constant 0 : i32
        %dma_start3A_578 = arith.constant 0 : i32
        %dma_start3A_579 = tpu.memref_slice %arg15[%dma_start3A_570, %dma_start3A_577, %dma_start3A_578] : memref<2x80x128xf32, #tpu.memory_space<vmem>> -> memref<1x80x128xf32, #tpu.memory_space<vmem>>
        %dma_start3A_580 = tpu.memref_squeeze %dma_start3A_579 : memref<1x80x128xf32, #tpu.memory_space<vmem>> -> memref<80x128xf32, #tpu.memory_space<vmem>>
        %dma_start3A_581 = arith.constant 0 : i32
        %dma_start3A_582 = tpu.memref_slice %arg4[%add3A_569, %dma_start3A_581] : memref<160000x256xf32, #tpu.memory_space<hbm>> -> memref<80x128xf32, #tpu.memory_space<hbm>>
        tpu.enqueue_dma source(%dma_start3A_582 : memref<80x128xf32, #tpu.memory_space<hbm>>) target(%dma_start3A_580 : memref<80x128xf32, #tpu.memory_space<vmem>>) target_semaphore(%arg18 : memref<!tpu.dma_semaphore, #tpu.memory_space<semaphore_mem>>)
        %parallel_loop3A_583 = arith.constant 0 : i32
        %parallel_loop3A_584 = arith.constant 80 : i32
        %parallel_loop3A_585 = arith.constant 1 : i32
        scf.for %parallel_loop3A_624 = %parallel_loop3A_583 to %parallel_loop3A_584 step %parallel_loop3A_585  : i32 {
          %parallel_loop3A_625 = arith.constant 1 : i32
          %parallel_loop3A_626 = arith.index_cast %parallel_loop3A_625 : i32 to index
          %parallel_loop3A_627 = arith.index_cast %parallel_loop3A_624 : i32 to index
          %parallel_loop3A_628 = arith.constant 0 : index
          %parallel_loop3A_629 = tpu.vector_load %arg15[%parallel_loop3A_626, %parallel_loop3A_627, %parallel_loop3A_628] {strides = array<i32>} : memref<2x80x128xf32, #tpu.memory_space<vmem>>, vector<1x1x16xf32>,
          %parallel_loop3A_630 = vector.shape_cast %parallel_loop3A_629 : vector<1x1x16xf32> to vector<16xf32>
          %parallel_loop3A_631 = arith.constant 1 : i32
          %parallel_loop3A_632 = arith.index_cast %parallel_loop3A_631 : i32 to index
          %parallel_loop3A_633 = arith.index_cast %parallel_loop3A_624 : i32 to index
          %parallel_loop3A_634 = arith.constant 0 : index
          %parallel_loop3A_635 = tpu.vector_load %arg14[%parallel_loop3A_632, %parallel_loop3A_633, %parallel_loop3A_634] {strides = array<i32>} : memref<2x80x128xf32, #tpu.memory_space<vmem>>, vector<1x1x16xf32>,
          %parallel_loop3A_636 = vector.shape_cast %parallel_loop3A_635 : vector<1x1x16xf32> to vector<16xf32>
          %parallel_loop3A_637 = arith.addf %parallel_loop3A_630, %parallel_loop3A_636 : vector<16xf32>
          %parallel_loop3A_638 = arith.constant 0.000000e+00 : f32
          %parallel_loop3A_639 = vector.broadcast %parallel_loop3A_638 : f32 to vector<16xf32>
          %parallel_loop3A_640 = arith.maximumf %parallel_loop3A_637, %parallel_loop3A_639 : vector<16xf32>
          %parallel_loop3A_641 = arith.constant 1 : i32
          %parallel_loop3A_642 = arith.index_cast %parallel_loop3A_641 : i32 to index
          %parallel_loop3A_643 = arith.index_cast %parallel_loop3A_624 : i32 to index
          %parallel_loop3A_644 = arith.constant 0 : index
          %parallel_loop3A_645 = tpu.vector_load %arg15[%parallel_loop3A_642, %parallel_loop3A_643, %parallel_loop3A_644] {strides = array<i32>} : memref<2x80x128xf32, #tpu.memory_space<vmem>>, vector<1x1x16xf32>,
          %parallel_loop3A_646 = vector.shape_cast %parallel_loop3A_645 : vector<1x1x16xf32> to vector<16xf32>
          %parallel_loop3A_647 = vector.shape_cast %parallel_loop3A_640 : vector<16xf32> to vector<1x1x16xf32>
          tpu.vector_store %arg15[%parallel_loop3A_642, %parallel_loop3A_643, %parallel_loop3A_644], %parallel_loop3A_647 {strides = array<i32>} : memref<2x80x128xf32, #tpu.memory_space<vmem>>, vector<1x1x16xf32>,
          %parallel_loop3A_648 = arith.constant 1 : i32
          %parallel_loop3A_649 = arith.index_cast %parallel_loop3A_648 : i32 to index
          %parallel_loop3A_650 = arith.index_cast %parallel_loop3A_624 : i32 to index
          %parallel_loop3A_651 = arith.constant 16 : index
          %parallel_loop3A_652 = tpu.vector_load %arg15[%parallel_loop3A_649, %parallel_loop3A_650, %parallel_loop3A_651] {strides = array<i32>} : memref<2x80x128xf32, #tpu.memory_space<vmem>>, vector<1x1x16xf32>,
          %parallel_loop3A_653 = vector.shape_cast %parallel_loop3A_652 : vector<1x1x16xf32> to vector<16xf32>
          %parallel_loop3A_654 = arith.constant 1 : i32
          %parallel_loop3A_655 = arith.index_cast %parallel_loop3A_654 : i32 to index
          %parallel_loop3A_656 = arith.index_cast %parallel_loop3A_624 : i32 to index
          %parallel_loop3A_657 = arith.constant 16 : index
          %parallel_loop3A_658 = tpu.vector_load %arg14[%parallel_loop3A_655, %parallel_loop3A_656, %parallel_loop3A_657] {strides = array<i32>} : memref<2x80x128xf32, #tpu.memory_space<vmem>>, vector<1x1x16xf32>,
          %parallel_loop3A_659 = vector.shape_cast %parallel_loop3A_658 : vector<1x1x16xf32> to vector<16xf32>
          %parallel_loop3A_660 = arith.addf %parallel_loop3A_653, %parallel_loop3A_659 : vector<16xf32>
          %parallel_loop3A_661 = arith.constant 0.000000e+00 : f32
          %parallel_loop3A_662 = vector.broadcast %parallel_loop3A_661 : f32 to vector<16xf32>
          %parallel_loop3A_663 = arith.maximumf %parallel_loop3A_660, %parallel_loop3A_662 : vector<16xf32>
          %parallel_loop3A_664 = arith.constant 1 : i32
          %parallel_loop3A_665 = arith.index_cast %parallel_loop3A_664 : i32 to index
          %parallel_loop3A_666 = arith.index_cast %parallel_loop3A_624 : i32 to index
          %parallel_loop3A_667 = arith.constant 16 : index
          %parallel_loop3A_668 = tpu.vector_load %arg15[%parallel_loop3A_665, %parallel_loop3A_666, %parallel_loop3A_667] {strides = array<i32>} : memref<2x80x128xf32, #tpu.memory_space<vmem>>, vector<1x1x16xf32>,
          %parallel_loop3A_669 = vector.shape_cast %parallel_loop3A_668 : vector<1x1x16xf32> to vector<16xf32>
          %parallel_loop3A_670 = vector.shape_cast %parallel_loop3A_663 : vector<16xf32> to vector<1x1x16xf32>
          tpu.vector_store %arg15[%parallel_loop3A_665, %parallel_loop3A_666, %parallel_loop3A_667], %parallel_loop3A_670 {strides = array<i32>} : memref<2x80x128xf32, #tpu.memory_space<vmem>>, vector<1x1x16xf32>,
          %parallel_loop3A_671 = arith.constant 1 : i32
          %parallel_loop3A_672 = arith.index_cast %parallel_loop3A_671 : i32 to index
          %parallel_loop3A_673 = arith.index_cast %parallel_loop3A_624 : i32 to index
          %parallel_loop3A_674 = arith.constant 32 : index
          %parallel_loop3A_675 = tpu.vector_load %arg15[%parallel_loop3A_672, %parallel_loop3A_673, %parallel_loop3A_674] {strides = array<i32>} : memref<2x80x128xf32, #tpu.memory_space<vmem>>, vector<1x1x16xf32>,
          %parallel_loop3A_676 = vector.shape_cast %parallel_loop3A_675 : vector<1x1x16xf32> to vector<16xf32>
          %parallel_loop3A_677 = arith.constant 1 : i32
          %parallel_loop3A_678 = arith.index_cast %parallel_loop3A_677 : i32 to index
          %parallel_loop3A_679 = arith.index_cast %parallel_loop3A_624 : i32 to index
          %parallel_loop3A_680 = arith.constant 32 : index
          %parallel_loop3A_681 = tpu.vector_load %arg14[%parallel_loop3A_678, %parallel_loop3A_679, %parallel_loop3A_680] {strides = array<i32>} : memref<2x80x128xf32, #tpu.memory_space<vmem>>, vector<1x1x16xf32>,
          %parallel_loop3A_682 = vector.shape_cast %parallel_loop3A_681 : vector<1x1x16xf32> to vector<16xf32>
          %parallel_loop3A_683 = arith.addf %parallel_loop3A_676, %parallel_loop3A_682 : vector<16xf32>
          %parallel_loop3A_684 = arith.constant 0.000000e+00 : f32
          %parallel_loop3A_685 = vector.broadcast %parallel_loop3A_684 : f32 to vector<16xf32>
          %parallel_loop3A_686 = arith.maximumf %parallel_loop3A_683, %parallel_loop3A_685 : vector<16xf32>
          %parallel_loop3A_687 = arith.constant 1 : i32
          %parallel_loop3A_688 = arith.index_cast %parallel_loop3A_687 : i32 to index
          %parallel_loop3A_689 = arith.index_cast %parallel_loop3A_624 : i32 to index
          %parallel_loop3A_690 = arith.constant 32 : index
          %parallel_loop3A_691 = tpu.vector_load %arg15[%parallel_loop3A_688, %parallel_loop3A_689, %parallel_loop3A_690] {strides = array<i32>} : memref<2x80x128xf32, #tpu.memory_space<vmem>>, vector<1x1x16xf32>,
          %parallel_loop3A_692 = vector.shape_cast %parallel_loop3A_691 : vector<1x1x16xf32> to vector<16xf32>
          %parallel_loop3A_693 = vector.shape_cast %parallel_loop3A_686 : vector<16xf32> to vector<1x1x16xf32>
          tpu.vector_store %arg15[%parallel_loop3A_688, %parallel_loop3A_689, %parallel_loop3A_690], %parallel_loop3A_693 {strides = array<i32>} : memref<2x80x128xf32, #tpu.memory_space<vmem>>, vector<1x1x16xf32>,
          %parallel_loop3A_694 = arith.constant 1 : i32
          %parallel_loop3A_695 = arith.index_cast %parallel_loop3A_694 : i32 to index
          %parallel_loop3A_696 = arith.index_cast %parallel_loop3A_624 : i32 to index
          %parallel_loop3A_697 = arith.constant 48 : index
          %parallel_loop3A_698 = tpu.vector_load %arg15[%parallel_loop3A_695, %parallel_loop3A_696, %parallel_loop3A_697] {strides = array<i32>} : memref<2x80x128xf32, #tpu.memory_space<vmem>>, vector<1x1x16xf32>,
          %parallel_loop3A_699 = vector.shape_cast %parallel_loop3A_698 : vector<1x1x16xf32> to vector<16xf32>
          %parallel_loop3A_700 = arith.constant 1 : i32
          %parallel_loop3A_701 = arith.index_cast %parallel_loop3A_700 : i32 to index
          %parallel_loop3A_702 = arith.index_cast %parallel_loop3A_624 : i32 to index
          %parallel_loop3A_703 = arith.constant 48 : index
          %parallel_loop3A_704 = tpu.vector_load %arg14[%parallel_loop3A_701, %parallel_loop3A_702, %parallel_loop3A_703] {strides = array<i32>} : memref<2x80x128xf32, #tpu.memory_space<vmem>>, vector<1x1x16xf32>,
          %parallel_loop3A_705 = vector.shape_cast %parallel_loop3A_704 : vector<1x1x16xf32> to vector<16xf32>
          %parallel_loop3A_706 = arith.addf %parallel_loop3A_699, %parallel_loop3A_705 : vector<16xf32>
          %parallel_loop3A_707 = arith.constant 0.000000e+00 : f32
          %parallel_loop3A_708 = vector.broadcast %parallel_loop3A_707 : f32 to vector<16xf32>
          %parallel_loop3A_709 = arith.maximumf %parallel_loop3A_706, %parallel_loop3A_708 : vector<16xf32>
          %parallel_loop3A_710 = arith.constant 1 : i32
          %parallel_loop3A_711 = arith.index_cast %parallel_loop3A_710 : i32 to index
          %parallel_loop3A_712 = arith.index_cast %parallel_loop3A_624 : i32 to index
          %parallel_loop3A_713 = arith.constant 48 : index
          %parallel_loop3A_714 = tpu.vector_load %arg15[%parallel_loop3A_711, %parallel_loop3A_712, %parallel_loop3A_713] {strides = array<i32>} : memref<2x80x128xf32, #tpu.memory_space<vmem>>, vector<1x1x16xf32>,
          %parallel_loop3A_715 = vector.shape_cast %parallel_loop3A_714 : vector<1x1x16xf32> to vector<16xf32>
          %parallel_loop3A_716 = vector.shape_cast %parallel_loop3A_709 : vector<16xf32> to vector<1x1x16xf32>
          tpu.vector_store %arg15[%parallel_loop3A_711, %parallel_loop3A_712, %parallel_loop3A_713], %parallel_loop3A_716 {strides = array<i32>} : memref<2x80x128xf32, #tpu.memory_space<vmem>>, vector<1x1x16xf32>,
          %parallel_loop3A_717 = arith.constant 1 : i32
          %parallel_loop3A_718 = arith.index_cast %parallel_loop3A_717 : i32 to index
          %parallel_loop3A_719 = arith.index_cast %parallel_loop3A_624 : i32 to index
          %parallel_loop3A_720 = arith.constant 64 : index
          %parallel_loop3A_721 = tpu.vector_load %arg15[%parallel_loop3A_718, %parallel_loop3A_719, %parallel_loop3A_720] {strides = array<i32>} : memref<2x80x128xf32, #tpu.memory_space<vmem>>, vector<1x1x16xf32>,
          %parallel_loop3A_722 = vector.shape_cast %parallel_loop3A_721 : vector<1x1x16xf32> to vector<16xf32>
          %parallel_loop3A_723 = arith.constant 1 : i32
          %parallel_loop3A_724 = arith.index_cast %parallel_loop3A_723 : i32 to index
          %parallel_loop3A_725 = arith.index_cast %parallel_loop3A_624 : i32 to index
          %parallel_loop3A_726 = arith.constant 64 : index
          %parallel_loop3A_727 = tpu.vector_load %arg14[%parallel_loop3A_724, %parallel_loop3A_725, %parallel_loop3A_726] {strides = array<i32>} : memref<2x80x128xf32, #tpu.memory_space<vmem>>, vector<1x1x16xf32>,
          %parallel_loop3A_728 = vector.shape_cast %parallel_loop3A_727 : vector<1x1x16xf32> to vector<16xf32>
          %parallel_loop3A_729 = arith.addf %parallel_loop3A_722, %parallel_loop3A_728 : vector<16xf32>
          %parallel_loop3A_730 = arith.constant 0.000000e+00 : f32
          %parallel_loop3A_731 = vector.broadcast %parallel_loop3A_730 : f32 to vector<16xf32>
          %parallel_loop3A_732 = arith.maximumf %parallel_loop3A_729, %parallel_loop3A_731 : vector<16xf32>
          %parallel_loop3A_733 = arith.constant 1 : i32
          %parallel_loop3A_734 = arith.index_cast %parallel_loop3A_733 : i32 to index
          %parallel_loop3A_735 = arith.index_cast %parallel_loop3A_624 : i32 to index
          %parallel_loop3A_736 = arith.constant 64 : index
          %parallel_loop3A_737 = tpu.vector_load %arg15[%parallel_loop3A_734, %parallel_loop3A_735, %parallel_loop3A_736] {strides = array<i32>} : memref<2x80x128xf32, #tpu.memory_space<vmem>>, vector<1x1x16xf32>,
          %parallel_loop3A_738 = vector.shape_cast %parallel_loop3A_737 : vector<1x1x16xf32> to vector<16xf32>
          %parallel_loop3A_739 = vector.shape_cast %parallel_loop3A_732 : vector<16xf32> to vector<1x1x16xf32>
          tpu.vector_store %arg15[%parallel_loop3A_734, %parallel_loop3A_735, %parallel_loop3A_736], %parallel_loop3A_739 {strides = array<i32>} : memref<2x80x128xf32, #tpu.memory_space<vmem>>, vector<1x1x16xf32>,
          %parallel_loop3A_740 = arith.constant 1 : i32
          %parallel_loop3A_741 = arith.index_cast %parallel_loop3A_740 : i32 to index
          %parallel_loop3A_742 = arith.index_cast %parallel_loop3A_624 : i32 to index
          %parallel_loop3A_743 = arith.constant 80 : index
          %parallel_loop3A_744 = tpu.vector_load %arg15[%parallel_loop3A_741, %parallel_loop3A_742, %parallel_loop3A_743] {strides = array<i32>} : memref<2x80x128xf32, #tpu.memory_space<vmem>>, vector<1x1x16xf32>,
          %parallel_loop3A_745 = vector.shape_cast %parallel_loop3A_744 : vector<1x1x16xf32> to vector<16xf32>
          %parallel_loop3A_746 = arith.constant 1 : i32
          %parallel_loop3A_747 = arith.index_cast %parallel_loop3A_746 : i32 to index
          %parallel_loop3A_748 = arith.index_cast %parallel_loop3A_624 : i32 to index
          %parallel_loop3A_749 = arith.constant 80 : index
          %parallel_loop3A_750 = tpu.vector_load %arg14[%parallel_loop3A_747, %parallel_loop3A_748, %parallel_loop3A_749] {strides = array<i32>} : memref<2x80x128xf32, #tpu.memory_space<vmem>>, vector<1x1x16xf32>,
          %parallel_loop3A_751 = vector.shape_cast %parallel_loop3A_750 : vector<1x1x16xf32> to vector<16xf32>
          %parallel_loop3A_752 = arith.addf %parallel_loop3A_745, %parallel_loop3A_751 : vector<16xf32>
          %parallel_loop3A_753 = arith.constant 0.000000e+00 : f32
          %parallel_loop3A_754 = vector.broadcast %parallel_loop3A_753 : f32 to vector<16xf32>
          %parallel_loop3A_755 = arith.maximumf %parallel_loop3A_752, %parallel_loop3A_754 : vector<16xf32>
          %parallel_loop3A_756 = arith.constant 1 : i32
          %parallel_loop3A_757 = arith.index_cast %parallel_loop3A_756 : i32 to index
          %parallel_loop3A_758 = arith.index_cast %parallel_loop3A_624 : i32 to index
          %parallel_loop3A_759 = arith.constant 80 : index
          %parallel_loop3A_760 = tpu.vector_load %arg15[%parallel_loop3A_757, %parallel_loop3A_758, %parallel_loop3A_759] {strides = array<i32>} : memref<2x80x128xf32, #tpu.memory_space<vmem>>, vector<1x1x16xf32>,
          %parallel_loop3A_761 = vector.shape_cast %parallel_loop3A_760 : vector<1x1x16xf32> to vector<16xf32>
          %parallel_loop3A_762 = vector.shape_cast %parallel_loop3A_755 : vector<16xf32> to vector<1x1x16xf32>
          tpu.vector_store %arg15[%parallel_loop3A_757, %parallel_loop3A_758, %parallel_loop3A_759], %parallel_loop3A_762 {strides = array<i32>} : memref<2x80x128xf32, #tpu.memory_space<vmem>>, vector<1x1x16xf32>,
          %parallel_loop3A_763 = arith.constant 1 : i32
          %parallel_loop3A_764 = arith.index_cast %parallel_loop3A_763 : i32 to index
          %parallel_loop3A_765 = arith.index_cast %parallel_loop3A_624 : i32 to index
          %parallel_loop3A_766 = arith.constant 96 : index
          %parallel_loop3A_767 = tpu.vector_load %arg15[%parallel_loop3A_764, %parallel_loop3A_765, %parallel_loop3A_766] {strides = array<i32>} : memref<2x80x128xf32, #tpu.memory_space<vmem>>, vector<1x1x16xf32>,
          %parallel_loop3A_768 = vector.shape_cast %parallel_loop3A_767 : vector<1x1x16xf32> to vector<16xf32>
          %parallel_loop3A_769 = arith.constant 1 : i32
          %parallel_loop3A_770 = arith.index_cast %parallel_loop3A_769 : i32 to index
          %parallel_loop3A_771 = arith.index_cast %parallel_loop3A_624 : i32 to index
          %parallel_loop3A_772 = arith.constant 96 : index
          %parallel_loop3A_773 = tpu.vector_load %arg14[%parallel_loop3A_770, %parallel_loop3A_771, %parallel_loop3A_772] {strides = array<i32>} : memref<2x80x128xf32, #tpu.memory_space<vmem>>, vector<1x1x16xf32>,
          %parallel_loop3A_774 = vector.shape_cast %parallel_loop3A_773 : vector<1x1x16xf32> to vector<16xf32>
          %parallel_loop3A_775 = arith.addf %parallel_loop3A_768, %parallel_loop3A_774 : vector<16xf32>
          %parallel_loop3A_776 = arith.constant 0.000000e+00 : f32
          %parallel_loop3A_777 = vector.broadcast %parallel_loop3A_776 : f32 to vector<16xf32>
          %parallel_loop3A_778 = arith.maximumf %parallel_loop3A_775, %parallel_loop3A_777 : vector<16xf32>
          %parallel_loop3A_779 = arith.constant 1 : i32
          %parallel_loop3A_780 = arith.index_cast %parallel_loop3A_779 : i32 to index
          %parallel_loop3A_781 = arith.index_cast %parallel_loop3A_624 : i32 to index
          %parallel_loop3A_782 = arith.constant 96 : index
          %parallel_loop3A_783 = tpu.vector_load %arg15[%parallel_loop3A_780, %parallel_loop3A_781, %parallel_loop3A_782] {strides = array<i32>} : memref<2x80x128xf32, #tpu.memory_space<vmem>>, vector<1x1x16xf32>,
          %parallel_loop3A_784 = vector.shape_cast %parallel_loop3A_783 : vector<1x1x16xf32> to vector<16xf32>
          %parallel_loop3A_785 = vector.shape_cast %parallel_loop3A_778 : vector<16xf32> to vector<1x1x16xf32>
          tpu.vector_store %arg15[%parallel_loop3A_780, %parallel_loop3A_781, %parallel_loop3A_782], %parallel_loop3A_785 {strides = array<i32>} : memref<2x80x128xf32, #tpu.memory_space<vmem>>, vector<1x1x16xf32>,
          %parallel_loop3A_786 = arith.constant 1 : i32
          %parallel_loop3A_787 = arith.index_cast %parallel_loop3A_786 : i32 to index
          %parallel_loop3A_788 = arith.index_cast %parallel_loop3A_624 : i32 to index
          %parallel_loop3A_789 = arith.constant 112 : index
          %parallel_loop3A_790 = tpu.vector_load %arg15[%parallel_loop3A_787, %parallel_loop3A_788, %parallel_loop3A_789] {strides = array<i32>} : memref<2x80x128xf32, #tpu.memory_space<vmem>>, vector<1x1x16xf32>,
          %parallel_loop3A_791 = vector.shape_cast %parallel_loop3A_790 : vector<1x1x16xf32> to vector<16xf32>
          %parallel_loop3A_792 = arith.constant 1 : i32
          %parallel_loop3A_793 = arith.index_cast %parallel_loop3A_792 : i32 to index
          %parallel_loop3A_794 = arith.index_cast %parallel_loop3A_624 : i32 to index
          %parallel_loop3A_795 = arith.constant 112 : index
          %parallel_loop3A_796 = tpu.vector_load %arg14[%parallel_loop3A_793, %parallel_loop3A_794, %parallel_loop3A_795] {strides = array<i32>} : memref<2x80x128xf32, #tpu.memory_space<vmem>>, vector<1x1x16xf32>,
          %parallel_loop3A_797 = vector.shape_cast %parallel_loop3A_796 : vector<1x1x16xf32> to vector<16xf32>
          %parallel_loop3A_798 = arith.addf %parallel_loop3A_791, %parallel_loop3A_797 : vector<16xf32>
          %parallel_loop3A_799 = arith.constant 0.000000e+00 : f32
          %parallel_loop3A_800 = vector.broadcast %parallel_loop3A_799 : f32 to vector<16xf32>
          %parallel_loop3A_801 = arith.maximumf %parallel_loop3A_798, %parallel_loop3A_800 : vector<16xf32>
          %parallel_loop3A_802 = arith.constant 1 : i32
          %parallel_loop3A_803 = arith.index_cast %parallel_loop3A_802 : i32 to index
          %parallel_loop3A_804 = arith.index_cast %parallel_loop3A_624 : i32 to index
          %parallel_loop3A_805 = arith.constant 112 : index
          %parallel_loop3A_806 = tpu.vector_load %arg15[%parallel_loop3A_803, %parallel_loop3A_804, %parallel_loop3A_805] {strides = array<i32>} : memref<2x80x128xf32, #tpu.memory_space<vmem>>, vector<1x1x16xf32>,
          %parallel_loop3A_807 = vector.shape_cast %parallel_loop3A_806 : vector<1x1x16xf32> to vector<16xf32>
          %parallel_loop3A_808 = vector.shape_cast %parallel_loop3A_801 : vector<16xf32> to vector<1x1x16xf32>
          tpu.vector_store %arg15[%parallel_loop3A_803, %parallel_loop3A_804, %parallel_loop3A_805], %parallel_loop3A_808 {strides = array<i32>} : memref<2x80x128xf32, #tpu.memory_space<vmem>>, vector<1x1x16xf32>,
        } {sc.loop_unroll_factor = 4 : i64, sc.parallel_access}
        %jit3A_586 = arith.constant 4 : i32
        %eq3A_587 = arith.constant 0 : i32
        %eq3A_588 = arith.cmpi eq, %jit3A_586, %eq3A_587 : i32
        %jit3A_589 = arith.constant 1 : i32
        %select_n3A_590 = arith.select %eq3A_588, %jit3A_589, %jit3A_586 : i32
        %rem3A_591 = arith.remsi %add3A_232, %select_n3A_590 : i32
        %ne3A_592 = arith.constant 0 : i32
        %ne3A_593 = arith.cmpi ne, %rem3A_591, %ne3A_592 : i32
        %lt3A_594 = arith.constant 0 : i32
        %lt3A_595 = arith.cmpi slt, %rem3A_591, %lt3A_594 : i32
        %lt3A_596 = arith.constant 0 : i32
        %lt3A_597 = arith.cmpi slt, %select_n3A_590, %lt3A_596 : i32
        %ne3A_598 = arith.xori %lt3A_595, %lt3A_597 : i1
        %and3A_599 = arith.andi %ne3A_598, %ne3A_593 : i1
        %add3A_600 = arith.addi %rem3A_591, %select_n3A_590 : i32
        %select_n3A_601 = arith.select %and3A_599, %add3A_600, %rem3A_591 : i32
        %dma_start3A_602 = arith.constant 1 : i32
        %dma_start3A_603 = arith.constant 0 : i32
        %dma_start3A_604 = arith.constant 0 : i32
        %dma_start3A_605 = tpu.memref_slice %arg15[%dma_start3A_602, %dma_start3A_603, %dma_start3A_604] : memref<2x80x128xf32, #tpu.memory_space<vmem>> -> memref<1x80x128xf32, #tpu.memory_space<vmem>>
        %dma_start3A_606 = tpu.memref_squeeze %dma_start3A_605 : memref<1x80x128xf32, #tpu.memory_space<vmem>> -> memref<80x128xf32, #tpu.memory_space<vmem>>
        %dma_start3A_607 = arith.constant 0 : i32
        %dma_start3A_608 = tpu.memref_slice %arg13[%select_n3A_601, %dma_start3A_607] : memref<4x80xi32, #tpu.memory_space<vmem>> -> memref<1x80xi32, #tpu.memory_space<vmem>>
        %dma_start3A_609 = tpu.memref_squeeze %dma_start3A_608 : memref<1x80xi32, #tpu.memory_space<vmem>> -> memref<80xi32, #tpu.memory_space<vmem>>
        %dma_start3A_610 = arith.constant 0 : i32
        %dma_start3A_611 = arith.constant 0 : i32
        %dma_start3A_612 = tpu.memref_slice %arg10[%dma_start3A_610, %dma_start3A_611] : memref<10000x128xf32, #tpu.memory_space<vmem_shared>> -> memref<10000x128xf32, #tpu.memory_space<vmem_shared>>
        tpu.enqueue_indirect_dma source(%dma_start3A_606 : memref<80x128xf32, #tpu.memory_space<vmem>>) target(%dma_start3A_612 : memref<10000x128xf32, #tpu.memory_space<vmem_shared>>) offsets(%dma_start3A_609 : memref<80xi32, #tpu.memory_space<vmem>>) semaphore(%arg21 : memref<!tpu.dma_semaphore, #tpu.memory_space<semaphore_mem>>) {add = true}
        %dma_start3A_613 = arith.constant 0 : i32
        %dma_start3A_614 = tpu.memref_slice %arg13[%select_n3A_601, %dma_start3A_613] : memref<4x80xi32, #tpu.memory_space<vmem>> -> memref<1x80xi32, #tpu.memory_space<vmem>>
        %dma_start3A_615 = tpu.memref_squeeze %dma_start3A_614 : memref<1x80xi32, #tpu.memory_space<vmem>> -> memref<80xi32, #tpu.memory_space<vmem>>
        %dma_start3A_616 = arith.constant 0 : i32
        %dma_start3A_617 = tpu.memref_slice %arg11[%dma_start3A_616] : memref<10000xf32, #tpu.memory_space<vmem_shared>> -> memref<10000xf32, #tpu.memory_space<vmem_shared>>
        tpu.enqueue_indirect_dma source(%arg16 : memref<80xf32, #tpu.memory_space<vmem>>) target(%dma_start3A_617 : memref<10000xf32, #tpu.memory_space<vmem_shared>>) offsets(%dma_start3A_615 : memref<80xi32, #tpu.memory_space<vmem>>) semaphore(%arg21 : memref<!tpu.dma_semaphore, #tpu.memory_space<semaphore_mem>>) {add = true}
        %lt3A_618 = arith.constant 61 : i32
        %lt3A_619 = arith.cmpi slt, %scan3A_227, %lt3A_618 : i32
        %convert_element_type3A_620 = arith.extui %lt3A_619 : i1 to i32
        %cond3A_621 = arith.constant 0 : i32
        %cond3A_622 = arith.cmpi ne, %convert_element_type3A_620, %cond3A_621 : i32
        scf.if %cond3A_622 {
          %add3A_624 = arith.constant 2 : i32
          %add3A_625 = arith.addi %add3A_232, %add3A_624 : i32
          %mul3A_626 = arith.constant 80 : i32
          %mul3A_627 = arith.muli %add3A_625, %mul3A_626 : i32
          %add3A_628 = arith.addi %mul3A_40, %mul3A_627 : i32
          %jit3A_629 = arith.constant 4 : i32
          %eq3A_630 = arith.constant 0 : i32
          %eq3A_631 = arith.cmpi eq, %jit3A_629, %eq3A_630 : i32
          %jit3A_632 = arith.constant 1 : i32
          %select_n3A_633 = arith.select %eq3A_631, %jit3A_632, %jit3A_629 : i32
          %rem3A_634 = arith.remsi %add3A_625, %select_n3A_633 : i32
          %ne3A_635 = arith.constant 0 : i32
          %ne3A_636 = arith.cmpi ne, %rem3A_634, %ne3A_635 : i32
          %lt3A_637 = arith.constant 0 : i32
          %lt3A_638 = arith.cmpi slt, %rem3A_634, %lt3A_637 : i32
          %lt3A_639 = arith.constant 0 : i32
          %lt3A_640 = arith.cmpi slt, %select_n3A_633, %lt3A_639 : i32
          %ne3A_641 = arith.xori %lt3A_638, %lt3A_640 : i1
          %and3A_642 = arith.andi %ne3A_641, %ne3A_636 : i1
          %add3A_643 = arith.addi %rem3A_634, %select_n3A_633 : i32
          %select_n3A_644 = arith.select %and3A_642, %add3A_643, %rem3A_634 : i32
          %dma_start3A_645 = arith.constant 0 : i32
          %dma_start3A_646 = tpu.memref_slice %arg12[%select_n3A_644, %dma_start3A_645] : memref<4x80xi32, #tpu.memory_space<vmem>> -> memref<1x80xi32, #tpu.memory_space<vmem>>
          %dma_start3A_647 = tpu.memref_squeeze %dma_start3A_646 : memref<1x80xi32, #tpu.memory_space<vmem>> -> memref<80xi32, #tpu.memory_space<vmem>>
          %dma_start3A_648 = tpu.memref_slice %arg5[%add3A_628] : memref<160000xi32, #tpu.memory_space<hbm>> -> memref<80xi32, #tpu.memory_space<hbm>>
          %dma_start3A_649 = arith.constant 0 : i32
          %dma_start3A_650 = tpu.memref_slice %arg12[%select_n3A_644, %dma_start3A_649] : memref<4x80xi32, #tpu.memory_space<vmem>> -> memref<1x80xi32, #tpu.memory_space<vmem>>
          %dma_start3A_651 = tpu.memref_squeeze %dma_start3A_650 : memref<1x80xi32, #tpu.memory_space<vmem>> -> memref<80xi32, #tpu.memory_space<vmem>>
          %dma_start3A_652 = tpu.memref_slice %arg5[%add3A_628] : memref<160000xi32, #tpu.memory_space<hbm>> -> memref<80xi32, #tpu.memory_space<hbm>>
          tpu.enqueue_dma source(%dma_start3A_652 : memref<80xi32, #tpu.memory_space<hbm>>) target(%dma_start3A_651 : memref<80xi32, #tpu.memory_space<vmem>>) target_semaphore(%arg23 : memref<!tpu.dma_semaphore, #tpu.memory_space<semaphore_mem>>)
          %dma_start3A_653 = arith.constant 0 : i32
          %dma_start3A_654 = tpu.memref_slice %arg13[%select_n3A_644, %dma_start3A_653] : memref<4x80xi32, #tpu.memory_space<vmem>> -> memref<1x80xi32, #tpu.memory_space<vmem>>
          %dma_start3A_655 = tpu.memref_squeeze %dma_start3A_654 : memref<1x80xi32, #tpu.memory_space<vmem>> -> memref<80xi32, #tpu.memory_space<vmem>>
          %dma_start3A_656 = tpu.memref_slice %arg6[%add3A_628] : memref<160000xi32, #tpu.memory_space<hbm>> -> memref<80xi32, #tpu.memory_space<hbm>>
          %dma_start3A_657 = arith.constant 0 : i32
          %dma_start3A_658 = tpu.memref_slice %arg13[%select_n3A_644, %dma_start3A_657] : memref<4x80xi32, #tpu.memory_space<vmem>> -> memref<1x80xi32, #tpu.memory_space<vmem>>
          %dma_start3A_659 = tpu.memref_squeeze %dma_start3A_658 : memref<1x80xi32, #tpu.memory_space<vmem>> -> memref<80xi32, #tpu.memory_space<vmem>>
          %dma_start3A_660 = tpu.memref_slice %arg6[%add3A_628] : memref<160000xi32, #tpu.memory_space<hbm>> -> memref<80xi32, #tpu.memory_space<hbm>>
          tpu.enqueue_dma source(%dma_start3A_660 : memref<80xi32, #tpu.memory_space<hbm>>) target(%dma_start3A_659 : memref<80xi32, #tpu.memory_space<vmem>>) target_semaphore(%arg23 : memref<!tpu.dma_semaphore, #tpu.memory_space<semaphore_mem>>)
        } else {
        }
        %scan3A_623 = arith.constant 0 : i32
        scf.yield %scan3A_623 : i32
      }
      %scan3A_143 = arith.constant 62 : i32
      %dma_wait3A = arith.constant 0 : i32
      %dma_wait3A_144 = arith.constant 0 : i32
      %dma_wait3A_145 = arith.constant 0 : i32
      %dma_wait3A_146 = arith.constant 0 : i32
      %dma_wait3A_147 = tpu.memref_slice %arg14[%dma_wait3A_144, %dma_wait3A_145, %dma_wait3A_146] : memref<2x80x128xf32, #tpu.memory_space<vmem>> -> memref<1x80x128xf32, #tpu.memory_space<vmem>>
      %dma_wait3A_148 = tpu.memref_squeeze %dma_wait3A_147 : memref<1x80x128xf32, #tpu.memory_space<vmem>> -> memref<80x128xf32, #tpu.memory_space<vmem>>
      %dma_wait3A_149 = arith.constant 0 : i32
      %dma_wait3A_150 = tpu.memref_slice %arg12[%dma_wait3A, %dma_wait3A_149] : memref<4x80xi32, #tpu.memory_space<vmem>> -> memref<1x80xi32, #tpu.memory_space<vmem>>
      %dma_wait3A_151 = tpu.memref_squeeze %dma_wait3A_150 : memref<1x80xi32, #tpu.memory_space<vmem>> -> memref<80xi32, #tpu.memory_space<vmem>>
      %dma_wait3A_152 = arith.constant 0 : i32
      %dma_wait3A_153 = arith.constant 0 : i32
      %dma_wait3A_154 = tpu.memref_slice %arg2[%dma_wait3A_152, %dma_wait3A_153] : memref<10000x128xf32, #tpu.memory_space<hbm>> -> memref<10000x128xf32, #tpu.memory_space<hbm>>
      tpu.wait_indirect_dma semaphore(%arg18 : memref<!tpu.dma_semaphore, #tpu.memory_space<semaphore_mem>>) src(%dma_wait3A_154 : memref<10000x128xf32, #tpu.memory_space<hbm>>) dst(%dma_wait3A_148 : memref<80x128xf32, #tpu.memory_space<vmem>>)
      %add3A_155 = arith.constant 9920 : i32
      %add3A_156 = arith.addi %mul3A_40, %add3A_155 : i32
      %dma_wait3A_157 = arith.constant 0 : i32
      %dma_wait3A_158 = arith.constant 0 : i32
      %dma_wait3A_159 = arith.constant 0 : i32
      %dma_wait3A_160 = tpu.memref_slice %arg15[%dma_wait3A_157, %dma_wait3A_158, %dma_wait3A_159] : memref<2x80x128xf32, #tpu.memory_space<vmem>> -> memref<1x80x128xf32, #tpu.memory_space<vmem>>
      %dma_wait3A_161 = tpu.memref_squeeze %dma_wait3A_160 : memref<1x80x128xf32, #tpu.memory_space<vmem>> -> memref<80x128xf32, #tpu.memory_space<vmem>>
      %dma_wait3A_162 = arith.constant 0 : i32
      %dma_wait3A_163 = tpu.memref_slice %arg4[%add3A_156, %dma_wait3A_162] : memref<160000x256xf32, #tpu.memory_space<hbm>> -> memref<80x128xf32, #tpu.memory_space<hbm>>
      %dma_wait3A_164 = arith.constant 0 : i32
      %dma_wait3A_165 = arith.constant 0 : i32
      %dma_wait3A_166 = tpu.memref_slice %arg15[%dma_wait3A_157, %dma_wait3A_164, %dma_wait3A_165] : memref<2x80x128xf32, #tpu.memory_space<vmem>> -> memref<1x80x128xf32, #tpu.memory_space<vmem>>
      %dma_wait3A_167 = tpu.memref_squeeze %dma_wait3A_166 : memref<1x80x128xf32, #tpu.memory_space<vmem>> -> memref<80x128xf32, #tpu.memory_space<vmem>>
      %dma_wait3A_168 = arith.constant 0 : i32
      %dma_wait3A_169 = tpu.memref_slice %arg4[%add3A_156, %dma_wait3A_168] : memref<160000x256xf32, #tpu.memory_space<hbm>> -> memref<80x128xf32, #tpu.memory_space<hbm>>
      tpu.wait_dma2 semaphore(%arg18 : memref<!tpu.dma_semaphore, #tpu.memory_space<semaphore_mem>>) src(%dma_wait3A_169 : memref<80x128xf32, #tpu.memory_space<hbm>>) dst(%dma_wait3A_167 : memref<80x128xf32, #tpu.memory_space<vmem>>)
      %dma_wait3A_170 = arith.constant 1 : i32
      %dma_wait3A_171 = arith.constant 3 : i32
      %dma_wait3A_172 = arith.constant 0 : i32
      %dma_wait3A_173 = arith.constant 0 : i32
      %dma_wait3A_174 = tpu.memref_slice %arg15[%dma_wait3A_170, %dma_wait3A_172, %dma_wait3A_173] : memref<2x80x128xf32, #tpu.memory_space<vmem>> -> memref<1x80x128xf32, #tpu.memory_space<vmem>>
      %dma_wait3A_175 = tpu.memref_squeeze %dma_wait3A_174 : memref<1x80x128xf32, #tpu.memory_space<vmem>> -> memref<80x128xf32, #tpu.memory_space<vmem>>
      %dma_wait3A_176 = arith.constant 0 : i32
      %dma_wait3A_177 = tpu.memref_slice %arg13[%dma_wait3A_171, %dma_wait3A_176] : memref<4x80xi32, #tpu.memory_space<vmem>> -> memref<1x80xi32, #tpu.memory_space<vmem>>
      %dma_wait3A_178 = tpu.memref_squeeze %dma_wait3A_177 : memref<1x80xi32, #tpu.memory_space<vmem>> -> memref<80xi32, #tpu.memory_space<vmem>>
      %dma_wait3A_179 = arith.constant 0 : i32
      %dma_wait3A_180 = arith.constant 0 : i32
      %dma_wait3A_181 = tpu.memref_slice %arg10[%dma_wait3A_179, %dma_wait3A_180] : memref<10000x128xf32, #tpu.memory_space<vmem_shared>> -> memref<10000x128xf32, #tpu.memory_space<vmem_shared>>
      tpu.wait_indirect_dma semaphore(%arg21 : memref<!tpu.dma_semaphore, #tpu.memory_space<semaphore_mem>>) src(%dma_wait3A_175 : memref<80x128xf32, #tpu.memory_space<vmem>>) dst(%dma_wait3A_181 : memref<10000x128xf32, #tpu.memory_space<vmem_shared>>)
      %dma_wait3A_182 = arith.constant 3 : i32
      %dma_wait3A_183 = arith.constant 0 : i32
      %dma_wait3A_184 = tpu.memref_slice %arg13[%dma_wait3A_182, %dma_wait3A_183] : memref<4x80xi32, #tpu.memory_space<vmem>> -> memref<1x80xi32, #tpu.memory_space<vmem>>
      %dma_wait3A_185 = tpu.memref_squeeze %dma_wait3A_184 : memref<1x80xi32, #tpu.memory_space<vmem>> -> memref<80xi32, #tpu.memory_space<vmem>>
      %dma_wait3A_186 = arith.constant 0 : i32
      %dma_wait3A_187 = tpu.memref_slice %arg11[%dma_wait3A_186] : memref<10000xf32, #tpu.memory_space<vmem_shared>> -> memref<10000xf32, #tpu.memory_space<vmem_shared>>
      tpu.wait_indirect_dma semaphore(%arg21 : memref<!tpu.dma_semaphore, #tpu.memory_space<semaphore_mem>>) src(%arg16 : memref<80xf32, #tpu.memory_space<vmem>>) dst(%dma_wait3A_187 : memref<10000xf32, #tpu.memory_space<vmem_shared>>)
      %parallel_loop3A_188 = arith.constant 0 : i32
      %parallel_loop3A_189 = arith.constant 80 : i32
      %parallel_loop3A_190 = arith.constant 1 : i32
      scf.for %parallel_loop3A_227 = %parallel_loop3A_188 to %parallel_loop3A_189 step %parallel_loop3A_190  : i32 {
        %parallel_loop3A_228 = arith.constant 0 : i32
        %parallel_loop3A_229 = arith.index_cast %parallel_loop3A_228 : i32 to index
        %parallel_loop3A_230 = arith.index_cast %parallel_loop3A_227 : i32 to index
        %parallel_loop3A_231 = arith.constant 0 : index
        %parallel_loop3A_232 = tpu.vector_load %arg15[%parallel_loop3A_229, %parallel_loop3A_230, %parallel_loop3A_231] {strides = array<i32>} : memref<2x80x128xf32, #tpu.memory_space<vmem>>, vector<1x1x16xf32>,
        %parallel_loop3A_233 = vector.shape_cast %parallel_loop3A_232 : vector<1x1x16xf32> to vector<16xf32>
        %parallel_loop3A_234 = arith.constant 0 : i32
        %parallel_loop3A_235 = arith.index_cast %parallel_loop3A_234 : i32 to index
        %parallel_loop3A_236 = arith.index_cast %parallel_loop3A_227 : i32 to index
        %parallel_loop3A_237 = arith.constant 0 : index
        %parallel_loop3A_238 = tpu.vector_load %arg14[%parallel_loop3A_235, %parallel_loop3A_236, %parallel_loop3A_237] {strides = array<i32>} : memref<2x80x128xf32, #tpu.memory_space<vmem>>, vector<1x1x16xf32>,
        %parallel_loop3A_239 = vector.shape_cast %parallel_loop3A_238 : vector<1x1x16xf32> to vector<16xf32>
        %parallel_loop3A_240 = arith.addf %parallel_loop3A_233, %parallel_loop3A_239 : vector<16xf32>
        %parallel_loop3A_241 = arith.constant 0.000000e+00 : f32
        %parallel_loop3A_242 = vector.broadcast %parallel_loop3A_241 : f32 to vector<16xf32>
        %parallel_loop3A_243 = arith.maximumf %parallel_loop3A_240, %parallel_loop3A_242 : vector<16xf32>
        %parallel_loop3A_244 = arith.constant 0 : i32
        %parallel_loop3A_245 = arith.index_cast %parallel_loop3A_244 : i32 to index
        %parallel_loop3A_246 = arith.index_cast %parallel_loop3A_227 : i32 to index
        %parallel_loop3A_247 = arith.constant 0 : index
        %parallel_loop3A_248 = tpu.vector_load %arg15[%parallel_loop3A_245, %parallel_loop3A_246, %parallel_loop3A_247] {strides = array<i32>} : memref<2x80x128xf32, #tpu.memory_space<vmem>>, vector<1x1x16xf32>,
        %parallel_loop3A_249 = vector.shape_cast %parallel_loop3A_248 : vector<1x1x16xf32> to vector<16xf32>
        %parallel_loop3A_250 = vector.shape_cast %parallel_loop3A_243 : vector<16xf32> to vector<1x1x16xf32>
        tpu.vector_store %arg15[%parallel_loop3A_245, %parallel_loop3A_246, %parallel_loop3A_247], %parallel_loop3A_250 {strides = array<i32>} : memref<2x80x128xf32, #tpu.memory_space<vmem>>, vector<1x1x16xf32>,
        %parallel_loop3A_251 = arith.constant 0 : i32
        %parallel_loop3A_252 = arith.index_cast %parallel_loop3A_251 : i32 to index
        %parallel_loop3A_253 = arith.index_cast %parallel_loop3A_227 : i32 to index
        %parallel_loop3A_254 = arith.constant 16 : index
        %parallel_loop3A_255 = tpu.vector_load %arg15[%parallel_loop3A_252, %parallel_loop3A_253, %parallel_loop3A_254] {strides = array<i32>} : memref<2x80x128xf32, #tpu.memory_space<vmem>>, vector<1x1x16xf32>,
        %parallel_loop3A_256 = vector.shape_cast %parallel_loop3A_255 : vector<1x1x16xf32> to vector<16xf32>
        %parallel_loop3A_257 = arith.constant 0 : i32
        %parallel_loop3A_258 = arith.index_cast %parallel_loop3A_257 : i32 to index
        %parallel_loop3A_259 = arith.index_cast %parallel_loop3A_227 : i32 to index
        %parallel_loop3A_260 = arith.constant 16 : index
        %parallel_loop3A_261 = tpu.vector_load %arg14[%parallel_loop3A_258, %parallel_loop3A_259, %parallel_loop3A_260] {strides = array<i32>} : memref<2x80x128xf32, #tpu.memory_space<vmem>>, vector<1x1x16xf32>,
        %parallel_loop3A_262 = vector.shape_cast %parallel_loop3A_261 : vector<1x1x16xf32> to vector<16xf32>
        %parallel_loop3A_263 = arith.addf %parallel_loop3A_256, %parallel_loop3A_262 : vector<16xf32>
        %parallel_loop3A_264 = arith.constant 0.000000e+00 : f32
        %parallel_loop3A_265 = vector.broadcast %parallel_loop3A_264 : f32 to vector<16xf32>
        %parallel_loop3A_266 = arith.maximumf %parallel_loop3A_263, %parallel_loop3A_265 : vector<16xf32>
        %parallel_loop3A_267 = arith.constant 0 : i32
        %parallel_loop3A_268 = arith.index_cast %parallel_loop3A_267 : i32 to index
        %parallel_loop3A_269 = arith.index_cast %parallel_loop3A_227 : i32 to index
        %parallel_loop3A_270 = arith.constant 16 : index
        %parallel_loop3A_271 = tpu.vector_load %arg15[%parallel_loop3A_268, %parallel_loop3A_269, %parallel_loop3A_270] {strides = array<i32>} : memref<2x80x128xf32, #tpu.memory_space<vmem>>, vector<1x1x16xf32>,
        %parallel_loop3A_272 = vector.shape_cast %parallel_loop3A_271 : vector<1x1x16xf32> to vector<16xf32>
        %parallel_loop3A_273 = vector.shape_cast %parallel_loop3A_266 : vector<16xf32> to vector<1x1x16xf32>
        tpu.vector_store %arg15[%parallel_loop3A_268, %parallel_loop3A_269, %parallel_loop3A_270], %parallel_loop3A_273 {strides = array<i32>} : memref<2x80x128xf32, #tpu.memory_space<vmem>>, vector<1x1x16xf32>,
        %parallel_loop3A_274 = arith.constant 0 : i32
        %parallel_loop3A_275 = arith.index_cast %parallel_loop3A_274 : i32 to index
        %parallel_loop3A_276 = arith.index_cast %parallel_loop3A_227 : i32 to index
        %parallel_loop3A_277 = arith.constant 32 : index
        %parallel_loop3A_278 = tpu.vector_load %arg15[%parallel_loop3A_275, %parallel_loop3A_276, %parallel_loop3A_277] {strides = array<i32>} : memref<2x80x128xf32, #tpu.memory_space<vmem>>, vector<1x1x16xf32>,
        %parallel_loop3A_279 = vector.shape_cast %parallel_loop3A_278 : vector<1x1x16xf32> to vector<16xf32>
        %parallel_loop3A_280 = arith.constant 0 : i32
        %parallel_loop3A_281 = arith.index_cast %parallel_loop3A_280 : i32 to index
        %parallel_loop3A_282 = arith.index_cast %parallel_loop3A_227 : i32 to index
        %parallel_loop3A_283 = arith.constant 32 : index
        %parallel_loop3A_284 = tpu.vector_load %arg14[%parallel_loop3A_281, %parallel_loop3A_282, %parallel_loop3A_283] {strides = array<i32>} : memref<2x80x128xf32, #tpu.memory_space<vmem>>, vector<1x1x16xf32>,
        %parallel_loop3A_285 = vector.shape_cast %parallel_loop3A_284 : vector<1x1x16xf32> to vector<16xf32>
        %parallel_loop3A_286 = arith.addf %parallel_loop3A_279, %parallel_loop3A_285 : vector<16xf32>
        %parallel_loop3A_287 = arith.constant 0.000000e+00 : f32
        %parallel_loop3A_288 = vector.broadcast %parallel_loop3A_287 : f32 to vector<16xf32>
        %parallel_loop3A_289 = arith.maximumf %parallel_loop3A_286, %parallel_loop3A_288 : vector<16xf32>
        %parallel_loop3A_290 = arith.constant 0 : i32
        %parallel_loop3A_291 = arith.index_cast %parallel_loop3A_290 : i32 to index
        %parallel_loop3A_292 = arith.index_cast %parallel_loop3A_227 : i32 to index
        %parallel_loop3A_293 = arith.constant 32 : index
        %parallel_loop3A_294 = tpu.vector_load %arg15[%parallel_loop3A_291, %parallel_loop3A_292, %parallel_loop3A_293] {strides = array<i32>} : memref<2x80x128xf32, #tpu.memory_space<vmem>>, vector<1x1x16xf32>,
        %parallel_loop3A_295 = vector.shape_cast %parallel_loop3A_294 : vector<1x1x16xf32> to vector<16xf32>
        %parallel_loop3A_296 = vector.shape_cast %parallel_loop3A_289 : vector<16xf32> to vector<1x1x16xf32>
        tpu.vector_store %arg15[%parallel_loop3A_291, %parallel_loop3A_292, %parallel_loop3A_293], %parallel_loop3A_296 {strides = array<i32>} : memref<2x80x128xf32, #tpu.memory_space<vmem>>, vector<1x1x16xf32>,
        %parallel_loop3A_297 = arith.constant 0 : i32
        %parallel_loop3A_298 = arith.index_cast %parallel_loop3A_297 : i32 to index
        %parallel_loop3A_299 = arith.index_cast %parallel_loop3A_227 : i32 to index
        %parallel_loop3A_300 = arith.constant 48 : index
        %parallel_loop3A_301 = tpu.vector_load %arg15[%parallel_loop3A_298, %parallel_loop3A_299, %parallel_loop3A_300] {strides = array<i32>} : memref<2x80x128xf32, #tpu.memory_space<vmem>>, vector<1x1x16xf32>,
        %parallel_loop3A_302 = vector.shape_cast %parallel_loop3A_301 : vector<1x1x16xf32> to vector<16xf32>
        %parallel_loop3A_303 = arith.constant 0 : i32
        %parallel_loop3A_304 = arith.index_cast %parallel_loop3A_303 : i32 to index
        %parallel_loop3A_305 = arith.index_cast %parallel_loop3A_227 : i32 to index
        %parallel_loop3A_306 = arith.constant 48 : index
        %parallel_loop3A_307 = tpu.vector_load %arg14[%parallel_loop3A_304, %parallel_loop3A_305, %parallel_loop3A_306] {strides = array<i32>} : memref<2x80x128xf32, #tpu.memory_space<vmem>>, vector<1x1x16xf32>,
        %parallel_loop3A_308 = vector.shape_cast %parallel_loop3A_307 : vector<1x1x16xf32> to vector<16xf32>
        %parallel_loop3A_309 = arith.addf %parallel_loop3A_302, %parallel_loop3A_308 : vector<16xf32>
        %parallel_loop3A_310 = arith.constant 0.000000e+00 : f32
        %parallel_loop3A_311 = vector.broadcast %parallel_loop3A_310 : f32 to vector<16xf32>
        %parallel_loop3A_312 = arith.maximumf %parallel_loop3A_309, %parallel_loop3A_311 : vector<16xf32>
        %parallel_loop3A_313 = arith.constant 0 : i32
        %parallel_loop3A_314 = arith.index_cast %parallel_loop3A_313 : i32 to index
        %parallel_loop3A_315 = arith.index_cast %parallel_loop3A_227 : i32 to index
        %parallel_loop3A_316 = arith.constant 48 : index
        %parallel_loop3A_317 = tpu.vector_load %arg15[%parallel_loop3A_314, %parallel_loop3A_315, %parallel_loop3A_316] {strides = array<i32>} : memref<2x80x128xf32, #tpu.memory_space<vmem>>, vector<1x1x16xf32>,
        %parallel_loop3A_318 = vector.shape_cast %parallel_loop3A_317 : vector<1x1x16xf32> to vector<16xf32>
        %parallel_loop3A_319 = vector.shape_cast %parallel_loop3A_312 : vector<16xf32> to vector<1x1x16xf32>
        tpu.vector_store %arg15[%parallel_loop3A_314, %parallel_loop3A_315, %parallel_loop3A_316], %parallel_loop3A_319 {strides = array<i32>} : memref<2x80x128xf32, #tpu.memory_space<vmem>>, vector<1x1x16xf32>,
        %parallel_loop3A_320 = arith.constant 0 : i32
        %parallel_loop3A_321 = arith.index_cast %parallel_loop3A_320 : i32 to index
        %parallel_loop3A_322 = arith.index_cast %parallel_loop3A_227 : i32 to index
        %parallel_loop3A_323 = arith.constant 64 : index
        %parallel_loop3A_324 = tpu.vector_load %arg15[%parallel_loop3A_321, %parallel_loop3A_322, %parallel_loop3A_323] {strides = array<i32>} : memref<2x80x128xf32, #tpu.memory_space<vmem>>, vector<1x1x16xf32>,
        %parallel_loop3A_325 = vector.shape_cast %parallel_loop3A_324 : vector<1x1x16xf32> to vector<16xf32>
        %parallel_loop3A_326 = arith.constant 0 : i32
        %parallel_loop3A_327 = arith.index_cast %parallel_loop3A_326 : i32 to index
        %parallel_loop3A_328 = arith.index_cast %parallel_loop3A_227 : i32 to index
        %parallel_loop3A_329 = arith.constant 64 : index
        %parallel_loop3A_330 = tpu.vector_load %arg14[%parallel_loop3A_327, %parallel_loop3A_328, %parallel_loop3A_329] {strides = array<i32>} : memref<2x80x128xf32, #tpu.memory_space<vmem>>, vector<1x1x16xf32>,
        %parallel_loop3A_331 = vector.shape_cast %parallel_loop3A_330 : vector<1x1x16xf32> to vector<16xf32>
        %parallel_loop3A_332 = arith.addf %parallel_loop3A_325, %parallel_loop3A_331 : vector<16xf32>
        %parallel_loop3A_333 = arith.constant 0.000000e+00 : f32
        %parallel_loop3A_334 = vector.broadcast %parallel_loop3A_333 : f32 to vector<16xf32>
        %parallel_loop3A_335 = arith.maximumf %parallel_loop3A_332, %parallel_loop3A_334 : vector<16xf32>
        %parallel_loop3A_336 = arith.constant 0 : i32
        %parallel_loop3A_337 = arith.index_cast %parallel_loop3A_336 : i32 to index
        %parallel_loop3A_338 = arith.index_cast %parallel_loop3A_227 : i32 to index
        %parallel_loop3A_339 = arith.constant 64 : index
        %parallel_loop3A_340 = tpu.vector_load %arg15[%parallel_loop3A_337, %parallel_loop3A_338, %parallel_loop3A_339] {strides = array<i32>} : memref<2x80x128xf32, #tpu.memory_space<vmem>>, vector<1x1x16xf32>,
        %parallel_loop3A_341 = vector.shape_cast %parallel_loop3A_340 : vector<1x1x16xf32> to vector<16xf32>
        %parallel_loop3A_342 = vector.shape_cast %parallel_loop3A_335 : vector<16xf32> to vector<1x1x16xf32>
        tpu.vector_store %arg15[%parallel_loop3A_337, %parallel_loop3A_338, %parallel_loop3A_339], %parallel_loop3A_342 {strides = array<i32>} : memref<2x80x128xf32, #tpu.memory_space<vmem>>, vector<1x1x16xf32>,
        %parallel_loop3A_343 = arith.constant 0 : i32
        %parallel_loop3A_344 = arith.index_cast %parallel_loop3A_343 : i32 to index
        %parallel_loop3A_345 = arith.index_cast %parallel_loop3A_227 : i32 to index
        %parallel_loop3A_346 = arith.constant 80 : index
        %parallel_loop3A_347 = tpu.vector_load %arg15[%parallel_loop3A_344, %parallel_loop3A_345, %parallel_loop3A_346] {strides = array<i32>} : memref<2x80x128xf32, #tpu.memory_space<vmem>>, vector<1x1x16xf32>,
        %parallel_loop3A_348 = vector.shape_cast %parallel_loop3A_347 : vector<1x1x16xf32> to vector<16xf32>
        %parallel_loop3A_349 = arith.constant 0 : i32
        %parallel_loop3A_350 = arith.index_cast %parallel_loop3A_349 : i32 to index
        %parallel_loop3A_351 = arith.index_cast %parallel_loop3A_227 : i32 to index
        %parallel_loop3A_352 = arith.constant 80 : index
        %parallel_loop3A_353 = tpu.vector_load %arg14[%parallel_loop3A_350, %parallel_loop3A_351, %parallel_loop3A_352] {strides = array<i32>} : memref<2x80x128xf32, #tpu.memory_space<vmem>>, vector<1x1x16xf32>,
        %parallel_loop3A_354 = vector.shape_cast %parallel_loop3A_353 : vector<1x1x16xf32> to vector<16xf32>
        %parallel_loop3A_355 = arith.addf %parallel_loop3A_348, %parallel_loop3A_354 : vector<16xf32>
        %parallel_loop3A_356 = arith.constant 0.000000e+00 : f32
        %parallel_loop3A_357 = vector.broadcast %parallel_loop3A_356 : f32 to vector<16xf32>
        %parallel_loop3A_358 = arith.maximumf %parallel_loop3A_355, %parallel_loop3A_357 : vector<16xf32>
        %parallel_loop3A_359 = arith.constant 0 : i32
        %parallel_loop3A_360 = arith.index_cast %parallel_loop3A_359 : i32 to index
        %parallel_loop3A_361 = arith.index_cast %parallel_loop3A_227 : i32 to index
        %parallel_loop3A_362 = arith.constant 80 : index
        %parallel_loop3A_363 = tpu.vector_load %arg15[%parallel_loop3A_360, %parallel_loop3A_361, %parallel_loop3A_362] {strides = array<i32>} : memref<2x80x128xf32, #tpu.memory_space<vmem>>, vector<1x1x16xf32>,
        %parallel_loop3A_364 = vector.shape_cast %parallel_loop3A_363 : vector<1x1x16xf32> to vector<16xf32>
        %parallel_loop3A_365 = vector.shape_cast %parallel_loop3A_358 : vector<16xf32> to vector<1x1x16xf32>
        tpu.vector_store %arg15[%parallel_loop3A_360, %parallel_loop3A_361, %parallel_loop3A_362], %parallel_loop3A_365 {strides = array<i32>} : memref<2x80x128xf32, #tpu.memory_space<vmem>>, vector<1x1x16xf32>,
        %parallel_loop3A_366 = arith.constant 0 : i32
        %parallel_loop3A_367 = arith.index_cast %parallel_loop3A_366 : i32 to index
        %parallel_loop3A_368 = arith.index_cast %parallel_loop3A_227 : i32 to index
        %parallel_loop3A_369 = arith.constant 96 : index
        %parallel_loop3A_370 = tpu.vector_load %arg15[%parallel_loop3A_367, %parallel_loop3A_368, %parallel_loop3A_369] {strides = array<i32>} : memref<2x80x128xf32, #tpu.memory_space<vmem>>, vector<1x1x16xf32>,
        %parallel_loop3A_371 = vector.shape_cast %parallel_loop3A_370 : vector<1x1x16xf32> to vector<16xf32>
        %parallel_loop3A_372 = arith.constant 0 : i32
        %parallel_loop3A_373 = arith.index_cast %parallel_loop3A_372 : i32 to index
        %parallel_loop3A_374 = arith.index_cast %parallel_loop3A_227 : i32 to index
        %parallel_loop3A_375 = arith.constant 96 : index
        %parallel_loop3A_376 = tpu.vector_load %arg14[%parallel_loop3A_373, %parallel_loop3A_374, %parallel_loop3A_375] {strides = array<i32>} : memref<2x80x128xf32, #tpu.memory_space<vmem>>, vector<1x1x16xf32>,
        %parallel_loop3A_377 = vector.shape_cast %parallel_loop3A_376 : vector<1x1x16xf32> to vector<16xf32>
        %parallel_loop3A_378 = arith.addf %parallel_loop3A_371, %parallel_loop3A_377 : vector<16xf32>
        %parallel_loop3A_379 = arith.constant 0.000000e+00 : f32
        %parallel_loop3A_380 = vector.broadcast %parallel_loop3A_379 : f32 to vector<16xf32>
        %parallel_loop3A_381 = arith.maximumf %parallel_loop3A_378, %parallel_loop3A_380 : vector<16xf32>
        %parallel_loop3A_382 = arith.constant 0 : i32
        %parallel_loop3A_383 = arith.index_cast %parallel_loop3A_382 : i32 to index
        %parallel_loop3A_384 = arith.index_cast %parallel_loop3A_227 : i32 to index
        %parallel_loop3A_385 = arith.constant 96 : index
        %parallel_loop3A_386 = tpu.vector_load %arg15[%parallel_loop3A_383, %parallel_loop3A_384, %parallel_loop3A_385] {strides = array<i32>} : memref<2x80x128xf32, #tpu.memory_space<vmem>>, vector<1x1x16xf32>,
        %parallel_loop3A_387 = vector.shape_cast %parallel_loop3A_386 : vector<1x1x16xf32> to vector<16xf32>
        %parallel_loop3A_388 = vector.shape_cast %parallel_loop3A_381 : vector<16xf32> to vector<1x1x16xf32>
        tpu.vector_store %arg15[%parallel_loop3A_383, %parallel_loop3A_384, %parallel_loop3A_385], %parallel_loop3A_388 {strides = array<i32>} : memref<2x80x128xf32, #tpu.memory_space<vmem>>, vector<1x1x16xf32>,
        %parallel_loop3A_389 = arith.constant 0 : i32
        %parallel_loop3A_390 = arith.index_cast %parallel_loop3A_389 : i32 to index
        %parallel_loop3A_391 = arith.index_cast %parallel_loop3A_227 : i32 to index
        %parallel_loop3A_392 = arith.constant 112 : index
        %parallel_loop3A_393 = tpu.vector_load %arg15[%parallel_loop3A_390, %parallel_loop3A_391, %parallel_loop3A_392] {strides = array<i32>} : memref<2x80x128xf32, #tpu.memory_space<vmem>>, vector<1x1x16xf32>,
        %parallel_loop3A_394 = vector.shape_cast %parallel_loop3A_393 : vector<1x1x16xf32> to vector<16xf32>
        %parallel_loop3A_395 = arith.constant 0 : i32
        %parallel_loop3A_396 = arith.index_cast %parallel_loop3A_395 : i32 to index
        %parallel_loop3A_397 = arith.index_cast %parallel_loop3A_227 : i32 to index
        %parallel_loop3A_398 = arith.constant 112 : index
        %parallel_loop3A_399 = tpu.vector_load %arg14[%parallel_loop3A_396, %parallel_loop3A_397, %parallel_loop3A_398] {strides = array<i32>} : memref<2x80x128xf32, #tpu.memory_space<vmem>>, vector<1x1x16xf32>,
        %parallel_loop3A_400 = vector.shape_cast %parallel_loop3A_399 : vector<1x1x16xf32> to vector<16xf32>
        %parallel_loop3A_401 = arith.addf %parallel_loop3A_394, %parallel_loop3A_400 : vector<16xf32>
        %parallel_loop3A_402 = arith.constant 0.000000e+00 : f32
        %parallel_loop3A_403 = vector.broadcast %parallel_loop3A_402 : f32 to vector<16xf32>
        %parallel_loop3A_404 = arith.maximumf %parallel_loop3A_401, %parallel_loop3A_403 : vector<16xf32>
        %parallel_loop3A_405 = arith.constant 0 : i32
        %parallel_loop3A_406 = arith.index_cast %parallel_loop3A_405 : i32 to index
        %parallel_loop3A_407 = arith.index_cast %parallel_loop3A_227 : i32 to index
        %parallel_loop3A_408 = arith.constant 112 : index
        %parallel_loop3A_409 = tpu.vector_load %arg15[%parallel_loop3A_406, %parallel_loop3A_407, %parallel_loop3A_408] {strides = array<i32>} : memref<2x80x128xf32, #tpu.memory_space<vmem>>, vector<1x1x16xf32>,
        %parallel_loop3A_410 = vector.shape_cast %parallel_loop3A_409 : vector<1x1x16xf32> to vector<16xf32>
        %parallel_loop3A_411 = vector.shape_cast %parallel_loop3A_404 : vector<16xf32> to vector<1x1x16xf32>
        tpu.vector_store %arg15[%parallel_loop3A_406, %parallel_loop3A_407, %parallel_loop3A_408], %parallel_loop3A_411 {strides = array<i32>} : memref<2x80x128xf32, #tpu.memory_space<vmem>>, vector<1x1x16xf32>,
      } {sc.loop_unroll_factor = 4 : i64, sc.parallel_access}
      %dma_start3A_191 = arith.constant 0 : i32
      %dma_start3A_192 = arith.constant 0 : i32
      %dma_start3A_193 = arith.constant 0 : i32
      %dma_start3A_194 = arith.constant 0 : i32
      %dma_start3A_195 = tpu.memref_slice %arg15[%dma_start3A_191, %dma_start3A_193, %dma_start3A_194] : memref<2x80x128xf32, #tpu.memory_space<vmem>> -> memref<1x80x128xf32, #tpu.memory_space<vmem>>
      %dma_start3A_196 = tpu.memref_squeeze %dma_start3A_195 : memref<1x80x128xf32, #tpu.memory_space<vmem>> -> memref<80x128xf32, #tpu.memory_space<vmem>>
      %dma_start3A_197 = arith.constant 0 : i32
      %dma_start3A_198 = tpu.memref_slice %arg13[%dma_start3A_192, %dma_start3A_197] : memref<4x80xi32, #tpu.memory_space<vmem>> -> memref<1x80xi32, #tpu.memory_space<vmem>>
      %dma_start3A_199 = tpu.memref_squeeze %dma_start3A_198 : memref<1x80xi32, #tpu.memory_space<vmem>> -> memref<80xi32, #tpu.memory_space<vmem>>
      %dma_start3A_200 = arith.constant 0 : i32
      %dma_start3A_201 = arith.constant 0 : i32
      %dma_start3A_202 = tpu.memref_slice %arg10[%dma_start3A_200, %dma_start3A_201] : memref<10000x128xf32, #tpu.memory_space<vmem_shared>> -> memref<10000x128xf32, #tpu.memory_space<vmem_shared>>
      tpu.enqueue_indirect_dma source(%dma_start3A_196 : memref<80x128xf32, #tpu.memory_space<vmem>>) target(%dma_start3A_202 : memref<10000x128xf32, #tpu.memory_space<vmem_shared>>) offsets(%dma_start3A_199 : memref<80xi32, #tpu.memory_space<vmem>>) semaphore(%arg20 : memref<!tpu.dma_semaphore, #tpu.memory_space<semaphore_mem>>) {add = true}
      %dma_start3A_203 = arith.constant 0 : i32
      %dma_start3A_204 = arith.constant 0 : i32
      %dma_start3A_205 = tpu.memref_slice %arg13[%dma_start3A_203, %dma_start3A_204] : memref<4x80xi32, #tpu.memory_space<vmem>> -> memref<1x80xi32, #tpu.memory_space<vmem>>
      %dma_start3A_206 = tpu.memref_squeeze %dma_start3A_205 : memref<1x80xi32, #tpu.memory_space<vmem>> -> memref<80xi32, #tpu.memory_space<vmem>>
      %dma_start3A_207 = arith.constant 0 : i32
      %dma_start3A_208 = tpu.memref_slice %arg11[%dma_start3A_207] : memref<10000xf32, #tpu.memory_space<vmem_shared>> -> memref<10000xf32, #tpu.memory_space<vmem_shared>>
      tpu.enqueue_indirect_dma source(%arg16 : memref<80xf32, #tpu.memory_space<vmem>>) target(%dma_start3A_208 : memref<10000xf32, #tpu.memory_space<vmem_shared>>) offsets(%dma_start3A_206 : memref<80xi32, #tpu.memory_space<vmem>>) semaphore(%arg20 : memref<!tpu.dma_semaphore, #tpu.memory_space<semaphore_mem>>) {add = true}
      %dma_wait3A_209 = arith.constant 0 : i32
      %dma_wait3A_210 = arith.constant 0 : i32
      %dma_wait3A_211 = arith.constant 0 : i32
      %dma_wait3A_212 = arith.constant 0 : i32
      %dma_wait3A_213 = tpu.memref_slice %arg15[%dma_wait3A_209, %dma_wait3A_211, %dma_wait3A_212] : memref<2x80x128xf32, #tpu.memory_space<vmem>> -> memref<1x80x128xf32, #tpu.memory_space<vmem>>
      %dma_wait3A_214 = tpu.memref_squeeze %dma_wait3A_213 : memref<1x80x128xf32, #tpu.memory_space<vmem>> -> memref<80x128xf32, #tpu.memory_space<vmem>>
      %dma_wait3A_215 = arith.constant 0 : i32
      %dma_wait3A_216 = tpu.memref_slice %arg13[%dma_wait3A_210, %dma_wait3A_215] : memref<4x80xi32, #tpu.memory_space<vmem>> -> memref<1x80xi32, #tpu.memory_space<vmem>>
      %dma_wait3A_217 = tpu.memref_squeeze %dma_wait3A_216 : memref<1x80xi32, #tpu.memory_space<vmem>> -> memref<80xi32, #tpu.memory_space<vmem>>
      %dma_wait3A_218 = arith.constant 0 : i32
      %dma_wait3A_219 = arith.constant 0 : i32
      %dma_wait3A_220 = tpu.memref_slice %arg10[%dma_wait3A_218, %dma_wait3A_219] : memref<10000x128xf32, #tpu.memory_space<vmem_shared>> -> memref<10000x128xf32, #tpu.memory_space<vmem_shared>>
      tpu.wait_indirect_dma semaphore(%arg20 : memref<!tpu.dma_semaphore, #tpu.memory_space<semaphore_mem>>) src(%dma_wait3A_214 : memref<80x128xf32, #tpu.memory_space<vmem>>) dst(%dma_wait3A_220 : memref<10000x128xf32, #tpu.memory_space<vmem_shared>>)
      %dma_wait3A_221 = arith.constant 0 : i32
      %dma_wait3A_222 = arith.constant 0 : i32
      %dma_wait3A_223 = tpu.memref_slice %arg13[%dma_wait3A_221, %dma_wait3A_222] : memref<4x80xi32, #tpu.memory_space<vmem>> -> memref<1x80xi32, #tpu.memory_space<vmem>>
      %dma_wait3A_224 = tpu.memref_squeeze %dma_wait3A_223 : memref<1x80xi32, #tpu.memory_space<vmem>> -> memref<80xi32, #tpu.memory_space<vmem>>
      %dma_wait3A_225 = arith.constant 0 : i32
      %dma_wait3A_226 = tpu.memref_slice %arg11[%dma_wait3A_225] : memref<10000xf32, #tpu.memory_space<vmem_shared>> -> memref<10000xf32, #tpu.memory_space<vmem_shared>>
      tpu.wait_indirect_dma semaphore(%arg20 : memref<!tpu.dma_semaphore, #tpu.memory_space<semaphore_mem>>) src(%arg16 : memref<80xf32, #tpu.memory_space<vmem>>) dst(%dma_wait3A_226 : memref<10000xf32, #tpu.memory_space<vmem_shared>>)
    } else {
    }
    %eq3A_46 = arith.constant 1 : i32
    %eq3A_47 = arith.cmpi eq, %arg0, %eq3A_46 : i32
    %convert_element_type3A_48 = arith.extui %eq3A_47 : i1 to i32
    %cond3A_49 = arith.constant 0 : i32
    %cond3A_50 = arith.cmpi ne, %convert_element_type3A_48, %cond3A_49 : i32
    scf.if %cond3A_50 {
      %run_scoped3A = arith.constant 0 : i32
      "tpu.region"() ({
        %run_scoped3A_209 = tpu.sem_alloc : memref<!tpu.dma_semaphore, #tpu.memory_space<semaphore_mem>>
        %dma_start3A_210 = arith.constant 0 : i32
        %dma_start3A_211 = tpu.memref_slice %arg12[%run_scoped3A, %dma_start3A_210] : memref<4x80xi32, #tpu.memory_space<vmem>> -> memref<1x80xi32, #tpu.memory_space<vmem>>
        %dma_start3A_212 = tpu.memref_squeeze %dma_start3A_211 : memref<1x80xi32, #tpu.memory_space<vmem>> -> memref<80xi32, #tpu.memory_space<vmem>>
        %dma_start3A_213 = tpu.memref_slice %arg5[%mul3A_40] : memref<160000xi32, #tpu.memory_space<hbm>> -> memref<80xi32, #tpu.memory_space<hbm>>
        %dma_start3A_214 = arith.constant 0 : i32
        %dma_start3A_215 = tpu.memref_slice %arg12[%run_scoped3A, %dma_start3A_214] : memref<4x80xi32, #tpu.memory_space<vmem>> -> memref<1x80xi32, #tpu.memory_space<vmem>>
        %dma_start3A_216 = tpu.memref_squeeze %dma_start3A_215 : memref<1x80xi32, #tpu.memory_space<vmem>> -> memref<80xi32, #tpu.memory_space<vmem>>
        %dma_start3A_217 = tpu.memref_slice %arg5[%mul3A_40] : memref<160000xi32, #tpu.memory_space<hbm>> -> memref<80xi32, #tpu.memory_space<hbm>>
        tpu.enqueue_dma source(%dma_start3A_217 : memref<80xi32, #tpu.memory_space<hbm>>) target(%dma_start3A_216 : memref<80xi32, #tpu.memory_space<vmem>>) target_semaphore(%run_scoped3A_209 : memref<!tpu.dma_semaphore, #tpu.memory_space<semaphore_mem>>)
        %dma_wait3A_218 = arith.constant 0 : i32
        %dma_wait3A_219 = tpu.memref_slice %arg12[%run_scoped3A, %dma_wait3A_218] : memref<4x80xi32, #tpu.memory_space<vmem>> -> memref<1x80xi32, #tpu.memory_space<vmem>>
        %dma_wait3A_220 = tpu.memref_squeeze %dma_wait3A_219 : memref<1x80xi32, #tpu.memory_space<vmem>> -> memref<80xi32, #tpu.memory_space<vmem>>
        %dma_wait3A_221 = tpu.memref_slice %arg5[%mul3A_40] : memref<160000xi32, #tpu.memory_space<hbm>> -> memref<80xi32, #tpu.memory_space<hbm>>
        %dma_wait3A_222 = arith.constant 0 : i32
        %dma_wait3A_223 = tpu.memref_slice %arg12[%run_scoped3A, %dma_wait3A_222] : memref<4x80xi32, #tpu.memory_space<vmem>> -> memref<1x80xi32, #tpu.memory_space<vmem>>
        %dma_wait3A_224 = tpu.memref_squeeze %dma_wait3A_223 : memref<1x80xi32, #tpu.memory_space<vmem>> -> memref<80xi32, #tpu.memory_space<vmem>>
        %dma_wait3A_225 = tpu.memref_slice %arg5[%mul3A_40] : memref<160000xi32, #tpu.memory_space<hbm>> -> memref<80xi32, #tpu.memory_space<hbm>>
        tpu.wait_dma2 semaphore(%run_scoped3A_209 : memref<!tpu.dma_semaphore, #tpu.memory_space<semaphore_mem>>) src(%dma_wait3A_225 : memref<80xi32, #tpu.memory_space<hbm>>) dst(%dma_wait3A_224 : memref<80xi32, #tpu.memory_space<vmem>>)
        tpu.yield
      }) : () -> ()
      %run_scoped3A_92 = arith.constant 0 : i32
      "tpu.region"() ({
        %run_scoped3A_209 = tpu.sem_alloc : memref<!tpu.dma_semaphore, #tpu.memory_space<semaphore_mem>>
        %dma_start3A_210 = arith.constant 0 : i32
        %dma_start3A_211 = tpu.memref_slice %arg13[%run_scoped3A_92, %dma_start3A_210] : memref<4x80xi32, #tpu.memory_space<vmem>> -> memref<1x80xi32, #tpu.memory_space<vmem>>
        %dma_start3A_212 = tpu.memref_squeeze %dma_start3A_211 : memref<1x80xi32, #tpu.memory_space<vmem>> -> memref<80xi32, #tpu.memory_space<vmem>>
        %dma_start3A_213 = tpu.memref_slice %arg6[%mul3A_40] : memref<160000xi32, #tpu.memory_space<hbm>> -> memref<80xi32, #tpu.memory_space<hbm>>
        %dma_start3A_214 = arith.constant 0 : i32
        %dma_start3A_215 = tpu.memref_slice %arg13[%run_scoped3A_92, %dma_start3A_214] : memref<4x80xi32, #tpu.memory_space<vmem>> -> memref<1x80xi32, #tpu.memory_space<vmem>>
        %dma_start3A_216 = tpu.memref_squeeze %dma_start3A_215 : memref<1x80xi32, #tpu.memory_space<vmem>> -> memref<80xi32, #tpu.memory_space<vmem>>
        %dma_start3A_217 = tpu.memref_slice %arg6[%mul3A_40] : memref<160000xi32, #tpu.memory_space<hbm>> -> memref<80xi32, #tpu.memory_space<hbm>>
        tpu.enqueue_dma source(%dma_start3A_217 : memref<80xi32, #tpu.memory_space<hbm>>) target(%dma_start3A_216 : memref<80xi32, #tpu.memory_space<vmem>>) target_semaphore(%run_scoped3A_209 : memref<!tpu.dma_semaphore, #tpu.memory_space<semaphore_mem>>)
        %dma_wait3A_218 = arith.constant 0 : i32
        %dma_wait3A_219 = tpu.memref_slice %arg13[%run_scoped3A_92, %dma_wait3A_218] : memref<4x80xi32, #tpu.memory_space<vmem>> -> memref<1x80xi32, #tpu.memory_space<vmem>>
        %dma_wait3A_220 = tpu.memref_squeeze %dma_wait3A_219 : memref<1x80xi32, #tpu.memory_space<vmem>> -> memref<80xi32, #tpu.memory_space<vmem>>
        %dma_wait3A_221 = tpu.memref_slice %arg6[%mul3A_40] : memref<160000xi32, #tpu.memory_space<hbm>> -> memref<80xi32, #tpu.memory_space<hbm>>
        %dma_wait3A_222 = arith.constant 0 : i32
        %dma_wait3A_223 = tpu.memref_slice %arg13[%run_scoped3A_92, %dma_wait3A_222] : memref<4x80xi32, #tpu.memory_space<vmem>> -> memref<1x80xi32, #tpu.memory_space<vmem>>
        %dma_wait3A_224 = tpu.memref_squeeze %dma_wait3A_223 : memref<1x80xi32, #tpu.memory_space<vmem>> -> memref<80xi32, #tpu.memory_space<vmem>>
        %dma_wait3A_225 = tpu.memref_slice %arg6[%mul3A_40] : memref<160000xi32, #tpu.memory_space<hbm>> -> memref<80xi32, #tpu.memory_space<hbm>>
        tpu.wait_dma2 semaphore(%run_scoped3A_209 : memref<!tpu.dma_semaphore, #tpu.memory_space<semaphore_mem>>) src(%dma_wait3A_225 : memref<80xi32, #tpu.memory_space<hbm>>) dst(%dma_wait3A_224 : memref<80xi32, #tpu.memory_space<vmem>>)
        tpu.yield
      }) : () -> ()
      %dma_start3A = arith.constant 0 : i32
      %dma_start3A_93 = arith.constant 0 : i32
      %dma_start3A_94 = arith.constant 0 : i32
      %dma_start3A_95 = arith.constant 0 : i32
      %dma_start3A_96 = tpu.memref_slice %arg14[%dma_start3A_93, %dma_start3A_94, %dma_start3A_95] : memref<2x80x128xf32, #tpu.memory_space<vmem>> -> memref<1x80x128xf32, #tpu.memory_space<vmem>>
      %dma_start3A_97 = tpu.memref_squeeze %dma_start3A_96 : memref<1x80x128xf32, #tpu.memory_space<vmem>> -> memref<80x128xf32, #tpu.memory_space<vmem>>
      %dma_start3A_98 = arith.constant 0 : i32
      %dma_start3A_99 = tpu.memref_slice %arg12[%dma_start3A, %dma_start3A_98] : memref<4x80xi32, #tpu.memory_space<vmem>> -> memref<1x80xi32, #tpu.memory_space<vmem>>
      %dma_start3A_100 = tpu.memref_squeeze %dma_start3A_99 : memref<1x80xi32, #tpu.memory_space<vmem>> -> memref<80xi32, #tpu.memory_space<vmem>>
      %dma_start3A_101 = arith.constant 0 : i32
      %dma_start3A_102 = arith.constant 0 : i32
      %dma_start3A_103 = tpu.memref_slice %arg3[%dma_start3A_101, %dma_start3A_102] : memref<10000x128xf32, #tpu.memory_space<hbm>> -> memref<10000x128xf32, #tpu.memory_space<hbm>>
      tpu.enqueue_indirect_dma source(%dma_start3A_103 : memref<10000x128xf32, #tpu.memory_space<hbm>>) target(%dma_start3A_97 : memref<80x128xf32, #tpu.memory_space<vmem>>) offsets(%dma_start3A_100 : memref<80xi32, #tpu.memory_space<vmem>>) semaphore(%arg18 : memref<!tpu.dma_semaphore, #tpu.memory_space<semaphore_mem>>)
      %add3A = arith.constant 0 : i32
      %add3A_104 = arith.addi %mul3A_40, %add3A : i32
      %dma_start3A_105 = arith.constant 0 : i32
      %dma_start3A_106 = arith.constant 0 : i32
      %dma_start3A_107 = arith.constant 0 : i32
      %dma_start3A_108 = tpu.memref_slice %arg15[%dma_start3A_105, %dma_start3A_106, %dma_start3A_107] : memref<2x80x128xf32, #tpu.memory_space<vmem>> -> memref<1x80x128xf32, #tpu.memory_space<vmem>>
      %dma_start3A_109 = tpu.memref_squeeze %dma_start3A_108 : memref<1x80x128xf32, #tpu.memory_space<vmem>> -> memref<80x128xf32, #tpu.memory_space<vmem>>
      %dma_start3A_110 = arith.constant 128 : i32
      %dma_start3A_111 = tpu.memref_slice %arg4[%add3A_104, %dma_start3A_110] : memref<160000x256xf32, #tpu.memory_space<hbm>> -> memref<80x128xf32, #tpu.memory_space<hbm>>
      %dma_start3A_112 = arith.constant 0 : i32
      %dma_start3A_113 = arith.constant 0 : i32
      %dma_start3A_114 = tpu.memref_slice %arg15[%dma_start3A_105, %dma_start3A_112, %dma_start3A_113] : memref<2x80x128xf32, #tpu.memory_space<vmem>> -> memref<1x80x128xf32, #tpu.memory_space<vmem>>
      %dma_start3A_115 = tpu.memref_squeeze %dma_start3A_114 : memref<1x80x128xf32, #tpu.memory_space<vmem>> -> memref<80x128xf32, #tpu.memory_space<vmem>>
      %dma_start3A_116 = arith.constant 128 : i32
      %dma_start3A_117 = tpu.memref_slice %arg4[%add3A_104, %dma_start3A_116] : memref<160000x256xf32, #tpu.memory_space<hbm>> -> memref<80x128xf32, #tpu.memory_space<hbm>>
      tpu.enqueue_dma source(%dma_start3A_117 : memref<80x128xf32, #tpu.memory_space<hbm>>) target(%dma_start3A_115 : memref<80x128xf32, #tpu.memory_space<vmem>>) target_semaphore(%arg18 : memref<!tpu.dma_semaphore, #tpu.memory_space<semaphore_mem>>)
      %add3A_118 = arith.constant 80 : i32
      %add3A_119 = arith.addi %mul3A_40, %add3A_118 : i32
      %dma_start3A_120 = arith.constant 1 : i32
      %dma_start3A_121 = arith.constant 0 : i32
      %dma_start3A_122 = tpu.memref_slice %arg12[%dma_start3A_120, %dma_start3A_121] : memref<4x80xi32, #tpu.memory_space<vmem>> -> memref<1x80xi32, #tpu.memory_space<vmem>>
      %dma_start3A_123 = tpu.memref_squeeze %dma_start3A_122 : memref<1x80xi32, #tpu.memory_space<vmem>> -> memref<80xi32, #tpu.memory_space<vmem>>
      %dma_start3A_124 = tpu.memref_slice %arg5[%add3A_119] : memref<160000xi32, #tpu.memory_space<hbm>> -> memref<80xi32, #tpu.memory_space<hbm>>
      %dma_start3A_125 = arith.constant 0 : i32
      %dma_start3A_126 = tpu.memref_slice %arg12[%dma_start3A_120, %dma_start3A_125] : memref<4x80xi32, #tpu.memory_space<vmem>> -> memref<1x80xi32, #tpu.memory_space<vmem>>
      %dma_start3A_127 = tpu.memref_squeeze %dma_start3A_126 : memref<1x80xi32, #tpu.memory_space<vmem>> -> memref<80xi32, #tpu.memory_space<vmem>>
      %dma_start3A_128 = tpu.memref_slice %arg5[%add3A_119] : memref<160000xi32, #tpu.memory_space<hbm>> -> memref<80xi32, #tpu.memory_space<hbm>>
      tpu.enqueue_dma source(%dma_start3A_128 : memref<80xi32, #tpu.memory_space<hbm>>) target(%dma_start3A_127 : memref<80xi32, #tpu.memory_space<vmem>>) target_semaphore(%arg23 : memref<!tpu.dma_semaphore, #tpu.memory_space<semaphore_mem>>)
      %dma_start3A_129 = arith.constant 1 : i32
      %dma_start3A_130 = arith.constant 0 : i32
      %dma_start3A_131 = tpu.memref_slice %arg13[%dma_start3A_129, %dma_start3A_130] : memref<4x80xi32, #tpu.memory_space<vmem>> -> memref<1x80xi32, #tpu.memory_space<vmem>>
      %dma_start3A_132 = tpu.memref_squeeze %dma_start3A_131 : memref<1x80xi32, #tpu.memory_space<vmem>> -> memref<80xi32, #tpu.memory_space<vmem>>
      %dma_start3A_133 = tpu.memref_slice %arg6[%add3A_119] : memref<160000xi32, #tpu.memory_space<hbm>> -> memref<80xi32, #tpu.memory_space<hbm>>
      %dma_start3A_134 = arith.constant 0 : i32
      %dma_start3A_135 = tpu.memref_slice %arg13[%dma_start3A_129, %dma_start3A_134] : memref<4x80xi32, #tpu.memory_space<vmem>> -> memref<1x80xi32, #tpu.memory_space<vmem>>
      %dma_start3A_136 = tpu.memref_squeeze %dma_start3A_135 : memref<1x80xi32, #tpu.memory_space<vmem>> -> memref<80xi32, #tpu.memory_space<vmem>>
      %dma_start3A_137 = tpu.memref_slice %arg6[%add3A_119] : memref<160000xi32, #tpu.memory_space<hbm>> -> memref<80xi32, #tpu.memory_space<hbm>>
      tpu.enqueue_dma source(%dma_start3A_137 : memref<80xi32, #tpu.memory_space<hbm>>) target(%dma_start3A_136 : memref<80xi32, #tpu.memory_space<vmem>>) target_semaphore(%arg23 : memref<!tpu.dma_semaphore, #tpu.memory_space<semaphore_mem>>)
      %scan3A = arith.constant 0 : i32
      %scan3A_138 = arith.constant 0 : i32
      %scan3A_139 = arith.constant 62 : i32
      %scan3A_140 = arith.addi %scan3A_138, %scan3A_139 : i32
      %scan3A_141 = arith.constant 1 : i32
      %scan3A_142 = scf.for %scan3A_209 = %scan3A_138 to %scan3A_140 step %scan3A_141 iter_args(%scan3A_210 = %scan3A) -> (i32)  : i32 {
        %mul3A_211 = arith.constant 2 : i32
        %mul3A_212 = arith.muli %mul3A_211, %scan3A_209 : i32
        %add3A_213 = arith.constant 1 : i32
        %add3A_214 = arith.addi %mul3A_212, %add3A_213 : i32
        %jit3A = arith.constant 4 : i32
        %eq3A_215 = arith.constant 0 : i32
        %eq3A_216 = arith.cmpi eq, %jit3A, %eq3A_215 : i32
        %jit3A_217 = arith.constant 1 : i32
        %select_n3A = arith.select %eq3A_216, %jit3A_217, %jit3A : i32
        %rem3A = arith.remsi %mul3A_212, %select_n3A : i32
        %ne3A = arith.constant 0 : i32
        %ne3A_218 = arith.cmpi ne, %rem3A, %ne3A : i32
        %lt3A_219 = arith.constant 0 : i32
        %lt3A_220 = arith.cmpi slt, %rem3A, %lt3A_219 : i32
        %lt3A_221 = arith.constant 0 : i32
        %lt3A_222 = arith.cmpi slt, %select_n3A, %lt3A_221 : i32
        %ne3A_223 = arith.xori %lt3A_220, %lt3A_222 : i1
        %and3A_224 = arith.andi %ne3A_223, %ne3A_218 : i1
        %add3A_225 = arith.addi %rem3A, %select_n3A : i32
        %select_n3A_226 = arith.select %and3A_224, %add3A_225, %rem3A : i32
        %dma_wait3A_227 = arith.constant 0 : i32
        %dma_wait3A_228 = arith.constant 0 : i32
        %dma_wait3A_229 = arith.constant 0 : i32
        %dma_wait3A_230 = tpu.memref_slice %arg14[%dma_wait3A_227, %dma_wait3A_228, %dma_wait3A_229] : memref<2x80x128xf32, #tpu.memory_space<vmem>> -> memref<1x80x128xf32, #tpu.memory_space<vmem>>
        %dma_wait3A_231 = tpu.memref_squeeze %dma_wait3A_230 : memref<1x80x128xf32, #tpu.memory_space<vmem>> -> memref<80x128xf32, #tpu.memory_space<vmem>>
        %dma_wait3A_232 = arith.constant 0 : i32
        %dma_wait3A_233 = tpu.memref_slice %arg12[%select_n3A_226, %dma_wait3A_232] : memref<4x80xi32, #tpu.memory_space<vmem>> -> memref<1x80xi32, #tpu.memory_space<vmem>>
        %dma_wait3A_234 = tpu.memref_squeeze %dma_wait3A_233 : memref<1x80xi32, #tpu.memory_space<vmem>> -> memref<80xi32, #tpu.memory_space<vmem>>
        %dma_wait3A_235 = arith.constant 0 : i32
        %dma_wait3A_236 = arith.constant 0 : i32
        %dma_wait3A_237 = tpu.memref_slice %arg3[%dma_wait3A_235, %dma_wait3A_236] : memref<10000x128xf32, #tpu.memory_space<hbm>> -> memref<10000x128xf32, #tpu.memory_space<hbm>>
        tpu.wait_indirect_dma semaphore(%arg18 : memref<!tpu.dma_semaphore, #tpu.memory_space<semaphore_mem>>) src(%dma_wait3A_237 : memref<10000x128xf32, #tpu.memory_space<hbm>>) dst(%dma_wait3A_231 : memref<80x128xf32, #tpu.memory_space<vmem>>)
        %mul3A_238 = arith.constant 80 : i32
        %mul3A_239 = arith.muli %mul3A_212, %mul3A_238 : i32
        %add3A_240 = arith.addi %mul3A_40, %mul3A_239 : i32
        %dma_wait3A_241 = arith.constant 0 : i32
        %dma_wait3A_242 = arith.constant 0 : i32
        %dma_wait3A_243 = arith.constant 0 : i32
        %dma_wait3A_244 = tpu.memref_slice %arg15[%dma_wait3A_241, %dma_wait3A_242, %dma_wait3A_243] : memref<2x80x128xf32, #tpu.memory_space<vmem>> -> memref<1x80x128xf32, #tpu.memory_space<vmem>>
        %dma_wait3A_245 = tpu.memref_squeeze %dma_wait3A_244 : memref<1x80x128xf32, #tpu.memory_space<vmem>> -> memref<80x128xf32, #tpu.memory_space<vmem>>
        %dma_wait3A_246 = arith.constant 128 : i32
        %dma_wait3A_247 = tpu.memref_slice %arg4[%add3A_240, %dma_wait3A_246] : memref<160000x256xf32, #tpu.memory_space<hbm>> -> memref<80x128xf32, #tpu.memory_space<hbm>>
        %dma_wait3A_248 = arith.constant 0 : i32
        %dma_wait3A_249 = arith.constant 0 : i32
        %dma_wait3A_250 = tpu.memref_slice %arg15[%dma_wait3A_241, %dma_wait3A_248, %dma_wait3A_249] : memref<2x80x128xf32, #tpu.memory_space<vmem>> -> memref<1x80x128xf32, #tpu.memory_space<vmem>>
        %dma_wait3A_251 = tpu.memref_squeeze %dma_wait3A_250 : memref<1x80x128xf32, #tpu.memory_space<vmem>> -> memref<80x128xf32, #tpu.memory_space<vmem>>
        %dma_wait3A_252 = arith.constant 128 : i32
        %dma_wait3A_253 = tpu.memref_slice %arg4[%add3A_240, %dma_wait3A_252] : memref<160000x256xf32, #tpu.memory_space<hbm>> -> memref<80x128xf32, #tpu.memory_space<hbm>>
        tpu.wait_dma2 semaphore(%arg18 : memref<!tpu.dma_semaphore, #tpu.memory_space<semaphore_mem>>) src(%dma_wait3A_253 : memref<80x128xf32, #tpu.memory_space<hbm>>) dst(%dma_wait3A_251 : memref<80x128xf32, #tpu.memory_space<vmem>>)
        %gt3A = arith.constant 0 : i32
        %gt3A_254 = arith.cmpi sgt, %scan3A_209, %gt3A : i32
        %convert_element_type3A_255 = arith.extui %gt3A_254 : i1 to i32
        %cond3A_256 = arith.constant 0 : i32
        %cond3A_257 = arith.cmpi ne, %convert_element_type3A_255, %cond3A_256 : i32
        scf.if %cond3A_257 {
          %sub3A = arith.constant 1 : i32
          %sub3A_591 = arith.subi %mul3A_212, %sub3A : i32
          %jit3A_592 = arith.constant 4 : i32
          %eq3A_593 = arith.constant 0 : i32
          %eq3A_594 = arith.cmpi eq, %jit3A_592, %eq3A_593 : i32
          %jit3A_595 = arith.constant 1 : i32
          %select_n3A_596 = arith.select %eq3A_594, %jit3A_595, %jit3A_592 : i32
          %rem3A_597 = arith.remsi %sub3A_591, %select_n3A_596 : i32
          %ne3A_598 = arith.constant 0 : i32
          %ne3A_599 = arith.cmpi ne, %rem3A_597, %ne3A_598 : i32
          %lt3A_600 = arith.constant 0 : i32
          %lt3A_601 = arith.cmpi slt, %rem3A_597, %lt3A_600 : i32
          %lt3A_602 = arith.constant 0 : i32
          %lt3A_603 = arith.cmpi slt, %select_n3A_596, %lt3A_602 : i32
          %ne3A_604 = arith.xori %lt3A_601, %lt3A_603 : i1
          %and3A_605 = arith.andi %ne3A_604, %ne3A_599 : i1
          %add3A_606 = arith.addi %rem3A_597, %select_n3A_596 : i32
          %select_n3A_607 = arith.select %and3A_605, %add3A_606, %rem3A_597 : i32
          %dma_wait3A_608 = arith.constant 1 : i32
          %dma_wait3A_609 = arith.constant 0 : i32
          %dma_wait3A_610 = arith.constant 0 : i32
          %dma_wait3A_611 = tpu.memref_slice %arg15[%dma_wait3A_608, %dma_wait3A_609, %dma_wait3A_610] : memref<2x80x128xf32, #tpu.memory_space<vmem>> -> memref<1x80x128xf32, #tpu.memory_space<vmem>>
          %dma_wait3A_612 = tpu.memref_squeeze %dma_wait3A_611 : memref<1x80x128xf32, #tpu.memory_space<vmem>> -> memref<80x128xf32, #tpu.memory_space<vmem>>
          %dma_wait3A_613 = arith.constant 0 : i32
          %dma_wait3A_614 = tpu.memref_slice %arg13[%select_n3A_607, %dma_wait3A_613] : memref<4x80xi32, #tpu.memory_space<vmem>> -> memref<1x80xi32, #tpu.memory_space<vmem>>
          %dma_wait3A_615 = tpu.memref_squeeze %dma_wait3A_614 : memref<1x80xi32, #tpu.memory_space<vmem>> -> memref<80xi32, #tpu.memory_space<vmem>>
          %dma_wait3A_616 = arith.constant 0 : i32
          %dma_wait3A_617 = arith.constant 0 : i32
          %dma_wait3A_618 = tpu.memref_slice %arg10[%dma_wait3A_616, %dma_wait3A_617] : memref<10000x128xf32, #tpu.memory_space<vmem_shared>> -> memref<10000x128xf32, #tpu.memory_space<vmem_shared>>
          tpu.wait_indirect_dma semaphore(%arg21 : memref<!tpu.dma_semaphore, #tpu.memory_space<semaphore_mem>>) src(%dma_wait3A_612 : memref<80x128xf32, #tpu.memory_space<vmem>>) dst(%dma_wait3A_618 : memref<10000x128xf32, #tpu.memory_space<vmem_shared>>)
        } else {
        }
        %mul3A_258 = arith.constant 80 : i32
        %mul3A_259 = arith.muli %add3A_214, %mul3A_258 : i32
        %add3A_260 = arith.addi %mul3A_40, %mul3A_259 : i32
        %jit3A_261 = arith.constant 4 : i32
        %eq3A_262 = arith.constant 0 : i32
        %eq3A_263 = arith.cmpi eq, %jit3A_261, %eq3A_262 : i32
        %jit3A_264 = arith.constant 1 : i32
        %select_n3A_265 = arith.select %eq3A_263, %jit3A_264, %jit3A_261 : i32
        %rem3A_266 = arith.remsi %add3A_214, %select_n3A_265 : i32
        %ne3A_267 = arith.constant 0 : i32
        %ne3A_268 = arith.cmpi ne, %rem3A_266, %ne3A_267 : i32
        %lt3A_269 = arith.constant 0 : i32
        %lt3A_270 = arith.cmpi slt, %rem3A_266, %lt3A_269 : i32
        %lt3A_271 = arith.constant 0 : i32
        %lt3A_272 = arith.cmpi slt, %select_n3A_265, %lt3A_271 : i32
        %ne3A_273 = arith.xori %lt3A_270, %lt3A_272 : i1
        %and3A_274 = arith.andi %ne3A_273, %ne3A_268 : i1
        %add3A_275 = arith.addi %rem3A_266, %select_n3A_265 : i32
        %select_n3A_276 = arith.select %and3A_274, %add3A_275, %rem3A_266 : i32
        %dma_wait3A_277 = arith.constant 0 : i32
        %dma_wait3A_278 = tpu.memref_slice %arg12[%select_n3A_276, %dma_wait3A_277] : memref<4x80xi32, #tpu.memory_space<vmem>> -> memref<1x80xi32, #tpu.memory_space<vmem>>
        %dma_wait3A_279 = tpu.memref_squeeze %dma_wait3A_278 : memref<1x80xi32, #tpu.memory_space<vmem>> -> memref<80xi32, #tpu.memory_space<vmem>>
        %dma_wait3A_280 = tpu.memref_slice %arg5[%add3A_260] : memref<160000xi32, #tpu.memory_space<hbm>> -> memref<80xi32, #tpu.memory_space<hbm>>
        %dma_wait3A_281 = arith.constant 0 : i32
        %dma_wait3A_282 = tpu.memref_slice %arg12[%select_n3A_276, %dma_wait3A_281] : memref<4x80xi32, #tpu.memory_space<vmem>> -> memref<1x80xi32, #tpu.memory_space<vmem>>
        %dma_wait3A_283 = tpu.memref_squeeze %dma_wait3A_282 : memref<1x80xi32, #tpu.memory_space<vmem>> -> memref<80xi32, #tpu.memory_space<vmem>>
        %dma_wait3A_284 = tpu.memref_slice %arg5[%add3A_260] : memref<160000xi32, #tpu.memory_space<hbm>> -> memref<80xi32, #tpu.memory_space<hbm>>
        tpu.wait_dma2 semaphore(%arg23 : memref<!tpu.dma_semaphore, #tpu.memory_space<semaphore_mem>>) src(%dma_wait3A_284 : memref<80xi32, #tpu.memory_space<hbm>>) dst(%dma_wait3A_283 : memref<80xi32, #tpu.memory_space<vmem>>)
        %dma_wait3A_285 = arith.constant 0 : i32
        %dma_wait3A_286 = tpu.memref_slice %arg13[%select_n3A_276, %dma_wait3A_285] : memref<4x80xi32, #tpu.memory_space<vmem>> -> memref<1x80xi32, #tpu.memory_space<vmem>>
        %dma_wait3A_287 = tpu.memref_squeeze %dma_wait3A_286 : memref<1x80xi32, #tpu.memory_space<vmem>> -> memref<80xi32, #tpu.memory_space<vmem>>
        %dma_wait3A_288 = tpu.memref_slice %arg6[%add3A_260] : memref<160000xi32, #tpu.memory_space<hbm>> -> memref<80xi32, #tpu.memory_space<hbm>>
        %dma_wait3A_289 = arith.constant 0 : i32
        %dma_wait3A_290 = tpu.memref_slice %arg13[%select_n3A_276, %dma_wait3A_289] : memref<4x80xi32, #tpu.memory_space<vmem>> -> memref<1x80xi32, #tpu.memory_space<vmem>>
        %dma_wait3A_291 = tpu.memref_squeeze %dma_wait3A_290 : memref<1x80xi32, #tpu.memory_space<vmem>> -> memref<80xi32, #tpu.memory_space<vmem>>
        %dma_wait3A_292 = tpu.memref_slice %arg6[%add3A_260] : memref<160000xi32, #tpu.memory_space<hbm>> -> memref<80xi32, #tpu.memory_space<hbm>>
        tpu.wait_dma2 semaphore(%arg23 : memref<!tpu.dma_semaphore, #tpu.memory_space<semaphore_mem>>) src(%dma_wait3A_292 : memref<80xi32, #tpu.memory_space<hbm>>) dst(%dma_wait3A_291 : memref<80xi32, #tpu.memory_space<vmem>>)
        %jit3A_293 = arith.constant 4 : i32
        %eq3A_294 = arith.constant 0 : i32
        %eq3A_295 = arith.cmpi eq, %jit3A_293, %eq3A_294 : i32
        %jit3A_296 = arith.constant 1 : i32
        %select_n3A_297 = arith.select %eq3A_295, %jit3A_296, %jit3A_293 : i32
        %rem3A_298 = arith.remsi %add3A_214, %select_n3A_297 : i32
        %ne3A_299 = arith.constant 0 : i32
        %ne3A_300 = arith.cmpi ne, %rem3A_298, %ne3A_299 : i32
        %lt3A_301 = arith.constant 0 : i32
        %lt3A_302 = arith.cmpi slt, %rem3A_298, %lt3A_301 : i32
        %lt3A_303 = arith.constant 0 : i32
        %lt3A_304 = arith.cmpi slt, %select_n3A_297, %lt3A_303 : i32
        %ne3A_305 = arith.xori %lt3A_302, %lt3A_304 : i1
        %and3A_306 = arith.andi %ne3A_305, %ne3A_300 : i1
        %add3A_307 = arith.addi %rem3A_298, %select_n3A_297 : i32
        %select_n3A_308 = arith.select %and3A_306, %add3A_307, %rem3A_298 : i32
        %dma_start3A_309 = arith.constant 1 : i32
        %dma_start3A_310 = arith.constant 0 : i32
        %dma_start3A_311 = arith.constant 0 : i32
        %dma_start3A_312 = tpu.memref_slice %arg14[%dma_start3A_309, %dma_start3A_310, %dma_start3A_311] : memref<2x80x128xf32, #tpu.memory_space<vmem>> -> memref<1x80x128xf32, #tpu.memory_space<vmem>>
        %dma_start3A_313 = tpu.memref_squeeze %dma_start3A_312 : memref<1x80x128xf32, #tpu.memory_space<vmem>> -> memref<80x128xf32, #tpu.memory_space<vmem>>
        %dma_start3A_314 = arith.constant 0 : i32
        %dma_start3A_315 = tpu.memref_slice %arg12[%select_n3A_308, %dma_start3A_314] : memref<4x80xi32, #tpu.memory_space<vmem>> -> memref<1x80xi32, #tpu.memory_space<vmem>>
        %dma_start3A_316 = tpu.memref_squeeze %dma_start3A_315 : memref<1x80xi32, #tpu.memory_space<vmem>> -> memref<80xi32, #tpu.memory_space<vmem>>
        %dma_start3A_317 = arith.constant 0 : i32
        %dma_start3A_318 = arith.constant 0 : i32
        %dma_start3A_319 = tpu.memref_slice %arg3[%dma_start3A_317, %dma_start3A_318] : memref<10000x128xf32, #tpu.memory_space<hbm>> -> memref<10000x128xf32, #tpu.memory_space<hbm>>
        tpu.enqueue_indirect_dma source(%dma_start3A_319 : memref<10000x128xf32, #tpu.memory_space<hbm>>) target(%dma_start3A_313 : memref<80x128xf32, #tpu.memory_space<vmem>>) offsets(%dma_start3A_316 : memref<80xi32, #tpu.memory_space<vmem>>) semaphore(%arg19 : memref<!tpu.dma_semaphore, #tpu.memory_space<semaphore_mem>>)
        %mul3A_320 = arith.constant 80 : i32
        %mul3A_321 = arith.muli %add3A_214, %mul3A_320 : i32
        %add3A_322 = arith.addi %mul3A_40, %mul3A_321 : i32
        %dma_start3A_323 = arith.constant 1 : i32
        %dma_start3A_324 = arith.constant 0 : i32
        %dma_start3A_325 = arith.constant 0 : i32
        %dma_start3A_326 = tpu.memref_slice %arg15[%dma_start3A_323, %dma_start3A_324, %dma_start3A_325] : memref<2x80x128xf32, #tpu.memory_space<vmem>> -> memref<1x80x128xf32, #tpu.memory_space<vmem>>
        %dma_start3A_327 = tpu.memref_squeeze %dma_start3A_326 : memref<1x80x128xf32, #tpu.memory_space<vmem>> -> memref<80x128xf32, #tpu.memory_space<vmem>>
        %dma_start3A_328 = arith.constant 128 : i32
        %dma_start3A_329 = tpu.memref_slice %arg4[%add3A_322, %dma_start3A_328] : memref<160000x256xf32, #tpu.memory_space<hbm>> -> memref<80x128xf32, #tpu.memory_space<hbm>>
        %dma_start3A_330 = arith.constant 0 : i32
        %dma_start3A_331 = arith.constant 0 : i32
        %dma_start3A_332 = tpu.memref_slice %arg15[%dma_start3A_323, %dma_start3A_330, %dma_start3A_331] : memref<2x80x128xf32, #tpu.memory_space<vmem>> -> memref<1x80x128xf32, #tpu.memory_space<vmem>>
        %dma_start3A_333 = tpu.memref_squeeze %dma_start3A_332 : memref<1x80x128xf32, #tpu.memory_space<vmem>> -> memref<80x128xf32, #tpu.memory_space<vmem>>
        %dma_start3A_334 = arith.constant 128 : i32
        %dma_start3A_335 = tpu.memref_slice %arg4[%add3A_322, %dma_start3A_334] : memref<160000x256xf32, #tpu.memory_space<hbm>> -> memref<80x128xf32, #tpu.memory_space<hbm>>
        tpu.enqueue_dma source(%dma_start3A_335 : memref<80x128xf32, #tpu.memory_space<hbm>>) target(%dma_start3A_333 : memref<80x128xf32, #tpu.memory_space<vmem>>) target_semaphore(%arg19 : memref<!tpu.dma_semaphore, #tpu.memory_space<semaphore_mem>>)
        %add3A_336 = arith.constant 2 : i32
        %add3A_337 = arith.addi %mul3A_212, %add3A_336 : i32
        %mul3A_338 = arith.constant 80 : i32
        %mul3A_339 = arith.muli %add3A_337, %mul3A_338 : i32
        %add3A_340 = arith.addi %mul3A_40, %mul3A_339 : i32
        %jit3A_341 = arith.constant 4 : i32
        %eq3A_342 = arith.constant 0 : i32
        %eq3A_343 = arith.cmpi eq, %jit3A_341, %eq3A_342 : i32
        %jit3A_344 = arith.constant 1 : i32
        %select_n3A_345 = arith.select %eq3A_343, %jit3A_344, %jit3A_341 : i32
        %rem3A_346 = arith.remsi %add3A_337, %select_n3A_345 : i32
        %ne3A_347 = arith.constant 0 : i32
        %ne3A_348 = arith.cmpi ne, %rem3A_346, %ne3A_347 : i32
        %lt3A_349 = arith.constant 0 : i32
        %lt3A_350 = arith.cmpi slt, %rem3A_346, %lt3A_349 : i32
        %lt3A_351 = arith.constant 0 : i32
        %lt3A_352 = arith.cmpi slt, %select_n3A_345, %lt3A_351 : i32
        %ne3A_353 = arith.xori %lt3A_350, %lt3A_352 : i1
        %and3A_354 = arith.andi %ne3A_353, %ne3A_348 : i1
        %add3A_355 = arith.addi %rem3A_346, %select_n3A_345 : i32
        %select_n3A_356 = arith.select %and3A_354, %add3A_355, %rem3A_346 : i32
        %dma_start3A_357 = arith.constant 0 : i32
        %dma_start3A_358 = tpu.memref_slice %arg12[%select_n3A_356, %dma_start3A_357] : memref<4x80xi32, #tpu.memory_space<vmem>> -> memref<1x80xi32, #tpu.memory_space<vmem>>
        %dma_start3A_359 = tpu.memref_squeeze %dma_start3A_358 : memref<1x80xi32, #tpu.memory_space<vmem>> -> memref<80xi32, #tpu.memory_space<vmem>>
        %dma_start3A_360 = tpu.memref_slice %arg5[%add3A_340] : memref<160000xi32, #tpu.memory_space<hbm>> -> memref<80xi32, #tpu.memory_space<hbm>>
        %dma_start3A_361 = arith.constant 0 : i32
        %dma_start3A_362 = tpu.memref_slice %arg12[%select_n3A_356, %dma_start3A_361] : memref<4x80xi32, #tpu.memory_space<vmem>> -> memref<1x80xi32, #tpu.memory_space<vmem>>
        %dma_start3A_363 = tpu.memref_squeeze %dma_start3A_362 : memref<1x80xi32, #tpu.memory_space<vmem>> -> memref<80xi32, #tpu.memory_space<vmem>>
        %dma_start3A_364 = tpu.memref_slice %arg5[%add3A_340] : memref<160000xi32, #tpu.memory_space<hbm>> -> memref<80xi32, #tpu.memory_space<hbm>>
        tpu.enqueue_dma source(%dma_start3A_364 : memref<80xi32, #tpu.memory_space<hbm>>) target(%dma_start3A_363 : memref<80xi32, #tpu.memory_space<vmem>>) target_semaphore(%arg22 : memref<!tpu.dma_semaphore, #tpu.memory_space<semaphore_mem>>)
        %dma_start3A_365 = arith.constant 0 : i32
        %dma_start3A_366 = tpu.memref_slice %arg13[%select_n3A_356, %dma_start3A_365] : memref<4x80xi32, #tpu.memory_space<vmem>> -> memref<1x80xi32, #tpu.memory_space<vmem>>
        %dma_start3A_367 = tpu.memref_squeeze %dma_start3A_366 : memref<1x80xi32, #tpu.memory_space<vmem>> -> memref<80xi32, #tpu.memory_space<vmem>>
        %dma_start3A_368 = tpu.memref_slice %arg6[%add3A_340] : memref<160000xi32, #tpu.memory_space<hbm>> -> memref<80xi32, #tpu.memory_space<hbm>>
        %dma_start3A_369 = arith.constant 0 : i32
        %dma_start3A_370 = tpu.memref_slice %arg13[%select_n3A_356, %dma_start3A_369] : memref<4x80xi32, #tpu.memory_space<vmem>> -> memref<1x80xi32, #tpu.memory_space<vmem>>
        %dma_start3A_371 = tpu.memref_squeeze %dma_start3A_370 : memref<1x80xi32, #tpu.memory_space<vmem>> -> memref<80xi32, #tpu.memory_space<vmem>>
        %dma_start3A_372 = tpu.memref_slice %arg6[%add3A_340] : memref<160000xi32, #tpu.memory_space<hbm>> -> memref<80xi32, #tpu.memory_space<hbm>>
        tpu.enqueue_dma source(%dma_start3A_372 : memref<80xi32, #tpu.memory_space<hbm>>) target(%dma_start3A_371 : memref<80xi32, #tpu.memory_space<vmem>>) target_semaphore(%arg22 : memref<!tpu.dma_semaphore, #tpu.memory_space<semaphore_mem>>)
        %parallel_loop3A_373 = arith.constant 0 : i32
        %parallel_loop3A_374 = arith.constant 80 : i32
        %parallel_loop3A_375 = arith.constant 1 : i32
        scf.for %parallel_loop3A_591 = %parallel_loop3A_373 to %parallel_loop3A_374 step %parallel_loop3A_375  : i32 {
          %parallel_loop3A_592 = arith.constant 0 : i32
          %parallel_loop3A_593 = arith.index_cast %parallel_loop3A_592 : i32 to index
          %parallel_loop3A_594 = arith.index_cast %parallel_loop3A_591 : i32 to index
          %parallel_loop3A_595 = arith.constant 0 : index
          %parallel_loop3A_596 = tpu.vector_load %arg15[%parallel_loop3A_593, %parallel_loop3A_594, %parallel_loop3A_595] {strides = array<i32>} : memref<2x80x128xf32, #tpu.memory_space<vmem>>, vector<1x1x16xf32>,
          %parallel_loop3A_597 = vector.shape_cast %parallel_loop3A_596 : vector<1x1x16xf32> to vector<16xf32>
          %parallel_loop3A_598 = arith.constant 0 : i32
          %parallel_loop3A_599 = arith.index_cast %parallel_loop3A_598 : i32 to index
          %parallel_loop3A_600 = arith.index_cast %parallel_loop3A_591 : i32 to index
          %parallel_loop3A_601 = arith.constant 0 : index
          %parallel_loop3A_602 = tpu.vector_load %arg14[%parallel_loop3A_599, %parallel_loop3A_600, %parallel_loop3A_601] {strides = array<i32>} : memref<2x80x128xf32, #tpu.memory_space<vmem>>, vector<1x1x16xf32>,
          %parallel_loop3A_603 = vector.shape_cast %parallel_loop3A_602 : vector<1x1x16xf32> to vector<16xf32>
          %parallel_loop3A_604 = arith.addf %parallel_loop3A_597, %parallel_loop3A_603 : vector<16xf32>
          %parallel_loop3A_605 = arith.constant 0.000000e+00 : f32
          %parallel_loop3A_606 = vector.broadcast %parallel_loop3A_605 : f32 to vector<16xf32>
          %parallel_loop3A_607 = arith.maximumf %parallel_loop3A_604, %parallel_loop3A_606 : vector<16xf32>
          %parallel_loop3A_608 = arith.constant 0 : i32
          %parallel_loop3A_609 = arith.index_cast %parallel_loop3A_608 : i32 to index
          %parallel_loop3A_610 = arith.index_cast %parallel_loop3A_591 : i32 to index
          %parallel_loop3A_611 = arith.constant 0 : index
          %parallel_loop3A_612 = tpu.vector_load %arg15[%parallel_loop3A_609, %parallel_loop3A_610, %parallel_loop3A_611] {strides = array<i32>} : memref<2x80x128xf32, #tpu.memory_space<vmem>>, vector<1x1x16xf32>,
          %parallel_loop3A_613 = vector.shape_cast %parallel_loop3A_612 : vector<1x1x16xf32> to vector<16xf32>
          %parallel_loop3A_614 = vector.shape_cast %parallel_loop3A_607 : vector<16xf32> to vector<1x1x16xf32>
          tpu.vector_store %arg15[%parallel_loop3A_609, %parallel_loop3A_610, %parallel_loop3A_611], %parallel_loop3A_614 {strides = array<i32>} : memref<2x80x128xf32, #tpu.memory_space<vmem>>, vector<1x1x16xf32>,
          %parallel_loop3A_615 = arith.constant 0 : i32
          %parallel_loop3A_616 = arith.index_cast %parallel_loop3A_615 : i32 to index
          %parallel_loop3A_617 = arith.index_cast %parallel_loop3A_591 : i32 to index
          %parallel_loop3A_618 = arith.constant 16 : index
          %parallel_loop3A_619 = tpu.vector_load %arg15[%parallel_loop3A_616, %parallel_loop3A_617, %parallel_loop3A_618] {strides = array<i32>} : memref<2x80x128xf32, #tpu.memory_space<vmem>>, vector<1x1x16xf32>,
          %parallel_loop3A_620 = vector.shape_cast %parallel_loop3A_619 : vector<1x1x16xf32> to vector<16xf32>
          %parallel_loop3A_621 = arith.constant 0 : i32
          %parallel_loop3A_622 = arith.index_cast %parallel_loop3A_621 : i32 to index
          %parallel_loop3A_623 = arith.index_cast %parallel_loop3A_591 : i32 to index
          %parallel_loop3A_624 = arith.constant 16 : index
          %parallel_loop3A_625 = tpu.vector_load %arg14[%parallel_loop3A_622, %parallel_loop3A_623, %parallel_loop3A_624] {strides = array<i32>} : memref<2x80x128xf32, #tpu.memory_space<vmem>>, vector<1x1x16xf32>,
          %parallel_loop3A_626 = vector.shape_cast %parallel_loop3A_625 : vector<1x1x16xf32> to vector<16xf32>
          %parallel_loop3A_627 = arith.addf %parallel_loop3A_620, %parallel_loop3A_626 : vector<16xf32>
          %parallel_loop3A_628 = arith.constant 0.000000e+00 : f32
          %parallel_loop3A_629 = vector.broadcast %parallel_loop3A_628 : f32 to vector<16xf32>
          %parallel_loop3A_630 = arith.maximumf %parallel_loop3A_627, %parallel_loop3A_629 : vector<16xf32>
          %parallel_loop3A_631 = arith.constant 0 : i32
          %parallel_loop3A_632 = arith.index_cast %parallel_loop3A_631 : i32 to index
          %parallel_loop3A_633 = arith.index_cast %parallel_loop3A_591 : i32 to index
          %parallel_loop3A_634 = arith.constant 16 : index
          %parallel_loop3A_635 = tpu.vector_load %arg15[%parallel_loop3A_632, %parallel_loop3A_633, %parallel_loop3A_634] {strides = array<i32>} : memref<2x80x128xf32, #tpu.memory_space<vmem>>, vector<1x1x16xf32>,
          %parallel_loop3A_636 = vector.shape_cast %parallel_loop3A_635 : vector<1x1x16xf32> to vector<16xf32>
          %parallel_loop3A_637 = vector.shape_cast %parallel_loop3A_630 : vector<16xf32> to vector<1x1x16xf32>
          tpu.vector_store %arg15[%parallel_loop3A_632, %parallel_loop3A_633, %parallel_loop3A_634], %parallel_loop3A_637 {strides = array<i32>} : memref<2x80x128xf32, #tpu.memory_space<vmem>>, vector<1x1x16xf32>,
          %parallel_loop3A_638 = arith.constant 0 : i32
          %parallel_loop3A_639 = arith.index_cast %parallel_loop3A_638 : i32 to index
          %parallel_loop3A_640 = arith.index_cast %parallel_loop3A_591 : i32 to index
          %parallel_loop3A_641 = arith.constant 32 : index
          %parallel_loop3A_642 = tpu.vector_load %arg15[%parallel_loop3A_639, %parallel_loop3A_640, %parallel_loop3A_641] {strides = array<i32>} : memref<2x80x128xf32, #tpu.memory_space<vmem>>, vector<1x1x16xf32>,
          %parallel_loop3A_643 = vector.shape_cast %parallel_loop3A_642 : vector<1x1x16xf32> to vector<16xf32>
          %parallel_loop3A_644 = arith.constant 0 : i32
          %parallel_loop3A_645 = arith.index_cast %parallel_loop3A_644 : i32 to index
          %parallel_loop3A_646 = arith.index_cast %parallel_loop3A_591 : i32 to index
          %parallel_loop3A_647 = arith.constant 32 : index
          %parallel_loop3A_648 = tpu.vector_load %arg14[%parallel_loop3A_645, %parallel_loop3A_646, %parallel_loop3A_647] {strides = array<i32>} : memref<2x80x128xf32, #tpu.memory_space<vmem>>, vector<1x1x16xf32>,
          %parallel_loop3A_649 = vector.shape_cast %parallel_loop3A_648 : vector<1x1x16xf32> to vector<16xf32>
          %parallel_loop3A_650 = arith.addf %parallel_loop3A_643, %parallel_loop3A_649 : vector<16xf32>
          %parallel_loop3A_651 = arith.constant 0.000000e+00 : f32
          %parallel_loop3A_652 = vector.broadcast %parallel_loop3A_651 : f32 to vector<16xf32>
          %parallel_loop3A_653 = arith.maximumf %parallel_loop3A_650, %parallel_loop3A_652 : vector<16xf32>
          %parallel_loop3A_654 = arith.constant 0 : i32
          %parallel_loop3A_655 = arith.index_cast %parallel_loop3A_654 : i32 to index
          %parallel_loop3A_656 = arith.index_cast %parallel_loop3A_591 : i32 to index
          %parallel_loop3A_657 = arith.constant 32 : index
          %parallel_loop3A_658 = tpu.vector_load %arg15[%parallel_loop3A_655, %parallel_loop3A_656, %parallel_loop3A_657] {strides = array<i32>} : memref<2x80x128xf32, #tpu.memory_space<vmem>>, vector<1x1x16xf32>,
          %parallel_loop3A_659 = vector.shape_cast %parallel_loop3A_658 : vector<1x1x16xf32> to vector<16xf32>
          %parallel_loop3A_660 = vector.shape_cast %parallel_loop3A_653 : vector<16xf32> to vector<1x1x16xf32>
          tpu.vector_store %arg15[%parallel_loop3A_655, %parallel_loop3A_656, %parallel_loop3A_657], %parallel_loop3A_660 {strides = array<i32>} : memref<2x80x128xf32, #tpu.memory_space<vmem>>, vector<1x1x16xf32>,
          %parallel_loop3A_661 = arith.constant 0 : i32
          %parallel_loop3A_662 = arith.index_cast %parallel_loop3A_661 : i32 to index
          %parallel_loop3A_663 = arith.index_cast %parallel_loop3A_591 : i32 to index
          %parallel_loop3A_664 = arith.constant 48 : index
          %parallel_loop3A_665 = tpu.vector_load %arg15[%parallel_loop3A_662, %parallel_loop3A_663, %parallel_loop3A_664] {strides = array<i32>} : memref<2x80x128xf32, #tpu.memory_space<vmem>>, vector<1x1x16xf32>,
          %parallel_loop3A_666 = vector.shape_cast %parallel_loop3A_665 : vector<1x1x16xf32> to vector<16xf32>
          %parallel_loop3A_667 = arith.constant 0 : i32
          %parallel_loop3A_668 = arith.index_cast %parallel_loop3A_667 : i32 to index
          %parallel_loop3A_669 = arith.index_cast %parallel_loop3A_591 : i32 to index
          %parallel_loop3A_670 = arith.constant 48 : index
          %parallel_loop3A_671 = tpu.vector_load %arg14[%parallel_loop3A_668, %parallel_loop3A_669, %parallel_loop3A_670] {strides = array<i32>} : memref<2x80x128xf32, #tpu.memory_space<vmem>>, vector<1x1x16xf32>,
          %parallel_loop3A_672 = vector.shape_cast %parallel_loop3A_671 : vector<1x1x16xf32> to vector<16xf32>
          %parallel_loop3A_673 = arith.addf %parallel_loop3A_666, %parallel_loop3A_672 : vector<16xf32>
          %parallel_loop3A_674 = arith.constant 0.000000e+00 : f32
          %parallel_loop3A_675 = vector.broadcast %parallel_loop3A_674 : f32 to vector<16xf32>
          %parallel_loop3A_676 = arith.maximumf %parallel_loop3A_673, %parallel_loop3A_675 : vector<16xf32>
          %parallel_loop3A_677 = arith.constant 0 : i32
          %parallel_loop3A_678 = arith.index_cast %parallel_loop3A_677 : i32 to index
          %parallel_loop3A_679 = arith.index_cast %parallel_loop3A_591 : i32 to index
          %parallel_loop3A_680 = arith.constant 48 : index
          %parallel_loop3A_681 = tpu.vector_load %arg15[%parallel_loop3A_678, %parallel_loop3A_679, %parallel_loop3A_680] {strides = array<i32>} : memref<2x80x128xf32, #tpu.memory_space<vmem>>, vector<1x1x16xf32>,
          %parallel_loop3A_682 = vector.shape_cast %parallel_loop3A_681 : vector<1x1x16xf32> to vector<16xf32>
          %parallel_loop3A_683 = vector.shape_cast %parallel_loop3A_676 : vector<16xf32> to vector<1x1x16xf32>
          tpu.vector_store %arg15[%parallel_loop3A_678, %parallel_loop3A_679, %parallel_loop3A_680], %parallel_loop3A_683 {strides = array<i32>} : memref<2x80x128xf32, #tpu.memory_space<vmem>>, vector<1x1x16xf32>,
          %parallel_loop3A_684 = arith.constant 0 : i32
          %parallel_loop3A_685 = arith.index_cast %parallel_loop3A_684 : i32 to index
          %parallel_loop3A_686 = arith.index_cast %parallel_loop3A_591 : i32 to index
          %parallel_loop3A_687 = arith.constant 64 : index
          %parallel_loop3A_688 = tpu.vector_load %arg15[%parallel_loop3A_685, %parallel_loop3A_686, %parallel_loop3A_687] {strides = array<i32>} : memref<2x80x128xf32, #tpu.memory_space<vmem>>, vector<1x1x16xf32>,
          %parallel_loop3A_689 = vector.shape_cast %parallel_loop3A_688 : vector<1x1x16xf32> to vector<16xf32>
          %parallel_loop3A_690 = arith.constant 0 : i32
          %parallel_loop3A_691 = arith.index_cast %parallel_loop3A_690 : i32 to index
          %parallel_loop3A_692 = arith.index_cast %parallel_loop3A_591 : i32 to index
          %parallel_loop3A_693 = arith.constant 64 : index
          %parallel_loop3A_694 = tpu.vector_load %arg14[%parallel_loop3A_691, %parallel_loop3A_692, %parallel_loop3A_693] {strides = array<i32>} : memref<2x80x128xf32, #tpu.memory_space<vmem>>, vector<1x1x16xf32>,
          %parallel_loop3A_695 = vector.shape_cast %parallel_loop3A_694 : vector<1x1x16xf32> to vector<16xf32>
          %parallel_loop3A_696 = arith.addf %parallel_loop3A_689, %parallel_loop3A_695 : vector<16xf32>
          %parallel_loop3A_697 = arith.constant 0.000000e+00 : f32
          %parallel_loop3A_698 = vector.broadcast %parallel_loop3A_697 : f32 to vector<16xf32>
          %parallel_loop3A_699 = arith.maximumf %parallel_loop3A_696, %parallel_loop3A_698 : vector<16xf32>
          %parallel_loop3A_700 = arith.constant 0 : i32
          %parallel_loop3A_701 = arith.index_cast %parallel_loop3A_700 : i32 to index
          %parallel_loop3A_702 = arith.index_cast %parallel_loop3A_591 : i32 to index
          %parallel_loop3A_703 = arith.constant 64 : index
          %parallel_loop3A_704 = tpu.vector_load %arg15[%parallel_loop3A_701, %parallel_loop3A_702, %parallel_loop3A_703] {strides = array<i32>} : memref<2x80x128xf32, #tpu.memory_space<vmem>>, vector<1x1x16xf32>,
          %parallel_loop3A_705 = vector.shape_cast %parallel_loop3A_704 : vector<1x1x16xf32> to vector<16xf32>
          %parallel_loop3A_706 = vector.shape_cast %parallel_loop3A_699 : vector<16xf32> to vector<1x1x16xf32>
          tpu.vector_store %arg15[%parallel_loop3A_701, %parallel_loop3A_702, %parallel_loop3A_703], %parallel_loop3A_706 {strides = array<i32>} : memref<2x80x128xf32, #tpu.memory_space<vmem>>, vector<1x1x16xf32>,
          %parallel_loop3A_707 = arith.constant 0 : i32
          %parallel_loop3A_708 = arith.index_cast %parallel_loop3A_707 : i32 to index
          %parallel_loop3A_709 = arith.index_cast %parallel_loop3A_591 : i32 to index
          %parallel_loop3A_710 = arith.constant 80 : index
          %parallel_loop3A_711 = tpu.vector_load %arg15[%parallel_loop3A_708, %parallel_loop3A_709, %parallel_loop3A_710] {strides = array<i32>} : memref<2x80x128xf32, #tpu.memory_space<vmem>>, vector<1x1x16xf32>,
          %parallel_loop3A_712 = vector.shape_cast %parallel_loop3A_711 : vector<1x1x16xf32> to vector<16xf32>
          %parallel_loop3A_713 = arith.constant 0 : i32
          %parallel_loop3A_714 = arith.index_cast %parallel_loop3A_713 : i32 to index
          %parallel_loop3A_715 = arith.index_cast %parallel_loop3A_591 : i32 to index
          %parallel_loop3A_716 = arith.constant 80 : index
          %parallel_loop3A_717 = tpu.vector_load %arg14[%parallel_loop3A_714, %parallel_loop3A_715, %parallel_loop3A_716] {strides = array<i32>} : memref<2x80x128xf32, #tpu.memory_space<vmem>>, vector<1x1x16xf32>,
          %parallel_loop3A_718 = vector.shape_cast %parallel_loop3A_717 : vector<1x1x16xf32> to vector<16xf32>
          %parallel_loop3A_719 = arith.addf %parallel_loop3A_712, %parallel_loop3A_718 : vector<16xf32>
          %parallel_loop3A_720 = arith.constant 0.000000e+00 : f32
          %parallel_loop3A_721 = vector.broadcast %parallel_loop3A_720 : f32 to vector<16xf32>
          %parallel_loop3A_722 = arith.maximumf %parallel_loop3A_719, %parallel_loop3A_721 : vector<16xf32>
          %parallel_loop3A_723 = arith.constant 0 : i32
          %parallel_loop3A_724 = arith.index_cast %parallel_loop3A_723 : i32 to index
          %parallel_loop3A_725 = arith.index_cast %parallel_loop3A_591 : i32 to index
          %parallel_loop3A_726 = arith.constant 80 : index
          %parallel_loop3A_727 = tpu.vector_load %arg15[%parallel_loop3A_724, %parallel_loop3A_725, %parallel_loop3A_726] {strides = array<i32>} : memref<2x80x128xf32, #tpu.memory_space<vmem>>, vector<1x1x16xf32>,
          %parallel_loop3A_728 = vector.shape_cast %parallel_loop3A_727 : vector<1x1x16xf32> to vector<16xf32>
          %parallel_loop3A_729 = vector.shape_cast %parallel_loop3A_722 : vector<16xf32> to vector<1x1x16xf32>
          tpu.vector_store %arg15[%parallel_loop3A_724, %parallel_loop3A_725, %parallel_loop3A_726], %parallel_loop3A_729 {strides = array<i32>} : memref<2x80x128xf32, #tpu.memory_space<vmem>>, vector<1x1x16xf32>,
          %parallel_loop3A_730 = arith.constant 0 : i32
          %parallel_loop3A_731 = arith.index_cast %parallel_loop3A_730 : i32 to index
          %parallel_loop3A_732 = arith.index_cast %parallel_loop3A_591 : i32 to index
          %parallel_loop3A_733 = arith.constant 96 : index
          %parallel_loop3A_734 = tpu.vector_load %arg15[%parallel_loop3A_731, %parallel_loop3A_732, %parallel_loop3A_733] {strides = array<i32>} : memref<2x80x128xf32, #tpu.memory_space<vmem>>, vector<1x1x16xf32>,
          %parallel_loop3A_735 = vector.shape_cast %parallel_loop3A_734 : vector<1x1x16xf32> to vector<16xf32>
          %parallel_loop3A_736 = arith.constant 0 : i32
          %parallel_loop3A_737 = arith.index_cast %parallel_loop3A_736 : i32 to index
          %parallel_loop3A_738 = arith.index_cast %parallel_loop3A_591 : i32 to index
          %parallel_loop3A_739 = arith.constant 96 : index
          %parallel_loop3A_740 = tpu.vector_load %arg14[%parallel_loop3A_737, %parallel_loop3A_738, %parallel_loop3A_739] {strides = array<i32>} : memref<2x80x128xf32, #tpu.memory_space<vmem>>, vector<1x1x16xf32>,
          %parallel_loop3A_741 = vector.shape_cast %parallel_loop3A_740 : vector<1x1x16xf32> to vector<16xf32>
          %parallel_loop3A_742 = arith.addf %parallel_loop3A_735, %parallel_loop3A_741 : vector<16xf32>
          %parallel_loop3A_743 = arith.constant 0.000000e+00 : f32
          %parallel_loop3A_744 = vector.broadcast %parallel_loop3A_743 : f32 to vector<16xf32>
          %parallel_loop3A_745 = arith.maximumf %parallel_loop3A_742, %parallel_loop3A_744 : vector<16xf32>
          %parallel_loop3A_746 = arith.constant 0 : i32
          %parallel_loop3A_747 = arith.index_cast %parallel_loop3A_746 : i32 to index
          %parallel_loop3A_748 = arith.index_cast %parallel_loop3A_591 : i32 to index
          %parallel_loop3A_749 = arith.constant 96 : index
          %parallel_loop3A_750 = tpu.vector_load %arg15[%parallel_loop3A_747, %parallel_loop3A_748, %parallel_loop3A_749] {strides = array<i32>} : memref<2x80x128xf32, #tpu.memory_space<vmem>>, vector<1x1x16xf32>,
          %parallel_loop3A_751 = vector.shape_cast %parallel_loop3A_750 : vector<1x1x16xf32> to vector<16xf32>
          %parallel_loop3A_752 = vector.shape_cast %parallel_loop3A_745 : vector<16xf32> to vector<1x1x16xf32>
          tpu.vector_store %arg15[%parallel_loop3A_747, %parallel_loop3A_748, %parallel_loop3A_749], %parallel_loop3A_752 {strides = array<i32>} : memref<2x80x128xf32, #tpu.memory_space<vmem>>, vector<1x1x16xf32>,
          %parallel_loop3A_753 = arith.constant 0 : i32
          %parallel_loop3A_754 = arith.index_cast %parallel_loop3A_753 : i32 to index
          %parallel_loop3A_755 = arith.index_cast %parallel_loop3A_591 : i32 to index
          %parallel_loop3A_756 = arith.constant 112 : index
          %parallel_loop3A_757 = tpu.vector_load %arg15[%parallel_loop3A_754, %parallel_loop3A_755, %parallel_loop3A_756] {strides = array<i32>} : memref<2x80x128xf32, #tpu.memory_space<vmem>>, vector<1x1x16xf32>,
          %parallel_loop3A_758 = vector.shape_cast %parallel_loop3A_757 : vector<1x1x16xf32> to vector<16xf32>
          %parallel_loop3A_759 = arith.constant 0 : i32
          %parallel_loop3A_760 = arith.index_cast %parallel_loop3A_759 : i32 to index
          %parallel_loop3A_761 = arith.index_cast %parallel_loop3A_591 : i32 to index
          %parallel_loop3A_762 = arith.constant 112 : index
          %parallel_loop3A_763 = tpu.vector_load %arg14[%parallel_loop3A_760, %parallel_loop3A_761, %parallel_loop3A_762] {strides = array<i32>} : memref<2x80x128xf32, #tpu.memory_space<vmem>>, vector<1x1x16xf32>,
          %parallel_loop3A_764 = vector.shape_cast %parallel_loop3A_763 : vector<1x1x16xf32> to vector<16xf32>
          %parallel_loop3A_765 = arith.addf %parallel_loop3A_758, %parallel_loop3A_764 : vector<16xf32>
          %parallel_loop3A_766 = arith.constant 0.000000e+00 : f32
          %parallel_loop3A_767 = vector.broadcast %parallel_loop3A_766 : f32 to vector<16xf32>
          %parallel_loop3A_768 = arith.maximumf %parallel_loop3A_765, %parallel_loop3A_767 : vector<16xf32>
          %parallel_loop3A_769 = arith.constant 0 : i32
          %parallel_loop3A_770 = arith.index_cast %parallel_loop3A_769 : i32 to index
          %parallel_loop3A_771 = arith.index_cast %parallel_loop3A_591 : i32 to index
          %parallel_loop3A_772 = arith.constant 112 : index
          %parallel_loop3A_773 = tpu.vector_load %arg15[%parallel_loop3A_770, %parallel_loop3A_771, %parallel_loop3A_772] {strides = array<i32>} : memref<2x80x128xf32, #tpu.memory_space<vmem>>, vector<1x1x16xf32>,
          %parallel_loop3A_774 = vector.shape_cast %parallel_loop3A_773 : vector<1x1x16xf32> to vector<16xf32>
          %parallel_loop3A_775 = vector.shape_cast %parallel_loop3A_768 : vector<16xf32> to vector<1x1x16xf32>
          tpu.vector_store %arg15[%parallel_loop3A_770, %parallel_loop3A_771, %parallel_loop3A_772], %parallel_loop3A_775 {strides = array<i32>} : memref<2x80x128xf32, #tpu.memory_space<vmem>>, vector<1x1x16xf32>,
        } {sc.loop_unroll_factor = 4 : i64, sc.parallel_access}
        %jit3A_376 = arith.constant 4 : i32
        %eq3A_377 = arith.constant 0 : i32
        %eq3A_378 = arith.cmpi eq, %jit3A_376, %eq3A_377 : i32
        %jit3A_379 = arith.constant 1 : i32
        %select_n3A_380 = arith.select %eq3A_378, %jit3A_379, %jit3A_376 : i32
        %rem3A_381 = arith.remsi %mul3A_212, %select_n3A_380 : i32
        %ne3A_382 = arith.constant 0 : i32
        %ne3A_383 = arith.cmpi ne, %rem3A_381, %ne3A_382 : i32
        %lt3A_384 = arith.constant 0 : i32
        %lt3A_385 = arith.cmpi slt, %rem3A_381, %lt3A_384 : i32
        %lt3A_386 = arith.constant 0 : i32
        %lt3A_387 = arith.cmpi slt, %select_n3A_380, %lt3A_386 : i32
        %ne3A_388 = arith.xori %lt3A_385, %lt3A_387 : i1
        %and3A_389 = arith.andi %ne3A_388, %ne3A_383 : i1
        %add3A_390 = arith.addi %rem3A_381, %select_n3A_380 : i32
        %select_n3A_391 = arith.select %and3A_389, %add3A_390, %rem3A_381 : i32
        %dma_start3A_392 = arith.constant 0 : i32
        %dma_start3A_393 = arith.constant 0 : i32
        %dma_start3A_394 = arith.constant 0 : i32
        %dma_start3A_395 = tpu.memref_slice %arg15[%dma_start3A_392, %dma_start3A_393, %dma_start3A_394] : memref<2x80x128xf32, #tpu.memory_space<vmem>> -> memref<1x80x128xf32, #tpu.memory_space<vmem>>
        %dma_start3A_396 = tpu.memref_squeeze %dma_start3A_395 : memref<1x80x128xf32, #tpu.memory_space<vmem>> -> memref<80x128xf32, #tpu.memory_space<vmem>>
        %dma_start3A_397 = arith.constant 0 : i32
        %dma_start3A_398 = tpu.memref_slice %arg13[%select_n3A_391, %dma_start3A_397] : memref<4x80xi32, #tpu.memory_space<vmem>> -> memref<1x80xi32, #tpu.memory_space<vmem>>
        %dma_start3A_399 = tpu.memref_squeeze %dma_start3A_398 : memref<1x80xi32, #tpu.memory_space<vmem>> -> memref<80xi32, #tpu.memory_space<vmem>>
        %dma_start3A_400 = arith.constant 0 : i32
        %dma_start3A_401 = arith.constant 0 : i32
        %dma_start3A_402 = tpu.memref_slice %arg10[%dma_start3A_400, %dma_start3A_401] : memref<10000x128xf32, #tpu.memory_space<vmem_shared>> -> memref<10000x128xf32, #tpu.memory_space<vmem_shared>>
        tpu.enqueue_indirect_dma source(%dma_start3A_396 : memref<80x128xf32, #tpu.memory_space<vmem>>) target(%dma_start3A_402 : memref<10000x128xf32, #tpu.memory_space<vmem_shared>>) offsets(%dma_start3A_399 : memref<80xi32, #tpu.memory_space<vmem>>) semaphore(%arg20 : memref<!tpu.dma_semaphore, #tpu.memory_space<semaphore_mem>>) {add = true}
        %jit3A_403 = arith.constant 4 : i32
        %eq3A_404 = arith.constant 0 : i32
        %eq3A_405 = arith.cmpi eq, %jit3A_403, %eq3A_404 : i32
        %jit3A_406 = arith.constant 1 : i32
        %select_n3A_407 = arith.select %eq3A_405, %jit3A_406, %jit3A_403 : i32
        %rem3A_408 = arith.remsi %add3A_214, %select_n3A_407 : i32
        %ne3A_409 = arith.constant 0 : i32
        %ne3A_410 = arith.cmpi ne, %rem3A_408, %ne3A_409 : i32
        %lt3A_411 = arith.constant 0 : i32
        %lt3A_412 = arith.cmpi slt, %rem3A_408, %lt3A_411 : i32
        %lt3A_413 = arith.constant 0 : i32
        %lt3A_414 = arith.cmpi slt, %select_n3A_407, %lt3A_413 : i32
        %ne3A_415 = arith.xori %lt3A_412, %lt3A_414 : i1
        %and3A_416 = arith.andi %ne3A_415, %ne3A_410 : i1
        %add3A_417 = arith.addi %rem3A_408, %select_n3A_407 : i32
        %select_n3A_418 = arith.select %and3A_416, %add3A_417, %rem3A_408 : i32
        %dma_wait3A_419 = arith.constant 1 : i32
        %dma_wait3A_420 = arith.constant 0 : i32
        %dma_wait3A_421 = arith.constant 0 : i32
        %dma_wait3A_422 = tpu.memref_slice %arg14[%dma_wait3A_419, %dma_wait3A_420, %dma_wait3A_421] : memref<2x80x128xf32, #tpu.memory_space<vmem>> -> memref<1x80x128xf32, #tpu.memory_space<vmem>>
        %dma_wait3A_423 = tpu.memref_squeeze %dma_wait3A_422 : memref<1x80x128xf32, #tpu.memory_space<vmem>> -> memref<80x128xf32, #tpu.memory_space<vmem>>
        %dma_wait3A_424 = arith.constant 0 : i32
        %dma_wait3A_425 = tpu.memref_slice %arg12[%select_n3A_418, %dma_wait3A_424] : memref<4x80xi32, #tpu.memory_space<vmem>> -> memref<1x80xi32, #tpu.memory_space<vmem>>
        %dma_wait3A_426 = tpu.memref_squeeze %dma_wait3A_425 : memref<1x80xi32, #tpu.memory_space<vmem>> -> memref<80xi32, #tpu.memory_space<vmem>>
        %dma_wait3A_427 = arith.constant 0 : i32
        %dma_wait3A_428 = arith.constant 0 : i32
        %dma_wait3A_429 = tpu.memref_slice %arg3[%dma_wait3A_427, %dma_wait3A_428] : memref<10000x128xf32, #tpu.memory_space<hbm>> -> memref<10000x128xf32, #tpu.memory_space<hbm>>
        tpu.wait_indirect_dma semaphore(%arg19 : memref<!tpu.dma_semaphore, #tpu.memory_space<semaphore_mem>>) src(%dma_wait3A_429 : memref<10000x128xf32, #tpu.memory_space<hbm>>) dst(%dma_wait3A_423 : memref<80x128xf32, #tpu.memory_space<vmem>>)
        %mul3A_430 = arith.constant 80 : i32
        %mul3A_431 = arith.muli %add3A_214, %mul3A_430 : i32
        %add3A_432 = arith.addi %mul3A_40, %mul3A_431 : i32
        %dma_wait3A_433 = arith.constant 1 : i32
        %dma_wait3A_434 = arith.constant 0 : i32
        %dma_wait3A_435 = arith.constant 0 : i32
        %dma_wait3A_436 = tpu.memref_slice %arg15[%dma_wait3A_433, %dma_wait3A_434, %dma_wait3A_435] : memref<2x80x128xf32, #tpu.memory_space<vmem>> -> memref<1x80x128xf32, #tpu.memory_space<vmem>>
        %dma_wait3A_437 = tpu.memref_squeeze %dma_wait3A_436 : memref<1x80x128xf32, #tpu.memory_space<vmem>> -> memref<80x128xf32, #tpu.memory_space<vmem>>
        %dma_wait3A_438 = arith.constant 128 : i32
        %dma_wait3A_439 = tpu.memref_slice %arg4[%add3A_432, %dma_wait3A_438] : memref<160000x256xf32, #tpu.memory_space<hbm>> -> memref<80x128xf32, #tpu.memory_space<hbm>>
        %dma_wait3A_440 = arith.constant 0 : i32
        %dma_wait3A_441 = arith.constant 0 : i32
        %dma_wait3A_442 = tpu.memref_slice %arg15[%dma_wait3A_433, %dma_wait3A_440, %dma_wait3A_441] : memref<2x80x128xf32, #tpu.memory_space<vmem>> -> memref<1x80x128xf32, #tpu.memory_space<vmem>>
        %dma_wait3A_443 = tpu.memref_squeeze %dma_wait3A_442 : memref<1x80x128xf32, #tpu.memory_space<vmem>> -> memref<80x128xf32, #tpu.memory_space<vmem>>
        %dma_wait3A_444 = arith.constant 128 : i32
        %dma_wait3A_445 = tpu.memref_slice %arg4[%add3A_432, %dma_wait3A_444] : memref<160000x256xf32, #tpu.memory_space<hbm>> -> memref<80x128xf32, #tpu.memory_space<hbm>>
        tpu.wait_dma2 semaphore(%arg19 : memref<!tpu.dma_semaphore, #tpu.memory_space<semaphore_mem>>) src(%dma_wait3A_445 : memref<80x128xf32, #tpu.memory_space<hbm>>) dst(%dma_wait3A_443 : memref<80x128xf32, #tpu.memory_space<vmem>>)
        %jit3A_446 = arith.constant 4 : i32
        %eq3A_447 = arith.constant 0 : i32
        %eq3A_448 = arith.cmpi eq, %jit3A_446, %eq3A_447 : i32
        %jit3A_449 = arith.constant 1 : i32
        %select_n3A_450 = arith.select %eq3A_448, %jit3A_449, %jit3A_446 : i32
        %rem3A_451 = arith.remsi %mul3A_212, %select_n3A_450 : i32
        %ne3A_452 = arith.constant 0 : i32
        %ne3A_453 = arith.cmpi ne, %rem3A_451, %ne3A_452 : i32
        %lt3A_454 = arith.constant 0 : i32
        %lt3A_455 = arith.cmpi slt, %rem3A_451, %lt3A_454 : i32
        %lt3A_456 = arith.constant 0 : i32
        %lt3A_457 = arith.cmpi slt, %select_n3A_450, %lt3A_456 : i32
        %ne3A_458 = arith.xori %lt3A_455, %lt3A_457 : i1
        %and3A_459 = arith.andi %ne3A_458, %ne3A_453 : i1
        %add3A_460 = arith.addi %rem3A_451, %select_n3A_450 : i32
        %select_n3A_461 = arith.select %and3A_459, %add3A_460, %rem3A_451 : i32
        %dma_wait3A_462 = arith.constant 0 : i32
        %dma_wait3A_463 = arith.constant 0 : i32
        %dma_wait3A_464 = arith.constant 0 : i32
        %dma_wait3A_465 = tpu.memref_slice %arg15[%dma_wait3A_462, %dma_wait3A_463, %dma_wait3A_464] : memref<2x80x128xf32, #tpu.memory_space<vmem>> -> memref<1x80x128xf32, #tpu.memory_space<vmem>>
        %dma_wait3A_466 = tpu.memref_squeeze %dma_wait3A_465 : memref<1x80x128xf32, #tpu.memory_space<vmem>> -> memref<80x128xf32, #tpu.memory_space<vmem>>
        %dma_wait3A_467 = arith.constant 0 : i32
        %dma_wait3A_468 = tpu.memref_slice %arg13[%select_n3A_461, %dma_wait3A_467] : memref<4x80xi32, #tpu.memory_space<vmem>> -> memref<1x80xi32, #tpu.memory_space<vmem>>
        %dma_wait3A_469 = tpu.memref_squeeze %dma_wait3A_468 : memref<1x80xi32, #tpu.memory_space<vmem>> -> memref<80xi32, #tpu.memory_space<vmem>>
        %dma_wait3A_470 = arith.constant 0 : i32
        %dma_wait3A_471 = arith.constant 0 : i32
        %dma_wait3A_472 = tpu.memref_slice %arg10[%dma_wait3A_470, %dma_wait3A_471] : memref<10000x128xf32, #tpu.memory_space<vmem_shared>> -> memref<10000x128xf32, #tpu.memory_space<vmem_shared>>
        tpu.wait_indirect_dma semaphore(%arg20 : memref<!tpu.dma_semaphore, #tpu.memory_space<semaphore_mem>>) src(%dma_wait3A_466 : memref<80x128xf32, #tpu.memory_space<vmem>>) dst(%dma_wait3A_472 : memref<10000x128xf32, #tpu.memory_space<vmem_shared>>)
        %add3A_473 = arith.constant 2 : i32
        %add3A_474 = arith.addi %mul3A_212, %add3A_473 : i32
        %mul3A_475 = arith.constant 80 : i32
        %mul3A_476 = arith.muli %add3A_474, %mul3A_475 : i32
        %add3A_477 = arith.addi %mul3A_40, %mul3A_476 : i32
        %jit3A_478 = arith.constant 4 : i32
        %eq3A_479 = arith.constant 0 : i32
        %eq3A_480 = arith.cmpi eq, %jit3A_478, %eq3A_479 : i32
        %jit3A_481 = arith.constant 1 : i32
        %select_n3A_482 = arith.select %eq3A_480, %jit3A_481, %jit3A_478 : i32
        %rem3A_483 = arith.remsi %add3A_474, %select_n3A_482 : i32
        %ne3A_484 = arith.constant 0 : i32
        %ne3A_485 = arith.cmpi ne, %rem3A_483, %ne3A_484 : i32
        %lt3A_486 = arith.constant 0 : i32
        %lt3A_487 = arith.cmpi slt, %rem3A_483, %lt3A_486 : i32
        %lt3A_488 = arith.constant 0 : i32
        %lt3A_489 = arith.cmpi slt, %select_n3A_482, %lt3A_488 : i32
        %ne3A_490 = arith.xori %lt3A_487, %lt3A_489 : i1
        %and3A_491 = arith.andi %ne3A_490, %ne3A_485 : i1
        %add3A_492 = arith.addi %rem3A_483, %select_n3A_482 : i32
        %select_n3A_493 = arith.select %and3A_491, %add3A_492, %rem3A_483 : i32
        %dma_wait3A_494 = arith.constant 0 : i32
        %dma_wait3A_495 = tpu.memref_slice %arg12[%select_n3A_493, %dma_wait3A_494] : memref<4x80xi32, #tpu.memory_space<vmem>> -> memref<1x80xi32, #tpu.memory_space<vmem>>
        %dma_wait3A_496 = tpu.memref_squeeze %dma_wait3A_495 : memref<1x80xi32, #tpu.memory_space<vmem>> -> memref<80xi32, #tpu.memory_space<vmem>>
        %dma_wait3A_497 = tpu.memref_slice %arg5[%add3A_477] : memref<160000xi32, #tpu.memory_space<hbm>> -> memref<80xi32, #tpu.memory_space<hbm>>
        %dma_wait3A_498 = arith.constant 0 : i32
        %dma_wait3A_499 = tpu.memref_slice %arg12[%select_n3A_493, %dma_wait3A_498] : memref<4x80xi32, #tpu.memory_space<vmem>> -> memref<1x80xi32, #tpu.memory_space<vmem>>
        %dma_wait3A_500 = tpu.memref_squeeze %dma_wait3A_499 : memref<1x80xi32, #tpu.memory_space<vmem>> -> memref<80xi32, #tpu.memory_space<vmem>>
        %dma_wait3A_501 = tpu.memref_slice %arg5[%add3A_477] : memref<160000xi32, #tpu.memory_space<hbm>> -> memref<80xi32, #tpu.memory_space<hbm>>
        tpu.wait_dma2 semaphore(%arg22 : memref<!tpu.dma_semaphore, #tpu.memory_space<semaphore_mem>>) src(%dma_wait3A_501 : memref<80xi32, #tpu.memory_space<hbm>>) dst(%dma_wait3A_500 : memref<80xi32, #tpu.memory_space<vmem>>)
        %dma_wait3A_502 = arith.constant 0 : i32
        %dma_wait3A_503 = tpu.memref_slice %arg13[%select_n3A_493, %dma_wait3A_502] : memref<4x80xi32, #tpu.memory_space<vmem>> -> memref<1x80xi32, #tpu.memory_space<vmem>>
        %dma_wait3A_504 = tpu.memref_squeeze %dma_wait3A_503 : memref<1x80xi32, #tpu.memory_space<vmem>> -> memref<80xi32, #tpu.memory_space<vmem>>
        %dma_wait3A_505 = tpu.memref_slice %arg6[%add3A_477] : memref<160000xi32, #tpu.memory_space<hbm>> -> memref<80xi32, #tpu.memory_space<hbm>>
        %dma_wait3A_506 = arith.constant 0 : i32
        %dma_wait3A_507 = tpu.memref_slice %arg13[%select_n3A_493, %dma_wait3A_506] : memref<4x80xi32, #tpu.memory_space<vmem>> -> memref<1x80xi32, #tpu.memory_space<vmem>>
        %dma_wait3A_508 = tpu.memref_squeeze %dma_wait3A_507 : memref<1x80xi32, #tpu.memory_space<vmem>> -> memref<80xi32, #tpu.memory_space<vmem>>
        %dma_wait3A_509 = tpu.memref_slice %arg6[%add3A_477] : memref<160000xi32, #tpu.memory_space<hbm>> -> memref<80xi32, #tpu.memory_space<hbm>>
        tpu.wait_dma2 semaphore(%arg22 : memref<!tpu.dma_semaphore, #tpu.memory_space<semaphore_mem>>) src(%dma_wait3A_509 : memref<80xi32, #tpu.memory_space<hbm>>) dst(%dma_wait3A_508 : memref<80xi32, #tpu.memory_space<vmem>>)
        %add3A_510 = arith.constant 2 : i32
        %add3A_511 = arith.addi %mul3A_212, %add3A_510 : i32
        %jit3A_512 = arith.constant 4 : i32
        %eq3A_513 = arith.constant 0 : i32
        %eq3A_514 = arith.cmpi eq, %jit3A_512, %eq3A_513 : i32
        %jit3A_515 = arith.constant 1 : i32
        %select_n3A_516 = arith.select %eq3A_514, %jit3A_515, %jit3A_512 : i32
        %rem3A_517 = arith.remsi %add3A_511, %select_n3A_516 : i32
        %ne3A_518 = arith.constant 0 : i32
        %ne3A_519 = arith.cmpi ne, %rem3A_517, %ne3A_518 : i32
        %lt3A_520 = arith.constant 0 : i32
        %lt3A_521 = arith.cmpi slt, %rem3A_517, %lt3A_520 : i32
        %lt3A_522 = arith.constant 0 : i32
        %lt3A_523 = arith.cmpi slt, %select_n3A_516, %lt3A_522 : i32
        %ne3A_524 = arith.xori %lt3A_521, %lt3A_523 : i1
        %and3A_525 = arith.andi %ne3A_524, %ne3A_519 : i1
        %add3A_526 = arith.addi %rem3A_517, %select_n3A_516 : i32
        %select_n3A_527 = arith.select %and3A_525, %add3A_526, %rem3A_517 : i32
        %dma_start3A_528 = arith.constant 0 : i32
        %dma_start3A_529 = arith.constant 0 : i32
        %dma_start3A_530 = arith.constant 0 : i32
        %dma_start3A_531 = tpu.memref_slice %arg14[%dma_start3A_528, %dma_start3A_529, %dma_start3A_530] : memref<2x80x128xf32, #tpu.memory_space<vmem>> -> memref<1x80x128xf32, #tpu.memory_space<vmem>>
        %dma_start3A_532 = tpu.memref_squeeze %dma_start3A_531 : memref<1x80x128xf32, #tpu.memory_space<vmem>> -> memref<80x128xf32, #tpu.memory_space<vmem>>
        %dma_start3A_533 = arith.constant 0 : i32
        %dma_start3A_534 = tpu.memref_slice %arg12[%select_n3A_527, %dma_start3A_533] : memref<4x80xi32, #tpu.memory_space<vmem>> -> memref<1x80xi32, #tpu.memory_space<vmem>>
        %dma_start3A_535 = tpu.memref_squeeze %dma_start3A_534 : memref<1x80xi32, #tpu.memory_space<vmem>> -> memref<80xi32, #tpu.memory_space<vmem>>
        %dma_start3A_536 = arith.constant 0 : i32
        %dma_start3A_537 = arith.constant 0 : i32
        %dma_start3A_538 = tpu.memref_slice %arg3[%dma_start3A_536, %dma_start3A_537] : memref<10000x128xf32, #tpu.memory_space<hbm>> -> memref<10000x128xf32, #tpu.memory_space<hbm>>
        tpu.enqueue_indirect_dma source(%dma_start3A_538 : memref<10000x128xf32, #tpu.memory_space<hbm>>) target(%dma_start3A_532 : memref<80x128xf32, #tpu.memory_space<vmem>>) offsets(%dma_start3A_535 : memref<80xi32, #tpu.memory_space<vmem>>) semaphore(%arg18 : memref<!tpu.dma_semaphore, #tpu.memory_space<semaphore_mem>>)
        %mul3A_539 = arith.constant 80 : i32
        %mul3A_540 = arith.muli %add3A_511, %mul3A_539 : i32
        %add3A_541 = arith.addi %mul3A_40, %mul3A_540 : i32
        %dma_start3A_542 = arith.constant 0 : i32
        %dma_start3A_543 = arith.constant 0 : i32
        %dma_start3A_544 = arith.constant 0 : i32
        %dma_start3A_545 = tpu.memref_slice %arg15[%dma_start3A_542, %dma_start3A_543, %dma_start3A_544] : memref<2x80x128xf32, #tpu.memory_space<vmem>> -> memref<1x80x128xf32, #tpu.memory_space<vmem>>
        %dma_start3A_546 = tpu.memref_squeeze %dma_start3A_545 : memref<1x80x128xf32, #tpu.memory_space<vmem>> -> memref<80x128xf32, #tpu.memory_space<vmem>>
        %dma_start3A_547 = arith.constant 128 : i32
        %dma_start3A_548 = tpu.memref_slice %arg4[%add3A_541, %dma_start3A_547] : memref<160000x256xf32, #tpu.memory_space<hbm>> -> memref<80x128xf32, #tpu.memory_space<hbm>>
        %dma_start3A_549 = arith.constant 0 : i32
        %dma_start3A_550 = arith.constant 0 : i32
        %dma_start3A_551 = tpu.memref_slice %arg15[%dma_start3A_542, %dma_start3A_549, %dma_start3A_550] : memref<2x80x128xf32, #tpu.memory_space<vmem>> -> memref<1x80x128xf32, #tpu.memory_space<vmem>>
        %dma_start3A_552 = tpu.memref_squeeze %dma_start3A_551 : memref<1x80x128xf32, #tpu.memory_space<vmem>> -> memref<80x128xf32, #tpu.memory_space<vmem>>
        %dma_start3A_553 = arith.constant 128 : i32
        %dma_start3A_554 = tpu.memref_slice %arg4[%add3A_541, %dma_start3A_553] : memref<160000x256xf32, #tpu.memory_space<hbm>> -> memref<80x128xf32, #tpu.memory_space<hbm>>
        tpu.enqueue_dma source(%dma_start3A_554 : memref<80x128xf32, #tpu.memory_space<hbm>>) target(%dma_start3A_552 : memref<80x128xf32, #tpu.memory_space<vmem>>) target_semaphore(%arg18 : memref<!tpu.dma_semaphore, #tpu.memory_space<semaphore_mem>>)
        %parallel_loop3A_555 = arith.constant 0 : i32
        %parallel_loop3A_556 = arith.constant 80 : i32
        %parallel_loop3A_557 = arith.constant 1 : i32
        scf.for %parallel_loop3A_591 = %parallel_loop3A_555 to %parallel_loop3A_556 step %parallel_loop3A_557  : i32 {
          %parallel_loop3A_592 = arith.constant 1 : i32
          %parallel_loop3A_593 = arith.index_cast %parallel_loop3A_592 : i32 to index
          %parallel_loop3A_594 = arith.index_cast %parallel_loop3A_591 : i32 to index
          %parallel_loop3A_595 = arith.constant 0 : index
          %parallel_loop3A_596 = tpu.vector_load %arg15[%parallel_loop3A_593, %parallel_loop3A_594, %parallel_loop3A_595] {strides = array<i32>} : memref<2x80x128xf32, #tpu.memory_space<vmem>>, vector<1x1x16xf32>,
          %parallel_loop3A_597 = vector.shape_cast %parallel_loop3A_596 : vector<1x1x16xf32> to vector<16xf32>
          %parallel_loop3A_598 = arith.constant 1 : i32
          %parallel_loop3A_599 = arith.index_cast %parallel_loop3A_598 : i32 to index
          %parallel_loop3A_600 = arith.index_cast %parallel_loop3A_591 : i32 to index
          %parallel_loop3A_601 = arith.constant 0 : index
          %parallel_loop3A_602 = tpu.vector_load %arg14[%parallel_loop3A_599, %parallel_loop3A_600, %parallel_loop3A_601] {strides = array<i32>} : memref<2x80x128xf32, #tpu.memory_space<vmem>>, vector<1x1x16xf32>,
          %parallel_loop3A_603 = vector.shape_cast %parallel_loop3A_602 : vector<1x1x16xf32> to vector<16xf32>
          %parallel_loop3A_604 = arith.addf %parallel_loop3A_597, %parallel_loop3A_603 : vector<16xf32>
          %parallel_loop3A_605 = arith.constant 0.000000e+00 : f32
          %parallel_loop3A_606 = vector.broadcast %parallel_loop3A_605 : f32 to vector<16xf32>
          %parallel_loop3A_607 = arith.maximumf %parallel_loop3A_604, %parallel_loop3A_606 : vector<16xf32>
          %parallel_loop3A_608 = arith.constant 1 : i32
          %parallel_loop3A_609 = arith.index_cast %parallel_loop3A_608 : i32 to index
          %parallel_loop3A_610 = arith.index_cast %parallel_loop3A_591 : i32 to index
          %parallel_loop3A_611 = arith.constant 0 : index
          %parallel_loop3A_612 = tpu.vector_load %arg15[%parallel_loop3A_609, %parallel_loop3A_610, %parallel_loop3A_611] {strides = array<i32>} : memref<2x80x128xf32, #tpu.memory_space<vmem>>, vector<1x1x16xf32>,
          %parallel_loop3A_613 = vector.shape_cast %parallel_loop3A_612 : vector<1x1x16xf32> to vector<16xf32>
          %parallel_loop3A_614 = vector.shape_cast %parallel_loop3A_607 : vector<16xf32> to vector<1x1x16xf32>
          tpu.vector_store %arg15[%parallel_loop3A_609, %parallel_loop3A_610, %parallel_loop3A_611], %parallel_loop3A_614 {strides = array<i32>} : memref<2x80x128xf32, #tpu.memory_space<vmem>>, vector<1x1x16xf32>,
          %parallel_loop3A_615 = arith.constant 1 : i32
          %parallel_loop3A_616 = arith.index_cast %parallel_loop3A_615 : i32 to index
          %parallel_loop3A_617 = arith.index_cast %parallel_loop3A_591 : i32 to index
          %parallel_loop3A_618 = arith.constant 16 : index
          %parallel_loop3A_619 = tpu.vector_load %arg15[%parallel_loop3A_616, %parallel_loop3A_617, %parallel_loop3A_618] {strides = array<i32>} : memref<2x80x128xf32, #tpu.memory_space<vmem>>, vector<1x1x16xf32>,
          %parallel_loop3A_620 = vector.shape_cast %parallel_loop3A_619 : vector<1x1x16xf32> to vector<16xf32>
          %parallel_loop3A_621 = arith.constant 1 : i32
          %parallel_loop3A_622 = arith.index_cast %parallel_loop3A_621 : i32 to index
          %parallel_loop3A_623 = arith.index_cast %parallel_loop3A_591 : i32 to index
          %parallel_loop3A_624 = arith.constant 16 : index
          %parallel_loop3A_625 = tpu.vector_load %arg14[%parallel_loop3A_622, %parallel_loop3A_623, %parallel_loop3A_624] {strides = array<i32>} : memref<2x80x128xf32, #tpu.memory_space<vmem>>, vector<1x1x16xf32>,
          %parallel_loop3A_626 = vector.shape_cast %parallel_loop3A_625 : vector<1x1x16xf32> to vector<16xf32>
          %parallel_loop3A_627 = arith.addf %parallel_loop3A_620, %parallel_loop3A_626 : vector<16xf32>
          %parallel_loop3A_628 = arith.constant 0.000000e+00 : f32
          %parallel_loop3A_629 = vector.broadcast %parallel_loop3A_628 : f32 to vector<16xf32>
          %parallel_loop3A_630 = arith.maximumf %parallel_loop3A_627, %parallel_loop3A_629 : vector<16xf32>
          %parallel_loop3A_631 = arith.constant 1 : i32
          %parallel_loop3A_632 = arith.index_cast %parallel_loop3A_631 : i32 to index
          %parallel_loop3A_633 = arith.index_cast %parallel_loop3A_591 : i32 to index
          %parallel_loop3A_634 = arith.constant 16 : index
          %parallel_loop3A_635 = tpu.vector_load %arg15[%parallel_loop3A_632, %parallel_loop3A_633, %parallel_loop3A_634] {strides = array<i32>} : memref<2x80x128xf32, #tpu.memory_space<vmem>>, vector<1x1x16xf32>,
          %parallel_loop3A_636 = vector.shape_cast %parallel_loop3A_635 : vector<1x1x16xf32> to vector<16xf32>
          %parallel_loop3A_637 = vector.shape_cast %parallel_loop3A_630 : vector<16xf32> to vector<1x1x16xf32>
          tpu.vector_store %arg15[%parallel_loop3A_632, %parallel_loop3A_633, %parallel_loop3A_634], %parallel_loop3A_637 {strides = array<i32>} : memref<2x80x128xf32, #tpu.memory_space<vmem>>, vector<1x1x16xf32>,
          %parallel_loop3A_638 = arith.constant 1 : i32
          %parallel_loop3A_639 = arith.index_cast %parallel_loop3A_638 : i32 to index
          %parallel_loop3A_640 = arith.index_cast %parallel_loop3A_591 : i32 to index
          %parallel_loop3A_641 = arith.constant 32 : index
          %parallel_loop3A_642 = tpu.vector_load %arg15[%parallel_loop3A_639, %parallel_loop3A_640, %parallel_loop3A_641] {strides = array<i32>} : memref<2x80x128xf32, #tpu.memory_space<vmem>>, vector<1x1x16xf32>,
          %parallel_loop3A_643 = vector.shape_cast %parallel_loop3A_642 : vector<1x1x16xf32> to vector<16xf32>
          %parallel_loop3A_644 = arith.constant 1 : i32
          %parallel_loop3A_645 = arith.index_cast %parallel_loop3A_644 : i32 to index
          %parallel_loop3A_646 = arith.index_cast %parallel_loop3A_591 : i32 to index
          %parallel_loop3A_647 = arith.constant 32 : index
          %parallel_loop3A_648 = tpu.vector_load %arg14[%parallel_loop3A_645, %parallel_loop3A_646, %parallel_loop3A_647] {strides = array<i32>} : memref<2x80x128xf32, #tpu.memory_space<vmem>>, vector<1x1x16xf32>,
          %parallel_loop3A_649 = vector.shape_cast %parallel_loop3A_648 : vector<1x1x16xf32> to vector<16xf32>
          %parallel_loop3A_650 = arith.addf %parallel_loop3A_643, %parallel_loop3A_649 : vector<16xf32>
          %parallel_loop3A_651 = arith.constant 0.000000e+00 : f32
          %parallel_loop3A_652 = vector.broadcast %parallel_loop3A_651 : f32 to vector<16xf32>
          %parallel_loop3A_653 = arith.maximumf %parallel_loop3A_650, %parallel_loop3A_652 : vector<16xf32>
          %parallel_loop3A_654 = arith.constant 1 : i32
          %parallel_loop3A_655 = arith.index_cast %parallel_loop3A_654 : i32 to index
          %parallel_loop3A_656 = arith.index_cast %parallel_loop3A_591 : i32 to index
          %parallel_loop3A_657 = arith.constant 32 : index
          %parallel_loop3A_658 = tpu.vector_load %arg15[%parallel_loop3A_655, %parallel_loop3A_656, %parallel_loop3A_657] {strides = array<i32>} : memref<2x80x128xf32, #tpu.memory_space<vmem>>, vector<1x1x16xf32>,
          %parallel_loop3A_659 = vector.shape_cast %parallel_loop3A_658 : vector<1x1x16xf32> to vector<16xf32>
          %parallel_loop3A_660 = vector.shape_cast %parallel_loop3A_653 : vector<16xf32> to vector<1x1x16xf32>
          tpu.vector_store %arg15[%parallel_loop3A_655, %parallel_loop3A_656, %parallel_loop3A_657], %parallel_loop3A_660 {strides = array<i32>} : memref<2x80x128xf32, #tpu.memory_space<vmem>>, vector<1x1x16xf32>,
          %parallel_loop3A_661 = arith.constant 1 : i32
          %parallel_loop3A_662 = arith.index_cast %parallel_loop3A_661 : i32 to index
          %parallel_loop3A_663 = arith.index_cast %parallel_loop3A_591 : i32 to index
          %parallel_loop3A_664 = arith.constant 48 : index
          %parallel_loop3A_665 = tpu.vector_load %arg15[%parallel_loop3A_662, %parallel_loop3A_663, %parallel_loop3A_664] {strides = array<i32>} : memref<2x80x128xf32, #tpu.memory_space<vmem>>, vector<1x1x16xf32>,
          %parallel_loop3A_666 = vector.shape_cast %parallel_loop3A_665 : vector<1x1x16xf32> to vector<16xf32>
          %parallel_loop3A_667 = arith.constant 1 : i32
          %parallel_loop3A_668 = arith.index_cast %parallel_loop3A_667 : i32 to index
          %parallel_loop3A_669 = arith.index_cast %parallel_loop3A_591 : i32 to index
          %parallel_loop3A_670 = arith.constant 48 : index
          %parallel_loop3A_671 = tpu.vector_load %arg14[%parallel_loop3A_668, %parallel_loop3A_669, %parallel_loop3A_670] {strides = array<i32>} : memref<2x80x128xf32, #tpu.memory_space<vmem>>, vector<1x1x16xf32>,
          %parallel_loop3A_672 = vector.shape_cast %parallel_loop3A_671 : vector<1x1x16xf32> to vector<16xf32>
          %parallel_loop3A_673 = arith.addf %parallel_loop3A_666, %parallel_loop3A_672 : vector<16xf32>
          %parallel_loop3A_674 = arith.constant 0.000000e+00 : f32
          %parallel_loop3A_675 = vector.broadcast %parallel_loop3A_674 : f32 to vector<16xf32>
          %parallel_loop3A_676 = arith.maximumf %parallel_loop3A_673, %parallel_loop3A_675 : vector<16xf32>
          %parallel_loop3A_677 = arith.constant 1 : i32
          %parallel_loop3A_678 = arith.index_cast %parallel_loop3A_677 : i32 to index
          %parallel_loop3A_679 = arith.index_cast %parallel_loop3A_591 : i32 to index
          %parallel_loop3A_680 = arith.constant 48 : index
          %parallel_loop3A_681 = tpu.vector_load %arg15[%parallel_loop3A_678, %parallel_loop3A_679, %parallel_loop3A_680] {strides = array<i32>} : memref<2x80x128xf32, #tpu.memory_space<vmem>>, vector<1x1x16xf32>,
          %parallel_loop3A_682 = vector.shape_cast %parallel_loop3A_681 : vector<1x1x16xf32> to vector<16xf32>
          %parallel_loop3A_683 = vector.shape_cast %parallel_loop3A_676 : vector<16xf32> to vector<1x1x16xf32>
          tpu.vector_store %arg15[%parallel_loop3A_678, %parallel_loop3A_679, %parallel_loop3A_680], %parallel_loop3A_683 {strides = array<i32>} : memref<2x80x128xf32, #tpu.memory_space<vmem>>, vector<1x1x16xf32>,
          %parallel_loop3A_684 = arith.constant 1 : i32
          %parallel_loop3A_685 = arith.index_cast %parallel_loop3A_684 : i32 to index
          %parallel_loop3A_686 = arith.index_cast %parallel_loop3A_591 : i32 to index
          %parallel_loop3A_687 = arith.constant 64 : index
          %parallel_loop3A_688 = tpu.vector_load %arg15[%parallel_loop3A_685, %parallel_loop3A_686, %parallel_loop3A_687] {strides = array<i32>} : memref<2x80x128xf32, #tpu.memory_space<vmem>>, vector<1x1x16xf32>,
          %parallel_loop3A_689 = vector.shape_cast %parallel_loop3A_688 : vector<1x1x16xf32> to vector<16xf32>
          %parallel_loop3A_690 = arith.constant 1 : i32
          %parallel_loop3A_691 = arith.index_cast %parallel_loop3A_690 : i32 to index
          %parallel_loop3A_692 = arith.index_cast %parallel_loop3A_591 : i32 to index
          %parallel_loop3A_693 = arith.constant 64 : index
          %parallel_loop3A_694 = tpu.vector_load %arg14[%parallel_loop3A_691, %parallel_loop3A_692, %parallel_loop3A_693] {strides = array<i32>} : memref<2x80x128xf32, #tpu.memory_space<vmem>>, vector<1x1x16xf32>,
          %parallel_loop3A_695 = vector.shape_cast %parallel_loop3A_694 : vector<1x1x16xf32> to vector<16xf32>
          %parallel_loop3A_696 = arith.addf %parallel_loop3A_689, %parallel_loop3A_695 : vector<16xf32>
          %parallel_loop3A_697 = arith.constant 0.000000e+00 : f32
          %parallel_loop3A_698 = vector.broadcast %parallel_loop3A_697 : f32 to vector<16xf32>
          %parallel_loop3A_699 = arith.maximumf %parallel_loop3A_696, %parallel_loop3A_698 : vector<16xf32>
          %parallel_loop3A_700 = arith.constant 1 : i32
          %parallel_loop3A_701 = arith.index_cast %parallel_loop3A_700 : i32 to index
          %parallel_loop3A_702 = arith.index_cast %parallel_loop3A_591 : i32 to index
          %parallel_loop3A_703 = arith.constant 64 : index
          %parallel_loop3A_704 = tpu.vector_load %arg15[%parallel_loop3A_701, %parallel_loop3A_702, %parallel_loop3A_703] {strides = array<i32>} : memref<2x80x128xf32, #tpu.memory_space<vmem>>, vector<1x1x16xf32>,
          %parallel_loop3A_705 = vector.shape_cast %parallel_loop3A_704 : vector<1x1x16xf32> to vector<16xf32>
          %parallel_loop3A_706 = vector.shape_cast %parallel_loop3A_699 : vector<16xf32> to vector<1x1x16xf32>
          tpu.vector_store %arg15[%parallel_loop3A_701, %parallel_loop3A_702, %parallel_loop3A_703], %parallel_loop3A_706 {strides = array<i32>} : memref<2x80x128xf32, #tpu.memory_space<vmem>>, vector<1x1x16xf32>,
          %parallel_loop3A_707 = arith.constant 1 : i32
          %parallel_loop3A_708 = arith.index_cast %parallel_loop3A_707 : i32 to index
          %parallel_loop3A_709 = arith.index_cast %parallel_loop3A_591 : i32 to index
          %parallel_loop3A_710 = arith.constant 80 : index
          %parallel_loop3A_711 = tpu.vector_load %arg15[%parallel_loop3A_708, %parallel_loop3A_709, %parallel_loop3A_710] {strides = array<i32>} : memref<2x80x128xf32, #tpu.memory_space<vmem>>, vector<1x1x16xf32>,
          %parallel_loop3A_712 = vector.shape_cast %parallel_loop3A_711 : vector<1x1x16xf32> to vector<16xf32>
          %parallel_loop3A_713 = arith.constant 1 : i32
          %parallel_loop3A_714 = arith.index_cast %parallel_loop3A_713 : i32 to index
          %parallel_loop3A_715 = arith.index_cast %parallel_loop3A_591 : i32 to index
          %parallel_loop3A_716 = arith.constant 80 : index
          %parallel_loop3A_717 = tpu.vector_load %arg14[%parallel_loop3A_714, %parallel_loop3A_715, %parallel_loop3A_716] {strides = array<i32>} : memref<2x80x128xf32, #tpu.memory_space<vmem>>, vector<1x1x16xf32>,
          %parallel_loop3A_718 = vector.shape_cast %parallel_loop3A_717 : vector<1x1x16xf32> to vector<16xf32>
          %parallel_loop3A_719 = arith.addf %parallel_loop3A_712, %parallel_loop3A_718 : vector<16xf32>
          %parallel_loop3A_720 = arith.constant 0.000000e+00 : f32
          %parallel_loop3A_721 = vector.broadcast %parallel_loop3A_720 : f32 to vector<16xf32>
          %parallel_loop3A_722 = arith.maximumf %parallel_loop3A_719, %parallel_loop3A_721 : vector<16xf32>
          %parallel_loop3A_723 = arith.constant 1 : i32
          %parallel_loop3A_724 = arith.index_cast %parallel_loop3A_723 : i32 to index
          %parallel_loop3A_725 = arith.index_cast %parallel_loop3A_591 : i32 to index
          %parallel_loop3A_726 = arith.constant 80 : index
          %parallel_loop3A_727 = tpu.vector_load %arg15[%parallel_loop3A_724, %parallel_loop3A_725, %parallel_loop3A_726] {strides = array<i32>} : memref<2x80x128xf32, #tpu.memory_space<vmem>>, vector<1x1x16xf32>,
          %parallel_loop3A_728 = vector.shape_cast %parallel_loop3A_727 : vector<1x1x16xf32> to vector<16xf32>
          %parallel_loop3A_729 = vector.shape_cast %parallel_loop3A_722 : vector<16xf32> to vector<1x1x16xf32>
          tpu.vector_store %arg15[%parallel_loop3A_724, %parallel_loop3A_725, %parallel_loop3A_726], %parallel_loop3A_729 {strides = array<i32>} : memref<2x80x128xf32, #tpu.memory_space<vmem>>, vector<1x1x16xf32>,
          %parallel_loop3A_730 = arith.constant 1 : i32
          %parallel_loop3A_731 = arith.index_cast %parallel_loop3A_730 : i32 to index
          %parallel_loop3A_732 = arith.index_cast %parallel_loop3A_591 : i32 to index
          %parallel_loop3A_733 = arith.constant 96 : index
          %parallel_loop3A_734 = tpu.vector_load %arg15[%parallel_loop3A_731, %parallel_loop3A_732, %parallel_loop3A_733] {strides = array<i32>} : memref<2x80x128xf32, #tpu.memory_space<vmem>>, vector<1x1x16xf32>,
          %parallel_loop3A_735 = vector.shape_cast %parallel_loop3A_734 : vector<1x1x16xf32> to vector<16xf32>
          %parallel_loop3A_736 = arith.constant 1 : i32
          %parallel_loop3A_737 = arith.index_cast %parallel_loop3A_736 : i32 to index
          %parallel_loop3A_738 = arith.index_cast %parallel_loop3A_591 : i32 to index
          %parallel_loop3A_739 = arith.constant 96 : index
          %parallel_loop3A_740 = tpu.vector_load %arg14[%parallel_loop3A_737, %parallel_loop3A_738, %parallel_loop3A_739] {strides = array<i32>} : memref<2x80x128xf32, #tpu.memory_space<vmem>>, vector<1x1x16xf32>,
          %parallel_loop3A_741 = vector.shape_cast %parallel_loop3A_740 : vector<1x1x16xf32> to vector<16xf32>
          %parallel_loop3A_742 = arith.addf %parallel_loop3A_735, %parallel_loop3A_741 : vector<16xf32>
          %parallel_loop3A_743 = arith.constant 0.000000e+00 : f32
          %parallel_loop3A_744 = vector.broadcast %parallel_loop3A_743 : f32 to vector<16xf32>
          %parallel_loop3A_745 = arith.maximumf %parallel_loop3A_742, %parallel_loop3A_744 : vector<16xf32>
          %parallel_loop3A_746 = arith.constant 1 : i32
          %parallel_loop3A_747 = arith.index_cast %parallel_loop3A_746 : i32 to index
          %parallel_loop3A_748 = arith.index_cast %parallel_loop3A_591 : i32 to index
          %parallel_loop3A_749 = arith.constant 96 : index
          %parallel_loop3A_750 = tpu.vector_load %arg15[%parallel_loop3A_747, %parallel_loop3A_748, %parallel_loop3A_749] {strides = array<i32>} : memref<2x80x128xf32, #tpu.memory_space<vmem>>, vector<1x1x16xf32>,
          %parallel_loop3A_751 = vector.shape_cast %parallel_loop3A_750 : vector<1x1x16xf32> to vector<16xf32>
          %parallel_loop3A_752 = vector.shape_cast %parallel_loop3A_745 : vector<16xf32> to vector<1x1x16xf32>
          tpu.vector_store %arg15[%parallel_loop3A_747, %parallel_loop3A_748, %parallel_loop3A_749], %parallel_loop3A_752 {strides = array<i32>} : memref<2x80x128xf32, #tpu.memory_space<vmem>>, vector<1x1x16xf32>,
          %parallel_loop3A_753 = arith.constant 1 : i32
          %parallel_loop3A_754 = arith.index_cast %parallel_loop3A_753 : i32 to index
          %parallel_loop3A_755 = arith.index_cast %parallel_loop3A_591 : i32 to index
          %parallel_loop3A_756 = arith.constant 112 : index
          %parallel_loop3A_757 = tpu.vector_load %arg15[%parallel_loop3A_754, %parallel_loop3A_755, %parallel_loop3A_756] {strides = array<i32>} : memref<2x80x128xf32, #tpu.memory_space<vmem>>, vector<1x1x16xf32>,
          %parallel_loop3A_758 = vector.shape_cast %parallel_loop3A_757 : vector<1x1x16xf32> to vector<16xf32>
          %parallel_loop3A_759 = arith.constant 1 : i32
          %parallel_loop3A_760 = arith.index_cast %parallel_loop3A_759 : i32 to index
          %parallel_loop3A_761 = arith.index_cast %parallel_loop3A_591 : i32 to index
          %parallel_loop3A_762 = arith.constant 112 : index
          %parallel_loop3A_763 = tpu.vector_load %arg14[%parallel_loop3A_760, %parallel_loop3A_761, %parallel_loop3A_762] {strides = array<i32>} : memref<2x80x128xf32, #tpu.memory_space<vmem>>, vector<1x1x16xf32>,
          %parallel_loop3A_764 = vector.shape_cast %parallel_loop3A_763 : vector<1x1x16xf32> to vector<16xf32>
          %parallel_loop3A_765 = arith.addf %parallel_loop3A_758, %parallel_loop3A_764 : vector<16xf32>
          %parallel_loop3A_766 = arith.constant 0.000000e+00 : f32
          %parallel_loop3A_767 = vector.broadcast %parallel_loop3A_766 : f32 to vector<16xf32>
          %parallel_loop3A_768 = arith.maximumf %parallel_loop3A_765, %parallel_loop3A_767 : vector<16xf32>
          %parallel_loop3A_769 = arith.constant 1 : i32
          %parallel_loop3A_770 = arith.index_cast %parallel_loop3A_769 : i32 to index
          %parallel_loop3A_771 = arith.index_cast %parallel_loop3A_591 : i32 to index
          %parallel_loop3A_772 = arith.constant 112 : index
          %parallel_loop3A_773 = tpu.vector_load %arg15[%parallel_loop3A_770, %parallel_loop3A_771, %parallel_loop3A_772] {strides = array<i32>} : memref<2x80x128xf32, #tpu.memory_space<vmem>>, vector<1x1x16xf32>,
          %parallel_loop3A_774 = vector.shape_cast %parallel_loop3A_773 : vector<1x1x16xf32> to vector<16xf32>
          %parallel_loop3A_775 = vector.shape_cast %parallel_loop3A_768 : vector<16xf32> to vector<1x1x16xf32>
          tpu.vector_store %arg15[%parallel_loop3A_770, %parallel_loop3A_771, %parallel_loop3A_772], %parallel_loop3A_775 {strides = array<i32>} : memref<2x80x128xf32, #tpu.memory_space<vmem>>, vector<1x1x16xf32>,
        } {sc.loop_unroll_factor = 4 : i64, sc.parallel_access}
        %jit3A_558 = arith.constant 4 : i32
        %eq3A_559 = arith.constant 0 : i32
        %eq3A_560 = arith.cmpi eq, %jit3A_558, %eq3A_559 : i32
        %jit3A_561 = arith.constant 1 : i32
        %select_n3A_562 = arith.select %eq3A_560, %jit3A_561, %jit3A_558 : i32
        %rem3A_563 = arith.remsi %add3A_214, %select_n3A_562 : i32
        %ne3A_564 = arith.constant 0 : i32
        %ne3A_565 = arith.cmpi ne, %rem3A_563, %ne3A_564 : i32
        %lt3A_566 = arith.constant 0 : i32
        %lt3A_567 = arith.cmpi slt, %rem3A_563, %lt3A_566 : i32
        %lt3A_568 = arith.constant 0 : i32
        %lt3A_569 = arith.cmpi slt, %select_n3A_562, %lt3A_568 : i32
        %ne3A_570 = arith.xori %lt3A_567, %lt3A_569 : i1
        %and3A_571 = arith.andi %ne3A_570, %ne3A_565 : i1
        %add3A_572 = arith.addi %rem3A_563, %select_n3A_562 : i32
        %select_n3A_573 = arith.select %and3A_571, %add3A_572, %rem3A_563 : i32
        %dma_start3A_574 = arith.constant 1 : i32
        %dma_start3A_575 = arith.constant 0 : i32
        %dma_start3A_576 = arith.constant 0 : i32
        %dma_start3A_577 = tpu.memref_slice %arg15[%dma_start3A_574, %dma_start3A_575, %dma_start3A_576] : memref<2x80x128xf32, #tpu.memory_space<vmem>> -> memref<1x80x128xf32, #tpu.memory_space<vmem>>
        %dma_start3A_578 = tpu.memref_squeeze %dma_start3A_577 : memref<1x80x128xf32, #tpu.memory_space<vmem>> -> memref<80x128xf32, #tpu.memory_space<vmem>>
        %dma_start3A_579 = arith.constant 0 : i32
        %dma_start3A_580 = tpu.memref_slice %arg13[%select_n3A_573, %dma_start3A_579] : memref<4x80xi32, #tpu.memory_space<vmem>> -> memref<1x80xi32, #tpu.memory_space<vmem>>
        %dma_start3A_581 = tpu.memref_squeeze %dma_start3A_580 : memref<1x80xi32, #tpu.memory_space<vmem>> -> memref<80xi32, #tpu.memory_space<vmem>>
        %dma_start3A_582 = arith.constant 0 : i32
        %dma_start3A_583 = arith.constant 0 : i32
        %dma_start3A_584 = tpu.memref_slice %arg10[%dma_start3A_582, %dma_start3A_583] : memref<10000x128xf32, #tpu.memory_space<vmem_shared>> -> memref<10000x128xf32, #tpu.memory_space<vmem_shared>>
        tpu.enqueue_indirect_dma source(%dma_start3A_578 : memref<80x128xf32, #tpu.memory_space<vmem>>) target(%dma_start3A_584 : memref<10000x128xf32, #tpu.memory_space<vmem_shared>>) offsets(%dma_start3A_581 : memref<80xi32, #tpu.memory_space<vmem>>) semaphore(%arg21 : memref<!tpu.dma_semaphore, #tpu.memory_space<semaphore_mem>>) {add = true}
        %lt3A_585 = arith.constant 61 : i32
        %lt3A_586 = arith.cmpi slt, %scan3A_209, %lt3A_585 : i32
        %convert_element_type3A_587 = arith.extui %lt3A_586 : i1 to i32
        %cond3A_588 = arith.constant 0 : i32
        %cond3A_589 = arith.cmpi ne, %convert_element_type3A_587, %cond3A_588 : i32
        scf.if %cond3A_589 {
          %add3A_591 = arith.constant 2 : i32
          %add3A_592 = arith.addi %add3A_214, %add3A_591 : i32
          %mul3A_593 = arith.constant 80 : i32
          %mul3A_594 = arith.muli %add3A_592, %mul3A_593 : i32
          %add3A_595 = arith.addi %mul3A_40, %mul3A_594 : i32
          %jit3A_596 = arith.constant 4 : i32
          %eq3A_597 = arith.constant 0 : i32
          %eq3A_598 = arith.cmpi eq, %jit3A_596, %eq3A_597 : i32
          %jit3A_599 = arith.constant 1 : i32
          %select_n3A_600 = arith.select %eq3A_598, %jit3A_599, %jit3A_596 : i32
          %rem3A_601 = arith.remsi %add3A_592, %select_n3A_600 : i32
          %ne3A_602 = arith.constant 0 : i32
          %ne3A_603 = arith.cmpi ne, %rem3A_601, %ne3A_602 : i32
          %lt3A_604 = arith.constant 0 : i32
          %lt3A_605 = arith.cmpi slt, %rem3A_601, %lt3A_604 : i32
          %lt3A_606 = arith.constant 0 : i32
          %lt3A_607 = arith.cmpi slt, %select_n3A_600, %lt3A_606 : i32
          %ne3A_608 = arith.xori %lt3A_605, %lt3A_607 : i1
          %and3A_609 = arith.andi %ne3A_608, %ne3A_603 : i1
          %add3A_610 = arith.addi %rem3A_601, %select_n3A_600 : i32
          %select_n3A_611 = arith.select %and3A_609, %add3A_610, %rem3A_601 : i32
          %dma_start3A_612 = arith.constant 0 : i32
          %dma_start3A_613 = tpu.memref_slice %arg12[%select_n3A_611, %dma_start3A_612] : memref<4x80xi32, #tpu.memory_space<vmem>> -> memref<1x80xi32, #tpu.memory_space<vmem>>
          %dma_start3A_614 = tpu.memref_squeeze %dma_start3A_613 : memref<1x80xi32, #tpu.memory_space<vmem>> -> memref<80xi32, #tpu.memory_space<vmem>>
          %dma_start3A_615 = tpu.memref_slice %arg5[%add3A_595] : memref<160000xi32, #tpu.memory_space<hbm>> -> memref<80xi32, #tpu.memory_space<hbm>>
          %dma_start3A_616 = arith.constant 0 : i32
          %dma_start3A_617 = tpu.memref_slice %arg12[%select_n3A_611, %dma_start3A_616] : memref<4x80xi32, #tpu.memory_space<vmem>> -> memref<1x80xi32, #tpu.memory_space<vmem>>
          %dma_start3A_618 = tpu.memref_squeeze %dma_start3A_617 : memref<1x80xi32, #tpu.memory_space<vmem>> -> memref<80xi32, #tpu.memory_space<vmem>>
          %dma_start3A_619 = tpu.memref_slice %arg5[%add3A_595] : memref<160000xi32, #tpu.memory_space<hbm>> -> memref<80xi32, #tpu.memory_space<hbm>>
          tpu.enqueue_dma source(%dma_start3A_619 : memref<80xi32, #tpu.memory_space<hbm>>) target(%dma_start3A_618 : memref<80xi32, #tpu.memory_space<vmem>>) target_semaphore(%arg23 : memref<!tpu.dma_semaphore, #tpu.memory_space<semaphore_mem>>)
          %dma_start3A_620 = arith.constant 0 : i32
          %dma_start3A_621 = tpu.memref_slice %arg13[%select_n3A_611, %dma_start3A_620] : memref<4x80xi32, #tpu.memory_space<vmem>> -> memref<1x80xi32, #tpu.memory_space<vmem>>
          %dma_start3A_622 = tpu.memref_squeeze %dma_start3A_621 : memref<1x80xi32, #tpu.memory_space<vmem>> -> memref<80xi32, #tpu.memory_space<vmem>>
          %dma_start3A_623 = tpu.memref_slice %arg6[%add3A_595] : memref<160000xi32, #tpu.memory_space<hbm>> -> memref<80xi32, #tpu.memory_space<hbm>>
          %dma_start3A_624 = arith.constant 0 : i32
          %dma_start3A_625 = tpu.memref_slice %arg13[%select_n3A_611, %dma_start3A_624] : memref<4x80xi32, #tpu.memory_space<vmem>> -> memref<1x80xi32, #tpu.memory_space<vmem>>
          %dma_start3A_626 = tpu.memref_squeeze %dma_start3A_625 : memref<1x80xi32, #tpu.memory_space<vmem>> -> memref<80xi32, #tpu.memory_space<vmem>>
          %dma_start3A_627 = tpu.memref_slice %arg6[%add3A_595] : memref<160000xi32, #tpu.memory_space<hbm>> -> memref<80xi32, #tpu.memory_space<hbm>>
          tpu.enqueue_dma source(%dma_start3A_627 : memref<80xi32, #tpu.memory_space<hbm>>) target(%dma_start3A_626 : memref<80xi32, #tpu.memory_space<vmem>>) target_semaphore(%arg23 : memref<!tpu.dma_semaphore, #tpu.memory_space<semaphore_mem>>)
        } else {
        }
        %scan3A_590 = arith.constant 0 : i32
        scf.yield %scan3A_590 : i32
      }
      %scan3A_143 = arith.constant 62 : i32
      %dma_wait3A = arith.constant 0 : i32
      %dma_wait3A_144 = arith.constant 0 : i32
      %dma_wait3A_145 = arith.constant 0 : i32
      %dma_wait3A_146 = arith.constant 0 : i32
      %dma_wait3A_147 = tpu.memref_slice %arg14[%dma_wait3A_144, %dma_wait3A_145, %dma_wait3A_146] : memref<2x80x128xf32, #tpu.memory_space<vmem>> -> memref<1x80x128xf32, #tpu.memory_space<vmem>>
      %dma_wait3A_148 = tpu.memref_squeeze %dma_wait3A_147 : memref<1x80x128xf32, #tpu.memory_space<vmem>> -> memref<80x128xf32, #tpu.memory_space<vmem>>
      %dma_wait3A_149 = arith.constant 0 : i32
      %dma_wait3A_150 = tpu.memref_slice %arg12[%dma_wait3A, %dma_wait3A_149] : memref<4x80xi32, #tpu.memory_space<vmem>> -> memref<1x80xi32, #tpu.memory_space<vmem>>
      %dma_wait3A_151 = tpu.memref_squeeze %dma_wait3A_150 : memref<1x80xi32, #tpu.memory_space<vmem>> -> memref<80xi32, #tpu.memory_space<vmem>>
      %dma_wait3A_152 = arith.constant 0 : i32
      %dma_wait3A_153 = arith.constant 0 : i32
      %dma_wait3A_154 = tpu.memref_slice %arg3[%dma_wait3A_152, %dma_wait3A_153] : memref<10000x128xf32, #tpu.memory_space<hbm>> -> memref<10000x128xf32, #tpu.memory_space<hbm>>
      tpu.wait_indirect_dma semaphore(%arg18 : memref<!tpu.dma_semaphore, #tpu.memory_space<semaphore_mem>>) src(%dma_wait3A_154 : memref<10000x128xf32, #tpu.memory_space<hbm>>) dst(%dma_wait3A_148 : memref<80x128xf32, #tpu.memory_space<vmem>>)
      %add3A_155 = arith.constant 9920 : i32
      %add3A_156 = arith.addi %mul3A_40, %add3A_155 : i32
      %dma_wait3A_157 = arith.constant 0 : i32
      %dma_wait3A_158 = arith.constant 0 : i32
      %dma_wait3A_159 = arith.constant 0 : i32
      %dma_wait3A_160 = tpu.memref_slice %arg15[%dma_wait3A_157, %dma_wait3A_158, %dma_wait3A_159] : memref<2x80x128xf32, #tpu.memory_space<vmem>> -> memref<1x80x128xf32, #tpu.memory_space<vmem>>
      %dma_wait3A_161 = tpu.memref_squeeze %dma_wait3A_160 : memref<1x80x128xf32, #tpu.memory_space<vmem>> -> memref<80x128xf32, #tpu.memory_space<vmem>>
      %dma_wait3A_162 = arith.constant 128 : i32
      %dma_wait3A_163 = tpu.memref_slice %arg4[%add3A_156, %dma_wait3A_162] : memref<160000x256xf32, #tpu.memory_space<hbm>> -> memref<80x128xf32, #tpu.memory_space<hbm>>
      %dma_wait3A_164 = arith.constant 0 : i32
      %dma_wait3A_165 = arith.constant 0 : i32
      %dma_wait3A_166 = tpu.memref_slice %arg15[%dma_wait3A_157, %dma_wait3A_164, %dma_wait3A_165] : memref<2x80x128xf32, #tpu.memory_space<vmem>> -> memref<1x80x128xf32, #tpu.memory_space<vmem>>
      %dma_wait3A_167 = tpu.memref_squeeze %dma_wait3A_166 : memref<1x80x128xf32, #tpu.memory_space<vmem>> -> memref<80x128xf32, #tpu.memory_space<vmem>>
      %dma_wait3A_168 = arith.constant 128 : i32
      %dma_wait3A_169 = tpu.memref_slice %arg4[%add3A_156, %dma_wait3A_168] : memref<160000x256xf32, #tpu.memory_space<hbm>> -> memref<80x128xf32, #tpu.memory_space<hbm>>
      tpu.wait_dma2 semaphore(%arg18 : memref<!tpu.dma_semaphore, #tpu.memory_space<semaphore_mem>>) src(%dma_wait3A_169 : memref<80x128xf32, #tpu.memory_space<hbm>>) dst(%dma_wait3A_167 : memref<80x128xf32, #tpu.memory_space<vmem>>)
      %dma_wait3A_170 = arith.constant 1 : i32
      %dma_wait3A_171 = arith.constant 3 : i32
      %dma_wait3A_172 = arith.constant 0 : i32
      %dma_wait3A_173 = arith.constant 0 : i32
      %dma_wait3A_174 = tpu.memref_slice %arg15[%dma_wait3A_170, %dma_wait3A_172, %dma_wait3A_173] : memref<2x80x128xf32, #tpu.memory_space<vmem>> -> memref<1x80x128xf32, #tpu.memory_space<vmem>>
      %dma_wait3A_175 = tpu.memref_squeeze %dma_wait3A_174 : memref<1x80x128xf32, #tpu.memory_space<vmem>> -> memref<80x128xf32, #tpu.memory_space<vmem>>
      %dma_wait3A_176 = arith.constant 0 : i32
      %dma_wait3A_177 = tpu.memref_slice %arg13[%dma_wait3A_171, %dma_wait3A_176] : memref<4x80xi32, #tpu.memory_space<vmem>> -> memref<1x80xi32, #tpu.memory_space<vmem>>
      %dma_wait3A_178 = tpu.memref_squeeze %dma_wait3A_177 : memref<1x80xi32, #tpu.memory_space<vmem>> -> memref<80xi32, #tpu.memory_space<vmem>>
      %dma_wait3A_179 = arith.constant 0 : i32
      %dma_wait3A_180 = arith.constant 0 : i32
      %dma_wait3A_181 = tpu.memref_slice %arg10[%dma_wait3A_179, %dma_wait3A_180] : memref<10000x128xf32, #tpu.memory_space<vmem_shared>> -> memref<10000x128xf32, #tpu.memory_space<vmem_shared>>
      tpu.wait_indirect_dma semaphore(%arg21 : memref<!tpu.dma_semaphore, #tpu.memory_space<semaphore_mem>>) src(%dma_wait3A_175 : memref<80x128xf32, #tpu.memory_space<vmem>>) dst(%dma_wait3A_181 : memref<10000x128xf32, #tpu.memory_space<vmem_shared>>)
      %parallel_loop3A_182 = arith.constant 0 : i32
      %parallel_loop3A_183 = arith.constant 80 : i32
      %parallel_loop3A_184 = arith.constant 1 : i32
      scf.for %parallel_loop3A_209 = %parallel_loop3A_182 to %parallel_loop3A_183 step %parallel_loop3A_184  : i32 {
        %parallel_loop3A_210 = arith.constant 0 : i32
        %parallel_loop3A_211 = arith.index_cast %parallel_loop3A_210 : i32 to index
        %parallel_loop3A_212 = arith.index_cast %parallel_loop3A_209 : i32 to index
        %parallel_loop3A_213 = arith.constant 0 : index
        %parallel_loop3A_214 = tpu.vector_load %arg15[%parallel_loop3A_211, %parallel_loop3A_212, %parallel_loop3A_213] {strides = array<i32>} : memref<2x80x128xf32, #tpu.memory_space<vmem>>, vector<1x1x16xf32>,
        %parallel_loop3A_215 = vector.shape_cast %parallel_loop3A_214 : vector<1x1x16xf32> to vector<16xf32>
        %parallel_loop3A_216 = arith.constant 0 : i32
        %parallel_loop3A_217 = arith.index_cast %parallel_loop3A_216 : i32 to index
        %parallel_loop3A_218 = arith.index_cast %parallel_loop3A_209 : i32 to index
        %parallel_loop3A_219 = arith.constant 0 : index
        %parallel_loop3A_220 = tpu.vector_load %arg14[%parallel_loop3A_217, %parallel_loop3A_218, %parallel_loop3A_219] {strides = array<i32>} : memref<2x80x128xf32, #tpu.memory_space<vmem>>, vector<1x1x16xf32>,
        %parallel_loop3A_221 = vector.shape_cast %parallel_loop3A_220 : vector<1x1x16xf32> to vector<16xf32>
        %parallel_loop3A_222 = arith.addf %parallel_loop3A_215, %parallel_loop3A_221 : vector<16xf32>
        %parallel_loop3A_223 = arith.constant 0.000000e+00 : f32
        %parallel_loop3A_224 = vector.broadcast %parallel_loop3A_223 : f32 to vector<16xf32>
        %parallel_loop3A_225 = arith.maximumf %parallel_loop3A_222, %parallel_loop3A_224 : vector<16xf32>
        %parallel_loop3A_226 = arith.constant 0 : i32
        %parallel_loop3A_227 = arith.index_cast %parallel_loop3A_226 : i32 to index
        %parallel_loop3A_228 = arith.index_cast %parallel_loop3A_209 : i32 to index
        %parallel_loop3A_229 = arith.constant 0 : index
        %parallel_loop3A_230 = tpu.vector_load %arg15[%parallel_loop3A_227, %parallel_loop3A_228, %parallel_loop3A_229] {strides = array<i32>} : memref<2x80x128xf32, #tpu.memory_space<vmem>>, vector<1x1x16xf32>,
        %parallel_loop3A_231 = vector.shape_cast %parallel_loop3A_230 : vector<1x1x16xf32> to vector<16xf32>
        %parallel_loop3A_232 = vector.shape_cast %parallel_loop3A_225 : vector<16xf32> to vector<1x1x16xf32>
        tpu.vector_store %arg15[%parallel_loop3A_227, %parallel_loop3A_228, %parallel_loop3A_229], %parallel_loop3A_232 {strides = array<i32>} : memref<2x80x128xf32, #tpu.memory_space<vmem>>, vector<1x1x16xf32>,
        %parallel_loop3A_233 = arith.constant 0 : i32
        %parallel_loop3A_234 = arith.index_cast %parallel_loop3A_233 : i32 to index
        %parallel_loop3A_235 = arith.index_cast %parallel_loop3A_209 : i32 to index
        %parallel_loop3A_236 = arith.constant 16 : index
        %parallel_loop3A_237 = tpu.vector_load %arg15[%parallel_loop3A_234, %parallel_loop3A_235, %parallel_loop3A_236] {strides = array<i32>} : memref<2x80x128xf32, #tpu.memory_space<vmem>>, vector<1x1x16xf32>,
        %parallel_loop3A_238 = vector.shape_cast %parallel_loop3A_237 : vector<1x1x16xf32> to vector<16xf32>
        %parallel_loop3A_239 = arith.constant 0 : i32
        %parallel_loop3A_240 = arith.index_cast %parallel_loop3A_239 : i32 to index
        %parallel_loop3A_241 = arith.index_cast %parallel_loop3A_209 : i32 to index
        %parallel_loop3A_242 = arith.constant 16 : index
        %parallel_loop3A_243 = tpu.vector_load %arg14[%parallel_loop3A_240, %parallel_loop3A_241, %parallel_loop3A_242] {strides = array<i32>} : memref<2x80x128xf32, #tpu.memory_space<vmem>>, vector<1x1x16xf32>,
        %parallel_loop3A_244 = vector.shape_cast %parallel_loop3A_243 : vector<1x1x16xf32> to vector<16xf32>
        %parallel_loop3A_245 = arith.addf %parallel_loop3A_238, %parallel_loop3A_244 : vector<16xf32>
        %parallel_loop3A_246 = arith.constant 0.000000e+00 : f32
        %parallel_loop3A_247 = vector.broadcast %parallel_loop3A_246 : f32 to vector<16xf32>
        %parallel_loop3A_248 = arith.maximumf %parallel_loop3A_245, %parallel_loop3A_247 : vector<16xf32>
        %parallel_loop3A_249 = arith.constant 0 : i32
        %parallel_loop3A_250 = arith.index_cast %parallel_loop3A_249 : i32 to index
        %parallel_loop3A_251 = arith.index_cast %parallel_loop3A_209 : i32 to index
        %parallel_loop3A_252 = arith.constant 16 : index
        %parallel_loop3A_253 = tpu.vector_load %arg15[%parallel_loop3A_250, %parallel_loop3A_251, %parallel_loop3A_252] {strides = array<i32>} : memref<2x80x128xf32, #tpu.memory_space<vmem>>, vector<1x1x16xf32>,
        %parallel_loop3A_254 = vector.shape_cast %parallel_loop3A_253 : vector<1x1x16xf32> to vector<16xf32>
        %parallel_loop3A_255 = vector.shape_cast %parallel_loop3A_248 : vector<16xf32> to vector<1x1x16xf32>
        tpu.vector_store %arg15[%parallel_loop3A_250, %parallel_loop3A_251, %parallel_loop3A_252], %parallel_loop3A_255 {strides = array<i32>} : memref<2x80x128xf32, #tpu.memory_space<vmem>>, vector<1x1x16xf32>,
        %parallel_loop3A_256 = arith.constant 0 : i32
        %parallel_loop3A_257 = arith.index_cast %parallel_loop3A_256 : i32 to index
        %parallel_loop3A_258 = arith.index_cast %parallel_loop3A_209 : i32 to index
        %parallel_loop3A_259 = arith.constant 32 : index
        %parallel_loop3A_260 = tpu.vector_load %arg15[%parallel_loop3A_257, %parallel_loop3A_258, %parallel_loop3A_259] {strides = array<i32>} : memref<2x80x128xf32, #tpu.memory_space<vmem>>, vector<1x1x16xf32>,
        %parallel_loop3A_261 = vector.shape_cast %parallel_loop3A_260 : vector<1x1x16xf32> to vector<16xf32>
        %parallel_loop3A_262 = arith.constant 0 : i32
        %parallel_loop3A_263 = arith.index_cast %parallel_loop3A_262 : i32 to index
        %parallel_loop3A_264 = arith.index_cast %parallel_loop3A_209 : i32 to index
        %parallel_loop3A_265 = arith.constant 32 : index
        %parallel_loop3A_266 = tpu.vector_load %arg14[%parallel_loop3A_263, %parallel_loop3A_264, %parallel_loop3A_265] {strides = array<i32>} : memref<2x80x128xf32, #tpu.memory_space<vmem>>, vector<1x1x16xf32>,
        %parallel_loop3A_267 = vector.shape_cast %parallel_loop3A_266 : vector<1x1x16xf32> to vector<16xf32>
        %parallel_loop3A_268 = arith.addf %parallel_loop3A_261, %parallel_loop3A_267 : vector<16xf32>
        %parallel_loop3A_269 = arith.constant 0.000000e+00 : f32
        %parallel_loop3A_270 = vector.broadcast %parallel_loop3A_269 : f32 to vector<16xf32>
        %parallel_loop3A_271 = arith.maximumf %parallel_loop3A_268, %parallel_loop3A_270 : vector<16xf32>
        %parallel_loop3A_272 = arith.constant 0 : i32
        %parallel_loop3A_273 = arith.index_cast %parallel_loop3A_272 : i32 to index
        %parallel_loop3A_274 = arith.index_cast %parallel_loop3A_209 : i32 to index
        %parallel_loop3A_275 = arith.constant 32 : index
        %parallel_loop3A_276 = tpu.vector_load %arg15[%parallel_loop3A_273, %parallel_loop3A_274, %parallel_loop3A_275] {strides = array<i32>} : memref<2x80x128xf32, #tpu.memory_space<vmem>>, vector<1x1x16xf32>,
        %parallel_loop3A_277 = vector.shape_cast %parallel_loop3A_276 : vector<1x1x16xf32> to vector<16xf32>
        %parallel_loop3A_278 = vector.shape_cast %parallel_loop3A_271 : vector<16xf32> to vector<1x1x16xf32>
        tpu.vector_store %arg15[%parallel_loop3A_273, %parallel_loop3A_274, %parallel_loop3A_275], %parallel_loop3A_278 {strides = array<i32>} : memref<2x80x128xf32, #tpu.memory_space<vmem>>, vector<1x1x16xf32>,
        %parallel_loop3A_279 = arith.constant 0 : i32
        %parallel_loop3A_280 = arith.index_cast %parallel_loop3A_279 : i32 to index
        %parallel_loop3A_281 = arith.index_cast %parallel_loop3A_209 : i32 to index
        %parallel_loop3A_282 = arith.constant 48 : index
        %parallel_loop3A_283 = tpu.vector_load %arg15[%parallel_loop3A_280, %parallel_loop3A_281, %parallel_loop3A_282] {strides = array<i32>} : memref<2x80x128xf32, #tpu.memory_space<vmem>>, vector<1x1x16xf32>,
        %parallel_loop3A_284 = vector.shape_cast %parallel_loop3A_283 : vector<1x1x16xf32> to vector<16xf32>
        %parallel_loop3A_285 = arith.constant 0 : i32
        %parallel_loop3A_286 = arith.index_cast %parallel_loop3A_285 : i32 to index
        %parallel_loop3A_287 = arith.index_cast %parallel_loop3A_209 : i32 to index
        %parallel_loop3A_288 = arith.constant 48 : index
        %parallel_loop3A_289 = tpu.vector_load %arg14[%parallel_loop3A_286, %parallel_loop3A_287, %parallel_loop3A_288] {strides = array<i32>} : memref<2x80x128xf32, #tpu.memory_space<vmem>>, vector<1x1x16xf32>,
        %parallel_loop3A_290 = vector.shape_cast %parallel_loop3A_289 : vector<1x1x16xf32> to vector<16xf32>
        %parallel_loop3A_291 = arith.addf %parallel_loop3A_284, %parallel_loop3A_290 : vector<16xf32>
        %parallel_loop3A_292 = arith.constant 0.000000e+00 : f32
        %parallel_loop3A_293 = vector.broadcast %parallel_loop3A_292 : f32 to vector<16xf32>
        %parallel_loop3A_294 = arith.maximumf %parallel_loop3A_291, %parallel_loop3A_293 : vector<16xf32>
        %parallel_loop3A_295 = arith.constant 0 : i32
        %parallel_loop3A_296 = arith.index_cast %parallel_loop3A_295 : i32 to index
        %parallel_loop3A_297 = arith.index_cast %parallel_loop3A_209 : i32 to index
        %parallel_loop3A_298 = arith.constant 48 : index
        %parallel_loop3A_299 = tpu.vector_load %arg15[%parallel_loop3A_296, %parallel_loop3A_297, %parallel_loop3A_298] {strides = array<i32>} : memref<2x80x128xf32, #tpu.memory_space<vmem>>, vector<1x1x16xf32>,
        %parallel_loop3A_300 = vector.shape_cast %parallel_loop3A_299 : vector<1x1x16xf32> to vector<16xf32>
        %parallel_loop3A_301 = vector.shape_cast %parallel_loop3A_294 : vector<16xf32> to vector<1x1x16xf32>
        tpu.vector_store %arg15[%parallel_loop3A_296, %parallel_loop3A_297, %parallel_loop3A_298], %parallel_loop3A_301 {strides = array<i32>} : memref<2x80x128xf32, #tpu.memory_space<vmem>>, vector<1x1x16xf32>,
        %parallel_loop3A_302 = arith.constant 0 : i32
        %parallel_loop3A_303 = arith.index_cast %parallel_loop3A_302 : i32 to index
        %parallel_loop3A_304 = arith.index_cast %parallel_loop3A_209 : i32 to index
        %parallel_loop3A_305 = arith.constant 64 : index
        %parallel_loop3A_306 = tpu.vector_load %arg15[%parallel_loop3A_303, %parallel_loop3A_304, %parallel_loop3A_305] {strides = array<i32>} : memref<2x80x128xf32, #tpu.memory_space<vmem>>, vector<1x1x16xf32>,
        %parallel_loop3A_307 = vector.shape_cast %parallel_loop3A_306 : vector<1x1x16xf32> to vector<16xf32>
        %parallel_loop3A_308 = arith.constant 0 : i32
        %parallel_loop3A_309 = arith.index_cast %parallel_loop3A_308 : i32 to index
        %parallel_loop3A_310 = arith.index_cast %parallel_loop3A_209 : i32 to index
        %parallel_loop3A_311 = arith.constant 64 : index
        %parallel_loop3A_312 = tpu.vector_load %arg14[%parallel_loop3A_309, %parallel_loop3A_310, %parallel_loop3A_311] {strides = array<i32>} : memref<2x80x128xf32, #tpu.memory_space<vmem>>, vector<1x1x16xf32>,
        %parallel_loop3A_313 = vector.shape_cast %parallel_loop3A_312 : vector<1x1x16xf32> to vector<16xf32>
        %parallel_loop3A_314 = arith.addf %parallel_loop3A_307, %parallel_loop3A_313 : vector<16xf32>
        %parallel_loop3A_315 = arith.constant 0.000000e+00 : f32
        %parallel_loop3A_316 = vector.broadcast %parallel_loop3A_315 : f32 to vector<16xf32>
        %parallel_loop3A_317 = arith.maximumf %parallel_loop3A_314, %parallel_loop3A_316 : vector<16xf32>
        %parallel_loop3A_318 = arith.constant 0 : i32
        %parallel_loop3A_319 = arith.index_cast %parallel_loop3A_318 : i32 to index
        %parallel_loop3A_320 = arith.index_cast %parallel_loop3A_209 : i32 to index
        %parallel_loop3A_321 = arith.constant 64 : index
        %parallel_loop3A_322 = tpu.vector_load %arg15[%parallel_loop3A_319, %parallel_loop3A_320, %parallel_loop3A_321] {strides = array<i32>} : memref<2x80x128xf32, #tpu.memory_space<vmem>>, vector<1x1x16xf32>,
        %parallel_loop3A_323 = vector.shape_cast %parallel_loop3A_322 : vector<1x1x16xf32> to vector<16xf32>
        %parallel_loop3A_324 = vector.shape_cast %parallel_loop3A_317 : vector<16xf32> to vector<1x1x16xf32>
        tpu.vector_store %arg15[%parallel_loop3A_319, %parallel_loop3A_320, %parallel_loop3A_321], %parallel_loop3A_324 {strides = array<i32>} : memref<2x80x128xf32, #tpu.memory_space<vmem>>, vector<1x1x16xf32>,
        %parallel_loop3A_325 = arith.constant 0 : i32
        %parallel_loop3A_326 = arith.index_cast %parallel_loop3A_325 : i32 to index
        %parallel_loop3A_327 = arith.index_cast %parallel_loop3A_209 : i32 to index
        %parallel_loop3A_328 = arith.constant 80 : index
        %parallel_loop3A_329 = tpu.vector_load %arg15[%parallel_loop3A_326, %parallel_loop3A_327, %parallel_loop3A_328] {strides = array<i32>} : memref<2x80x128xf32, #tpu.memory_space<vmem>>, vector<1x1x16xf32>,
        %parallel_loop3A_330 = vector.shape_cast %parallel_loop3A_329 : vector<1x1x16xf32> to vector<16xf32>
        %parallel_loop3A_331 = arith.constant 0 : i32
        %parallel_loop3A_332 = arith.index_cast %parallel_loop3A_331 : i32 to index
        %parallel_loop3A_333 = arith.index_cast %parallel_loop3A_209 : i32 to index
        %parallel_loop3A_334 = arith.constant 80 : index
        %parallel_loop3A_335 = tpu.vector_load %arg14[%parallel_loop3A_332, %parallel_loop3A_333, %parallel_loop3A_334] {strides = array<i32>} : memref<2x80x128xf32, #tpu.memory_space<vmem>>, vector<1x1x16xf32>,
        %parallel_loop3A_336 = vector.shape_cast %parallel_loop3A_335 : vector<1x1x16xf32> to vector<16xf32>
        %parallel_loop3A_337 = arith.addf %parallel_loop3A_330, %parallel_loop3A_336 : vector<16xf32>
        %parallel_loop3A_338 = arith.constant 0.000000e+00 : f32
        %parallel_loop3A_339 = vector.broadcast %parallel_loop3A_338 : f32 to vector<16xf32>
        %parallel_loop3A_340 = arith.maximumf %parallel_loop3A_337, %parallel_loop3A_339 : vector<16xf32>
        %parallel_loop3A_341 = arith.constant 0 : i32
        %parallel_loop3A_342 = arith.index_cast %parallel_loop3A_341 : i32 to index
        %parallel_loop3A_343 = arith.index_cast %parallel_loop3A_209 : i32 to index
        %parallel_loop3A_344 = arith.constant 80 : index
        %parallel_loop3A_345 = tpu.vector_load %arg15[%parallel_loop3A_342, %parallel_loop3A_343, %parallel_loop3A_344] {strides = array<i32>} : memref<2x80x128xf32, #tpu.memory_space<vmem>>, vector<1x1x16xf32>,
        %parallel_loop3A_346 = vector.shape_cast %parallel_loop3A_345 : vector<1x1x16xf32> to vector<16xf32>
        %parallel_loop3A_347 = vector.shape_cast %parallel_loop3A_340 : vector<16xf32> to vector<1x1x16xf32>
        tpu.vector_store %arg15[%parallel_loop3A_342, %parallel_loop3A_343, %parallel_loop3A_344], %parallel_loop3A_347 {strides = array<i32>} : memref<2x80x128xf32, #tpu.memory_space<vmem>>, vector<1x1x16xf32>,
        %parallel_loop3A_348 = arith.constant 0 : i32
        %parallel_loop3A_349 = arith.index_cast %parallel_loop3A_348 : i32 to index
        %parallel_loop3A_350 = arith.index_cast %parallel_loop3A_209 : i32 to index
        %parallel_loop3A_351 = arith.constant 96 : index
        %parallel_loop3A_352 = tpu.vector_load %arg15[%parallel_loop3A_349, %parallel_loop3A_350, %parallel_loop3A_351] {strides = array<i32>} : memref<2x80x128xf32, #tpu.memory_space<vmem>>, vector<1x1x16xf32>,
        %parallel_loop3A_353 = vector.shape_cast %parallel_loop3A_352 : vector<1x1x16xf32> to vector<16xf32>
        %parallel_loop3A_354 = arith.constant 0 : i32
        %parallel_loop3A_355 = arith.index_cast %parallel_loop3A_354 : i32 to index
        %parallel_loop3A_356 = arith.index_cast %parallel_loop3A_209 : i32 to index
        %parallel_loop3A_357 = arith.constant 96 : index
        %parallel_loop3A_358 = tpu.vector_load %arg14[%parallel_loop3A_355, %parallel_loop3A_356, %parallel_loop3A_357] {strides = array<i32>} : memref<2x80x128xf32, #tpu.memory_space<vmem>>, vector<1x1x16xf32>,
        %parallel_loop3A_359 = vector.shape_cast %parallel_loop3A_358 : vector<1x1x16xf32> to vector<16xf32>
        %parallel_loop3A_360 = arith.addf %parallel_loop3A_353, %parallel_loop3A_359 : vector<16xf32>
        %parallel_loop3A_361 = arith.constant 0.000000e+00 : f32
        %parallel_loop3A_362 = vector.broadcast %parallel_loop3A_361 : f32 to vector<16xf32>
        %parallel_loop3A_363 = arith.maximumf %parallel_loop3A_360, %parallel_loop3A_362 : vector<16xf32>
        %parallel_loop3A_364 = arith.constant 0 : i32
        %parallel_loop3A_365 = arith.index_cast %parallel_loop3A_364 : i32 to index
        %parallel_loop3A_366 = arith.index_cast %parallel_loop3A_209 : i32 to index
        %parallel_loop3A_367 = arith.constant 96 : index
        %parallel_loop3A_368 = tpu.vector_load %arg15[%parallel_loop3A_365, %parallel_loop3A_366, %parallel_loop3A_367] {strides = array<i32>} : memref<2x80x128xf32, #tpu.memory_space<vmem>>, vector<1x1x16xf32>,
        %parallel_loop3A_369 = vector.shape_cast %parallel_loop3A_368 : vector<1x1x16xf32> to vector<16xf32>
        %parallel_loop3A_370 = vector.shape_cast %parallel_loop3A_363 : vector<16xf32> to vector<1x1x16xf32>
        tpu.vector_store %arg15[%parallel_loop3A_365, %parallel_loop3A_366, %parallel_loop3A_367], %parallel_loop3A_370 {strides = array<i32>} : memref<2x80x128xf32, #tpu.memory_space<vmem>>, vector<1x1x16xf32>,
        %parallel_loop3A_371 = arith.constant 0 : i32
        %parallel_loop3A_372 = arith.index_cast %parallel_loop3A_371 : i32 to index
        %parallel_loop3A_373 = arith.index_cast %parallel_loop3A_209 : i32 to index
        %parallel_loop3A_374 = arith.constant 112 : index
        %parallel_loop3A_375 = tpu.vector_load %arg15[%parallel_loop3A_372, %parallel_loop3A_373, %parallel_loop3A_374] {strides = array<i32>} : memref<2x80x128xf32, #tpu.memory_space<vmem>>, vector<1x1x16xf32>,
        %parallel_loop3A_376 = vector.shape_cast %parallel_loop3A_375 : vector<1x1x16xf32> to vector<16xf32>
        %parallel_loop3A_377 = arith.constant 0 : i32
        %parallel_loop3A_378 = arith.index_cast %parallel_loop3A_377 : i32 to index
        %parallel_loop3A_379 = arith.index_cast %parallel_loop3A_209 : i32 to index
        %parallel_loop3A_380 = arith.constant 112 : index
        %parallel_loop3A_381 = tpu.vector_load %arg14[%parallel_loop3A_378, %parallel_loop3A_379, %parallel_loop3A_380] {strides = array<i32>} : memref<2x80x128xf32, #tpu.memory_space<vmem>>, vector<1x1x16xf32>,
        %parallel_loop3A_382 = vector.shape_cast %parallel_loop3A_381 : vector<1x1x16xf32> to vector<16xf32>
        %parallel_loop3A_383 = arith.addf %parallel_loop3A_376, %parallel_loop3A_382 : vector<16xf32>
        %parallel_loop3A_384 = arith.constant 0.000000e+00 : f32
        %parallel_loop3A_385 = vector.broadcast %parallel_loop3A_384 : f32 to vector<16xf32>
        %parallel_loop3A_386 = arith.maximumf %parallel_loop3A_383, %parallel_loop3A_385 : vector<16xf32>
        %parallel_loop3A_387 = arith.constant 0 : i32
        %parallel_loop3A_388 = arith.index_cast %parallel_loop3A_387 : i32 to index
        %parallel_loop3A_389 = arith.index_cast %parallel_loop3A_209 : i32 to index
        %parallel_loop3A_390 = arith.constant 112 : index
        %parallel_loop3A_391 = tpu.vector_load %arg15[%parallel_loop3A_388, %parallel_loop3A_389, %parallel_loop3A_390] {strides = array<i32>} : memref<2x80x128xf32, #tpu.memory_space<vmem>>, vector<1x1x16xf32>,
        %parallel_loop3A_392 = vector.shape_cast %parallel_loop3A_391 : vector<1x1x16xf32> to vector<16xf32>
        %parallel_loop3A_393 = vector.shape_cast %parallel_loop3A_386 : vector<16xf32> to vector<1x1x16xf32>
        tpu.vector_store %arg15[%parallel_loop3A_388, %parallel_loop3A_389, %parallel_loop3A_390], %parallel_loop3A_393 {strides = array<i32>} : memref<2x80x128xf32, #tpu.memory_space<vmem>>, vector<1x1x16xf32>,
      } {sc.loop_unroll_factor = 4 : i64, sc.parallel_access}
      %dma_start3A_185 = arith.constant 0 : i32
      %dma_start3A_186 = arith.constant 0 : i32
      %dma_start3A_187 = arith.constant 0 : i32
      %dma_start3A_188 = arith.constant 0 : i32
      %dma_start3A_189 = tpu.memref_slice %arg15[%dma_start3A_185, %dma_start3A_187, %dma_start3A_188] : memref<2x80x128xf32, #tpu.memory_space<vmem>> -> memref<1x80x128xf32, #tpu.memory_space<vmem>>
      %dma_start3A_190 = tpu.memref_squeeze %dma_start3A_189 : memref<1x80x128xf32, #tpu.memory_space<vmem>> -> memref<80x128xf32, #tpu.memory_space<vmem>>
      %dma_start3A_191 = arith.constant 0 : i32
      %dma_start3A_192 = tpu.memref_slice %arg13[%dma_start3A_186, %dma_start3A_191] : memref<4x80xi32, #tpu.memory_space<vmem>> -> memref<1x80xi32, #tpu.memory_space<vmem>>
      %dma_start3A_193 = tpu.memref_squeeze %dma_start3A_192 : memref<1x80xi32, #tpu.memory_space<vmem>> -> memref<80xi32, #tpu.memory_space<vmem>>
      %dma_start3A_194 = arith.constant 0 : i32
      %dma_start3A_195 = arith.constant 0 : i32
      %dma_start3A_196 = tpu.memref_slice %arg10[%dma_start3A_194, %dma_start3A_195] : memref<10000x128xf32, #tpu.memory_space<vmem_shared>> -> memref<10000x128xf32, #tpu.memory_space<vmem_shared>>
      tpu.enqueue_indirect_dma source(%dma_start3A_190 : memref<80x128xf32, #tpu.memory_space<vmem>>) target(%dma_start3A_196 : memref<10000x128xf32, #tpu.memory_space<vmem_shared>>) offsets(%dma_start3A_193 : memref<80xi32, #tpu.memory_space<vmem>>) semaphore(%arg20 : memref<!tpu.dma_semaphore, #tpu.memory_space<semaphore_mem>>) {add = true}
      %dma_wait3A_197 = arith.constant 0 : i32
      %dma_wait3A_198 = arith.constant 0 : i32
      %dma_wait3A_199 = arith.constant 0 : i32
      %dma_wait3A_200 = arith.constant 0 : i32
      %dma_wait3A_201 = tpu.memref_slice %arg15[%dma_wait3A_197, %dma_wait3A_199, %dma_wait3A_200] : memref<2x80x128xf32, #tpu.memory_space<vmem>> -> memref<1x80x128xf32, #tpu.memory_space<vmem>>
      %dma_wait3A_202 = tpu.memref_squeeze %dma_wait3A_201 : memref<1x80x128xf32, #tpu.memory_space<vmem>> -> memref<80x128xf32, #tpu.memory_space<vmem>>
      %dma_wait3A_203 = arith.constant 0 : i32
      %dma_wait3A_204 = tpu.memref_slice %arg13[%dma_wait3A_198, %dma_wait3A_203] : memref<4x80xi32, #tpu.memory_space<vmem>> -> memref<1x80xi32, #tpu.memory_space<vmem>>
      %dma_wait3A_205 = tpu.memref_squeeze %dma_wait3A_204 : memref<1x80xi32, #tpu.memory_space<vmem>> -> memref<80xi32, #tpu.memory_space<vmem>>
      %dma_wait3A_206 = arith.constant 0 : i32
      %dma_wait3A_207 = arith.constant 0 : i32
      %dma_wait3A_208 = tpu.memref_slice %arg10[%dma_wait3A_206, %dma_wait3A_207] : memref<10000x128xf32, #tpu.memory_space<vmem_shared>> -> memref<10000x128xf32, #tpu.memory_space<vmem_shared>>
      tpu.wait_indirect_dma semaphore(%arg20 : memref<!tpu.dma_semaphore, #tpu.memory_space<semaphore_mem>>) src(%dma_wait3A_202 : memref<80x128xf32, #tpu.memory_space<vmem>>) dst(%dma_wait3A_208 : memref<10000x128xf32, #tpu.memory_space<vmem_shared>>)
    } else {
    }
    %barrier3A_51 = arith.constant 0 : index
    tpu.barrier barrier_id(%barrier3A_51)
    %eq3A_52 = arith.constant 0 : i32
    %eq3A_53 = arith.cmpi eq, %arg0, %eq3A_52 : i32
    %lt3A_54 = arith.constant 15 : i32
    %lt3A_55 = arith.cmpi slt, %arg1, %lt3A_54 : i32
    %and3A_56 = arith.andi %eq3A_53, %lt3A_55 : i1
    %convert_element_type3A_57 = arith.extui %and3A_56 : i1 to i32
    %cond3A_58 = arith.constant 0 : i32
    %cond3A_59 = arith.cmpi ne, %convert_element_type3A_57, %cond3A_58 : i32
    scf.if %cond3A_59 {
      %mul3A_92 = arith.constant 640 : i32
      %mul3A_93 = arith.muli %arg1, %mul3A_92 : i32
      %mul3A_94 = arith.constant 640 : i32
      %mul3A_95 = arith.muli %arg1, %mul3A_94 : i32
      "tpu.region"() ({
        %run_scoped3A = tpu.sem_alloc : memref<!tpu.dma_semaphore, #tpu.memory_space<semaphore_mem>>
        %dma_start3A = arith.constant 0 : i32
        %dma_start3A_96 = tpu.memref_slice %arg7[%mul3A_95, %dma_start3A] : memref<10000x128xf32, #tpu.memory_space<hbm>> -> memref<640x128xf32, #tpu.memory_space<hbm>>
        %dma_start3A_97 = arith.constant 0 : i32
        %dma_start3A_98 = tpu.memref_slice %arg10[%mul3A_93, %dma_start3A_97] : memref<10000x128xf32, #tpu.memory_space<vmem_shared>> -> memref<640x128xf32, #tpu.memory_space<vmem_shared>>
        tpu.enqueue_dma source(%dma_start3A_98 : memref<640x128xf32, #tpu.memory_space<vmem_shared>>) target(%dma_start3A_96 : memref<640x128xf32, #tpu.memory_space<hbm>>) target_semaphore(%run_scoped3A : memref<!tpu.dma_semaphore, #tpu.memory_space<semaphore_mem>>)
        %dma_wait3A = arith.constant 0 : i32
        %dma_wait3A_99 = tpu.memref_slice %arg7[%mul3A_95, %dma_wait3A] : memref<10000x128xf32, #tpu.memory_space<hbm>> -> memref<640x128xf32, #tpu.memory_space<hbm>>
        %dma_wait3A_100 = arith.constant 0 : i32
        %dma_wait3A_101 = tpu.memref_slice %arg10[%mul3A_93, %dma_wait3A_100] : memref<10000x128xf32, #tpu.memory_space<vmem_shared>> -> memref<640x128xf32, #tpu.memory_space<vmem_shared>>
        tpu.wait_dma2 semaphore(%run_scoped3A : memref<!tpu.dma_semaphore, #tpu.memory_space<semaphore_mem>>) src(%dma_wait3A_101 : memref<640x128xf32, #tpu.memory_space<vmem_shared>>) dst(%dma_wait3A_99 : memref<640x128xf32, #tpu.memory_space<hbm>>)
        tpu.yield
      }) : () -> ()
    } else {
    }
    %eq3A_60 = arith.constant 0 : i32
    %eq3A_61 = arith.cmpi eq, %arg0, %eq3A_60 : i32
    %eq3A_62 = arith.constant 15 : i32
    %eq3A_63 = arith.cmpi eq, %arg1, %eq3A_62 : i32
    %and3A_64 = arith.andi %eq3A_61, %eq3A_63 : i1
    %convert_element_type3A_65 = arith.extui %and3A_64 : i1 to i32
    %cond3A_66 = arith.constant 0 : i32
    %cond3A_67 = arith.cmpi ne, %convert_element_type3A_65, %cond3A_66 : i32
    scf.if %cond3A_67 {
      "tpu.region"() ({
        %run_scoped3A = tpu.sem_alloc : memref<!tpu.dma_semaphore, #tpu.memory_space<semaphore_mem>>
        %dma_start3A = arith.constant 9600 : i32
        %dma_start3A_92 = arith.constant 0 : i32
        %dma_start3A_93 = tpu.memref_slice %arg7[%dma_start3A, %dma_start3A_92] : memref<10000x128xf32, #tpu.memory_space<hbm>> -> memref<400x128xf32, #tpu.memory_space<hbm>>
        %dma_start3A_94 = arith.constant 9600 : i32
        %dma_start3A_95 = arith.constant 0 : i32
        %dma_start3A_96 = tpu.memref_slice %arg10[%dma_start3A_94, %dma_start3A_95] : memref<10000x128xf32, #tpu.memory_space<vmem_shared>> -> memref<400x128xf32, #tpu.memory_space<vmem_shared>>
        tpu.enqueue_dma source(%dma_start3A_96 : memref<400x128xf32, #tpu.memory_space<vmem_shared>>) target(%dma_start3A_93 : memref<400x128xf32, #tpu.memory_space<hbm>>) target_semaphore(%run_scoped3A : memref<!tpu.dma_semaphore, #tpu.memory_space<semaphore_mem>>)
        %dma_wait3A = arith.constant 9600 : i32
        %dma_wait3A_97 = arith.constant 0 : i32
        %dma_wait3A_98 = tpu.memref_slice %arg7[%dma_wait3A, %dma_wait3A_97] : memref<10000x128xf32, #tpu.memory_space<hbm>> -> memref<400x128xf32, #tpu.memory_space<hbm>>
        %dma_wait3A_99 = arith.constant 9600 : i32
        %dma_wait3A_100 = arith.constant 0 : i32
        %dma_wait3A_101 = tpu.memref_slice %arg10[%dma_wait3A_99, %dma_wait3A_100] : memref<10000x128xf32, #tpu.memory_space<vmem_shared>> -> memref<400x128xf32, #tpu.memory_space<vmem_shared>>
        tpu.wait_dma2 semaphore(%run_scoped3A : memref<!tpu.dma_semaphore, #tpu.memory_space<semaphore_mem>>) src(%dma_wait3A_101 : memref<400x128xf32, #tpu.memory_space<vmem_shared>>) dst(%dma_wait3A_98 : memref<400x128xf32, #tpu.memory_space<hbm>>)
        tpu.yield
      }) : () -> ()
    } else {
    }
    %eq3A_68 = arith.constant 1 : i32
    %eq3A_69 = arith.cmpi eq, %arg0, %eq3A_68 : i32
    %lt3A_70 = arith.constant 15 : i32
    %lt3A_71 = arith.cmpi slt, %arg1, %lt3A_70 : i32
    %and3A_72 = arith.andi %eq3A_69, %lt3A_71 : i1
    %convert_element_type3A_73 = arith.extui %and3A_72 : i1 to i32
    %cond3A_74 = arith.constant 0 : i32
    %cond3A_75 = arith.cmpi ne, %convert_element_type3A_73, %cond3A_74 : i32
    scf.if %cond3A_75 {
      %mul3A_92 = arith.constant 640 : i32
      %mul3A_93 = arith.muli %arg1, %mul3A_92 : i32
      %mul3A_94 = arith.constant 640 : i32
      %mul3A_95 = arith.muli %arg1, %mul3A_94 : i32
      "tpu.region"() ({
        %run_scoped3A = tpu.sem_alloc : memref<!tpu.dma_semaphore, #tpu.memory_space<semaphore_mem>>
        %dma_start3A = arith.constant 0 : i32
        %dma_start3A_96 = tpu.memref_slice %arg8[%mul3A_95, %dma_start3A] : memref<10000x128xf32, #tpu.memory_space<hbm>> -> memref<640x128xf32, #tpu.memory_space<hbm>>
        %dma_start3A_97 = arith.constant 0 : i32
        %dma_start3A_98 = tpu.memref_slice %arg10[%mul3A_93, %dma_start3A_97] : memref<10000x128xf32, #tpu.memory_space<vmem_shared>> -> memref<640x128xf32, #tpu.memory_space<vmem_shared>>
        tpu.enqueue_dma source(%dma_start3A_98 : memref<640x128xf32, #tpu.memory_space<vmem_shared>>) target(%dma_start3A_96 : memref<640x128xf32, #tpu.memory_space<hbm>>) target_semaphore(%run_scoped3A : memref<!tpu.dma_semaphore, #tpu.memory_space<semaphore_mem>>)
        %dma_wait3A = arith.constant 0 : i32
        %dma_wait3A_99 = tpu.memref_slice %arg8[%mul3A_95, %dma_wait3A] : memref<10000x128xf32, #tpu.memory_space<hbm>> -> memref<640x128xf32, #tpu.memory_space<hbm>>
        %dma_wait3A_100 = arith.constant 0 : i32
        %dma_wait3A_101 = tpu.memref_slice %arg10[%mul3A_93, %dma_wait3A_100] : memref<10000x128xf32, #tpu.memory_space<vmem_shared>> -> memref<640x128xf32, #tpu.memory_space<vmem_shared>>
        tpu.wait_dma2 semaphore(%run_scoped3A : memref<!tpu.dma_semaphore, #tpu.memory_space<semaphore_mem>>) src(%dma_wait3A_101 : memref<640x128xf32, #tpu.memory_space<vmem_shared>>) dst(%dma_wait3A_99 : memref<640x128xf32, #tpu.memory_space<hbm>>)
        tpu.yield
      }) : () -> ()
    } else {
    }
    %eq3A_76 = arith.constant 1 : i32
    %eq3A_77 = arith.cmpi eq, %arg0, %eq3A_76 : i32
    %eq3A_78 = arith.constant 15 : i32
    %eq3A_79 = arith.cmpi eq, %arg1, %eq3A_78 : i32
    %and3A_80 = arith.andi %eq3A_77, %eq3A_79 : i1
    %convert_element_type3A_81 = arith.extui %and3A_80 : i1 to i32
    %cond3A_82 = arith.constant 0 : i32
    %cond3A_83 = arith.cmpi ne, %convert_element_type3A_81, %cond3A_82 : i32
    scf.if %cond3A_83 {
      "tpu.region"() ({
        %run_scoped3A = tpu.sem_alloc : memref<!tpu.dma_semaphore, #tpu.memory_space<semaphore_mem>>
        %dma_start3A = arith.constant 9600 : i32
        %dma_start3A_92 = arith.constant 0 : i32
        %dma_start3A_93 = tpu.memref_slice %arg8[%dma_start3A, %dma_start3A_92] : memref<10000x128xf32, #tpu.memory_space<hbm>> -> memref<400x128xf32, #tpu.memory_space<hbm>>
        %dma_start3A_94 = arith.constant 9600 : i32
        %dma_start3A_95 = arith.constant 0 : i32
        %dma_start3A_96 = tpu.memref_slice %arg10[%dma_start3A_94, %dma_start3A_95] : memref<10000x128xf32, #tpu.memory_space<vmem_shared>> -> memref<400x128xf32, #tpu.memory_space<vmem_shared>>
        tpu.enqueue_dma source(%dma_start3A_96 : memref<400x128xf32, #tpu.memory_space<vmem_shared>>) target(%dma_start3A_93 : memref<400x128xf32, #tpu.memory_space<hbm>>) target_semaphore(%run_scoped3A : memref<!tpu.dma_semaphore, #tpu.memory_space<semaphore_mem>>)
        %dma_wait3A = arith.constant 9600 : i32
        %dma_wait3A_97 = arith.constant 0 : i32
        %dma_wait3A_98 = tpu.memref_slice %arg8[%dma_wait3A, %dma_wait3A_97] : memref<10000x128xf32, #tpu.memory_space<hbm>> -> memref<400x128xf32, #tpu.memory_space<hbm>>
        %dma_wait3A_99 = arith.constant 9600 : i32
        %dma_wait3A_100 = arith.constant 0 : i32
        %dma_wait3A_101 = tpu.memref_slice %arg10[%dma_wait3A_99, %dma_wait3A_100] : memref<10000x128xf32, #tpu.memory_space<vmem_shared>> -> memref<400x128xf32, #tpu.memory_space<vmem_shared>>
        tpu.wait_dma2 semaphore(%run_scoped3A : memref<!tpu.dma_semaphore, #tpu.memory_space<semaphore_mem>>) src(%dma_wait3A_101 : memref<400x128xf32, #tpu.memory_space<vmem_shared>>) dst(%dma_wait3A_98 : memref<400x128xf32, #tpu.memory_space<hbm>>)
        tpu.yield
      }) : () -> ()
    } else {
    }
    %eq3A_84 = arith.constant 0 : i32
    %eq3A_85 = arith.cmpi eq, %arg0, %eq3A_84 : i32
    %lt3A_86 = arith.constant 5 : i32
    %lt3A_87 = arith.cmpi slt, %arg1, %lt3A_86 : i32
    %and3A_88 = arith.andi %eq3A_85, %lt3A_87 : i1
    %convert_element_type3A_89 = arith.extui %and3A_88 : i1 to i32
    %cond3A_90 = arith.constant 0 : i32
    %cond3A_91 = arith.cmpi ne, %convert_element_type3A_89, %cond3A_90 : i32
    scf.if %cond3A_91 {
      %mul3A_92 = arith.constant 2000 : i32
      %mul3A_93 = arith.muli %arg1, %mul3A_92 : i32
      "tpu.region"() ({
        %run_scoped3A = tpu.sem_alloc : memref<!tpu.dma_semaphore, #tpu.memory_space<semaphore_mem>>
        %dma_start3A = tpu.memref_slice %arg11[%mul3A_93] : memref<10000xf32, #tpu.memory_space<vmem_shared>> -> memref<2000xf32, #tpu.memory_space<vmem_shared>>
        %dma_start3A_96 = tpu.memref_slice %arg11[%mul3A_93] : memref<10000xf32, #tpu.memory_space<vmem_shared>> -> memref<2000xf32, #tpu.memory_space<vmem_shared>>
        tpu.enqueue_dma source(%dma_start3A_96 : memref<2000xf32, #tpu.memory_space<vmem_shared>>) target(%arg17 : memref<2000xf32, #tpu.memory_space<vmem>>) target_semaphore(%run_scoped3A : memref<!tpu.dma_semaphore, #tpu.memory_space<semaphore_mem>>)
        %dma_wait3A = tpu.memref_slice %arg11[%mul3A_93] : memref<10000xf32, #tpu.memory_space<vmem_shared>> -> memref<2000xf32, #tpu.memory_space<vmem_shared>>
        %dma_wait3A_97 = tpu.memref_slice %arg11[%mul3A_93] : memref<10000xf32, #tpu.memory_space<vmem_shared>> -> memref<2000xf32, #tpu.memory_space<vmem_shared>>
        tpu.wait_dma2 semaphore(%run_scoped3A : memref<!tpu.dma_semaphore, #tpu.memory_space<semaphore_mem>>) src(%dma_wait3A_97 : memref<2000xf32, #tpu.memory_space<vmem_shared>>) dst(%arg17 : memref<2000xf32, #tpu.memory_space<vmem>>)
        tpu.yield
      }) : () -> ()
      %mul3A_94 = arith.constant 2000 : i32
      %mul3A_95 = arith.muli %arg1, %mul3A_94 : i32
      "tpu.region"() ({
        %run_scoped3A = tpu.sem_alloc : memref<!tpu.dma_semaphore, #tpu.memory_space<semaphore_mem>>
        %dma_start3A = tpu.memref_slice %arg9[%mul3A_95] : memref<10000xf32, #tpu.memory_space<hbm>> -> memref<2000xf32, #tpu.memory_space<hbm>>
        %dma_start3A_96 = tpu.memref_slice %arg9[%mul3A_95] : memref<10000xf32, #tpu.memory_space<hbm>> -> memref<2000xf32, #tpu.memory_space<hbm>>
        tpu.enqueue_dma source(%arg17 : memref<2000xf32, #tpu.memory_space<vmem>>) target(%dma_start3A_96 : memref<2000xf32, #tpu.memory_space<hbm>>) target_semaphore(%run_scoped3A : memref<!tpu.dma_semaphore, #tpu.memory_space<semaphore_mem>>)
        %dma_wait3A = tpu.memref_slice %arg9[%mul3A_95] : memref<10000xf32, #tpu.memory_space<hbm>> -> memref<2000xf32, #tpu.memory_space<hbm>>
        %dma_wait3A_97 = tpu.memref_slice %arg9[%mul3A_95] : memref<10000xf32, #tpu.memory_space<hbm>> -> memref<2000xf32, #tpu.memory_space<hbm>>
        tpu.wait_dma2 semaphore(%run_scoped3A : memref<!tpu.dma_semaphore, #tpu.memory_space<semaphore_mem>>) src(%arg17 : memref<2000xf32, #tpu.memory_space<vmem>>) dst(%dma_wait3A_97 : memref<2000xf32, #tpu.memory_space<hbm>>)
        tpu.yield
      }) : () -> ()
    } else {
    }
    return
  }
}

module attributes {stable_mosaic.version = 14 : i64} {
  func.func @_tc_body(%arg0: i32, %arg1: memref<2000x1xf32, #tpu.memory_space<vmem>>, %arg2: memref<2000x128xf32, #tpu.memory_space<vmem>>, %arg3: memref<2000x128xf32, #tpu.memory_space<vmem>>, %arg4: memref<2000x128xf32, #tpu.memory_space<vmem>>, %arg5: memref<2000x128xf32, #tpu.memory_space<vmem>>, %arg6: memref<128x256xf32, #tpu.memory_space<vmem>>, %arg7: memref<128x256xf32, #tpu.memory_space<vmem>>, %arg8: memref<1x256xf32, #tpu.memory_space<vmem>>, %arg9: memref<2000x256xf32, #tpu.memory_space<vmem>>) attributes {dimension_semantics = [#tpu.dimension_semantics<arbitrary>], iteration_bounds = array<i64: 5>, scalar_prefetch = 0 : i64, scratch_operands = 0 : i64, tpu.core_type = #tpu.core_type<tc>, window_params = [{transform_indices = @transform_0, window_bounds = array<i64: 2000, 1>}, {transform_indices = @transform_1, window_bounds = array<i64: 2000, 128>}, {transform_indices = @transform_2, window_bounds = array<i64: 2000, 128>}, {transform_indices = @transform_3, window_bounds = array<i64: 2000, 128>}, {transform_indices = @transform_4, window_bounds = array<i64: 2000, 128>}, {pipeline_mode = #tpu.pipeline_mode<synchronous>, transform_indices = @transform_5, window_bounds = array<i64: 128, 256>}, {pipeline_mode = #tpu.pipeline_mode<synchronous>, transform_indices = @transform_6, window_bounds = array<i64: 128, 256>}, {pipeline_mode = #tpu.pipeline_mode<synchronous>, transform_indices = @transform_7, window_bounds = array<i64: 1, 256>}, {transform_indices = @transform_8, window_bounds = array<i64: 2000, 256>}]} {
    %get3A = arith.constant 0 : index
    %get3A_0 = arith.constant 0 : index
    %get3A_1 = vector.load %arg1[%get3A, %get3A_0] : memref<2000x1xf32, #tpu.memory_space<vmem>>, vector<2000x1xf32>
    %max3A = arith.constant 1.000000e+00 : f32
    %max3A_2 = vector.broadcast %max3A : f32 to vector<2000x1xf32>
    %max3A_3 = arith.maximumf %get3A_1, %max3A_2 : vector<2000x1xf32>
    %div3A = arith.constant 1.000000e+00 : f32
    %div3A_4 = vector.broadcast %div3A : f32 to vector<2000x1xf32>
    %div3A_5 = arith.divf %div3A_4, %max3A_3 : vector<2000x1xf32>
    %get3A_6 = arith.constant 0 : index
    %get3A_7 = arith.constant 0 : index
    %get3A_8 = vector.load %arg2[%get3A_6, %get3A_7] : memref<2000x128xf32, #tpu.memory_space<vmem>>, vector<2000x128xf32>
    %mul3A = vector.broadcast %div3A_5 : vector<2000x1xf32> to vector<2000x128xf32>
    %mul3A_9 = arith.mulf %get3A_8, %mul3A : vector<2000x128xf32>
    %get3A_10 = arith.constant 0 : index
    %get3A_11 = arith.constant 0 : index
    %get3A_12 = vector.load %arg4[%get3A_10, %get3A_11] : memref<2000x128xf32, #tpu.memory_space<vmem>>, vector<2000x128xf32>
    %add3A = arith.addf %mul3A_9, %get3A_12 : vector<2000x128xf32>
    %get3A_13 = arith.constant 0 : index
    %get3A_14 = arith.constant 0 : index
    %get3A_15 = vector.load %arg3[%get3A_13, %get3A_14] : memref<2000x128xf32, #tpu.memory_space<vmem>>, vector<2000x128xf32>
    %mul3A_16 = vector.broadcast %div3A_5 : vector<2000x1xf32> to vector<2000x128xf32>
    %mul3A_17 = arith.mulf %get3A_15, %mul3A_16 : vector<2000x128xf32>
    %get3A_18 = arith.constant 0 : index
    %get3A_19 = arith.constant 0 : index
    %get3A_20 = vector.load %arg5[%get3A_18, %get3A_19] : memref<2000x128xf32, #tpu.memory_space<vmem>>, vector<2000x128xf32>
    %add3A_21 = arith.addf %mul3A_17, %get3A_20 : vector<2000x128xf32>
    %get3A_22 = arith.constant 0 : index
    %get3A_23 = arith.constant 0 : index
    %get3A_24 = vector.load %arg6[%get3A_22, %get3A_23] : memref<128x256xf32, #tpu.memory_space<vmem>>, vector<128x256xf32>
    %dot_general3A = arith.constant dense<0.000000e+00> : vector<2000x256xf32>
    %dot_general3A_25 = tpu.matmul %add3A, %get3A_24, %dot_general3A {dimension_numbers = #tpu.dot_dimension_numbers<[1], [0], [0], [1], [0, 0, 1, 1], [], []>, transpose_lhs_hint = false} : vector<2000x128xf32>, vector<128x256xf32>, vector<2000x256xf32> -> vector<2000x256xf32>
    %get3A_26 = arith.constant 0 : index
    %get3A_27 = arith.constant 0 : index
    %get3A_28 = vector.load %arg7[%get3A_26, %get3A_27] : memref<128x256xf32, #tpu.memory_space<vmem>>, vector<128x256xf32>
    %dot_general3A_29 = arith.constant dense<0.000000e+00> : vector<2000x256xf32>
    %dot_general3A_30 = tpu.matmul %add3A_21, %get3A_28, %dot_general3A_29 {dimension_numbers = #tpu.dot_dimension_numbers<[1], [0], [0], [1], [0, 0, 1, 1], [], []>, transpose_lhs_hint = false} : vector<2000x128xf32>, vector<128x256xf32>, vector<2000x256xf32> -> vector<2000x256xf32>
    %add3A_31 = arith.addf %dot_general3A_25, %dot_general3A_30 : vector<2000x256xf32>
    %get3A_32 = arith.constant 0 : index
    %get3A_33 = arith.constant 0 : index
    %get3A_34 = vector.load %arg8[%get3A_32, %get3A_33] : memref<1x256xf32, #tpu.memory_space<vmem>>, vector<1x256xf32>
    %add3A_35 = vector.broadcast %get3A_34 : vector<1x256xf32> to vector<2000x256xf32>
    %add3A_36 = arith.addf %add3A_31, %add3A_35 : vector<2000x256xf32>
    %swap3A = arith.constant 0 : index
    %swap3A_37 = arith.constant 0 : index
    %swap3A_38 = vector.load %arg9[%swap3A, %swap3A_37] : memref<2000x256xf32, #tpu.memory_space<vmem>>, vector<2000x256xf32>
    tpu.vector_store %arg9[%swap3A, %swap3A_37], %add3A_36 {strides = array<i32>} : memref<2000x256xf32, #tpu.memory_space<vmem>>, vector<2000x256xf32>,
    return
  }
  func.func @transform_0(%arg0: i32) -> (i32, i32) {
    %c0_i32 = arith.constant 0 : i32
    %c0_i32_0 = arith.constant 0 : i32
    return %arg0, %c0_i32 : i32, i32
  }
  func.func @transform_1(%arg0: i32) -> (i32, i32) {
    %c0_i32 = arith.constant 0 : i32
    %c0_i32_0 = arith.constant 0 : i32
    return %arg0, %c0_i32 : i32, i32
  }
  func.func @transform_2(%arg0: i32) -> (i32, i32) {
    %c0_i32 = arith.constant 0 : i32
    %c0_i32_0 = arith.constant 0 : i32
    return %arg0, %c0_i32 : i32, i32
  }
  func.func @transform_3(%arg0: i32) -> (i32, i32) {
    %c0_i32 = arith.constant 0 : i32
    %c0_i32_0 = arith.constant 0 : i32
    return %arg0, %c0_i32 : i32, i32
  }
  func.func @transform_4(%arg0: i32) -> (i32, i32) {
    %c0_i32 = arith.constant 0 : i32
    %c0_i32_0 = arith.constant 0 : i32
    return %arg0, %c0_i32 : i32, i32
  }
  func.func @transform_5(%arg0: i32) -> (i32, i32) {
    %c0_i32 = arith.constant 0 : i32
    %c0_i32_0 = arith.constant 0 : i32
    %c0_i32_1 = arith.constant 0 : i32
    return %c0_i32, %c0_i32_0 : i32, i32
  }
  func.func @transform_6(%arg0: i32) -> (i32, i32) {
    %c0_i32 = arith.constant 0 : i32
    %c0_i32_0 = arith.constant 0 : i32
    %c0_i32_1 = arith.constant 0 : i32
    return %c0_i32, %c0_i32_0 : i32, i32
  }
  func.func @transform_7(%arg0: i32) -> (i32, i32) {
    %c0_i32 = arith.constant 0 : i32
    %c0_i32_0 = arith.constant 0 : i32
    %c0_i32_1 = arith.constant 0 : i32
    return %c0_i32, %c0_i32_0 : i32, i32
  }
  func.func @transform_8(%arg0: i32) -> (i32, i32) {
    %c0_i32 = arith.constant 0 : i32
    %c0_i32_0 = arith.constant 0 : i32
    return %arg0, %c0_i32 : i32, i32
  }
}

</mosaic_0001>

<sc_bundles>
// kernel: kernel.4.cloned.1.call-start
scs
__scs_entry_jumppad:
0x0: {  	(pc) =	sbr.rel $0x88, $3  }
0x1: {  	(tag) =	ssettag $0x0;
	lr =	simm.s32 $0x1  }
0x2: {  	[smem:$0x3F9C] =	sst lr;
	_ =	strace $0xD0000000  }
0x3: {  	_ = 	snop  }
0x4: {  	_ = 	snop  }
0x5: {  	_ = 	snop  }
0x6: {  	_ = 	snop  }
0x7: {  	_ = 	snop  }
__scs_overlays_trampoline_lowered:
0x8: {  	[smem:$0x3FAB] =	sst s0  }
0x9: {  	[smem:$0x3FAC] =	sst s1  }
0xa: {  	[smem:$0x3FAD] =	sst s2  }
0xb: {  	[smem:$0x3FAE] =	sst s3  }
0xc: {  	[smem:$0x3FAF] =	sst s4  }
0xd: {  	[smem:$0x3FB0] =	sst s5  }
0xe: {  	[smem:$0x3FB1] =	sst s6  }
0xf: {  	[smem:$0x3FB2] =	sst s7  }
0x10: {  	[smem:$0x3FB3] =	sst s8  }
0x11: {  	[smem:$0x3FB4] =	sst s9;
	s0 =	simm.s32 @!p0 $0x0  }
0x12: {  	s1 =	sld [smem:$0x3F9A];
	s0 =	simm.s32 @p0 $0x1  }
0x13: {  	[smem:$0x3FB5] =	sst s0;
	s0 =	simm.s32 @!p1 $0x0  }
0x14: {  	s2 =	sld [smem:$0x3F99];
	s0 =	simm.s32 @p1 $0x1  }
0x15: {  	[smem:$0x3FB6] =	sst s0;
	s0 =	simm.s32 @!p2 $0x0  }
0x16: {  	s3 =	sld [smem:$0x3FDB];
	s0 =	simm.s32 @p2 $0x1  }
0x17: {  	s4 =	simm.s32 $0x1BF5;
	[smem:$0x3FB8] =	sst s0  }
0x18: {  	s0 =	sld [smem:$0x3F9B];
	_ =	swait.ge [sflag:s4], $0x0  }
0x19: {  	s7 =	sld [smem:$0x3F9C]  }
0x1a: {  	s8 =	sadd.s32 $0xFFFFE003, lr  }
0x1b: {  	s9 =	sadd.s32 $0xFFFFFEF7, lr;
	s5 =	simm.s32 $0xFFFFFFFF;
	p2 =	slt.u32 s8, $0xFFFFF086  }
0x1c: {  	p1 =	slt.u32 s9, $0xF7A;
	s5 =	simm.s32 @!p2 $0x0  }
0x1d: {  	s5 =	simm.s32 @p1 $0x1;
	p0 =	seq.s32 s7, s2  }
0x1e: {  	s7 =	smul.u32 @!p0 $0xF7A, s2;
	p2 =	seq.s32 @!p0 s5, $0x0  }
0x1f: {  	s9 =	smul.u32 $0xF7A, s1;
	s8 =	simm.s32 @!p0 $0x1BF5;
	p2 =	por !p2, p0  }
0x20: {  	[sflag:s8] =	ssyncset.s32 @!p0 $0xFFFFF086;
	s6 =	sadd.s32 @!p0 s3, s7;
	s7 =	simm.s32 @!p0 $0x108  }
0x21: {  	s3 =	sadd.s32 s3, s9;
	s6 =	sadd.s32 @!p0 $0x88, s6;
	s7 =	simm.s32 @p2 $0x1082  }
0x22: {  	[simem:s7], [sflag:s8] =	dma.local @!p0 [hbm:s6], $0xF7A  }
0x23: {  	s9 =	sor.u32 $0xD0000000, s2;
	s6 =	simm.s32 $0x108;
	_ =	swait.ge @!p0 [sflag:s8], $0x0  }
0x24: {  	s3 =	sadd.s32 $0x88, s3;
	s6 =	simm.s32 @!p1 $0x1082;
	[sflag:s4] =	ssyncset.s32 $0xFFFFF086  }
0x25: {  	[simem:s6], [sflag:s4] =	dma.local [hbm:s3], $0xF7A  }
0x26: {  	[smem:$0x3F9C] =	sst s1;
	(tag) =	ssettag s2;
	_ =	strace s9  }
0x27: {  	s1 =	sld [smem:$0x3FAC]  }
0x28: {  	s2 =	sld [smem:$0x3FAD]  }
0x29: {  	s4 =	sld [smem:$0x3FAF]  }
0x2a: {  	p0 =	seq.s32 s5, $0x0;
	s5 =	sld [smem:$0x3FB0]  }
0x2b: {  	s6 =	sld [smem:$0x3FB1]  }
0x2c: {  	s7 =	sld [smem:$0x3FB2]  }
0x2d: {  	s3 =	simm.s32 $0x108;
	s8 =	sld [smem:$0x3FB3]  }
0x2e: {  	s3 =	simm.s32 @!p0 $0x1082;
	s9 =	sld [smem:$0x3FB4]  }
0x2f: {  	lr =	sadd.s32 s0, s3;
	s0 =	sld [smem:$0x3FAB]  }
0x30: {  	s3 =	sld [smem:$0x3FAE]  }
0x31: {  	[smem:$0x3FB7] =	sst s10  }
0x32: {  	s10 =	sld [smem:$0x3FB5];
	_ =	sdelay $0x3  }
0x33: {  	p0 =	seq.s32 s10, $0x1;
	s10 =	sld [smem:$0x3FB7];
	_ =	sdelay $0x3  }
0x34: {  	[smem:$0x3FB7] =	sst s10  }
0x35: {  	s10 =	sld [smem:$0x3FB6];
	_ =	sdelay $0x3  }
0x36: {  	p1 =	seq.s32 s10, $0x1;
	s10 =	sld [smem:$0x3FB7];
	_ =	sdelay $0x3  }
0x37: {  	[smem:$0x3FB7] =	sst s10  }
0x38: {  	s10 =	sld [smem:$0x3FB8]  }
0x39: {  	_ = 	snop;
	(pc) =	sbr.ind lr, $3  }
0x3a: {  	_ = 	snop  }
0x3b: {  	_ = 	snop  }
0x3c: {  	p2 =	seq.s32 s10, $0x1;
	s10 =	sld [smem:$0x3FB7]  }
0x3d: {  	_ =	shalt  }
0x3e: {  	_ =	shalt  }
0x3f: {  	_ =	shalt  }
0x40: {  	_ =	shalt  }
0x41: {  	_ =	shalt  }
0x42: {  	_ =	shalt  }
0x43: {  	_ =	shalt  }
0x44: {  	_ =	shalt  }
0x45: {  	_ =	shalt  }
0x46: {  	_ =	shalt  }
0x47: {  	_ =	shalt  }
0x48: {  	_ =	shalt  }
0x49: {  	_ =	shalt  }
0x4a: {  	_ =	shalt  }
0x4b: {  	_ =	shalt  }
0x4c: {  	_ =	shalt  }
0x4d: {  	_ =	shalt  }
0x4e: {  	_ =	shalt  }
0x4f: {  	_ =	shalt  }
0x50: {  	_ =	shalt  }
0x51: {  	_ =	shalt  }
0x52: {  	_ =	shalt  }
0x53: {  	_ =	shalt  }
0x54: {  	_ =	shalt  }
0x55: {  	_ =	shalt  }
0x56: {  	_ =	shalt  }
0x57: {  	_ =	shalt  }
0x58: {  	_ =	shalt  }
0x59: {  	_ =	shalt  }
0x5a: {  	_ =	shalt  }
0x5b: {  	_ =	shalt  }
0x5c: {  	_ =	shalt  }
0x5d: {  	_ =	shalt  }
0x5e: {  	_ =	shalt  }
0x5f: {  	_ =	shalt  }
0x60: {  	_ =	shalt  }
0x61: {  	_ =	shalt  }
0x62: {  	_ =	shalt  }
0x63: {  	_ =	shalt  }
0x64: {  	_ =	shalt  }
0x65: {  	_ =	shalt  }
0x66: {  	_ =	shalt  }
0x67: {  	_ =	shalt  }
0x68: {  	_ =	shalt  }
0x69: {  	_ =	shalt  }
0x6a: {  	_ =	shalt  }
0x6b: {  	_ =	shalt  }
0x6c: {  	_ =	shalt  }
0x6d: {  	_ =	shalt  }
0x6e: {  	_ =	shalt  }
0x6f: {  	_ =	shalt  }
0x70: {  	_ =	shalt  }
0x71: {  	_ =	shalt  }
0x72: {  	_ =	shalt  }
0x73: {  	_ =	shalt  }
0x74: {  	_ =	shalt  }
0x75: {  	_ =	shalt  }
0x76: {  	_ =	shalt  }
0x77: {  	_ =	shalt  }
0x78: {  	_ =	shalt  }
0x79: {  	_ =	shalt  }
0x7a: {  	_ =	shalt  }
0x7b: {  	_ =	shalt  }
0x7c: {  	_ =	shalt  }
0x7d: {  	_ =	shalt  }
0x7e: {  	_ =	shalt  }
0x7f: {  	_ =	shalt  }
0x80: {  	_ =	shalt  }
0x81: {  	_ =	shalt  }
0x82: {  	_ =	shalt  }
0x83: {  	_ =	shalt  }
0x84: {  	_ =	shalt  }
0x85: {  	_ =	shalt  }
0x86: {  	_ =	shalt  }
0x87: {  	_ =	shalt  }
.Lfunc_end0:
.L_simem_size_0:
called_computation_lowered:
.L_overlay_start_0:
0x88: {  	s2 =	sld [smem:$0x3FD9]  }
0x89: {  	s3 =	sld [smem:$0x3FFE];
	_ =	sdelay $0x1  }
0x8a: {  	s1 =	srdreg.scid  }
0x8b: {  	s0 =	sand.u32 $0x1, s1  }
0x8c: {  	s17 =	sshll.u32 s0, $0xA;
	s2 =	sadd.s32 s3, s2  }
0x8d: {  	s2 =	sadd.s32 s2, s17  }
0x8e: {  	[smem:$0x3FC3] =	sst s2  }
0x8f: {  	_ = 	snop  }
0x90: {  	s2 =	sld [smem:$0x3FC8]  }
0x91: {  	s18 =	sld [smem:$0x3FD0];
	(tm) =	ssettm $0x1  }
0x92: {  	s4 =	sld [smem:$0x3FFB];
	_ =	sdelay $0x3  }
0x93: {  	_ =	strace s4  }
0x94: {  	s4 =	sld [smem:$0x3FFC];
	_ =	sdelay $0x3  }
0x95: {  	_ =	strace s4  }
0x96: {  	s4 =	sld [smem:$0x3FFD];
	_ =	sdelay $0x3  }
0x97: {  	_ =	strace s4  }
0x98: {  	_ =	strace $0x8FFFFFFF  }
0x99: {  	s19 =	sld [smem:$0x3FDB];
	_ =	sdelay $0x1  }
0x9a: {  	s5 =	simm.s32 $_scs_section_size  }
0x9b: {  	s6 =	simm.s32 $_size__tile_overlayer_lowered;
	s7 =	simm.s32 $_tile_overlayer_lowered  }
0x9c: {  	s22 =	simm.s32 $0x1BFF;
	s21 =	sshll.u32 s7, $0x1;
	s4 =	sadd.s32 s5, s19  }
0x9d: {  	s8 =	simm.s32 $0x0;
	s20 =	sshll.u32 s6, $0x1;
	s6 =	sadd.s32 s21, s4  }
0x9e: {  	[timem:s8], [sflag:s22] =	dma.local [hbm:s6], s20  }
0x9f: {  	_ =	swait.ge [sflag:s22], s20  }
0xa0: {  	s5 =	ssub.s32 $0x0, s20;
	[sflag:s22] =	ssyncset.done $0x0  }
0xa1: {  	[sflag:s22] =	ssyncadd.s32 s5;
	_ =	sdelay $0x1  }
0xa2: {  	s23 =	simm.s32 $0x1B8B  }
0xa3: {  	_ =	swait.ge [sflag:s23], $0x1  }
0xa4: {  	[sflag:s23] =	ssyncset.done $0x0  }
0xa5: {  	s25 =	simm.s32 $0x1B8E;
	s24 =	sld [smem:$0x3FFE];
	[sflag:s23] =	ssyncadd.s32 $0xFFFFFFFF  }
0xa6: {  	s26 =	simm.s32 $execute0_lowered;
	[smem:$0x3FD2] =	sst s25  }
0xa7: {  	s6 =	sshll.u32 s26, $0x1;
	_ =	strace $0x80000046;
	[dreg:$0x1] =	wrdreg $0xFFFFFFFF  }
0xa8: {  	s28 =	simm.s32 $_size_execute0_lowered;
	s4 =	sadd.s32 s4, s6;
	[dreg:$0x0] =	wrdreg $0x0  }
0xa9: {  	s6 =	sshll.u32 s28, $0x1;
	[dreg:$0x2] =	wrdreg s4  }
0xaa: {  	[dreg:$0x3] =	wrdreg s6  }
0xab: {  	[dreg:$0x4] =	wrdreg $0xC0  }
0xac: {  	_ =	task [dreg:s8], $0x5FFFF  }
0xad: {  	[dreg:$0x1] =	wrdreg $0xFFFFFFFF  }
0xae: {  	[dreg:$0x0] =	wrdreg $0x60  }
0xaf: {  	[dreg:$0x2] =	wrdreg s18  }
0xb0: {  	[dreg:$0x3] =	wrdreg s24  }
0xb1: {  	[dreg:$0x4] =	wrdreg s2  }
0xb2: {  	[dreg:$0x5] =	wrdreg $0x0  }
0xb3: {  	[dreg:$0x6] =	wrdreg $0x138800  }
0xb4: {  	[dreg:$0x7] =	wrdreg $0x9  }
0xb5: {  	_ =	task.clear_ibuf [dreg:s8], $0x8FFFF;
	_ =	strace $0x90000046  }
0xb6: {  	s29 =	simm.s32 $0x9;
	_ =	strace $0x80000048  }
0xb7: {  	_ =	swait.ge [sflag:s29], $0x1  }
0xb8: {  	[sflag:s29] =	ssyncadd.s32 $0xFFFFFFFF  }
0xb9: {  	_ =	strace $0x90000048  }
0xba: {  	_ =	sfence  }
0xbb: {  	s30 =	sld [smem:$0x0];
	_ =	sdelay $0x2  }
0xbc: {  	s31 =	sshll.u32 s1, $0xD;
	s1 =	sshrl.u32 s1, $0x2  }
0xbd: {  	s3 =	sand.u32 $0x4000, s31;
	s1 =	sadd.s32 s1, s30  }
0xbe: {  	s0 =	sor.u32 s3, s0;
	s1 =	sshll.u32 s1, $0x11  }
0xbf: {  	s0 =	sor.u32 s1, s0  }
0xc0: {  	s0 =	sadd.s32 $0x8F2B, s0  }
0xc1: {  	[sflag:s0] =	ssyncadd.remote.s32 $0x1  }
0xc2: {  	_ =	sfence.sel $0xFFFF  }
0xc3: {  	[dreg:$0x0] =	wrdreg $0xFFFFFFFF;
	(pc) =	sbr.abs _section_cstart, $3  }
0xc4: {  	[dreg:$0x1] =	wrdreg $0xFFFFFFFF  }
0xc5: {  	_ =	task.clear_ibuf [dreg:s8], $0x2FFFF;
	_ =	strace $0x9FFFFFFF  }
0xc6: {  	(tm) =	ssettm $0x7FFFFFFF  }
0xc7: {  	_ =	shalt  }
tec
execute0_lowered:
.L_overlay_start_1:
0x0: {  	(tag) =	ssettag $0x1  }
0x1: {  	s1 =	rddreg [dreg:$0x0]  }
0x2: {  	s0 =	rddreg [dreg:$0x1]  }
0x3: {  	s2 =	rddreg [dreg:$0x2]  }
0x4: {  	s3 =	rddreg [dreg:$0x3]  }
0x5: {  	s4 =	rddreg [dreg:$0x4];
	s6 =	simm.s32 $0x0;
	s16 =	stileid.u32  }
0x6: {  	s5 =	srdreg.scid;
	s29 =	simm.s32 $0x50;
	s31 =	simm.s32 $0x400  }
0x7: {  	[smem:$0x7FF] =	sst s6;
	s7 =	sadd.s32 $0xB400, s0;
	s10 =	smul.u32 $0x7D0, s16  }
0x8: {  	s5 =	sand.u32 $0x1, s5;
	s8 =	sadd.s32 $0x6400, s0;
	s11 =	smul.u32 $0x2800, s16  }
0x9: {  	s9 =	sadd.s32 $0x1400, s0;
	p0 =	seq.s32 s16, $0xF;
	p1 =	sne.s32 s16, $0xF  }
0xa: {  	s19 =	smul.u32 $0x50000, s16;
	s15 =	sadd.s32 $0x12C000, s3;
	s20 =	sadd.s32 $0x12E800, s3  }
0xb: {  	s21 =	sadd.s32 $0x131000, s3;
	_ =	strace $0x80000047;
	[dreg:$0x6] =	wrdreg s15  }
0xc: {  	s22 =	sadd.s32 $0x133800, s3;
	s23 =	smul.u32 $0x1F40, s16;
	[dreg:$0x7] =	wrdreg s20  }
0xd: {  	p2 =	slt.u32 s16, $0x5;
	s25 =	smul.u32 $0x4E200, s16;
	[dreg:$0x8] =	wrdreg s21  }
0xe: {  	s12 =	ssub.s32 $0x2, s5;
	[dreg:$0x9] =	wrdreg s22;
	p3 =	seq.s32 s5, $0x0  }
0xf: {  	p4 =	seq.s32 s5, $0x1;
	s20 =	sadd.s32 $0x136000, s3;
	s13 =	sshrl.u32 s10, $0x3  }
0x10: {  	s14 =	sshrl.u32 s12, $0x1;
	s11 =	sadd.s32 s11, s0;
	p2 =	por !p3, !p2  }
0x11: {  	s24 =	sshrl.u32 s23, $0x2;
	s26 =	sadd.s32 s2, s25;
	p5 =	por !p1, !p4  }
0x12: {  	p6 =	por !p0, !p4;
	[dreg:$0x15] =	wrdreg s20;
	s20 =	simm.s32 $0x2  }
0x13: {  	s13 =	sadd.s32 s13, s0;
	[dreg:$0xc] =	wrdreg s26;
	s30 =	sadd.s32 $0x32C00, s11  }
0x14: {  	s12 =	ssub.s32 s12, s14;
	s11 =	sadd.s32 $0x59E00, s11;
	[dreg:$0xe] =	wrdreg s30  }
0x15: {  	s14 =	sshrl.u32 s19, $0x2;
	[dreg:$0xf] =	wrdreg s11;
	s11 =	sadd.s32 $0x58400, s0  }
0x16: {  	p2 =	por !p2, !p2;
	s0 =	sadd.s32 $0x7F600, s0;
	[dreg:$0x10] =	wrdreg s11  }
0x17: {  	p6 =	por !p6, !p6;
	s15 =	sadd.s32 $0x32600, s13;
	[dreg:$0x11] =	wrdreg s0  }
0x18: {  	s18 =	sadd.s32 s14, s3;
	s19 =	smax.u32 s12, $0x1;
	[dreg:$0x13] =	wrdreg s15  }
0x19: {  	s14 =	simm.s32 @!p3 $0x0;
	s17 =	simm.s32 @!p2 $0x0;
	[dreg:$0x14] =	wrdreg s19  }
0x1a: {  	s30 =	smul.u32 $0x2710, s16;
	s14 =	simm.s32 @p3 $0x1;
	[dreg:$0xa] =	wrdreg s18  }
0x1b: {  	s13 =	simm.s32 $0x18EF8;
	s17 =	simm.s32 @p2 $0x1;
	[smem:$0x7F9] =	sst s14  }
0x1c: {  	s12 =	simm.s32 $0x1;
	s21 =	sadd.s32 $0x2800, s18;
	[smem:$0x7FA] =	sst s17  }
0x1d: {  	s16 =	simm.s32 $0x1B6F8;
	s22 =	sadd.s32 $0x5000, s18;
	[dreg:$0x16] =	wrdreg s21  }
0x1e: {  	s23 =	sadd.s32 $0x7800, s18;
	s26 =	sadd.s32 $0xF000, s18;
	[dreg:$0x17] =	wrdreg s22  }
0x1f: {  	s0 =	simm.s32 $0x800;
	s15 =	simm.s32 $0x6;
	[dreg:$0x18] =	wrdreg s23  }
0x20: {  	s19 =	simm.s32 $0x1DEF8;
	s14 =	sadd.s32 s24, s4;
	[dreg:$0x1b] =	wrdreg s26  }
0x21: {  	s17 =	sadd.s32 $0x80, s2;
	s24 =	sadd.s32 $0xA000, s18;
	[dreg:$0x1d] =	wrdreg s30  }
0x22: {  	s23 =	simm.s32 $0x7;
	s21 =	simm.s32 $0x3;
	[dreg:$0xb] =	wrdreg s14  }
0x23: {  	s14 =	simm.s32 @!p1 $0x0;
	s28 =	sadd.s32 s25, s17;
	[dreg:$0x19] =	wrdreg s24  }
0x24: {  	s25 =	sadd.s32 $0xC800, s18;
	s14 =	simm.s32 @p1 $0x1;
	[dreg:$0xd] =	wrdreg s28  }
0x25: {  	p1 =	por !p5, !p5;
	[dreg:$0x1a] =	wrdreg s25;
	s28 =	sadd.s32 $0x11800, s18  }
.Ltmp0:
0x26: {  	[smem:$0x7FB] =	sst s14;
	s14 =	simm.s32 @!p1 $0x0;
	(pc) =	sbr.rel .LBB2_1-.Ltmp0, $4  }
0x27: {  	[dreg:$0x1c] =	wrdreg s28;
	s14 =	simm.s32 @p1 $0x1;
	p1 =	sne.s32 s5, $0x0  }
0x28: {  	[smem:$0x7FC] =	sst s14;
	s5 =	simm.s32 @!p1 $0x0;
	s14 =	sadd.s32 s10, s4  }
0x29: {  	s22 =	simm.s32 $0x5;
	s5 =	simm.s32 @p1 $0x1;
	[dreg:$0x12] =	wrdreg s14  }
0x2a: {  	v0 =	vimm.f32 $0.0e+00;
	v1 =	vimm.f32 $1.000000000e+00;
	s26 =	simm.s32 $0x0;
	s24 =	simm.s32 $0x13CF8;
	[smem:$0x7FD] =	sst s5  }
.LBB2_31:
0x2b: {  	p5 =	por !p2, !p2  }
0x2c: {  	s11 =	stileid.u32;
	[bflag:$0x0] =	sbarrier.arrive $0xFFFF;
	p5 =	por p0, p5  }
0x2d: {  	s14 =	rddreg [dreg:$0xa];
	s5 =	sshll.u32 @!p5 s11, $0x6  }
0x2e: {  	s18 =	rddreg [dreg:$0xe];
	s10 =	sshrl.u32 @!p5 s14, $0x3;
	s5 =	sor.u32 @!p5 $0x1C07, s5  }
0x2f: {  	[hbm:s18], [sflag:s5] =	dma.local @!p5 [spmem:s10], $0x2800  }
0x30: {  	s5 =	simm.s32 @!p5 $0x7  }
0x31: {  	_ =	swait.ge @!p5 [sflag:s5], $0x2800  }
0x32: {  	s28 =	sld [smem:$0x7FC];
	_ =	sdelay $0x1  }
0x33: {  	p1 =	por !p2, !p0  }
0x34: {  	p2 =	por !p1, !p1;
	p1 =	seq.s32 s28, $0x1  }
0x35: {  	[sflag:s5] =	ssyncset.done @!p5 $0x0;
	p1 =	por !p1, p2  }
0x36: {  	[sflag:s5] =	ssyncadd.s32 @!p5 $0xFFFFD800;
	s10 =	sshll.u32 @!p1 s11, $0x6  }
0x37: {  	s5 =	sor.u32 @!p1 $0x1C07, s10;
	s10 =	sshrl.u32 @!p1 s14, $0x3;
	s14 =	rddreg [dreg:$0xf]  }
0x38: {  	[hbm:s14], [sflag:s5] =	dma.local @!p1 [spmem:s10], $0x2800  }
0x39: {  	s5 =	simm.s32 @!p1 $0x7  }
0x3a: {  	_ =	swait.ge @!p1 [sflag:s5], $0x2800  }
0x3b: {  	s18 =	rddreg [dreg:$0x6]  }
0x3c: {  	s10 =	sshll.u32 @p2 s11, $0x6;
	[sflag:s5] =	ssyncset.done @!p1 $0x0;
	s14 =	rddreg [dreg:$0x10]  }
0x3d: {  	[sflag:s5] =	ssyncadd.s32 @!p1 $0xFFFFD800;
	s5 =	sor.u32 @p2 $0x1C07, s10;
	s10 =	sshrl.u32 @p2 s18, $0x3  }
0x3e: {  	[hbm:s14], [sflag:s5] =	dma.local @p2 [spmem:s10], $0x1900  }
0x3f: {  	s5 =	simm.s32 @p2 $0x7  }
0x40: {  	_ =	swait.ge @p2 [sflag:s5], $0x1900  }
0x41: {  	s10 =	sshll.u32 @p6 s11, $0x6;
	[sflag:s5] =	ssyncset.done @p2 $0x0;
	s11 =	rddreg [dreg:$0x11]  }
0x42: {  	[sflag:s5] =	ssyncadd.s32 @p2 $0xFFFFE700;
	s5 =	sor.u32 @p6 $0x1C07, s10;
	s10 =	sshrl.u32 @p6 s18, $0x3  }
0x43: {  	[hbm:s11], [sflag:s5] =	dma.local @p6 [spmem:s10], $0x1900  }
0x44: {  	s5 =	simm.s32 @p6 $0x7  }
0x45: {  	_ =	swait.ge @p6 [sflag:s5], $0x1900  }
0x46: {  	[sflag:s5] =	ssyncset.done @p6 $0x0  }
0x47: {  	s10 =	rddreg [dreg:$0x12];
	[sflag:s5] =	ssyncadd.s32 @p6 $0xFFFFE700;
	s5 =	simm.s32 @p3 $0x1DF78  }
0x48: {  	[tilespmem:s5], [sflag:$0x7] =	stream.linear.gather @p3 [spmem:s10], $0x7D0, $0x38;
	[tilespmem:$0x1E778] =	vst v63  }
0x49: {  	s10 =	simm.s32 @p3 $0x7  }
0x4a: {  	_ =	swait.ge @p3 [sflag:s10], $0x7D0  }
0x4b: {  	[sflag:s10] =	ssyncset.done @p3 $0x0  }
0x4c: {  	s11 =	simm.s32 @p3 $0x0;
	s18 =	rddreg [dreg:$0x13];
	[sflag:s10] =	ssyncadd.s32 @p3 $0xFFFFF830  }
0x4d: {  	[hbm4b:s18+s11] =	stream.linear.scatter @p3 [tilespmem:s5], [sflag:$0x7], $0x7D0, $0x38;
	[tilespmem:$0x1E778] =	vst v63  }
0x4e: {  	_ =	swait.ge @p3 [sflag:s10], $0x7D0  }
0x4f: {  	s26 =	sadd.s32 $0x1, s26;
	s30 =	rddreg [dreg:$0x14]  }
0x50: {  	p1 =	sne.s32 s26, s30  }
.Ltmp1:
0x51: {  	_ = 	snop;
	(pc) =	sbr.rel @!p1 .LBB2_32-.Ltmp1, $3  }
0x52: {  	_ =	sdelay $0x1  }
0x53: {  	[sflag:s10] =	ssyncset.done @p3 $0x0  }
0x54: {  	s14 =	stileid.u32;
	[sflag:s10] =	ssyncadd.s32 @p3 $0xFFFFF830  }
.LBB2_1:
0x55: {  	s5 =	simm.s32 $0x0;
	s10 =	simm.s32 $0x0  }
.LBB2_2:
0x56: {  	p2 =	sne.s32 s10, $0x9FC0  }
.Ltmp2:
0x57: {  	_ = 	snop;
	(pc) =	sbr.rel @p2 .LBB2_2-.Ltmp2, $4  }
0x58: {  	s11 =	sand.u32 $0xFE00, s10  }
0x59: {  	s14 =	sand.u32 $0x70, s5;
	s11 =	sshrl.u32 s11, $0x2  }
0x5a: {  	s11 =	sor.u32 s14, s11  }
0x5b: {  	s5 =	sadd.s32 $0x10, s5;
	s10 =	sadd.s32 $0x40, s10;
	[tilespmem:s11+$0x18EF8] =	vst v0  }
0x5c: {  	s5 =	simm.s32 $0x40;
	s10 =	simm.s32 $0x0  }
.LBB2_4:
0x5d: {  	p2 =	sne.s32 s5, $0x1F00;
	[tilespmem:s10+$0x1DF78] =	vst v0;
	s10 =	smov.u32 s5;
	s5 =	sadd.s32 $0x40, s5  }
.Ltmp3:
0x5e: {  	(pc) =	sbr.rel @p2 .LBB2_4-.Ltmp3, $2  }
0x5f: {  	_ =	sdelay $0x2  }
0x60: {  	s10 =	sshra.s32 s10, $0x2  }
0x61: {  	[tilespmem:s10+$0x1DF78] =	vst v0  }
0x62: {  	s5 =	sld [smem:$0x7FB];
	_ =	sdelay $0x2  }
0x63: {  	p1 =	seq.s32 s5, $0x1  }
.Ltmp4:
0x64: {  	[tilespmem:$0x1DEF8] =	vst v1;
	(pc) =	sbr.rel @!p1 .LBB2_6-.Ltmp4, $4  }
0x65: {  	[tilespmem:$0x1DF08] =	vst v1  }
0x66: {  	[tilespmem:$0x1DF18] =	vst v1  }
0x67: {  	[tilespmem:$0x1DF28] =	vst v1  }
0x68: {  	[tilespmem:$0x1DF38] =	vst v1;
	[dreg:$0x1e] =	wrdreg s26  }
0x69: {  	s5 =	rddreg [dreg:$0xa]  }
0x6a: {  	[spmem:s5] =	stream.linear.scatter [tilespmem:s13], [sflag:$0x7], $0x2800, $0x38;
	[tilespmem:$0x1E778] =	vst v63  }
0x6b: {  	_ =	swait.ge [sflag:s23], $0x2800  }
0x6c: {  	[sflag:s23] =	ssyncset.done $0x0  }
0x6d: {  	s10 =	rddreg [dreg:$0x16];
	[sflag:s23] =	ssyncadd.s32 $0xFFFFD800  }
0x6e: {  	[spmem:s10] =	stream.linear.scatter [tilespmem:s13], [sflag:$0x7], $0x2800, $0x38;
	[tilespmem:$0x1E778] =	vst v63  }
0x6f: {  	_ =	swait.ge [sflag:s23], $0x2800  }
0x70: {  	[sflag:s23] =	ssyncset.done $0x0  }
0x71: {  	s11 =	rddreg [dreg:$0x17];
	[sflag:s23] =	ssyncadd.s32 $0xFFFFD800  }
0x72: {  	[spmem:s11] =	stream.linear.scatter [tilespmem:s13], [sflag:$0x7], $0x2800, $0x38;
	[tilespmem:$0x1E778] =	vst v63  }
0x73: {  	_ =	swait.ge [sflag:s23], $0x2800  }
0x74: {  	[sflag:s23] =	ssyncset.done $0x0  }
0x75: {  	s14 =	rddreg [dreg:$0x18];
	[sflag:s23] =	ssyncadd.s32 $0xFFFFD800  }
0x76: {  	[spmem:s14] =	stream.linear.scatter [tilespmem:s13], [sflag:$0x7], $0x2800, $0x38;
	[tilespmem:$0x1E778] =	vst v63  }
0x77: {  	_ =	swait.ge [sflag:s23], $0x2800  }
0x78: {  	[sflag:s23] =	ssyncset.done $0x0  }
0x79: {  	s18 =	rddreg [dreg:$0x19];
	[sflag:s23] =	ssyncadd.s32 $0xFFFFD800  }
0x7a: {  	[spmem:s18] =	stream.linear.scatter [tilespmem:s13], [sflag:$0x7], $0x2800, $0x38;
	[tilespmem:$0x1E778] =	vst v63  }
0x7b: {  	_ =	swait.ge [sflag:s23], $0x2800  }
0x7c: {  	[sflag:s23] =	ssyncset.done $0x0  }
0x7d: {  	s25 =	rddreg [dreg:$0x1a];
	[sflag:s23] =	ssyncadd.s32 $0xFFFFD800  }
0x7e: {  	[spmem:s25] =	stream.linear.scatter [tilespmem:s13], [sflag:$0x7], $0x2800, $0x38;
	[tilespmem:$0x1E778] =	vst v63  }
0x7f: {  	_ =	swait.ge [sflag:s23], $0x2800  }
0x80: {  	[sflag:s23] =	ssyncset.done $0x0  }
0x81: {  	s26 =	rddreg [dreg:$0x1b];
	[sflag:s23] =	ssyncadd.s32 $0xFFFFD800  }
0x82: {  	[spmem:s26] =	stream.linear.scatter [tilespmem:s13], [sflag:$0x7], $0x2800, $0x38;
	[tilespmem:$0x1E778] =	vst v63  }
0x83: {  	_ =	swait.ge [sflag:s23], $0x2800  }
0x84: {  	[sflag:s23] =	ssyncset.done $0x0  }
0x85: {  	s28 =	rddreg [dreg:$0x1c];
	[sflag:s23] =	ssyncadd.s32 $0xFFFFD800  }
0x86: {  	[spmem:s28] =	stream.linear.scatter [tilespmem:s13], [sflag:$0x7], $0x2800, $0x38;
	[tilespmem:$0x1E778] =	vst v63  }
0x87: {  	_ =	swait.ge [sflag:s23], $0x2800  }
0x88: {  	s30 =	sld [smem:$0x7FA];
	_ =	sdelay $0x2  }
0x89: {  	p1 =	seq.s32 s30, $0x1  }
.Ltmp5:
0x8a: {  	_ = 	snop;
	(pc) =	sbr.rel @!p1 .LBB2_9-.Ltmp5, $3  }
0x8b: {  	_ =	sdelay $0x1  }
0x8c: {  	[sflag:s23] =	ssyncset.done $0x0  }
0x8d: {  	[sflag:s23] =	ssyncadd.s32 $0xFFFFD800  }
0x8e: {  	s5 =	rddreg [dreg:$0xb];
	s10 =	simm.s32 $0x1DF78  }
0x8f: {  	[spmem:s5] =	stream.linear.scatter [tilespmem:s10], [sflag:$0x7], $0x7D0, $0x38;
	[tilespmem:$0x1E778] =	vst v63  }
.Ltmp6:
0x90: {  	_ =	swait.ge [sflag:s23], $0x7D0;
	(pc) =	sbr.rel .LBB2_10-.Ltmp6, $4  }
0x91: {  	[sflag:s23] =	ssyncset.done $0x0  }
0x92: {  	[sflag:s23] =	ssyncadd.s32 $0xFFFFF830  }
0x93: {  	[bflag:$0x0] =	sbarrier.arrive $0xFFFF  }
0x94: {  	p3 =	por $0x1, $0x1;
	s25 =	rddreg [dreg:$0x1d]  }
.LBB2_6:
0x95: {  	s5 =	rddreg [dreg:$0x6]  }
0x96: {  	[spmem:s5] =	stream.linear.scatter [tilespmem:s13], [sflag:$0x7], $0x2800, $0x38;
	[tilespmem:$0x1E778] =	vst v63  }
0x97: {  	_ =	swait.ge [sflag:s23], $0x2800  }
0x98: {  	[sflag:s23] =	ssyncset.done $0x0  }
0x99: {  	s18 =	rddreg [dreg:$0x7];
	[sflag:s23] =	ssyncadd.s32 $0xFFFFD800  }
0x9a: {  	[spmem:s18] =	stream.linear.scatter [tilespmem:s13], [sflag:$0x7], $0x2800, $0x38;
	[tilespmem:$0x1E778] =	vst v63  }
0x9b: {  	_ =	swait.ge [sflag:s23], $0x2800  }
0x9c: {  	[sflag:s23] =	ssyncset.done $0x0  }
0x9d: {  	s25 =	rddreg [dreg:$0x8];
	[sflag:s23] =	ssyncadd.s32 $0xFFFFD800  }
0x9e: {  	[spmem:s25] =	stream.linear.scatter [tilespmem:s13], [sflag:$0x7], $0x2800, $0x38;
	[tilespmem:$0x1E778] =	vst v63  }
0x9f: {  	_ =	swait.ge [sflag:s23], $0x2800  }
0xa0: {  	[sflag:s23] =	ssyncset.done $0x0  }
0xa1: {  	s26 =	rddreg [dreg:$0x9];
	[sflag:s23] =	ssyncadd.s32 $0xFFFFD800  }
0xa2: {  	[spmem:s26] =	stream.linear.scatter [tilespmem:s13], [sflag:$0x7], $0x2800, $0x38;
	[tilespmem:$0x1E778] =	vst v63  }
0xa3: {  	_ =	swait.ge [sflag:s23], $0x2800  }
0xa4: {  	[sflag:s23] =	ssyncset.done $0x0  }
0xa5: {  	s28 =	rddreg [dreg:$0x15];
	[sflag:s23] =	ssyncadd.s32 $0xFFFFD800  }
0xa6: {  	[spmem:s28] =	stream.linear.scatter [tilespmem:s13], [sflag:$0x7], $0x2800, $0x38;
	[tilespmem:$0x1E778] =	vst v63  }
0xa7: {  	_ =	swait.ge [sflag:s23], $0x2800  }
0xa8: {  	[sflag:s23] =	ssyncset.done $0x0  }
0xa9: {  	[sflag:s23] =	ssyncadd.s32 $0xFFFFD800  }
0xaa: {  	[bflag:$0x0] =	sbarrier.arrive $0xFFFF  }
0xab: {  	s30 =	sld [smem:$0x7F9];
	_ =	sdelay $0x2  }
0xac: {  	p1 =	seq.s32 s30, $0x1  }
.Ltmp7:
0xad: {  	_ = 	snop;
	(pc) =	sbr.rel @p1 .LBB2_10-.Ltmp7, $4  }
.Ltmp8:
0xae: {  	_ = 	snop;
	(pc) =	sbr.rel @!p1 .LBB2_20-.Ltmp8, $4  }
0xaf: {  	_ = 	snop  }
0xb0: {  	_ = 	snop  }
0xb1: {  	p3 =	por $0x0, $0x0;
	p2 =	por $0x0, $0x0;
	s25 =	simm.s32 $0x249F0  }
0xb2: {  	_ = 	snop  }
.LBB2_9:
0xb3: {  	[bflag:$0x0] =	sbarrier.arrive $0xFFFF  }
0xb4: {  	s5 =	sld [smem:$0x7FD];
	_ =	sdelay $0x2  }
0xb5: {  	p1 =	seq.s32 s5, $0x1  }
.Ltmp9:
0xb6: {  	_ = 	snop;
	(pc) =	sbr.rel @p1 .LBB2_20-.Ltmp9, $2  }
0xb7: {  	_ =	sdelay $0x2  }
0xb8: {  	p3 =	por $0x0, $0x0;
	p2 =	por $0x0, $0x0;
	s25 =	rddreg [dreg:$0x1d]  }
.LBB2_10:
0xb9: {  	s5 =	sshrl.u32 s25, $0x3  }
0xba: {  	s26 =	simm.s32 $0x0;
	s11 =	simm.s32 $0x13AF8;
	s10 =	sadd.s32 s8, s5  }
0xbb: {  	[tilespmem:s11], [sflag:$0x7] =	stream.linear.gather [hbm4b:s10+s26], $0x50, $0x38;
	[tilespmem:$0x1E778] =	vst v63  }
0xbc: {  	_ =	swait.ge [sflag:s23], $0x50  }
0xbd: {  	[sflag:s23] =	ssyncset.done $0x0  }
0xbe: {  	s14 =	sadd.s32 s9, s5;
	[sflag:s23] =	ssyncadd.s32 $0xFFFFFFB0  }
0xbf: {  	[tilespmem:s24], [sflag:$0x7] =	stream.linear.gather [hbm4b:s14+s26], $0x50, $0x38;
	[tilespmem:$0x1E778] =	vst v63  }
0xc0: {  	_ =	swait.ge [sflag:s23], $0x50  }
0xc1: {  	[sflag:s23] =	ssyncset.done $0x0  }
0xc2: {  	s18 =	simm.s32 $0x13EF8;
	[sflag:s23] =	ssyncadd.s32 $0xFFFFFFB0  }
0xc3: {  	[tilespmem:s18], [sflag:$0x1] =	stream.indirect.gather [hbm4b:s1+s29], $0x80, s11, s29, $0xb8;
	[tilespmem:$0x1E778] =	vst v63  }
0xc4: {  	s5 =	sadd.s32 $0xA, s5;
	s23 =	rddreg [dreg:$0xc]  }
0xc5: {  	[tilespmem:s13], [sflag:$0x1] =	stream.strided.gather [hbm4b:s23+s31], $0x2800, s0, s31, $0x38;
	[tilespmem:$0x1E778] =	vst v63  }
0xc6: {  	s28 =	simm.s32 $0x13B78;
	s24 =	sadd.s32 s8, s5  }
0xc7: {  	[tilespmem:s28], [sflag:$0x6] =	stream.linear.gather [hbm4b:s24+s26], $0x50, $0x38;
	[tilespmem:$0x1E778] =	vst v63  }
0xc8: {  	s30 =	simm.s32 $0x13D78;
	s5 =	sadd.s32 s9, s5  }
0xc9: {  	[tilespmem:s30], [sflag:$0x6] =	stream.linear.gather [hbm4b:s5+s26], $0x50, $0x38;
	[tilespmem:$0x1E778] =	vst v63  }
.LBB2_11:
0xca: {  	_ =	swait.ge [sflag:s12], $0x2800  }
0xcb: {  	[sflag:s12] =	ssyncset.done $0x0  }
0xcc: {  	[sflag:s12] =	ssyncadd.s32 $0xFFFFD800  }
0xcd: {  	_ =	swait.ge [sflag:s12], $0x2800  }
0xce: {  	p2 =	seq.s32 s26, $0x0;
	[sflag:s12] =	ssyncset.done $0x0  }
0xcf: {  	s5 =	simm.s32 @!p2 $0x4;
	[sflag:s12] =	ssyncadd.s32 $0xFFFFD800  }
0xd0: {  	_ =	swait.ge @!p2 [sflag:s5], $0x2800  }
0xd1: {  	[sflag:s5] =	ssyncset.done @!p2 $0x0  }
0xd2: {  	[sflag:s5] =	ssyncadd.s32 @!p2 $0xFFFFD800  }
0xd3: {  	_ =	swait.ge @!p2 [sflag:s5], $0x50  }
0xd4: {  	[sflag:s5] =	ssyncset.done @!p2 $0x0  }
0xd5: {  	[sflag:s5] =	ssyncadd.s32 @!p2 $0xFFFFFFB0  }
0xd6: {  	_ =	swait.ge [sflag:s15], $0x50  }
0xd7: {  	s10 =	sshllo.u32 s26, $0x1;
	s28 =	sshll.u32 s26, $0x1;
	[sflag:s15] =	ssyncset.done $0x0  }
0xd8: {  	s18 =	sshll.u32 s10, $0x7;
	s10 =	smul.u32 $0x50, s10;
	[sflag:s15] =	ssyncadd.s32 $0xFFFFFFB0  }
0xd9: {  	s14 =	simm.s32 $0x166F8;
	s23 =	sadd.s32 $0x2, s28;
	_ =	swait.ge [sflag:s15], $0x50  }
0xda: {  	s10 =	sadd.s32 s25, s10;
	s5 =	sand.u32 $0x180, s18;
	[sflag:s15] =	ssyncset.done $0x0  }
0xdb: {  	s10 =	sshll.u32 s10, $0x5;
	s11 =	sadd.s32 $0x13AF8, s5;
	[sflag:s15] =	ssyncadd.s32 $0xFFFFFFB0  }
0xdc: {  	[tilespmem:s14], [sflag:$0x2] =	stream.indirect.gather [hbm4b:s1+s29], $0x80, s11, s29, $0xb8;
	[tilespmem:$0x1E778] =	vst v63  }
0xdd: {  	s24 =	smul.u32 $0x50, s23;
	s10 =	sadd.s32 s2, s10  }
0xde: {  	[tilespmem:s16], [sflag:$0x2] =	stream.strided.gather [hbm4b:s10+s31], $0x2800, s0, s31, $0x38;
	[tilespmem:$0x1E778] =	vst v63  }
0xdf: {  	s11 =	sshll.u32 s23, $0x7;
	s10 =	sadd.s32 s25, s24  }
0xe0: {  	s11 =	sand.u32 $0x100, s11;
	s14 =	sshrl.u32 s10, $0x3  }
0xe1: {  	s23 =	sor.u32 $0x13AF8, s11;
	s18 =	sadd.s32 s8, s14  }
0xe2: {  	[tilespmem:s23], [sflag:$0x5] =	stream.linear.gather [hbm4b:s18+s6], $0x50, $0x38;
	[tilespmem:$0x1E778] =	vst v63  }
0xe3: {  	s11 =	sor.u32 $0x13CF8, s11;
	s14 =	sadd.s32 s9, s14  }
0xe4: {  	[tilespmem:s11], [sflag:$0x5] =	stream.linear.gather [hbm4b:s14+s6], $0x50, $0x38;
	[tilespmem:$0x1E778] =	vst v63  }
0xe5: {  	s14 =	simm.s32 $0x18FF8  }
0xe6: {  	s24 =	simm.s32 $0x13FF8;
	v2 =	vld [tilespmem:s14+$0x80]  }
0xe7: {  	v3 =	vld [tilespmem:s24+$0x80]  }
0xe8: {  	v4 =	vld [tilespmem:s24+$0xFFFFFF00]  }
0xe9: {  	v5 =	vld [tilespmem:s14+$0xFFFFFF80]  }
0xea: {  	v6 =	vld [tilespmem:s24+$0xFFFFFF80]  }
0xeb: {  	v7 =	vld [tilespmem:s24+$0x0]  }
0xec: {  	v2 =	vadd.f32 v3, v2;
	v3 =	vld [tilespmem:s14+$0x0]  }
0xed: {  	v8 =	vld [tilespmem:s14+$0xFFFFFF00]  }
0xee: {  	v2 =	vmax.f32 v2, $0.0e+00  }
0xef: {  	v5 =	vadd.f32 v6, v5;
	[tilespmem:s14+$0x80] =	vst v2;
	v2 =	vld [tilespmem:s14+$0x90]  }
0xf0: {  	v9 =	vld [tilespmem:s24+$0x90]  }
0xf1: {  	v10 =	vld [tilespmem:s14+$0xFFFFFF90];
	v5 =	vmax.f32 v5, $0.0e+00;
	v3 =	vadd.f32 v7, v3  }
0xf2: {  	v6 =	vld [tilespmem:s14+$0xFFFFFF10];
	v4 =	vadd.f32 v4, v8;
	[tilespmem:s14+$0xFFFFFF80] =	vst v5  }
0xf3: {  	v7 =	vld [tilespmem:s24+$0xFFFFFF90];
	v3 =	vmax.f32 v3, $0.0e+00  }
0xf4: {  	v4 =	vmax.f32 v4, $0.0e+00;
	v5 =	vld [tilespmem:s14+$0x10];
	[tilespmem:s14+$0x0] =	vst v3  }
0xf5: {  	[tilespmem:s14+$0xFFFFFF00] =	vst v4;
	v2 =	vadd.f32 v9, v2;
	v3 =	vld [tilespmem:s24+$0x10]  }
0xf6: {  	v4 =	vld [tilespmem:s24+$0xFFFFFF10]  }
0xf7: {  	v2 =	vmax.f32 v2, $0.0e+00  }
0xf8: {  	v7 =	vadd.f32 v7, v10;
	[tilespmem:s14+$0x90] =	vst v2;
	v2 =	vld [tilespmem:s14+$0xA0]  }
0xf9: {  	v9 =	vld [tilespmem:s24+$0xA0]  }
0xfa: {  	v8 =	vld [tilespmem:s14+$0xFFFFFF20];
	v7 =	vmax.f32 v7, $0.0e+00;
	v3 =	vadd.f32 v3, v5  }
0xfb: {  	v4 =	vadd.f32 v4, v6;
	v10 =	vld [tilespmem:s14+$0xFFFFFFA0];
	[tilespmem:s14+$0xFFFFFF90] =	vst v7  }
0xfc: {  	v6 =	vld [tilespmem:s24+$0xFFFFFFA0];
	v3 =	vmax.f32 v3, $0.0e+00  }
0xfd: {  	v4 =	vmax.f32 v4, $0.0e+00;
	v5 =	vld [tilespmem:s14+$0x20];
	[tilespmem:s14+$0x10] =	vst v3  }
0xfe: {  	[tilespmem:s14+$0xFFFFFF10] =	vst v4;
	v2 =	vadd.f32 v9, v2;
	v3 =	vld [tilespmem:s24+$0x20]  }
0xff: {  	v4 =	vld [tilespmem:s24+$0xFFFFFF20]  }
0x100: {  	v2 =	vmax.f32 v2, $0.0e+00  }
0x101: {  	v6 =	vadd.f32 v6, v10;
	[tilespmem:s14+$0xA0] =	vst v2;
	v2 =	vld [tilespmem:s14+$0xB0]  }
0x102: {  	v9 =	vld [tilespmem:s24+$0xB0]  }
0x103: {  	v11 =	vld [tilespmem:s14+$0x30];
	v6 =	vmax.f32 v6, $0.0e+00;
	v3 =	vadd.f32 v3, v5  }
0x104: {  	v4 =	vadd.f32 v4, v8;
	v10 =	vld [tilespmem:s14+$0xFFFFFFB0];
	[tilespmem:s14+$0xFFFFFFA0] =	vst v6  }
0x105: {  	v5 =	vld [tilespmem:s24+$0xFFFFFFB0];
	v3 =	vmax.f32 v3, $0.0e+00  }
0x106: {  	v7 =	vld [tilespmem:s14+$0xFFFFFF30];
	[tilespmem:s14+$0x20] =	vst v3;
	v3 =	vmax.f32 v4, $0.0e+00  }
0x107: {  	v2 =	vadd.f32 v9, v2;
	[tilespmem:s14+$0xFFFFFF20] =	vst v3;
	v3 =	vld [tilespmem:s24+$0x30]  }
0x108: {  	v8 =	vld [tilespmem:s24+$0xFFFFFF30]  }
0x109: {  	v12 =	vld [tilespmem:s14+$0xFFFFFF40];
	v2 =	vmax.f32 v2, $0.0e+00  }
0x10a: {  	v5 =	vadd.f32 v5, v10;
	[tilespmem:s14+$0xB0] =	vst v2;
	v2 =	vld [tilespmem:s14+$0xC0]  }
0x10b: {  	v9 =	vld [tilespmem:s24+$0xC0]  }
0x10c: {  	v13 =	vld [tilespmem:s14+$0xFFFFFFD0];
	v5 =	vmax.f32 v5, $0.0e+00;
	v3 =	vadd.f32 v3, v11  }
0x10d: {  	v6 =	vld [tilespmem:s14+$0xFFFFFFC0];
	[tilespmem:s14+$0xFFFFFFB0] =	vst v5;
	v7 =	vadd.f32 v8, v7  }
0x10e: {  	v8 =	vld [tilespmem:s24+$0xFFFFFFC0];
	v3 =	vmax.f32 v3, $0.0e+00  }
0x10f: {  	v4 =	vld [tilespmem:s14+$0x40];
	[tilespmem:s14+$0x30] =	vst v3;
	v3 =	vmax.f32 v7, $0.0e+00  }
0x110: {  	v2 =	vadd.f32 v9, v2;
	v7 =	vld [tilespmem:s24+$0x40];
	[tilespmem:s14+$0xFFFFFF30] =	vst v3  }
0x111: {  	v3 =	vld [tilespmem:s24+$0xFFFFFF40]  }
0x112: {  	v10 =	vld [tilespmem:s14+$0xFFFFFF50];
	v2 =	vmax.f32 v2, $0.0e+00  }
0x113: {  	[tilespmem:s14+$0xC0] =	vst v2;
	v2 =	vadd.f32 v8, v6;
	v8 =	vld [tilespmem:s14+$0xD0]  }
0x114: {  	v9 =	vld [tilespmem:s24+$0xD0]  }
0x115: {  	v5 =	vld [tilespmem:s14+$0xFFFFFF60];
	v2 =	vmax.f32 v2, $0.0e+00;
	v4 =	vadd.f32 v7, v4  }
0x116: {  	v11 =	vld [tilespmem:s14+$0x50];
	[tilespmem:s14+$0xFFFFFFC0] =	vst v2;
	v2 =	vadd.f32 v3, v12  }
0x117: {  	v3 =	vld [tilespmem:s24+$0xFFFFFFD0];
	v4 =	vmax.f32 v4, $0.0e+00  }
0x118: {  	v6 =	vld [tilespmem:s14+$0xFFFFFFE0];
	[tilespmem:s14+$0x40] =	vst v4;
	v2 =	vmax.f32 v2, $0.0e+00  }
0x119: {  	v4 =	vld [tilespmem:s24+$0x50];
	v8 =	vadd.f32 v9, v8;
	[tilespmem:s14+$0xFFFFFF40] =	vst v2  }
0x11a: {  	v2 =	vld [tilespmem:s24+$0xFFFFFF50]  }
0x11b: {  	v7 =	vld [tilespmem:s14+$0x60];
	v8 =	vmax.f32 v8, $0.0e+00  }
0x11c: {  	v3 =	vadd.f32 v3, v13;
	[tilespmem:s14+$0xD0] =	vst v8;
	v8 =	vld [tilespmem:s14+$0xE0]  }
0x11d: {  	v12 =	vld [tilespmem:s24+$0xE0]  }
0x11e: {  	v3 =	vmax.f32 v3, $0.0e+00;
	v9 =	vadd.f32 v4, v11;
	v4 =	vld [tilespmem:s14+$0xFFFFFF70]  }
0x11f: {  	[tilespmem:s14+$0xFFFFFFD0] =	vst v3;
	v2 =	vadd.f32 v2, v10;
	v3 =	vld [tilespmem:s14+$0xFFFFFFF0]  }
0x120: {  	v10 =	vmax.f32 v9, $0.0e+00;
	v9 =	vld [tilespmem:s24+$0xFFFFFFE0]  }
0x121: {  	[tilespmem:s14+$0x50] =	vst v10;
	v10 =	vmax.f32 v2, $0.0e+00;
	v2 =	vld [tilespmem:s14+$0x70]  }
0x122: {  	[tilespmem:s14+$0xFFFFFF50] =	vst v10;
	v10 =	vld [tilespmem:s24+$0x60];
	v8 =	vadd.f32 v12, v8  }
0x123: {  	v11 =	vld [tilespmem:s24+$0xFFFFFF60]  }
0x124: {  	s30 =	simm.s32 $0x13FF8;
	s18 =	simm.s32 $0x0;
	s11 =	simm.s32 $0x191F8;
	v12 =	vmax.f32 v8, $0.0e+00;
	v8 =	vld [tilespmem:s14+$0xF0]  }
.LBB2_12:
0x125: {  	v13 =	vld [tilespmem:s11+$0x80];
	v6 =	vadd.f32 v9, v6;
	[tilespmem:s14+$0xE0] =	vst v12  }
0x126: {  	s30 =	sadd.s32 $0x200, s30;
	v9 =	vld [tilespmem:s24+$0xF0]  }
0x127: {  	s18 =	sadd.s32 $0x4, s18;
	v12 =	vld [tilespmem:s30+$0x80];
	v6 =	vmax.f32 v6, $0.0e+00;
	v7 =	vadd.f32 v10, v7  }
0x128: {  	p2 =	slt.u32 s18, $0x4C;
	v10 =	vld [tilespmem:s30+$0xFFFFFF00];
	v5 =	vadd.f32 v11, v5;
	[tilespmem:s14+$0xFFFFFFE0] =	vst v6  }
0x129: {  	v6 =	vld [tilespmem:s11+$0xFFFFFF80];
	v7 =	vmax.f32 v7, $0.0e+00  }
0x12a: {  	v11 =	vld [tilespmem:s30+$0xFFFFFF80];
	v5 =	vmax.f32 v5, $0.0e+00;
	[tilespmem:s14+$0x60] =	vst v7  }
0x12b: {  	v7 =	vld [tilespmem:s11+$0x0];
	[tilespmem:s14+$0xFFFFFF60] =	vst v5;
	v5 =	vadd.f32 v9, v8  }
0x12c: {  	v8 =	vld [tilespmem:s30+$0x0];
	v9 =	vadd.f32 v12, v13  }
0x12d: {  	v12 =	vld [tilespmem:s11+$0xFFFFFF00];
	v5 =	vmax.f32 v5, $0.0e+00  }
0x12e: {  	v13 =	vld [tilespmem:s11+$0xFFFFFF10];
	v9 =	vmax.f32 v9, $0.0e+00;
	[tilespmem:s14+$0xF0] =	vst v5  }
0x12f: {  	v5 =	vadd.f32 v11, v6;
	[tilespmem:s11+$0x80] =	vst v9;
	v6 =	vld [tilespmem:s11+$0x90]  }
0x130: {  	v9 =	vld [tilespmem:s30+$0x90]  }
0x131: {  	v5 =	vmax.f32 v5, $0.0e+00;
	v11 =	vld [tilespmem:s11+$0xFFFFFF90];
	v7 =	vadd.f32 v8, v7  }
0x132: {  	v8 =	vadd.f32 v10, v12;
	[tilespmem:s11+$0xFFFFFF80] =	vst v5;
	v5 =	vld [tilespmem:s11+$0x10]  }
0x133: {  	v10 =	vld [tilespmem:s30+$0xFFFFFF90];
	v7 =	vmax.f32 v7, $0.0e+00  }
0x134: {  	v8 =	vmax.f32 v8, $0.0e+00;
	v12 =	vld [tilespmem:s11+$0xFFFFFF20];
	[tilespmem:s11+$0x0] =	vst v7  }
0x135: {  	[tilespmem:s11+$0xFFFFFF00] =	vst v8;
	v7 =	vld [tilespmem:s30+$0x10];
	v6 =	vadd.f32 v9, v6  }
0x136: {  	v8 =	vld [tilespmem:s30+$0xFFFFFF10]  }
0x137: {  	v9 =	vld [tilespmem:s11+$0xFFFFFFA0];
	v6 =	vmax.f32 v6, $0.0e+00  }
0x138: {  	v10 =	vadd.f32 v10, v11;
	[tilespmem:s11+$0x90] =	vst v6;
	v6 =	vld [tilespmem:s11+$0xA0]  }
0x139: {  	v11 =	vld [tilespmem:s30+$0xA0]  }
0x13a: {  	v10 =	vmax.f32 v10, $0.0e+00;
	v5 =	vadd.f32 v7, v5;
	v7 =	vld [tilespmem:s11+$0x20]  }
0x13b: {  	v8 =	vadd.f32 v8, v13;
	v13 =	vld [tilespmem:s11+$0xFFFFFF30];
	[tilespmem:s11+$0xFFFFFF90] =	vst v10  }
0x13c: {  	v10 =	vld [tilespmem:s30+$0xFFFFFFA0];
	v5 =	vmax.f32 v5, $0.0e+00  }
0x13d: {  	v8 =	vmax.f32 v8, $0.0e+00;
	v14 =	vld [tilespmem:s11+$0xFFFFFFB0];
	[tilespmem:s11+$0x10] =	vst v5  }
0x13e: {  	[tilespmem:s11+$0xFFFFFF10] =	vst v8;
	v5 =	vld [tilespmem:s30+$0x20];
	v6 =	vadd.f32 v11, v6  }
0x13f: {  	v8 =	vld [tilespmem:s30+$0xFFFFFF20]  }
0x140: {  	v11 =	vld [tilespmem:s11+$0x30];
	v6 =	vmax.f32 v6, $0.0e+00  }
0x141: {  	v9 =	vadd.f32 v10, v9;
	[tilespmem:s11+$0xA0] =	vst v6;
	v6 =	vld [tilespmem:s11+$0xB0]  }
0x142: {  	v10 =	vld [tilespmem:s30+$0xB0]  }
0x143: {  	v15 =	vld [tilespmem:s11+$0xFFFFFF40];
	v9 =	vmax.f32 v9, $0.0e+00;
	v5 =	vadd.f32 v5, v7  }
0x144: {  	v7 =	vadd.f32 v8, v12;
	[tilespmem:s11+$0xFFFFFFA0] =	vst v9;
	v8 =	vld [tilespmem:s11+$0xFFFFFFC0]  }
0x145: {  	v9 =	vld [tilespmem:s30+$0xFFFFFFB0];
	v5 =	vmax.f32 v5, $0.0e+00  }
0x146: {  	v7 =	vmax.f32 v7, $0.0e+00;
	[tilespmem:s11+$0x20] =	vst v5;
	v12 =	vld [tilespmem:s11+$0x40]  }
0x147: {  	[tilespmem:s11+$0xFFFFFF20] =	vst v7;
	v5 =	vld [tilespmem:s30+$0x30];
	v6 =	vadd.f32 v10, v6  }
0x148: {  	v7 =	vld [tilespmem:s30+$0xFFFFFF30]  }
0x149: {  	v10 =	vld [tilespmem:s11+$0xFFFFFF50];
	v6 =	vmax.f32 v6, $0.0e+00  }
0x14a: {  	v9 =	vadd.f32 v9, v14;
	[tilespmem:s11+$0xB0] =	vst v6;
	v6 =	vld [tilespmem:s11+$0xC0]  }
0x14b: {  	v14 =	vld [tilespmem:s30+$0xC0]  }
0x14c: {  	v9 =	vmax.f32 v9, $0.0e+00;
	v16 =	vld [tilespmem:s11+$0xFFFFFFD0];
	v5 =	vadd.f32 v5, v11  }
0x14d: {  	v7 =	vadd.f32 v7, v13;
	[tilespmem:s11+$0xFFFFFFB0] =	vst v9;
	v9 =	vld [tilespmem:s11+$0x50]  }
0x14e: {  	v11 =	vld [tilespmem:s30+$0xFFFFFFC0];
	v13 =	vmax.f32 v5, $0.0e+00  }
0x14f: {  	v7 =	vmax.f32 v7, $0.0e+00;
	v5 =	vld [tilespmem:s11+$0xFFFFFF60];
	[tilespmem:s11+$0x30] =	vst v13  }
0x150: {  	[tilespmem:s11+$0xFFFFFF30] =	vst v7;
	v7 =	vld [tilespmem:s30+$0x40];
	v13 =	vadd.f32 v14, v6  }
0x151: {  	v14 =	vld [tilespmem:s30+$0xFFFFFF40]  }
0x152: {  	v6 =	vld [tilespmem:s11+$0xFFFFFFE0];
	v13 =	vmax.f32 v13, $0.0e+00  }
0x153: {  	v8 =	vadd.f32 v11, v8;
	[tilespmem:s11+$0xC0] =	vst v13;
	v11 =	vld [tilespmem:s11+$0xD0]  }
0x154: {  	v13 =	vld [tilespmem:s30+$0xD0]  }
0x155: {  	v8 =	vmax.f32 v8, $0.0e+00;
	v12 =	vadd.f32 v7, v12;
	v7 =	vld [tilespmem:s11+$0x60]  }
0x156: {  	v14 =	vadd.f32 v14, v15;
	[tilespmem:s11+$0xFFFFFFC0] =	vst v8;
	v8 =	vld [tilespmem:s24+$0xFFFFFF70]  }
0x157: {  	v15 =	vld [tilespmem:s30+$0xFFFFFFD0];
	v12 =	vmax.f32 v12, $0.0e+00  }
0x158: {  	v14 =	vmax.f32 v14, $0.0e+00;
	[tilespmem:s11+$0x40] =	vst v12;
	v12 =	vld [tilespmem:s24+$0xFFFFFFF0]  }
0x159: {  	[tilespmem:s11+$0xFFFFFF40] =	vst v14;
	v14 =	vld [tilespmem:s30+$0x50];
	v11 =	vadd.f32 v13, v11  }
0x15a: {  	v13 =	vld [tilespmem:s30+$0xFFFFFF50]  }
0x15b: {  	v11 =	vmax.f32 v11, $0.0e+00;
	v4 =	vadd.f32 v8, v4;
	v8 =	vld [tilespmem:s24+$0x70];
	s24 =	smov.u32 s30  }
0x15c: {  	v15 =	vadd.f32 v15, v16;
	[tilespmem:s11+$0xD0] =	vst v11;
	v11 =	vld [tilespmem:s11+$0xE0]  }
0x15d: {  	v16 =	vld [tilespmem:s30+$0xE0];
	v17 =	vmax.f32 v4, $0.0e+00;
	v12 =	vadd.f32 v12, v3  }
0x15e: {  	v4 =	vld [tilespmem:s11+$0xFFFFFF70];
	v3 =	vmax.f32 v15, $0.0e+00;
	v14 =	vadd.f32 v14, v9;
	[tilespmem:s14+$0xFFFFFF70] =	vst v17  }
0x15f: {  	v10 =	vadd.f32 v13, v10;
	[tilespmem:s11+$0xFFFFFFD0] =	vst v3;
	v3 =	vld [tilespmem:s11+$0xFFFFFFF0];
	v12 =	vmax.f32 v12, $0.0e+00  }
.Ltmp10:
0x160: {  	v9 =	vld [tilespmem:s30+$0xFFFFFFE0];
	v13 =	vmax.f32 v14, $0.0e+00;
	[tilespmem:s14+$0xFFFFFFF0] =	vst v12;
	v8 =	vadd.f32 v8, v2;
	(pc) =	sbr.rel @p2 .LBB2_12-.Ltmp10, $4  }
0x161: {  	v10 =	vmax.f32 v10, $0.0e+00;
	[tilespmem:s11+$0x50] =	vst v13;
	v2 =	vld [tilespmem:s11+$0x70]  }
0x162: {  	[tilespmem:s11+$0xFFFFFF50] =	vst v10;
	v10 =	vld [tilespmem:s30+$0x60];
	v12 =	vadd.f32 v16, v11;
	v8 =	vmax.f32 v8, $0.0e+00  }
0x163: {  	v11 =	vld [tilespmem:s30+$0xFFFFFF60];
	[tilespmem:s14+$0x70] =	vst v8;
	s14 =	smov.u32 s11  }
0x164: {  	s11 =	sadd.s32 $0x200, s11;
	v12 =	vmax.f32 v12, $0.0e+00;
	v8 =	vld [tilespmem:s14+$0xF0]  }
0x165: {  	_ =	sdelay $0x2  }
0x166: {  	v5 =	vadd.f32 v11, v5  }
0x167: {  	v6 =	vadd.f32 v9, v6  }
0x168: {  	[tilespmem:s14+$0xE0] =	vst v12;
	v7 =	vadd.f32 v10, v7;
	v5 =	vmax.f32 v5, $0.0e+00  }
0x169: {  	v9 =	vld [tilespmem:s24+$0xF0];
	v6 =	vmax.f32 v6, $0.0e+00;
	[tilespmem:s14+$0xFFFFFF60] =	vst v5  }
0x16a: {  	[tilespmem:s14+$0xFFFFFFE0] =	vst v6;
	v5 =	vmax.f32 v7, $0.0e+00;
	v6 =	vld [tilespmem:s24+$0xFFFFFF70]  }
0x16b: {  	[tilespmem:s14+$0x60] =	vst v5;
	v5 =	vld [tilespmem:s24+$0xFFFFFFF0]  }
0x16c: {  	v7 =	vld [tilespmem:s24+$0x70];
	_ =	sdelay $0x1  }
0x16d: {  	v8 =	vadd.f32 v9, v8  }
0x16e: {  	v4 =	vadd.f32 v6, v4  }
0x16f: {  	v6 =	vmax.f32 v8, $0.0e+00;
	v3 =	vadd.f32 v5, v3  }
0x170: {  	[tilespmem:s14+$0xF0] =	vst v6;
	v2 =	vadd.f32 v7, v2;
	v4 =	vmax.f32 v4, $0.0e+00  }
0x171: {  	s11 =	sshll.u32 s26, $0x8;
	v3 =	vmax.f32 v3, $0.0e+00;
	[tilespmem:s14+$0xFFFFFF70] =	vst v4  }
0x172: {  	s11 =	sand.u32 $0x100, s11;
	[tilespmem:s14+$0xFFFFFFF0] =	vst v3;
	v2 =	vmax.f32 v2, $0.0e+00  }
0x173: {  	s11 =	sor.u32 $0x13CF8, s11;
	[tilespmem:s14+$0x70] =	vst v2  }
0x174: {  	[spmem:s3] =	stream.indirect.scatter.add.f32 [tilespmem:s13], [sflag:$0x3], $0x80, s11, s29, $0xb8;
	[tilespmem:$0x1E778] =	vst v63  }
0x175: {  	_ = 	snop  }
0x176: {  	[spmem:s4] =	stream.indirect.scatter.add.f32 [tilespmem:s19], [sflag:$0x3], $0x1, s11, s29, $0xb8;
	[tilespmem:$0x1E778] =	vst v63  }
0x177: {  	_ =	swait.ge [sflag:s20], $0x2800  }
0x178: {  	[sflag:s20] =	ssyncset.done $0x0  }
0x179: {  	[sflag:s20] =	ssyncadd.s32 $0xFFFFD800  }
0x17a: {  	_ =	swait.ge [sflag:s20], $0x2800  }
0x17b: {  	[sflag:s20] =	ssyncset.done $0x0  }
0x17c: {  	[sflag:s20] =	ssyncadd.s32 $0xFFFFD800  }
0x17d: {  	_ =	swait.ge [sflag:s21], $0x2800  }
0x17e: {  	[sflag:s21] =	ssyncset.done $0x0  }
0x17f: {  	[sflag:s21] =	ssyncadd.s32 $0xFFFFD800  }
0x180: {  	_ =	swait.ge [sflag:s21], $0x50  }
0x181: {  	[sflag:s21] =	ssyncset.done $0x0  }
0x182: {  	[sflag:s21] =	ssyncadd.s32 $0xFFFFFFB0  }
0x183: {  	_ =	swait.ge [sflag:s22], $0x50  }
0x184: {  	[sflag:s22] =	ssyncset.done $0x0  }
0x185: {  	[sflag:s22] =	ssyncadd.s32 $0xFFFFFFB0  }
0x186: {  	_ =	swait.ge [sflag:s22], $0x50  }
0x187: {  	[sflag:s22] =	ssyncset.done $0x0  }
0x188: {  	s30 =	simm.s32 $0x13EF8;
	s10 =	sshll.u32 s10, $0x5;
	[sflag:s22] =	ssyncadd.s32 $0xFFFFFFB0  }
0x189: {  	[tilespmem:s30], [sflag:$0x1] =	stream.indirect.gather [hbm4b:s1+s29], $0x80, s23, s29, $0xb8;
	[tilespmem:$0x1E778] =	vst v63  }
0x18a: {  	s10 =	sadd.s32 s2, s10  }
0x18b: {  	[tilespmem:s13], [sflag:$0x1] =	stream.strided.gather [hbm4b:s10+s31], $0x2800, s0, s31, $0x38;
	[tilespmem:$0x1E778] =	vst v63  }
0x18c: {  	s10 =	simm.s32 $0x1B8E8  }
0x18d: {  	s14 =	simm.s32 $0x168E8;
	v2 =	vld [tilespmem:s10+$0xFFFFFF90]  }
0x18e: {  	v3 =	vld [tilespmem:s14+$0xFFFFFF90]  }
0x18f: {  	v4 =	vld [tilespmem:s14+$0xFFFFFE10]  }
0x190: {  	v5 =	vld [tilespmem:s10+$0xFFFFFE90]  }
0x191: {  	v6 =	vld [tilespmem:s14+$0xFFFFFE90]  }
0x192: {  	v7 =	vld [tilespmem:s14+$0xFFFFFF10]  }
0x193: {  	v2 =	vadd.f32 v3, v2;
	v3 =	vld [tilespmem:s10+$0xFFFFFF10]  }
0x194: {  	v8 =	vld [tilespmem:s10+$0xFFFFFE10]  }
0x195: {  	v2 =	vmax.f32 v2, $0.0e+00  }
0x196: {  	v5 =	vadd.f32 v6, v5;
	[tilespmem:s10+$0xFFFFFF90] =	vst v2;
	v2 =	vld [tilespmem:s10+$0xFFFFFFA0]  }
0x197: {  	v9 =	vld [tilespmem:s14+$0xFFFFFFA0]  }
0x198: {  	v10 =	vld [tilespmem:s10+$0xFFFFFEA0];
	v5 =	vmax.f32 v5, $0.0e+00;
	v3 =	vadd.f32 v7, v3  }
0x199: {  	v6 =	vld [tilespmem:s10+$0xFFFFFE20];
	v4 =	vadd.f32 v4, v8;
	[tilespmem:s10+$0xFFFFFE90] =	vst v5  }
0x19a: {  	v7 =	vld [tilespmem:s14+$0xFFFFFEA0];
	v3 =	vmax.f32 v3, $0.0e+00  }
0x19b: {  	v4 =	vmax.f32 v4, $0.0e+00;
	v5 =	vld [tilespmem:s10+$0xFFFFFF20];
	[tilespmem:s10+$0xFFFFFF10] =	vst v3  }
0x19c: {  	[tilespmem:s10+$0xFFFFFE10] =	vst v4;
	v2 =	vadd.f32 v9, v2;
	v3 =	vld [tilespmem:s14+$0xFFFFFF20]  }
0x19d: {  	v4 =	vld [tilespmem:s14+$0xFFFFFE20]  }
0x19e: {  	v2 =	vmax.f32 v2, $0.0e+00  }
0x19f: {  	v7 =	vadd.f32 v7, v10;
	[tilespmem:s10+$0xFFFFFFA0] =	vst v2;
	v2 =	vld [tilespmem:s10+$0xFFFFFFB0]  }
0x1a0: {  	v9 =	vld [tilespmem:s14+$0xFFFFFFB0]  }
0x1a1: {  	v8 =	vld [tilespmem:s10+$0xFFFFFE30];
	v7 =	vmax.f32 v7, $0.0e+00;
	v3 =	vadd.f32 v3, v5  }
0x1a2: {  	v4 =	vadd.f32 v4, v6;
	v10 =	vld [tilespmem:s10+$0xFFFFFEB0];
	[tilespmem:s10+$0xFFFFFEA0] =	vst v7  }
0x1a3: {  	v6 =	vld [tilespmem:s14+$0xFFFFFEB0];
	v3 =	vmax.f32 v3, $0.0e+00  }
0x1a4: {  	v4 =	vmax.f32 v4, $0.0e+00;
	v5 =	vld [tilespmem:s10+$0xFFFFFF30];
	[tilespmem:s10+$0xFFFFFF20] =	vst v3  }
0x1a5: {  	[tilespmem:s10+$0xFFFFFE20] =	vst v4;
	v2 =	vadd.f32 v9, v2;
	v3 =	vld [tilespmem:s14+$0xFFFFFF30]  }
0x1a6: {  	v4 =	vld [tilespmem:s14+$0xFFFFFE30]  }
0x1a7: {  	v2 =	vmax.f32 v2, $0.0e+00  }
0x1a8: {  	v6 =	vadd.f32 v6, v10;
	[tilespmem:s10+$0xFFFFFFB0] =	vst v2;
	v2 =	vld [tilespmem:s10+$0xFFFFFFC0]  }
0x1a9: {  	v9 =	vld [tilespmem:s14+$0xFFFFFFC0]  }
0x1aa: {  	v11 =	vld [tilespmem:s10+$0xFFFFFF40];
	v6 =	vmax.f32 v6, $0.0e+00;
	v3 =	vadd.f32 v3, v5  }
0x1ab: {  	v4 =	vadd.f32 v4, v8;
	v10 =	vld [tilespmem:s10+$0xFFFFFEC0];
	[tilespmem:s10+$0xFFFFFEB0] =	vst v6  }
0x1ac: {  	v5 =	vld [tilespmem:s14+$0xFFFFFEC0];
	v3 =	vmax.f32 v3, $0.0e+00  }
0x1ad: {  	v7 =	vld [tilespmem:s10+$0xFFFFFE40];
	[tilespmem:s10+$0xFFFFFF30] =	vst v3;
	v3 =	vmax.f32 v4, $0.0e+00  }
0x1ae: {  	v2 =	vadd.f32 v9, v2;
	[tilespmem:s10+$0xFFFFFE30] =	vst v3;
	v3 =	vld [tilespmem:s14+$0xFFFFFF40]  }
0x1af: {  	v8 =	vld [tilespmem:s14+$0xFFFFFE40]  }
0x1b0: {  	v12 =	vld [tilespmem:s10+$0xFFFFFE50];
	v2 =	vmax.f32 v2, $0.0e+00  }
0x1b1: {  	v5 =	vadd.f32 v5, v10;
	[tilespmem:s10+$0xFFFFFFC0] =	vst v2;
	v2 =	vld [tilespmem:s10+$0xFFFFFFD0]  }
0x1b2: {  	v9 =	vld [tilespmem:s14+$0xFFFFFFD0]  }
0x1b3: {  	v13 =	vld [tilespmem:s10+$0xFFFFFEE0];
	v5 =	vmax.f32 v5, $0.0e+00;
	v3 =	vadd.f32 v3, v11  }
0x1b4: {  	v6 =	vld [tilespmem:s10+$0xFFFFFED0];
	[tilespmem:s10+$0xFFFFFEC0] =	vst v5;
	v7 =	vadd.f32 v8, v7  }
0x1b5: {  	v8 =	vld [tilespmem:s14+$0xFFFFFED0];
	v3 =	vmax.f32 v3, $0.0e+00  }
0x1b6: {  	v4 =	vld [tilespmem:s10+$0xFFFFFF50];
	[tilespmem:s10+$0xFFFFFF40] =	vst v3;
	v3 =	vmax.f32 v7, $0.0e+00  }
0x1b7: {  	v2 =	vadd.f32 v9, v2;
	v7 =	vld [tilespmem:s14+$0xFFFFFF50];
	[tilespmem:s10+$0xFFFFFE40] =	vst v3  }
0x1b8: {  	v3 =	vld [tilespmem:s14+$0xFFFFFE50]  }
0x1b9: {  	v10 =	vld [tilespmem:s10+$0xFFFFFE60];
	v2 =	vmax.f32 v2, $0.0e+00  }
0x1ba: {  	[tilespmem:s10+$0xFFFFFFD0] =	vst v2;
	v2 =	vadd.f32 v8, v6;
	v8 =	vld [tilespmem:s10+$0xFFFFFFE0]  }
0x1bb: {  	v9 =	vld [tilespmem:s14+$0xFFFFFFE0]  }
0x1bc: {  	v5 =	vld [tilespmem:s10+$0xFFFFFE70];
	v2 =	vmax.f32 v2, $0.0e+00;
	v4 =	vadd.f32 v7, v4  }
0x1bd: {  	v11 =	vld [tilespmem:s10+$0xFFFFFF60];
	[tilespmem:s10+$0xFFFFFED0] =	vst v2;
	v2 =	vadd.f32 v3, v12  }
0x1be: {  	v3 =	vld [tilespmem:s14+$0xFFFFFEE0];
	v4 =	vmax.f32 v4, $0.0e+00  }
0x1bf: {  	v6 =	vld [tilespmem:s10+$0xFFFFFEF0];
	[tilespmem:s10+$0xFFFFFF50] =	vst v4;
	v2 =	vmax.f32 v2, $0.0e+00  }
0x1c0: {  	v4 =	vld [tilespmem:s14+$0xFFFFFF60];
	v8 =	vadd.f32 v9, v8;
	[tilespmem:s10+$0xFFFFFE50] =	vst v2  }
0x1c1: {  	v2 =	vld [tilespmem:s14+$0xFFFFFE60]  }
0x1c2: {  	v7 =	vld [tilespmem:s10+$0xFFFFFF70];
	v8 =	vmax.f32 v8, $0.0e+00  }
0x1c3: {  	v3 =	vadd.f32 v3, v13;
	[tilespmem:s10+$0xFFFFFFE0] =	vst v8;
	v8 =	vld [tilespmem:s10+$0xFFFFFFF0]  }
0x1c4: {  	v12 =	vld [tilespmem:s14+$0xFFFFFFF0]  }
0x1c5: {  	v3 =	vmax.f32 v3, $0.0e+00;
	v9 =	vadd.f32 v4, v11;
	v4 =	vld [tilespmem:s10+$0xFFFFFE80]  }
0x1c6: {  	[tilespmem:s10+$0xFFFFFEE0] =	vst v3;
	v2 =	vadd.f32 v2, v10;
	v3 =	vld [tilespmem:s10+$0xFFFFFF00]  }
0x1c7: {  	v10 =	vmax.f32 v9, $0.0e+00;
	v9 =	vld [tilespmem:s14+$0xFFFFFEF0]  }
0x1c8: {  	[tilespmem:s10+$0xFFFFFF60] =	vst v10;
	v10 =	vmax.f32 v2, $0.0e+00;
	v2 =	vld [tilespmem:s10+$0xFFFFFF80]  }
0x1c9: {  	[tilespmem:s10+$0xFFFFFE60] =	vst v10;
	v10 =	vld [tilespmem:s14+$0xFFFFFF70];
	v8 =	vadd.f32 v12, v8  }
0x1ca: {  	v11 =	vld [tilespmem:s14+$0xFFFFFE70]  }
0x1cb: {  	s18 =	simm.s32 $0x0;
	s11 =	simm.s32 $0x1BAE8;
	s23 =	simm.s32 $0x168E8;
	v12 =	vmax.f32 v8, $0.0e+00;
	v8 =	vld [tilespmem:s10+$0x0]  }
.LBB2_14:
0x1cc: {  	v13 =	vld [tilespmem:s11+$0xFFFFFF90];
	v6 =	vadd.f32 v9, v6;
	[tilespmem:s10+$0xFFFFFFF0] =	vst v12  }
0x1cd: {  	s23 =	sadd.s32 $0x200, s23;
	v9 =	vld [tilespmem:s14+$0x0]  }
0x1ce: {  	s18 =	sadd.s32 $0x4, s18;
	v12 =	vld [tilespmem:s23+$0xFFFFFF90];
	v6 =	vmax.f32 v6, $0.0e+00;
	v7 =	vadd.f32 v10, v7  }
0x1cf: {  	p2 =	slt.u32 s18, $0x4C;
	v10 =	vld [tilespmem:s23+$0xFFFFFE10];
	v5 =	vadd.f32 v11, v5;
	[tilespmem:s10+$0xFFFFFEF0] =	vst v6  }
0x1d0: {  	v6 =	vld [tilespmem:s11+$0xFFFFFE90];
	v7 =	vmax.f32 v7, $0.0e+00  }
0x1d1: {  	v11 =	vld [tilespmem:s23+$0xFFFFFE90];
	v5 =	vmax.f32 v5, $0.0e+00;
	[tilespmem:s10+$0xFFFFFF70] =	vst v7  }
0x1d2: {  	v7 =	vld [tilespmem:s11+$0xFFFFFF10];
	[tilespmem:s10+$0xFFFFFE70] =	vst v5;
	v5 =	vadd.f32 v9, v8  }
0x1d3: {  	v8 =	vld [tilespmem:s23+$0xFFFFFF10];
	v9 =	vadd.f32 v12, v13  }
0x1d4: {  	v12 =	vld [tilespmem:s11+$0xFFFFFE10];
	v5 =	vmax.f32 v5, $0.0e+00  }
0x1d5: {  	v13 =	vld [tilespmem:s11+$0xFFFFFE20];
	v9 =	vmax.f32 v9, $0.0e+00;
	[tilespmem:s10+$0x0] =	vst v5  }
0x1d6: {  	v5 =	vadd.f32 v11, v6;
	[tilespmem:s11+$0xFFFFFF90] =	vst v9;
	v6 =	vld [tilespmem:s11+$0xFFFFFFA0]  }
0x1d7: {  	v9 =	vld [tilespmem:s23+$0xFFFFFFA0]  }
0x1d8: {  	v5 =	vmax.f32 v5, $0.0e+00;
	v11 =	vld [tilespmem:s11+$0xFFFFFEA0];
	v7 =	vadd.f32 v8, v7  }
0x1d9: {  	v8 =	vadd.f32 v10, v12;
	[tilespmem:s11+$0xFFFFFE90] =	vst v5;
	v5 =	vld [tilespmem:s11+$0xFFFFFF20]  }
0x1da: {  	v10 =	vld [tilespmem:s23+$0xFFFFFEA0];
	v7 =	vmax.f32 v7, $0.0e+00  }
0x1db: {  	v8 =	vmax.f32 v8, $0.0e+00;
	v12 =	vld [tilespmem:s11+$0xFFFFFE30];
	[tilespmem:s11+$0xFFFFFF10] =	vst v7  }
0x1dc: {  	[tilespmem:s11+$0xFFFFFE10] =	vst v8;
	v7 =	vld [tilespmem:s23+$0xFFFFFF20];
	v6 =	vadd.f32 v9, v6  }
0x1dd: {  	v8 =	vld [tilespmem:s23+$0xFFFFFE20]  }
0x1de: {  	v9 =	vld [tilespmem:s11+$0xFFFFFEB0];
	v6 =	vmax.f32 v6, $0.0e+00  }
0x1df: {  	v10 =	vadd.f32 v10, v11;
	[tilespmem:s11+$0xFFFFFFA0] =	vst v6;
	v6 =	vld [tilespmem:s11+$0xFFFFFFB0]  }
0x1e0: {  	v11 =	vld [tilespmem:s23+$0xFFFFFFB0]  }
0x1e1: {  	v10 =	vmax.f32 v10, $0.0e+00;
	v5 =	vadd.f32 v7, v5;
	v7 =	vld [tilespmem:s11+$0xFFFFFF30]  }
0x1e2: {  	v8 =	vadd.f32 v8, v13;
	v13 =	vld [tilespmem:s11+$0xFFFFFE40];
	[tilespmem:s11+$0xFFFFFEA0] =	vst v10  }
0x1e3: {  	v10 =	vld [tilespmem:s23+$0xFFFFFEB0];
	v5 =	vmax.f32 v5, $0.0e+00  }
0x1e4: {  	v8 =	vmax.f32 v8, $0.0e+00;
	v14 =	vld [tilespmem:s11+$0xFFFFFEC0];
	[tilespmem:s11+$0xFFFFFF20] =	vst v5  }
0x1e5: {  	[tilespmem:s11+$0xFFFFFE20] =	vst v8;
	v5 =	vld [tilespmem:s23+$0xFFFFFF30];
	v6 =	vadd.f32 v11, v6  }
0x1e6: {  	v8 =	vld [tilespmem:s23+$0xFFFFFE30]  }
0x1e7: {  	v11 =	vld [tilespmem:s11+$0xFFFFFF40];
	v6 =	vmax.f32 v6, $0.0e+00  }
0x1e8: {  	v9 =	vadd.f32 v10, v9;
	[tilespmem:s11+$0xFFFFFFB0] =	vst v6;
	v6 =	vld [tilespmem:s11+$0xFFFFFFC0]  }
0x1e9: {  	v10 =	vld [tilespmem:s23+$0xFFFFFFC0]  }
0x1ea: {  	v15 =	vld [tilespmem:s11+$0xFFFFFE50];
	v9 =	vmax.f32 v9, $0.0e+00;
	v5 =	vadd.f32 v5, v7  }
0x1eb: {  	v7 =	vadd.f32 v8, v12;
	[tilespmem:s11+$0xFFFFFEB0] =	vst v9;
	v8 =	vld [tilespmem:s11+$0xFFFFFED0]  }
0x1ec: {  	v9 =	vld [tilespmem:s23+$0xFFFFFEC0];
	v5 =	vmax.f32 v5, $0.0e+00  }
0x1ed: {  	v7 =	vmax.f32 v7, $0.0e+00;
	[tilespmem:s11+$0xFFFFFF30] =	vst v5;
	v12 =	vld [tilespmem:s11+$0xFFFFFF50]  }
0x1ee: {  	[tilespmem:s11+$0xFFFFFE30] =	vst v7;
	v5 =	vld [tilespmem:s23+$0xFFFFFF40];
	v6 =	vadd.f32 v10, v6  }
0x1ef: {  	v7 =	vld [tilespmem:s23+$0xFFFFFE40]  }
0x1f0: {  	v10 =	vld [tilespmem:s11+$0xFFFFFE60];
	v6 =	vmax.f32 v6, $0.0e+00  }
0x1f1: {  	v9 =	vadd.f32 v9, v14;
	[tilespmem:s11+$0xFFFFFFC0] =	vst v6;
	v6 =	vld [tilespmem:s11+$0xFFFFFFD0]  }
0x1f2: {  	v14 =	vld [tilespmem:s23+$0xFFFFFFD0]  }
0x1f3: {  	v9 =	vmax.f32 v9, $0.0e+00;
	v16 =	vld [tilespmem:s11+$0xFFFFFEE0];
	v5 =	vadd.f32 v5, v11  }
0x1f4: {  	v7 =	vadd.f32 v7, v13;
	[tilespmem:s11+$0xFFFFFEC0] =	vst v9;
	v9 =	vld [tilespmem:s11+$0xFFFFFF60]  }
0x1f5: {  	v11 =	vld [tilespmem:s23+$0xFFFFFED0];
	v13 =	vmax.f32 v5, $0.0e+00  }
0x1f6: {  	v7 =	vmax.f32 v7, $0.0e+00;
	v5 =	vld [tilespmem:s11+$0xFFFFFE70];
	[tilespmem:s11+$0xFFFFFF40] =	vst v13  }
0x1f7: {  	[tilespmem:s11+$0xFFFFFE40] =	vst v7;
	v7 =	vld [tilespmem:s23+$0xFFFFFF50];
	v13 =	vadd.f32 v14, v6  }
0x1f8: {  	v14 =	vld [tilespmem:s23+$0xFFFFFE50]  }
0x1f9: {  	v6 =	vld [tilespmem:s11+$0xFFFFFEF0];
	v13 =	vmax.f32 v13, $0.0e+00  }
0x1fa: {  	v8 =	vadd.f32 v11, v8;
	[tilespmem:s11+$0xFFFFFFD0] =	vst v13;
	v11 =	vld [tilespmem:s11+$0xFFFFFFE0]  }
0x1fb: {  	v13 =	vld [tilespmem:s23+$0xFFFFFFE0]  }
0x1fc: {  	v8 =	vmax.f32 v8, $0.0e+00;
	v12 =	vadd.f32 v7, v12;
	v7 =	vld [tilespmem:s11+$0xFFFFFF70]  }
0x1fd: {  	v14 =	vadd.f32 v14, v15;
	[tilespmem:s11+$0xFFFFFED0] =	vst v8;
	v8 =	vld [tilespmem:s14+$0xFFFFFE80]  }
0x1fe: {  	v15 =	vld [tilespmem:s23+$0xFFFFFEE0];
	v12 =	vmax.f32 v12, $0.0e+00  }
0x1ff: {  	v14 =	vmax.f32 v14, $0.0e+00;
	[tilespmem:s11+$0xFFFFFF50] =	vst v12;
	v12 =	vld [tilespmem:s14+$0xFFFFFF00]  }
0x200: {  	[tilespmem:s11+$0xFFFFFE50] =	vst v14;
	v14 =	vld [tilespmem:s23+$0xFFFFFF60];
	v11 =	vadd.f32 v13, v11  }
0x201: {  	v13 =	vld [tilespmem:s23+$0xFFFFFE60]  }
0x202: {  	v11 =	vmax.f32 v11, $0.0e+00;
	v4 =	vadd.f32 v8, v4;
	v8 =	vld [tilespmem:s14+$0xFFFFFF80];
	s14 =	smov.u32 s23  }
0x203: {  	v15 =	vadd.f32 v15, v16;
	[tilespmem:s11+$0xFFFFFFE0] =	vst v11;
	v11 =	vld [tilespmem:s11+$0xFFFFFFF0]  }
0x204: {  	v16 =	vld [tilespmem:s23+$0xFFFFFFF0];
	v17 =	vmax.f32 v4, $0.0e+00;
	v12 =	vadd.f32 v12, v3  }
0x205: {  	v4 =	vld [tilespmem:s11+$0xFFFFFE80];
	v3 =	vmax.f32 v15, $0.0e+00;
	v14 =	vadd.f32 v14, v9;
	[tilespmem:s10+$0xFFFFFE80] =	vst v17  }
0x206: {  	v10 =	vadd.f32 v13, v10;
	[tilespmem:s11+$0xFFFFFEE0] =	vst v3;
	v3 =	vld [tilespmem:s11+$0xFFFFFF00];
	v12 =	vmax.f32 v12, $0.0e+00  }
.Ltmp11:
0x207: {  	v9 =	vld [tilespmem:s23+$0xFFFFFEF0];
	v13 =	vmax.f32 v14, $0.0e+00;
	[tilespmem:s10+$0xFFFFFF00] =	vst v12;
	v8 =	vadd.f32 v8, v2;
	(pc) =	sbr.rel @p2 .LBB2_14-.Ltmp11, $4  }
0x208: {  	v10 =	vmax.f32 v10, $0.0e+00;
	[tilespmem:s11+$0xFFFFFF60] =	vst v13;
	v2 =	vld [tilespmem:s11+$0xFFFFFF80]  }
0x209: {  	[tilespmem:s11+$0xFFFFFE60] =	vst v10;
	v10 =	vld [tilespmem:s23+$0xFFFFFF70];
	v12 =	vadd.f32 v16, v11;
	v8 =	vmax.f32 v8, $0.0e+00  }
0x20a: {  	v11 =	vld [tilespmem:s23+$0xFFFFFE70];
	[tilespmem:s10+$0xFFFFFF80] =	vst v8;
	s10 =	smov.u32 s11  }
0x20b: {  	s11 =	sadd.s32 $0x200, s11;
	v12 =	vmax.f32 v12, $0.0e+00;
	v8 =	vld [tilespmem:s10+$0x0]  }
0x20c: {  	_ = 	snop  }
0x20d: {  	v6 =	vadd.f32 v9, v6  }
0x20e: {  	v7 =	vadd.f32 v10, v7  }
0x20f: {  	[tilespmem:s10+$0xFFFFFFF0] =	vst v12;
	v6 =	vmax.f32 v6, $0.0e+00;
	v5 =	vadd.f32 v11, v5  }
0x210: {  	v58 =	vld [tilespmem:s14+$0x0];
	[tilespmem:s10+$0xFFFFFEF0] =	vst v6;
	v59 =	vmax.f32 v7, $0.0e+00  }
0x211: {  	v61 =	vld [tilespmem:s14+$0xFFFFFF00];
	v5 =	vmax.f32 v5, $0.0e+00;
	[tilespmem:s10+$0xFFFFFF70] =	vst v59  }
0x212: {  	[tilespmem:s10+$0xFFFFFE70] =	vst v5;
	v62 =	vld [tilespmem:s14+$0xFFFFFF80]  }
0x213: {  	v60 =	vld [tilespmem:s14+$0xFFFFFE80];
	_ =	sdelay $0x1  }
0x214: {  	v8 =	vadd.f32 v58, v8  }
0x215: {  	v3 =	vadd.f32 v61, v3  }
0x216: {  	v63 =	vmax.f32 v8, $0.0e+00;
	v2 =	vadd.f32 v62, v2  }
0x217: {  	[tilespmem:s10+$0x0] =	vst v63;
	v3 =	vmax.f32 v3, $0.0e+00;
	v4 =	vadd.f32 v60, v4  }
0x218: {  	p2 =	seq.s32 s26, $0x3D;
	[tilespmem:s10+$0xFFFFFF00] =	vst v3;
	v2 =	vmax.f32 v2, $0.0e+00  }
.Ltmp12:
0x219: {  	v4 =	vmax.f32 v4, $0.0e+00;
	[tilespmem:s10+$0xFFFFFF80] =	vst v2;
	(pc) =	sbr.rel @p2 .LBB2_17-.Ltmp12, $4  }
0x21a: {  	s5 =	sadd.s32 $0x13CF8, s5;
	[tilespmem:s10+$0xFFFFFE80] =	vst v4  }
0x21b: {  	[spmem:s3] =	stream.indirect.scatter.add.f32 [tilespmem:s16], [sflag:$0x4], $0x80, s5, s29, $0xb8;
	[tilespmem:$0x1E778] =	vst v63  }
0x21c: {  	_ = 	snop  }
0x21d: {  	[spmem:s4] =	stream.indirect.scatter.add.f32 [tilespmem:s19], [sflag:$0x4], $0x1, s5, s29, $0xb8;
	[tilespmem:$0x1E778] =	vst v63  }
0x21e: {  	s5 =	sadd.s32 $0x3, s28  }
0x21f: {  	s10 =	smul.u32 $0x50, s5;
	_ =	sdelay $0x1  }
0x220: {  	s5 =	sshll.u32 s5, $0x7;
	s10 =	sadd.s32 s25, s10  }
.Ltmp13:
0x221: {  	s5 =	sand.u32 $0x180, s5;
	s10 =	sshrl.u32 s10, $0x3;
	(pc) =	sbr.rel .LBB2_11-.Ltmp13, $4  }
0x222: {  	s11 =	sadd.s32 $0x13AF8, s5;
	s14 =	sadd.s32 s8, s10  }
0x223: {  	[tilespmem:s11], [sflag:$0x6] =	stream.linear.gather [hbm4b:s14+s6], $0x50, $0x38;
	[tilespmem:$0x1E778] =	vst v63  }
0x224: {  	s26 =	sadd.s32 $0x1, s26;
	s5 =	sadd.s32 $0x13CF8, s5;
	s10 =	sadd.s32 s9, s10  }
0x225: {  	[tilespmem:s5], [sflag:$0x6] =	stream.linear.gather [hbm4b:s10+s6], $0x50, $0x38;
	[tilespmem:$0x1E778] =	vst v63  }
.LBB2_17:
0x226: {  	_ =	swait.ge [sflag:s12], $0x2800  }
0x227: {  	[sflag:s12] =	ssyncset.done $0x0  }
0x228: {  	[sflag:s12] =	ssyncadd.s32 $0xFFFFD800  }
0x229: {  	_ =	swait.ge [sflag:s12], $0x2800  }
0x22a: {  	[sflag:s12] =	ssyncset.done $0x0  }
0x22b: {  	s5 =	simm.s32 $0x4;
	[sflag:s12] =	ssyncadd.s32 $0xFFFFD800  }
0x22c: {  	_ =	swait.ge [sflag:s5], $0x2800  }
0x22d: {  	[sflag:s5] =	ssyncset.done $0x0  }
0x22e: {  	[sflag:s5] =	ssyncadd.s32 $0xFFFFD800  }
0x22f: {  	_ =	swait.ge [sflag:s5], $0x50  }
0x230: {  	[sflag:s5] =	ssyncset.done $0x0  }
0x231: {  	[sflag:s5] =	ssyncadd.s32 $0xFFFFFFB0;
	s5 =	simm.s32 $0x18FF8  }
0x232: {  	s10 =	simm.s32 $0x13FF8;
	v2 =	vld [tilespmem:s5+$0x80]  }
0x233: {  	v3 =	vld [tilespmem:s10+$0x80]  }
0x234: {  	v4 =	vld [tilespmem:s10+$0xFFFFFF00]  }
0x235: {  	v5 =	vld [tilespmem:s5+$0xFFFFFF80]  }
0x236: {  	v6 =	vld [tilespmem:s10+$0xFFFFFF80]  }
0x237: {  	v7 =	vld [tilespmem:s10+$0x0]  }
0x238: {  	v2 =	vadd.f32 v3, v2;
	v3 =	vld [tilespmem:s5+$0x0]  }
0x239: {  	v8 =	vld [tilespmem:s5+$0xFFFFFF00]  }
0x23a: {  	v2 =	vmax.f32 v2, $0.0e+00  }
0x23b: {  	v5 =	vadd.f32 v6, v5;
	[tilespmem:s5+$0x80] =	vst v2;
	v2 =	vld [tilespmem:s5+$0x90]  }
0x23c: {  	v9 =	vld [tilespmem:s10+$0x90]  }
0x23d: {  	v10 =	vld [tilespmem:s5+$0xFFFFFF90];
	v5 =	vmax.f32 v5, $0.0e+00;
	v3 =	vadd.f32 v7, v3  }
0x23e: {  	v6 =	vld [tilespmem:s5+$0xFFFFFF10];
	v4 =	vadd.f32 v4, v8;
	[tilespmem:s5+$0xFFFFFF80] =	vst v5  }
0x23f: {  	v7 =	vld [tilespmem:s10+$0xFFFFFF90];
	v3 =	vmax.f32 v3, $0.0e+00  }
0x240: {  	v4 =	vmax.f32 v4, $0.0e+00;
	v5 =	vld [tilespmem:s5+$0x10];
	[tilespmem:s5+$0x0] =	vst v3  }
0x241: {  	[tilespmem:s5+$0xFFFFFF00] =	vst v4;
	v2 =	vadd.f32 v9, v2;
	v3 =	vld [tilespmem:s10+$0x10]  }
0x242: {  	v4 =	vld [tilespmem:s10+$0xFFFFFF10]  }
0x243: {  	v2 =	vmax.f32 v2, $0.0e+00  }
0x244: {  	v7 =	vadd.f32 v7, v10;
	[tilespmem:s5+$0x90] =	vst v2;
	v2 =	vld [tilespmem:s5+$0xA0]  }
0x245: {  	v9 =	vld [tilespmem:s10+$0xA0]  }
0x246: {  	v8 =	vld [tilespmem:s5+$0xFFFFFF20];
	v7 =	vmax.f32 v7, $0.0e+00;
	v3 =	vadd.f32 v3, v5  }
0x247: {  	v4 =	vadd.f32 v4, v6;
	v10 =	vld [tilespmem:s5+$0xFFFFFFA0];
	[tilespmem:s5+$0xFFFFFF90] =	vst v7  }
0x248: {  	v6 =	vld [tilespmem:s10+$0xFFFFFFA0];
	v3 =	vmax.f32 v3, $0.0e+00  }
0x249: {  	v4 =	vmax.f32 v4, $0.0e+00;
	v5 =	vld [tilespmem:s5+$0x20];
	[tilespmem:s5+$0x10] =	vst v3  }
0x24a: {  	[tilespmem:s5+$0xFFFFFF10] =	vst v4;
	v2 =	vadd.f32 v9, v2;
	v3 =	vld [tilespmem:s10+$0x20]  }
0x24b: {  	v4 =	vld [tilespmem:s10+$0xFFFFFF20]  }
0x24c: {  	v2 =	vmax.f32 v2, $0.0e+00  }
0x24d: {  	v6 =	vadd.f32 v6, v10;
	[tilespmem:s5+$0xA0] =	vst v2;
	v2 =	vld [tilespmem:s5+$0xB0]  }
0x24e: {  	v9 =	vld [tilespmem:s10+$0xB0]  }
0x24f: {  	v11 =	vld [tilespmem:s5+$0x30];
	v6 =	vmax.f32 v6, $0.0e+00;
	v3 =	vadd.f32 v3, v5  }
0x250: {  	v4 =	vadd.f32 v4, v8;
	v10 =	vld [tilespmem:s5+$0xFFFFFFB0];
	[tilespmem:s5+$0xFFFFFFA0] =	vst v6  }
0x251: {  	v5 =	vld [tilespmem:s10+$0xFFFFFFB0];
	v3 =	vmax.f32 v3, $0.0e+00  }
0x252: {  	v7 =	vld [tilespmem:s5+$0xFFFFFF30];
	[tilespmem:s5+$0x20] =	vst v3;
	v3 =	vmax.f32 v4, $0.0e+00  }
0x253: {  	v2 =	vadd.f32 v9, v2;
	[tilespmem:s5+$0xFFFFFF20] =	vst v3;
	v3 =	vld [tilespmem:s10+$0x30]  }
0x254: {  	v8 =	vld [tilespmem:s10+$0xFFFFFF30]  }
0x255: {  	v12 =	vld [tilespmem:s5+$0xFFFFFF40];
	v2 =	vmax.f32 v2, $0.0e+00  }
0x256: {  	v5 =	vadd.f32 v5, v10;
	[tilespmem:s5+$0xB0] =	vst v2;
	v2 =	vld [tilespmem:s5+$0xC0]  }
0x257: {  	v9 =	vld [tilespmem:s10+$0xC0]  }
0x258: {  	v13 =	vld [tilespmem:s5+$0xFFFFFFD0];
	v5 =	vmax.f32 v5, $0.0e+00;
	v3 =	vadd.f32 v3, v11  }
0x259: {  	v6 =	vld [tilespmem:s5+$0xFFFFFFC0];
	[tilespmem:s5+$0xFFFFFFB0] =	vst v5;
	v7 =	vadd.f32 v8, v7  }
0x25a: {  	v8 =	vld [tilespmem:s10+$0xFFFFFFC0];
	v3 =	vmax.f32 v3, $0.0e+00  }
0x25b: {  	v4 =	vld [tilespmem:s5+$0x40];
	[tilespmem:s5+$0x30] =	vst v3;
	v3 =	vmax.f32 v7, $0.0e+00  }
0x25c: {  	v2 =	vadd.f32 v9, v2;
	v7 =	vld [tilespmem:s10+$0x40];
	[tilespmem:s5+$0xFFFFFF30] =	vst v3  }
0x25d: {  	v3 =	vld [tilespmem:s10+$0xFFFFFF40]  }
0x25e: {  	v10 =	vld [tilespmem:s5+$0xFFFFFF50];
	v2 =	vmax.f32 v2, $0.0e+00  }
0x25f: {  	[tilespmem:s5+$0xC0] =	vst v2;
	v2 =	vadd.f32 v8, v6;
	v8 =	vld [tilespmem:s5+$0xD0]  }
0x260: {  	v9 =	vld [tilespmem:s10+$0xD0]  }
0x261: {  	v5 =	vld [tilespmem:s5+$0xFFFFFF60];
	v2 =	vmax.f32 v2, $0.0e+00;
	v4 =	vadd.f32 v7, v4  }
0x262: {  	v11 =	vld [tilespmem:s5+$0x50];
	[tilespmem:s5+$0xFFFFFFC0] =	vst v2;
	v2 =	vadd.f32 v3, v12  }
0x263: {  	v3 =	vld [tilespmem:s10+$0xFFFFFFD0];
	v4 =	vmax.f32 v4, $0.0e+00  }
0x264: {  	v6 =	vld [tilespmem:s5+$0xFFFFFFE0];
	[tilespmem:s5+$0x40] =	vst v4;
	v2 =	vmax.f32 v2, $0.0e+00  }
0x265: {  	v4 =	vld [tilespmem:s10+$0x50];
	v8 =	vadd.f32 v9, v8;
	[tilespmem:s5+$0xFFFFFF40] =	vst v2  }
0x266: {  	v2 =	vld [tilespmem:s10+$0xFFFFFF50]  }
0x267: {  	v7 =	vld [tilespmem:s5+$0x60];
	v8 =	vmax.f32 v8, $0.0e+00  }
0x268: {  	v3 =	vadd.f32 v3, v13;
	[tilespmem:s5+$0xD0] =	vst v8;
	v8 =	vld [tilespmem:s5+$0xE0]  }
0x269: {  	v12 =	vld [tilespmem:s10+$0xE0]  }
0x26a: {  	v3 =	vmax.f32 v3, $0.0e+00;
	v9 =	vadd.f32 v4, v11;
	v4 =	vld [tilespmem:s5+$0xFFFFFF70]  }
0x26b: {  	[tilespmem:s5+$0xFFFFFFD0] =	vst v3;
	v2 =	vadd.f32 v2, v10;
	v3 =	vld [tilespmem:s5+$0xFFFFFFF0]  }
0x26c: {  	v10 =	vmax.f32 v9, $0.0e+00;
	v9 =	vld [tilespmem:s10+$0xFFFFFFE0]  }
0x26d: {  	[tilespmem:s5+$0x50] =	vst v10;
	v10 =	vmax.f32 v2, $0.0e+00;
	v2 =	vld [tilespmem:s5+$0x70]  }
0x26e: {  	[tilespmem:s5+$0xFFFFFF50] =	vst v10;
	v10 =	vld [tilespmem:s10+$0x60];
	v8 =	vadd.f32 v12, v8  }
0x26f: {  	v11 =	vld [tilespmem:s10+$0xFFFFFF60]  }
0x270: {  	s14 =	simm.s32 $0x0;
	s11 =	simm.s32 $0x191F8;
	s18 =	simm.s32 $0x13FF8;
	v12 =	vmax.f32 v8, $0.0e+00;
	v8 =	vld [tilespmem:s5+$0xF0]  }
.LBB2_18:
0x271: {  	v13 =	vld [tilespmem:s11+$0x80];
	v6 =	vadd.f32 v9, v6;
	[tilespmem:s5+$0xE0] =	vst v12  }
0x272: {  	s18 =	sadd.s32 $0x200, s18;
	v9 =	vld [tilespmem:s10+$0xF0]  }
0x273: {  	s14 =	sadd.s32 $0x4, s14;
	v12 =	vld [tilespmem:s18+$0x80];
	v6 =	vmax.f32 v6, $0.0e+00;
	v7 =	vadd.f32 v10, v7  }
0x274: {  	p2 =	slt.u32 s14, $0x4C;
	v10 =	vld [tilespmem:s18+$0xFFFFFF00];
	v5 =	vadd.f32 v11, v5;
	[tilespmem:s5+$0xFFFFFFE0] =	vst v6  }
0x275: {  	v6 =	vld [tilespmem:s11+$0xFFFFFF80];
	v7 =	vmax.f32 v7, $0.0e+00  }
0x276: {  	v11 =	vld [tilespmem:s18+$0xFFFFFF80];
	v5 =	vmax.f32 v5, $0.0e+00;
	[tilespmem:s5+$0x60] =	vst v7  }
0x277: {  	v7 =	vld [tilespmem:s11+$0x0];
	[tilespmem:s5+$0xFFFFFF60] =	vst v5;
	v5 =	vadd.f32 v9, v8  }
0x278: {  	v8 =	vld [tilespmem:s18+$0x0];
	v9 =	vadd.f32 v12, v13  }
0x279: {  	v12 =	vld [tilespmem:s11+$0xFFFFFF00];
	v5 =	vmax.f32 v5, $0.0e+00  }
0x27a: {  	v13 =	vld [tilespmem:s11+$0xFFFFFF10];
	v9 =	vmax.f32 v9, $0.0e+00;
	[tilespmem:s5+$0xF0] =	vst v5  }
0x27b: {  	v5 =	vadd.f32 v11, v6;
	[tilespmem:s11+$0x80] =	vst v9;
	v6 =	vld [tilespmem:s11+$0x90]  }
0x27c: {  	v9 =	vld [tilespmem:s18+$0x90]  }
0x27d: {  	v5 =	vmax.f32 v5, $0.0e+00;
	v11 =	vld [tilespmem:s11+$0xFFFFFF90];
	v7 =	vadd.f32 v8, v7  }
0x27e: {  	v8 =	vadd.f32 v10, v12;
	[tilespmem:s11+$0xFFFFFF80] =	vst v5;
	v5 =	vld [tilespmem:s11+$0x10]  }
0x27f: {  	v10 =	vld [tilespmem:s18+$0xFFFFFF90];
	v7 =	vmax.f32 v7, $0.0e+00  }
0x280: {  	v8 =	vmax.f32 v8, $0.0e+00;
	v12 =	vld [tilespmem:s11+$0xFFFFFF20];
	[tilespmem:s11+$0x0] =	vst v7  }
0x281: {  	[tilespmem:s11+$0xFFFFFF00] =	vst v8;
	v7 =	vld [tilespmem:s18+$0x10];
	v6 =	vadd.f32 v9, v6  }
0x282: {  	v8 =	vld [tilespmem:s18+$0xFFFFFF10]  }
0x283: {  	v9 =	vld [tilespmem:s11+$0xFFFFFFA0];
	v6 =	vmax.f32 v6, $0.0e+00  }
0x284: {  	v10 =	vadd.f32 v10, v11;
	[tilespmem:s11+$0x90] =	vst v6;
	v6 =	vld [tilespmem:s11+$0xA0]  }
0x285: {  	v11 =	vld [tilespmem:s18+$0xA0]  }
0x286: {  	v10 =	vmax.f32 v10, $0.0e+00;
	v5 =	vadd.f32 v7, v5;
	v7 =	vld [tilespmem:s11+$0x20]  }
0x287: {  	v8 =	vadd.f32 v8, v13;
	v13 =	vld [tilespmem:s11+$0xFFFFFF30];
	[tilespmem:s11+$0xFFFFFF90] =	vst v10  }
0x288: {  	v10 =	vld [tilespmem:s18+$0xFFFFFFA0];
	v5 =	vmax.f32 v5, $0.0e+00  }
0x289: {  	v8 =	vmax.f32 v8, $0.0e+00;
	v14 =	vld [tilespmem:s11+$0xFFFFFFB0];
	[tilespmem:s11+$0x10] =	vst v5  }
0x28a: {  	[tilespmem:s11+$0xFFFFFF10] =	vst v8;
	v5 =	vld [tilespmem:s18+$0x20];
	v6 =	vadd.f32 v11, v6  }
0x28b: {  	v8 =	vld [tilespmem:s18+$0xFFFFFF20]  }
0x28c: {  	v11 =	vld [tilespmem:s11+$0x30];
	v6 =	vmax.f32 v6, $0.0e+00  }
0x28d: {  	v9 =	vadd.f32 v10, v9;
	[tilespmem:s11+$0xA0] =	vst v6;
	v6 =	vld [tilespmem:s11+$0xB0]  }
0x28e: {  	v10 =	vld [tilespmem:s18+$0xB0]  }
0x28f: {  	v15 =	vld [tilespmem:s11+$0xFFFFFF40];
	v9 =	vmax.f32 v9, $0.0e+00;
	v5 =	vadd.f32 v5, v7  }
0x290: {  	v7 =	vadd.f32 v8, v12;
	[tilespmem:s11+$0xFFFFFFA0] =	vst v9;
	v8 =	vld [tilespmem:s11+$0xFFFFFFC0]  }
0x291: {  	v9 =	vld [tilespmem:s18+$0xFFFFFFB0];
	v5 =	vmax.f32 v5, $0.0e+00  }
0x292: {  	v7 =	vmax.f32 v7, $0.0e+00;
	[tilespmem:s11+$0x20] =	vst v5;
	v12 =	vld [tilespmem:s11+$0x40]  }
0x293: {  	[tilespmem:s11+$0xFFFFFF20] =	vst v7;
	v5 =	vld [tilespmem:s18+$0x30];
	v6 =	vadd.f32 v10, v6  }
0x294: {  	v7 =	vld [tilespmem:s18+$0xFFFFFF30]  }
0x295: {  	v10 =	vld [tilespmem:s11+$0xFFFFFF50];
	v6 =	vmax.f32 v6, $0.0e+00  }
0x296: {  	v9 =	vadd.f32 v9, v14;
	[tilespmem:s11+$0xB0] =	vst v6;
	v6 =	vld [tilespmem:s11+$0xC0]  }
0x297: {  	v14 =	vld [tilespmem:s18+$0xC0]  }
0x298: {  	v9 =	vmax.f32 v9, $0.0e+00;
	v16 =	vld [tilespmem:s11+$0xFFFFFFD0];
	v5 =	vadd.f32 v5, v11  }
0x299: {  	v7 =	vadd.f32 v7, v13;
	[tilespmem:s11+$0xFFFFFFB0] =	vst v9;
	v9 =	vld [tilespmem:s11+$0x50]  }
0x29a: {  	v11 =	vld [tilespmem:s18+$0xFFFFFFC0];
	v13 =	vmax.f32 v5, $0.0e+00  }
0x29b: {  	v7 =	vmax.f32 v7, $0.0e+00;
	v5 =	vld [tilespmem:s11+$0xFFFFFF60];
	[tilespmem:s11+$0x30] =	vst v13  }
0x29c: {  	[tilespmem:s11+$0xFFFFFF30] =	vst v7;
	v7 =	vld [tilespmem:s18+$0x40];
	v13 =	vadd.f32 v14, v6  }
0x29d: {  	v14 =	vld [tilespmem:s18+$0xFFFFFF40]  }
0x29e: {  	v6 =	vld [tilespmem:s11+$0xFFFFFFE0];
	v13 =	vmax.f32 v13, $0.0e+00  }
0x29f: {  	v8 =	vadd.f32 v11, v8;
	[tilespmem:s11+$0xC0] =	vst v13;
	v11 =	vld [tilespmem:s11+$0xD0]  }
0x2a0: {  	v13 =	vld [tilespmem:s18+$0xD0]  }
0x2a1: {  	v8 =	vmax.f32 v8, $0.0e+00;
	v12 =	vadd.f32 v7, v12;
	v7 =	vld [tilespmem:s11+$0x60]  }
0x2a2: {  	v14 =	vadd.f32 v14, v15;
	[tilespmem:s11+$0xFFFFFFC0] =	vst v8;
	v8 =	vld [tilespmem:s10+$0xFFFFFF70]  }
0x2a3: {  	v15 =	vld [tilespmem:s18+$0xFFFFFFD0];
	v12 =	vmax.f32 v12, $0.0e+00  }
0x2a4: {  	v14 =	vmax.f32 v14, $0.0e+00;
	[tilespmem:s11+$0x40] =	vst v12;
	v12 =	vld [tilespmem:s10+$0xFFFFFFF0]  }
0x2a5: {  	[tilespmem:s11+$0xFFFFFF40] =	vst v14;
	v14 =	vld [tilespmem:s18+$0x50];
	v11 =	vadd.f32 v13, v11  }
0x2a6: {  	v13 =	vld [tilespmem:s18+$0xFFFFFF50]  }
0x2a7: {  	v11 =	vmax.f32 v11, $0.0e+00;
	v4 =	vadd.f32 v8, v4;
	v8 =	vld [tilespmem:s10+$0x70];
	s10 =	smov.u32 s18  }
0x2a8: {  	v15 =	vadd.f32 v15, v16;
	[tilespmem:s11+$0xD0] =	vst v11;
	v11 =	vld [tilespmem:s11+$0xE0]  }
0x2a9: {  	v16 =	vld [tilespmem:s18+$0xE0];
	v17 =	vmax.f32 v4, $0.0e+00;
	v12 =	vadd.f32 v12, v3  }
0x2aa: {  	v4 =	vld [tilespmem:s11+$0xFFFFFF70];
	v3 =	vmax.f32 v15, $0.0e+00;
	v14 =	vadd.f32 v14, v9;
	[tilespmem:s5+$0xFFFFFF70] =	vst v17  }
0x2ab: {  	v10 =	vadd.f32 v13, v10;
	[tilespmem:s11+$0xFFFFFFD0] =	vst v3;
	v3 =	vld [tilespmem:s11+$0xFFFFFFF0];
	v12 =	vmax.f32 v12, $0.0e+00  }
.Ltmp14:
0x2ac: {  	v9 =	vld [tilespmem:s18+$0xFFFFFFE0];
	v13 =	vmax.f32 v14, $0.0e+00;
	[tilespmem:s5+$0xFFFFFFF0] =	vst v12;
	v8 =	vadd.f32 v8, v2;
	(pc) =	sbr.rel @p2 .LBB2_18-.Ltmp14, $4  }
0x2ad: {  	v10 =	vmax.f32 v10, $0.0e+00;
	[tilespmem:s11+$0x50] =	vst v13;
	v2 =	vld [tilespmem:s11+$0x70]  }
0x2ae: {  	[tilespmem:s11+$0xFFFFFF50] =	vst v10;
	v10 =	vld [tilespmem:s18+$0x60];
	v12 =	vadd.f32 v16, v11;
	v8 =	vmax.f32 v8, $0.0e+00  }
0x2af: {  	v11 =	vld [tilespmem:s18+$0xFFFFFF60];
	[tilespmem:s5+$0x70] =	vst v8;
	s5 =	smov.u32 s11  }
0x2b0: {  	s11 =	sadd.s32 $0x200, s11;
	v12 =	vmax.f32 v12, $0.0e+00;
	v8 =	vld [tilespmem:s5+$0xF0]  }
0x2b1: {  	_ = 	snop  }
0x2b2: {  	v6 =	vadd.f32 v9, v6  }
0x2b3: {  	v7 =	vadd.f32 v10, v7  }
0x2b4: {  	[tilespmem:s5+$0xE0] =	vst v12;
	v6 =	vmax.f32 v6, $0.0e+00;
	v5 =	vadd.f32 v11, v5  }
0x2b5: {  	v58 =	vld [tilespmem:s10+$0xF0];
	[tilespmem:s5+$0xFFFFFFE0] =	vst v6;
	v59 =	vmax.f32 v7, $0.0e+00  }
0x2b6: {  	v61 =	vld [tilespmem:s10+$0xFFFFFFF0];
	v5 =	vmax.f32 v5, $0.0e+00;
	[tilespmem:s5+$0x60] =	vst v59  }
0x2b7: {  	[tilespmem:s5+$0xFFFFFF60] =	vst v5;
	v62 =	vld [tilespmem:s10+$0x70]  }
0x2b8: {  	v60 =	vld [tilespmem:s10+$0xFFFFFF70];
	_ =	sdelay $0x1  }
0x2b9: {  	v8 =	vadd.f32 v58, v8  }
0x2ba: {  	v3 =	vadd.f32 v61, v3  }
0x2bb: {  	v63 =	vmax.f32 v8, $0.0e+00;
	v2 =	vadd.f32 v62, v2  }
0x2bc: {  	[tilespmem:s5+$0xF0] =	vst v63;
	v3 =	vmax.f32 v3, $0.0e+00;
	v4 =	vadd.f32 v60, v4  }
0x2bd: {  	[tilespmem:s5+$0xFFFFFFF0] =	vst v3;
	v2 =	vmax.f32 v2, $0.0e+00  }
0x2be: {  	v4 =	vmax.f32 v4, $0.0e+00;
	[tilespmem:s5+$0x70] =	vst v2  }
0x2bf: {  	s24 =	simm.s32 $0x13CF8;
	[tilespmem:s5+$0xFFFFFF70] =	vst v4  }
0x2c0: {  	[spmem:s3] =	stream.indirect.scatter.add.f32 [tilespmem:s13], [sflag:$0x3], $0x80, s24, s29, $0xb8;
	[tilespmem:$0x1E778] =	vst v63  }
0x2c1: {  	_ = 	snop  }
0x2c2: {  	[spmem:s4] =	stream.indirect.scatter.add.f32 [tilespmem:s19], [sflag:$0x3], $0x1, s24, s29, $0xb8;
	[tilespmem:$0x1E778] =	vst v63  }
0x2c3: {  	_ =	swait.ge [sflag:s21], $0x2800  }
0x2c4: {  	[sflag:s21] =	ssyncset.done $0x0  }
0x2c5: {  	[sflag:s21] =	ssyncadd.s32 $0xFFFFD800  }
0x2c6: {  	_ =	swait.ge [sflag:s21], $0x50  }
0x2c7: {  	[sflag:s21] =	ssyncset.done $0x0  }
0x2c8: {  	p2 =	por $0x1, $0x1;
	s23 =	simm.s32 $0x7;
	[sflag:s21] =	ssyncadd.s32 $0xFFFFFFB0  }
.LBB2_20:
.Ltmp15:
0x2c9: {  	(pc) =	sbr.rel @!p4 .LBB2_31-.Ltmp15, $2  }
0x2ca: {  	_ =	sdelay $0x2  }
0x2cb: {  	s26 =	rddreg [dreg:$0x1e]  }
0x2cc: {  	s5 =	sshrl.u32 s25, $0x3  }
0x2cd: {  	s26 =	simm.s32 $0x0;
	s11 =	simm.s32 $0x13AF8;
	s10 =	sadd.s32 s8, s5  }
0x2ce: {  	[tilespmem:s11], [sflag:$0x7] =	stream.linear.gather [hbm4b:s10+s26], $0x50, $0x38;
	[tilespmem:$0x1E778] =	vst v63  }
0x2cf: {  	_ =	swait.ge [sflag:s23], $0x50  }
0x2d0: {  	[sflag:s23] =	ssyncset.done $0x0  }
0x2d1: {  	s14 =	sadd.s32 s9, s5;
	[sflag:s23] =	ssyncadd.s32 $0xFFFFFFB0  }
0x2d2: {  	[tilespmem:s24], [sflag:$0x7] =	stream.linear.gather [hbm4b:s14+s26], $0x50, $0x38;
	[tilespmem:$0x1E778] =	vst v63  }
0x2d3: {  	_ =	swait.ge [sflag:s23], $0x50  }
0x2d4: {  	[sflag:s23] =	ssyncset.done $0x0  }
0x2d5: {  	s18 =	simm.s32 $0x13EF8;
	[sflag:s23] =	ssyncadd.s32 $0xFFFFFFB0  }
0x2d6: {  	[tilespmem:s18], [sflag:$0x1] =	stream.indirect.gather [hbm4b:s7+s29], $0x80, s11, s29, $0xb8;
	[tilespmem:$0x1E778] =	vst v63  }
0x2d7: {  	s5 =	sadd.s32 $0xA, s5;
	s23 =	rddreg [dreg:$0xd]  }
0x2d8: {  	[tilespmem:s13], [sflag:$0x1] =	stream.strided.gather [hbm4b:s23+s31], $0x2800, s0, s31, $0x38;
	[tilespmem:$0x1E778] =	vst v63  }
0x2d9: {  	s28 =	simm.s32 $0x13B78;
	s24 =	sadd.s32 s8, s5  }
0x2da: {  	[tilespmem:s28], [sflag:$0x6] =	stream.linear.gather [hbm4b:s24+s26], $0x50, $0x38;
	[tilespmem:$0x1E778] =	vst v63  }
0x2db: {  	s30 =	simm.s32 $0x13D78;
	s5 =	sadd.s32 s9, s5  }
0x2dc: {  	[tilespmem:s30], [sflag:$0x6] =	stream.linear.gather [hbm4b:s5+s26], $0x50, $0x38;
	[tilespmem:$0x1E778] =	vst v63  }
.LBB2_22:
0x2dd: {  	_ =	swait.ge [sflag:s12], $0x2800  }
0x2de: {  	[sflag:s12] =	ssyncset.done $0x0  }
0x2df: {  	[sflag:s12] =	ssyncadd.s32 $0xFFFFD800  }
0x2e0: {  	_ =	swait.ge [sflag:s12], $0x2800  }
0x2e1: {  	p5 =	seq.s32 s26, $0x0;
	[sflag:s12] =	ssyncset.done $0x0  }
0x2e2: {  	s5 =	simm.s32 @!p5 $0x4;
	[sflag:s12] =	ssyncadd.s32 $0xFFFFD800  }
0x2e3: {  	_ =	swait.ge @!p5 [sflag:s5], $0x2800  }
0x2e4: {  	[sflag:s5] =	ssyncset.done @!p5 $0x0  }
0x2e5: {  	[sflag:s5] =	ssyncadd.s32 @!p5 $0xFFFFD800  }
0x2e6: {  	_ =	swait.ge [sflag:s15], $0x50  }
0x2e7: {  	s14 =	sshllo.u32 s26, $0x1;
	[sflag:s15] =	ssyncset.done $0x0  }
0x2e8: {  	s10 =	sshll.u32 s14, $0x7;
	[sflag:s15] =	ssyncadd.s32 $0xFFFFFFB0  }
0x2e9: {  	s11 =	smul.u32 $0x50, s14;
	s28 =	sand.u32 $0x180, s10;
	_ =	swait.ge [sflag:s15], $0x50  }
0x2ea: {  	s18 =	simm.s32 $0x166F8;
	s10 =	sadd.s32 $0x13AF8, s28;
	[sflag:s15] =	ssyncset.done $0x0  }
0x2eb: {  	s23 =	sadd.s32 s25, s11;
	s5 =	sshll.u32 s26, $0x1;
	[sflag:s15] =	ssyncadd.s32 $0xFFFFFFB0  }
0x2ec: {  	[tilespmem:s18], [sflag:$0x2] =	stream.indirect.gather [hbm4b:s7+s29], $0x80, s10, s29, $0xb8;
	[tilespmem:$0x1E778] =	vst v63  }
0x2ed: {  	s24 =	sadd.s32 $0x2, s5;
	s10 =	sshll.u32 s23, $0x5  }
0x2ee: {  	s14 =	smul.u32 $0x50, s24;
	s10 =	sadd.s32 s10, s17  }
0x2ef: {  	[tilespmem:s16], [sflag:$0x2] =	stream.strided.gather [hbm4b:s10+s31], $0x2800, s0, s31, $0x38;
	[tilespmem:$0x1E778] =	vst v63  }
0x2f0: {  	s11 =	sshll.u32 s24, $0x7;
	s10 =	sadd.s32 s25, s14  }
0x2f1: {  	s11 =	sand.u32 $0x100, s11;
	s14 =	sshrl.u32 s10, $0x3  }
0x2f2: {  	s23 =	sor.u32 $0x13AF8, s11;
	s18 =	sadd.s32 s8, s14  }
0x2f3: {  	[tilespmem:s23], [sflag:$0x5] =	stream.linear.gather [hbm4b:s18+s6], $0x50, $0x38;
	[tilespmem:$0x1E778] =	vst v63  }
0x2f4: {  	s11 =	sor.u32 $0x13CF8, s11;
	s14 =	sadd.s32 s9, s14  }
0x2f5: {  	[tilespmem:s11], [sflag:$0x5] =	stream.linear.gather [hbm4b:s14+s6], $0x50, $0x38;
	[tilespmem:$0x1E778] =	vst v63  }
0x2f6: {  	s14 =	simm.s32 $0x18FF8  }
0x2f7: {  	s24 =	simm.s32 $0x13FF8;
	v2 =	vld [tilespmem:s14+$0x80]  }
0x2f8: {  	v3 =	vld [tilespmem:s24+$0x80]  }
0x2f9: {  	v4 =	vld [tilespmem:s24+$0xFFFFFF00]  }
0x2fa: {  	v5 =	vld [tilespmem:s14+$0xFFFFFF80]  }
0x2fb: {  	v6 =	vld [tilespmem:s24+$0xFFFFFF80]  }
0x2fc: {  	v7 =	vld [tilespmem:s24+$0x0]  }
0x2fd: {  	v2 =	vadd.f32 v3, v2;
	v3 =	vld [tilespmem:s14+$0x0]  }
0x2fe: {  	v8 =	vld [tilespmem:s14+$0xFFFFFF00]  }
0x2ff: {  	v2 =	vmax.f32 v2, $0.0e+00  }
0x300: {  	v5 =	vadd.f32 v6, v5;
	[tilespmem:s14+$0x80] =	vst v2;
	v2 =	vld [tilespmem:s14+$0x90]  }
0x301: {  	v9 =	vld [tilespmem:s24+$0x90]  }
0x302: {  	v10 =	vld [tilespmem:s14+$0xFFFFFF90];
	v5 =	vmax.f32 v5, $0.0e+00;
	v3 =	vadd.f32 v7, v3  }
0x303: {  	v6 =	vld [tilespmem:s14+$0xFFFFFF10];
	v4 =	vadd.f32 v4, v8;
	[tilespmem:s14+$0xFFFFFF80] =	vst v5  }
0x304: {  	v7 =	vld [tilespmem:s24+$0xFFFFFF90];
	v3 =	vmax.f32 v3, $0.0e+00  }
0x305: {  	v4 =	vmax.f32 v4, $0.0e+00;
	v5 =	vld [tilespmem:s14+$0x10];
	[tilespmem:s14+$0x0] =	vst v3  }
0x306: {  	[tilespmem:s14+$0xFFFFFF00] =	vst v4;
	v2 =	vadd.f32 v9, v2;
	v3 =	vld [tilespmem:s24+$0x10]  }
0x307: {  	v4 =	vld [tilespmem:s24+$0xFFFFFF10]  }
0x308: {  	v2 =	vmax.f32 v2, $0.0e+00  }
0x309: {  	v7 =	vadd.f32 v7, v10;
	[tilespmem:s14+$0x90] =	vst v2;
	v2 =	vld [tilespmem:s14+$0xA0]  }
0x30a: {  	v9 =	vld [tilespmem:s24+$0xA0]  }
0x30b: {  	v8 =	vld [tilespmem:s14+$0xFFFFFF20];
	v7 =	vmax.f32 v7, $0.0e+00;
	v3 =	vadd.f32 v3, v5  }
0x30c: {  	v4 =	vadd.f32 v4, v6;
	v10 =	vld [tilespmem:s14+$0xFFFFFFA0];
	[tilespmem:s14+$0xFFFFFF90] =	vst v7  }
0x30d: {  	v6 =	vld [tilespmem:s24+$0xFFFFFFA0];
	v3 =	vmax.f32 v3, $0.0e+00  }
0x30e: {  	v4 =	vmax.f32 v4, $0.0e+00;
	v5 =	vld [tilespmem:s14+$0x20];
	[tilespmem:s14+$0x10] =	vst v3  }
0x30f: {  	[tilespmem:s14+$0xFFFFFF10] =	vst v4;
	v2 =	vadd.f32 v9, v2;
	v3 =	vld [tilespmem:s24+$0x20]  }
0x310: {  	v4 =	vld [tilespmem:s24+$0xFFFFFF20]  }
0x311: {  	v2 =	vmax.f32 v2, $0.0e+00  }
0x312: {  	v6 =	vadd.f32 v6, v10;
	[tilespmem:s14+$0xA0] =	vst v2;
	v2 =	vld [tilespmem:s14+$0xB0]  }
0x313: {  	v9 =	vld [tilespmem:s24+$0xB0]  }
0x314: {  	v11 =	vld [tilespmem:s14+$0x30];
	v6 =	vmax.f32 v6, $0.0e+00;
	v3 =	vadd.f32 v3, v5  }
0x315: {  	v4 =	vadd.f32 v4, v8;
	v10 =	vld [tilespmem:s14+$0xFFFFFFB0];
	[tilespmem:s14+$0xFFFFFFA0] =	vst v6  }
0x316: {  	v5 =	vld [tilespmem:s24+$0xFFFFFFB0];
	v3 =	vmax.f32 v3, $0.0e+00  }
0x317: {  	v7 =	vld [tilespmem:s14+$0xFFFFFF30];
	[tilespmem:s14+$0x20] =	vst v3;
	v3 =	vmax.f32 v4, $0.0e+00  }
0x318: {  	v2 =	vadd.f32 v9, v2;
	[tilespmem:s14+$0xFFFFFF20] =	vst v3;
	v3 =	vld [tilespmem:s24+$0x30]  }
0x319: {  	v8 =	vld [tilespmem:s24+$0xFFFFFF30]  }
0x31a: {  	v12 =	vld [tilespmem:s14+$0xFFFFFF40];
	v2 =	vmax.f32 v2, $0.0e+00  }
0x31b: {  	v5 =	vadd.f32 v5, v10;
	[tilespmem:s14+$0xB0] =	vst v2;
	v2 =	vld [tilespmem:s14+$0xC0]  }
0x31c: {  	v9 =	vld [tilespmem:s24+$0xC0]  }
0x31d: {  	v13 =	vld [tilespmem:s14+$0xFFFFFFD0];
	v5 =	vmax.f32 v5, $0.0e+00;
	v3 =	vadd.f32 v3, v11  }
0x31e: {  	v6 =	vld [tilespmem:s14+$0xFFFFFFC0];
	[tilespmem:s14+$0xFFFFFFB0] =	vst v5;
	v7 =	vadd.f32 v8, v7  }
0x31f: {  	v8 =	vld [tilespmem:s24+$0xFFFFFFC0];
	v3 =	vmax.f32 v3, $0.0e+00  }
0x320: {  	v4 =	vld [tilespmem:s14+$0x40];
	[tilespmem:s14+$0x30] =	vst v3;
	v3 =	vmax.f32 v7, $0.0e+00  }
0x321: {  	v2 =	vadd.f32 v9, v2;
	v7 =	vld [tilespmem:s24+$0x40];
	[tilespmem:s14+$0xFFFFFF30] =	vst v3  }
0x322: {  	v3 =	vld [tilespmem:s24+$0xFFFFFF40]  }
0x323: {  	v10 =	vld [tilespmem:s14+$0xFFFFFF50];
	v2 =	vmax.f32 v2, $0.0e+00  }
0x324: {  	[tilespmem:s14+$0xC0] =	vst v2;
	v2 =	vadd.f32 v8, v6;
	v8 =	vld [tilespmem:s14+$0xD0]  }
0x325: {  	v9 =	vld [tilespmem:s24+$0xD0]  }
0x326: {  	v5 =	vld [tilespmem:s14+$0xFFFFFF60];
	v2 =	vmax.f32 v2, $0.0e+00;
	v4 =	vadd.f32 v7, v4  }
0x327: {  	v11 =	vld [tilespmem:s14+$0x50];
	[tilespmem:s14+$0xFFFFFFC0] =	vst v2;
	v2 =	vadd.f32 v3, v12  }
0x328: {  	v3 =	vld [tilespmem:s24+$0xFFFFFFD0];
	v4 =	vmax.f32 v4, $0.0e+00  }
0x329: {  	v6 =	vld [tilespmem:s14+$0xFFFFFFE0];
	[tilespmem:s14+$0x40] =	vst v4;
	v2 =	vmax.f32 v2, $0.0e+00  }
0x32a: {  	v4 =	vld [tilespmem:s24+$0x50];
	v8 =	vadd.f32 v9, v8;
	[tilespmem:s14+$0xFFFFFF40] =	vst v2  }
0x32b: {  	v2 =	vld [tilespmem:s24+$0xFFFFFF50]  }
0x32c: {  	v7 =	vld [tilespmem:s14+$0x60];
	v8 =	vmax.f32 v8, $0.0e+00  }
0x32d: {  	v3 =	vadd.f32 v3, v13;
	[tilespmem:s14+$0xD0] =	vst v8;
	v8 =	vld [tilespmem:s14+$0xE0]  }
0x32e: {  	v12 =	vld [tilespmem:s24+$0xE0]  }
0x32f: {  	v3 =	vmax.f32 v3, $0.0e+00;
	v9 =	vadd.f32 v4, v11;
	v4 =	vld [tilespmem:s14+$0xFFFFFF70]  }
0x330: {  	[tilespmem:s14+$0xFFFFFFD0] =	vst v3;
	v2 =	vadd.f32 v2, v10;
	v3 =	vld [tilespmem:s14+$0xFFFFFFF0]  }
0x331: {  	v10 =	vmax.f32 v9, $0.0e+00;
	v9 =	vld [tilespmem:s24+$0xFFFFFFE0]  }
0x332: {  	[tilespmem:s14+$0x50] =	vst v10;
	v10 =	vmax.f32 v2, $0.0e+00;
	v2 =	vld [tilespmem:s14+$0x70]  }
0x333: {  	[tilespmem:s14+$0xFFFFFF50] =	vst v10;
	v10 =	vld [tilespmem:s24+$0x60];
	v8 =	vadd.f32 v12, v8  }
0x334: {  	v11 =	vld [tilespmem:s24+$0xFFFFFF60]  }
0x335: {  	s30 =	simm.s32 $0x13FF8;
	s18 =	simm.s32 $0x0;
	s11 =	simm.s32 $0x191F8;
	v12 =	vmax.f32 v8, $0.0e+00;
	v8 =	vld [tilespmem:s14+$0xF0]  }
.LBB2_23:
0x336: {  	v13 =	vld [tilespmem:s11+$0x80];
	v6 =	vadd.f32 v9, v6;
	[tilespmem:s14+$0xE0] =	vst v12  }
0x337: {  	s30 =	sadd.s32 $0x200, s30;
	v9 =	vld [tilespmem:s24+$0xF0]  }
0x338: {  	s18 =	sadd.s32 $0x4, s18;
	v12 =	vld [tilespmem:s30+$0x80];
	v6 =	vmax.f32 v6, $0.0e+00;
	v7 =	vadd.f32 v10, v7  }
0x339: {  	p5 =	slt.u32 s18, $0x4C;
	v10 =	vld [tilespmem:s30+$0xFFFFFF00];
	v5 =	vadd.f32 v11, v5;
	[tilespmem:s14+$0xFFFFFFE0] =	vst v6  }
0x33a: {  	v6 =	vld [tilespmem:s11+$0xFFFFFF80];
	v7 =	vmax.f32 v7, $0.0e+00  }
0x33b: {  	v11 =	vld [tilespmem:s30+$0xFFFFFF80];
	v5 =	vmax.f32 v5, $0.0e+00;
	[tilespmem:s14+$0x60] =	vst v7  }
0x33c: {  	v7 =	vld [tilespmem:s11+$0x0];
	[tilespmem:s14+$0xFFFFFF60] =	vst v5;
	v5 =	vadd.f32 v9, v8  }
0x33d: {  	v8 =	vld [tilespmem:s30+$0x0];
	v9 =	vadd.f32 v12, v13  }
0x33e: {  	v12 =	vld [tilespmem:s11+$0xFFFFFF00];
	v5 =	vmax.f32 v5, $0.0e+00  }
0x33f: {  	v13 =	vld [tilespmem:s11+$0xFFFFFF10];
	v9 =	vmax.f32 v9, $0.0e+00;
	[tilespmem:s14+$0xF0] =	vst v5  }
0x340: {  	v5 =	vadd.f32 v11, v6;
	[tilespmem:s11+$0x80] =	vst v9;
	v6 =	vld [tilespmem:s11+$0x90]  }
0x341: {  	v9 =	vld [tilespmem:s30+$0x90]  }
0x342: {  	v5 =	vmax.f32 v5, $0.0e+00;
	v11 =	vld [tilespmem:s11+$0xFFFFFF90];
	v7 =	vadd.f32 v8, v7  }
0x343: {  	v8 =	vadd.f32 v10, v12;
	[tilespmem:s11+$0xFFFFFF80] =	vst v5;
	v5 =	vld [tilespmem:s11+$0x10]  }
0x344: {  	v10 =	vld [tilespmem:s30+$0xFFFFFF90];
	v7 =	vmax.f32 v7, $0.0e+00  }
0x345: {  	v8 =	vmax.f32 v8, $0.0e+00;
	v12 =	vld [tilespmem:s11+$0xFFFFFF20];
	[tilespmem:s11+$0x0] =	vst v7  }
0x346: {  	[tilespmem:s11+$0xFFFFFF00] =	vst v8;
	v7 =	vld [tilespmem:s30+$0x10];
	v6 =	vadd.f32 v9, v6  }
0x347: {  	v8 =	vld [tilespmem:s30+$0xFFFFFF10]  }
0x348: {  	v9 =	vld [tilespmem:s11+$0xFFFFFFA0];
	v6 =	vmax.f32 v6, $0.0e+00  }
0x349: {  	v10 =	vadd.f32 v10, v11;
	[tilespmem:s11+$0x90] =	vst v6;
	v6 =	vld [tilespmem:s11+$0xA0]  }
0x34a: {  	v11 =	vld [tilespmem:s30+$0xA0]  }
0x34b: {  	v10 =	vmax.f32 v10, $0.0e+00;
	v5 =	vadd.f32 v7, v5;
	v7 =	vld [tilespmem:s11+$0x20]  }
0x34c: {  	v8 =	vadd.f32 v8, v13;
	v13 =	vld [tilespmem:s11+$0xFFFFFF30];
	[tilespmem:s11+$0xFFFFFF90] =	vst v10  }
0x34d: {  	v10 =	vld [tilespmem:s30+$0xFFFFFFA0];
	v5 =	vmax.f32 v5, $0.0e+00  }
0x34e: {  	v8 =	vmax.f32 v8, $0.0e+00;
	v14 =	vld [tilespmem:s11+$0xFFFFFFB0];
	[tilespmem:s11+$0x10] =	vst v5  }
0x34f: {  	[tilespmem:s11+$0xFFFFFF10] =	vst v8;
	v5 =	vld [tilespmem:s30+$0x20];
	v6 =	vadd.f32 v11, v6  }
0x350: {  	v8 =	vld [tilespmem:s30+$0xFFFFFF20]  }
0x351: {  	v11 =	vld [tilespmem:s11+$0x30];
	v6 =	vmax.f32 v6, $0.0e+00  }
0x352: {  	v9 =	vadd.f32 v10, v9;
	[tilespmem:s11+$0xA0] =	vst v6;
	v6 =	vld [tilespmem:s11+$0xB0]  }
0x353: {  	v10 =	vld [tilespmem:s30+$0xB0]  }
0x354: {  	v15 =	vld [tilespmem:s11+$0xFFFFFF40];
	v9 =	vmax.f32 v9, $0.0e+00;
	v5 =	vadd.f32 v5, v7  }
0x355: {  	v7 =	vadd.f32 v8, v12;
	[tilespmem:s11+$0xFFFFFFA0] =	vst v9;
	v8 =	vld [tilespmem:s11+$0xFFFFFFC0]  }
0x356: {  	v9 =	vld [tilespmem:s30+$0xFFFFFFB0];
	v5 =	vmax.f32 v5, $0.0e+00  }
0x357: {  	v7 =	vmax.f32 v7, $0.0e+00;
	[tilespmem:s11+$0x20] =	vst v5;
	v12 =	vld [tilespmem:s11+$0x40]  }
0x358: {  	[tilespmem:s11+$0xFFFFFF20] =	vst v7;
	v5 =	vld [tilespmem:s30+$0x30];
	v6 =	vadd.f32 v10, v6  }
0x359: {  	v7 =	vld [tilespmem:s30+$0xFFFFFF30]  }
0x35a: {  	v10 =	vld [tilespmem:s11+$0xFFFFFF50];
	v6 =	vmax.f32 v6, $0.0e+00  }
0x35b: {  	v9 =	vadd.f32 v9, v14;
	[tilespmem:s11+$0xB0] =	vst v6;
	v6 =	vld [tilespmem:s11+$0xC0]  }
0x35c: {  	v14 =	vld [tilespmem:s30+$0xC0]  }
0x35d: {  	v9 =	vmax.f32 v9, $0.0e+00;
	v16 =	vld [tilespmem:s11+$0xFFFFFFD0];
	v5 =	vadd.f32 v5, v11  }
0x35e: {  	v7 =	vadd.f32 v7, v13;
	[tilespmem:s11+$0xFFFFFFB0] =	vst v9;
	v9 =	vld [tilespmem:s11+$0x50]  }
0x35f: {  	v11 =	vld [tilespmem:s30+$0xFFFFFFC0];
	v13 =	vmax.f32 v5, $0.0e+00  }
0x360: {  	v7 =	vmax.f32 v7, $0.0e+00;
	v5 =	vld [tilespmem:s11+$0xFFFFFF60];
	[tilespmem:s11+$0x30] =	vst v13  }
0x361: {  	[tilespmem:s11+$0xFFFFFF30] =	vst v7;
	v7 =	vld [tilespmem:s30+$0x40];
	v13 =	vadd.f32 v14, v6  }
0x362: {  	v14 =	vld [tilespmem:s30+$0xFFFFFF40]  }
0x363: {  	v6 =	vld [tilespmem:s11+$0xFFFFFFE0];
	v13 =	vmax.f32 v13, $0.0e+00  }
0x364: {  	v8 =	vadd.f32 v11, v8;
	[tilespmem:s11+$0xC0] =	vst v13;
	v11 =	vld [tilespmem:s11+$0xD0]  }
0x365: {  	v13 =	vld [tilespmem:s30+$0xD0]  }
0x366: {  	v8 =	vmax.f32 v8, $0.0e+00;
	v12 =	vadd.f32 v7, v12;
	v7 =	vld [tilespmem:s11+$0x60]  }
0x367: {  	v14 =	vadd.f32 v14, v15;
	[tilespmem:s11+$0xFFFFFFC0] =	vst v8;
	v8 =	vld [tilespmem:s24+$0xFFFFFF70]  }
0x368: {  	v15 =	vld [tilespmem:s30+$0xFFFFFFD0];
	v12 =	vmax.f32 v12, $0.0e+00  }
0x369: {  	v14 =	vmax.f32 v14, $0.0e+00;
	[tilespmem:s11+$0x40] =	vst v12;
	v12 =	vld [tilespmem:s24+$0xFFFFFFF0]  }
0x36a: {  	[tilespmem:s11+$0xFFFFFF40] =	vst v14;
	v14 =	vld [tilespmem:s30+$0x50];
	v11 =	vadd.f32 v13, v11  }
0x36b: {  	v13 =	vld [tilespmem:s30+$0xFFFFFF50]  }
0x36c: {  	v11 =	vmax.f32 v11, $0.0e+00;
	v4 =	vadd.f32 v8, v4;
	v8 =	vld [tilespmem:s24+$0x70];
	s24 =	smov.u32 s30  }
0x36d: {  	v15 =	vadd.f32 v15, v16;
	[tilespmem:s11+$0xD0] =	vst v11;
	v11 =	vld [tilespmem:s11+$0xE0]  }
0x36e: {  	v16 =	vld [tilespmem:s30+$0xE0];
	v17 =	vmax.f32 v4, $0.0e+00;
	v12 =	vadd.f32 v12, v3  }
0x36f: {  	v4 =	vld [tilespmem:s11+$0xFFFFFF70];
	v3 =	vmax.f32 v15, $0.0e+00;
	v14 =	vadd.f32 v14, v9;
	[tilespmem:s14+$0xFFFFFF70] =	vst v17  }
0x370: {  	v10 =	vadd.f32 v13, v10;
	[tilespmem:s11+$0xFFFFFFD0] =	vst v3;
	v3 =	vld [tilespmem:s11+$0xFFFFFFF0];
	v12 =	vmax.f32 v12, $0.0e+00  }
.Ltmp16:
0x371: {  	v9 =	vld [tilespmem:s30+$0xFFFFFFE0];
	v13 =	vmax.f32 v14, $0.0e+00;
	[tilespmem:s14+$0xFFFFFFF0] =	vst v12;
	v8 =	vadd.f32 v8, v2;
	(pc) =	sbr.rel @p5 .LBB2_23-.Ltmp16, $4  }
0x372: {  	v10 =	vmax.f32 v10, $0.0e+00;
	[tilespmem:s11+$0x50] =	vst v13;
	v2 =	vld [tilespmem:s11+$0x70]  }
0x373: {  	[tilespmem:s11+$0xFFFFFF50] =	vst v10;
	v10 =	vld [tilespmem:s30+$0x60];
	v12 =	vadd.f32 v16, v11;
	v8 =	vmax.f32 v8, $0.0e+00  }
0x374: {  	v11 =	vld [tilespmem:s30+$0xFFFFFF60];
	[tilespmem:s14+$0x70] =	vst v8;
	s14 =	smov.u32 s11  }
0x375: {  	s11 =	sadd.s32 $0x200, s11;
	v12 =	vmax.f32 v12, $0.0e+00;
	v8 =	vld [tilespmem:s14+$0xF0]  }
0x376: {  	_ =	sdelay $0x2  }
0x377: {  	v5 =	vadd.f32 v11, v5  }
0x378: {  	v6 =	vadd.f32 v9, v6  }
0x379: {  	[tilespmem:s14+$0xE0] =	vst v12;
	v7 =	vadd.f32 v10, v7;
	v5 =	vmax.f32 v5, $0.0e+00  }
0x37a: {  	v9 =	vld [tilespmem:s24+$0xF0];
	v6 =	vmax.f32 v6, $0.0e+00;
	[tilespmem:s14+$0xFFFFFF60] =	vst v5  }
0x37b: {  	[tilespmem:s14+$0xFFFFFFE0] =	vst v6;
	v5 =	vmax.f32 v7, $0.0e+00;
	v6 =	vld [tilespmem:s24+$0xFFFFFF70]  }
0x37c: {  	[tilespmem:s14+$0x60] =	vst v5;
	v5 =	vld [tilespmem:s24+$0xFFFFFFF0]  }
0x37d: {  	v7 =	vld [tilespmem:s24+$0x70];
	_ =	sdelay $0x1  }
0x37e: {  	v8 =	vadd.f32 v9, v8  }
0x37f: {  	v4 =	vadd.f32 v6, v4  }
0x380: {  	v6 =	vmax.f32 v8, $0.0e+00;
	v3 =	vadd.f32 v5, v3  }
0x381: {  	[tilespmem:s14+$0xF0] =	vst v6;
	v2 =	vadd.f32 v7, v2;
	v4 =	vmax.f32 v4, $0.0e+00  }
0x382: {  	s11 =	sshll.u32 s26, $0x8;
	v3 =	vmax.f32 v3, $0.0e+00;
	[tilespmem:s14+$0xFFFFFF70] =	vst v4  }
0x383: {  	s11 =	sand.u32 $0x100, s11;
	[tilespmem:s14+$0xFFFFFFF0] =	vst v3;
	v2 =	vmax.f32 v2, $0.0e+00  }
0x384: {  	s11 =	sor.u32 $0x13CF8, s11;
	[tilespmem:s14+$0x70] =	vst v2  }
0x385: {  	[spmem:s3] =	stream.indirect.scatter.add.f32 [tilespmem:s13], [sflag:$0x3], $0x80, s11, s29, $0xb8;
	[tilespmem:$0x1E778] =	vst v63  }
0x386: {  	_ =	swait.ge [sflag:s20], $0x2800  }
0x387: {  	[sflag:s20] =	ssyncset.done $0x0  }
0x388: {  	[sflag:s20] =	ssyncadd.s32 $0xFFFFD800  }
0x389: {  	_ =	swait.ge [sflag:s20], $0x2800  }
0x38a: {  	[sflag:s20] =	ssyncset.done $0x0  }
0x38b: {  	[sflag:s20] =	ssyncadd.s32 $0xFFFFD800  }
0x38c: {  	_ =	swait.ge [sflag:s21], $0x2800  }
0x38d: {  	[sflag:s21] =	ssyncset.done $0x0  }
0x38e: {  	[sflag:s21] =	ssyncadd.s32 $0xFFFFD800  }
0x38f: {  	_ =	swait.ge [sflag:s22], $0x50  }
0x390: {  	[sflag:s22] =	ssyncset.done $0x0  }
0x391: {  	[sflag:s22] =	ssyncadd.s32 $0xFFFFFFB0  }
0x392: {  	_ =	swait.ge [sflag:s22], $0x50  }
0x393: {  	[sflag:s22] =	ssyncset.done $0x0  }
0x394: {  	s30 =	simm.s32 $0x13EF8;
	s10 =	sshll.u32 s10, $0x5;
	[sflag:s22] =	ssyncadd.s32 $0xFFFFFFB0  }
0x395: {  	[tilespmem:s30], [sflag:$0x1] =	stream.indirect.gather [hbm4b:s7+s29], $0x80, s23, s29, $0xb8;
	[tilespmem:$0x1E778] =	vst v63  }
0x396: {  	s10 =	sadd.s32 s10, s17  }
0x397: {  	[tilespmem:s13], [sflag:$0x1] =	stream.strided.gather [hbm4b:s10+s31], $0x2800, s0, s31, $0x38;
	[tilespmem:$0x1E778] =	vst v63  }
0x398: {  	s10 =	simm.s32 $0x1B8E8  }
0x399: {  	s14 =	simm.s32 $0x168E8;
	v2 =	vld [tilespmem:s10+$0xFFFFFF90]  }
0x39a: {  	v3 =	vld [tilespmem:s14+$0xFFFFFF90]  }
0x39b: {  	v4 =	vld [tilespmem:s14+$0xFFFFFE10]  }
0x39c: {  	v5 =	vld [tilespmem:s10+$0xFFFFFE90]  }
0x39d: {  	v6 =	vld [tilespmem:s14+$0xFFFFFE90]  }
0x39e: {  	v7 =	vld [tilespmem:s14+$0xFFFFFF10]  }
0x39f: {  	v2 =	vadd.f32 v3, v2;
	v3 =	vld [tilespmem:s10+$0xFFFFFF10]  }
0x3a0: {  	v8 =	vld [tilespmem:s10+$0xFFFFFE10]  }
0x3a1: {  	v2 =	vmax.f32 v2, $0.0e+00  }
0x3a2: {  	v5 =	vadd.f32 v6, v5;
	[tilespmem:s10+$0xFFFFFF90] =	vst v2;
	v2 =	vld [tilespmem:s10+$0xFFFFFFA0]  }
0x3a3: {  	v9 =	vld [tilespmem:s14+$0xFFFFFFA0]  }
0x3a4: {  	v10 =	vld [tilespmem:s10+$0xFFFFFEA0];
	v5 =	vmax.f32 v5, $0.0e+00;
	v3 =	vadd.f32 v7, v3  }
0x3a5: {  	v6 =	vld [tilespmem:s10+$0xFFFFFE20];
	v4 =	vadd.f32 v4, v8;
	[tilespmem:s10+$0xFFFFFE90] =	vst v5  }
0x3a6: {  	v7 =	vld [tilespmem:s14+$0xFFFFFEA0];
	v3 =	vmax.f32 v3, $0.0e+00  }
0x3a7: {  	v4 =	vmax.f32 v4, $0.0e+00;
	v5 =	vld [tilespmem:s10+$0xFFFFFF20];
	[tilespmem:s10+$0xFFFFFF10] =	vst v3  }
0x3a8: {  	[tilespmem:s10+$0xFFFFFE10] =	vst v4;
	v2 =	vadd.f32 v9, v2;
	v3 =	vld [tilespmem:s14+$0xFFFFFF20]  }
0x3a9: {  	v4 =	vld [tilespmem:s14+$0xFFFFFE20]  }
0x3aa: {  	v2 =	vmax.f32 v2, $0.0e+00  }
0x3ab: {  	v7 =	vadd.f32 v7, v10;
	[tilespmem:s10+$0xFFFFFFA0] =	vst v2;
	v2 =	vld [tilespmem:s10+$0xFFFFFFB0]  }
0x3ac: {  	v9 =	vld [tilespmem:s14+$0xFFFFFFB0]  }
0x3ad: {  	v8 =	vld [tilespmem:s10+$0xFFFFFE30];
	v7 =	vmax.f32 v7, $0.0e+00;
	v3 =	vadd.f32 v3, v5  }
0x3ae: {  	v4 =	vadd.f32 v4, v6;
	v10 =	vld [tilespmem:s10+$0xFFFFFEB0];
	[tilespmem:s10+$0xFFFFFEA0] =	vst v7  }
0x3af: {  	v6 =	vld [tilespmem:s14+$0xFFFFFEB0];
	v3 =	vmax.f32 v3, $0.0e+00  }
0x3b0: {  	v4 =	vmax.f32 v4, $0.0e+00;
	v5 =	vld [tilespmem:s10+$0xFFFFFF30];
	[tilespmem:s10+$0xFFFFFF20] =	vst v3  }
0x3b1: {  	[tilespmem:s10+$0xFFFFFE20] =	vst v4;
	v2 =	vadd.f32 v9, v2;
	v3 =	vld [tilespmem:s14+$0xFFFFFF30]  }
0x3b2: {  	v4 =	vld [tilespmem:s14+$0xFFFFFE30]  }
0x3b3: {  	v2 =	vmax.f32 v2, $0.0e+00  }
0x3b4: {  	v6 =	vadd.f32 v6, v10;
	[tilespmem:s10+$0xFFFFFFB0] =	vst v2;
	v2 =	vld [tilespmem:s10+$0xFFFFFFC0]  }
0x3b5: {  	v9 =	vld [tilespmem:s14+$0xFFFFFFC0]  }
0x3b6: {  	v11 =	vld [tilespmem:s10+$0xFFFFFF40];
	v6 =	vmax.f32 v6, $0.0e+00;
	v3 =	vadd.f32 v3, v5  }
0x3b7: {  	v4 =	vadd.f32 v4, v8;
	v10 =	vld [tilespmem:s10+$0xFFFFFEC0];
	[tilespmem:s10+$0xFFFFFEB0] =	vst v6  }
0x3b8: {  	v5 =	vld [tilespmem:s14+$0xFFFFFEC0];
	v3 =	vmax.f32 v3, $0.0e+00  }
0x3b9: {  	v7 =	vld [tilespmem:s10+$0xFFFFFE40];
	[tilespmem:s10+$0xFFFFFF30] =	vst v3;
	v3 =	vmax.f32 v4, $0.0e+00  }
0x3ba: {  	v2 =	vadd.f32 v9, v2;
	[tilespmem:s10+$0xFFFFFE30] =	vst v3;
	v3 =	vld [tilespmem:s14+$0xFFFFFF40]  }
0x3bb: {  	v8 =	vld [tilespmem:s14+$0xFFFFFE40]  }
0x3bc: {  	v12 =	vld [tilespmem:s10+$0xFFFFFE50];
	v2 =	vmax.f32 v2, $0.0e+00  }
0x3bd: {  	v5 =	vadd.f32 v5, v10;
	[tilespmem:s10+$0xFFFFFFC0] =	vst v2;
	v2 =	vld [tilespmem:s10+$0xFFFFFFD0]  }
0x3be: {  	v9 =	vld [tilespmem:s14+$0xFFFFFFD0]  }
0x3bf: {  	v13 =	vld [tilespmem:s10+$0xFFFFFEE0];
	v5 =	vmax.f32 v5, $0.0e+00;
	v3 =	vadd.f32 v3, v11  }
0x3c0: {  	v6 =	vld [tilespmem:s10+$0xFFFFFED0];
	[tilespmem:s10+$0xFFFFFEC0] =	vst v5;
	v7 =	vadd.f32 v8, v7  }
0x3c1: {  	v8 =	vld [tilespmem:s14+$0xFFFFFED0];
	v3 =	vmax.f32 v3, $0.0e+00  }
0x3c2: {  	v4 =	vld [tilespmem:s10+$0xFFFFFF50];
	[tilespmem:s10+$0xFFFFFF40] =	vst v3;
	v3 =	vmax.f32 v7, $0.0e+00  }
0x3c3: {  	v2 =	vadd.f32 v9, v2;
	v7 =	vld [tilespmem:s14+$0xFFFFFF50];
	[tilespmem:s10+$0xFFFFFE40] =	vst v3  }
0x3c4: {  	v3 =	vld [tilespmem:s14+$0xFFFFFE50]  }
0x3c5: {  	v10 =	vld [tilespmem:s10+$0xFFFFFE60];
	v2 =	vmax.f32 v2, $0.0e+00  }
0x3c6: {  	[tilespmem:s10+$0xFFFFFFD0] =	vst v2;
	v2 =	vadd.f32 v8, v6;
	v8 =	vld [tilespmem:s10+$0xFFFFFFE0]  }
0x3c7: {  	v9 =	vld [tilespmem:s14+$0xFFFFFFE0]  }
0x3c8: {  	v5 =	vld [tilespmem:s10+$0xFFFFFE70];
	v2 =	vmax.f32 v2, $0.0e+00;
	v4 =	vadd.f32 v7, v4  }
0x3c9: {  	v11 =	vld [tilespmem:s10+$0xFFFFFF60];
	[tilespmem:s10+$0xFFFFFED0] =	vst v2;
	v2 =	vadd.f32 v3, v12  }
0x3ca: {  	v3 =	vld [tilespmem:s14+$0xFFFFFEE0];
	v4 =	vmax.f32 v4, $0.0e+00  }
0x3cb: {  	v6 =	vld [tilespmem:s10+$0xFFFFFEF0];
	[tilespmem:s10+$0xFFFFFF50] =	vst v4;
	v2 =	vmax.f32 v2, $0.0e+00  }
0x3cc: {  	v4 =	vld [tilespmem:s14+$0xFFFFFF60];
	v8 =	vadd.f32 v9, v8;
	[tilespmem:s10+$0xFFFFFE50] =	vst v2  }
0x3cd: {  	v2 =	vld [tilespmem:s14+$0xFFFFFE60]  }
0x3ce: {  	v7 =	vld [tilespmem:s10+$0xFFFFFF70];
	v8 =	vmax.f32 v8, $0.0e+00  }
0x3cf: {  	v3 =	vadd.f32 v3, v13;
	[tilespmem:s10+$0xFFFFFFE0] =	vst v8;
	v8 =	vld [tilespmem:s10+$0xFFFFFFF0]  }
0x3d0: {  	v12 =	vld [tilespmem:s14+$0xFFFFFFF0]  }
0x3d1: {  	v3 =	vmax.f32 v3, $0.0e+00;
	v9 =	vadd.f32 v4, v11;
	v4 =	vld [tilespmem:s10+$0xFFFFFE80]  }
0x3d2: {  	[tilespmem:s10+$0xFFFFFEE0] =	vst v3;
	v2 =	vadd.f32 v2, v10;
	v3 =	vld [tilespmem:s10+$0xFFFFFF00]  }
0x3d3: {  	v10 =	vmax.f32 v9, $0.0e+00;
	v9 =	vld [tilespmem:s14+$0xFFFFFEF0]  }
0x3d4: {  	[tilespmem:s10+$0xFFFFFF60] =	vst v10;
	v10 =	vmax.f32 v2, $0.0e+00;
	v2 =	vld [tilespmem:s10+$0xFFFFFF80]  }
0x3d5: {  	[tilespmem:s10+$0xFFFFFE60] =	vst v10;
	v10 =	vld [tilespmem:s14+$0xFFFFFF70];
	v8 =	vadd.f32 v12, v8  }
0x3d6: {  	v11 =	vld [tilespmem:s14+$0xFFFFFE70]  }
0x3d7: {  	s18 =	simm.s32 $0x0;
	s11 =	simm.s32 $0x1BAE8;
	s23 =	simm.s32 $0x168E8;
	v12 =	vmax.f32 v8, $0.0e+00;
	v8 =	vld [tilespmem:s10+$0x0]  }
.LBB2_25:
0x3d8: {  	v13 =	vld [tilespmem:s11+$0xFFFFFF90];
	v6 =	vadd.f32 v9, v6;
	[tilespmem:s10+$0xFFFFFFF0] =	vst v12  }
0x3d9: {  	s23 =	sadd.s32 $0x200, s23;
	v9 =	vld [tilespmem:s14+$0x0]  }
0x3da: {  	s18 =	sadd.s32 $0x4, s18;
	v12 =	vld [tilespmem:s23+$0xFFFFFF90];
	v6 =	vmax.f32 v6, $0.0e+00;
	v7 =	vadd.f32 v10, v7  }
0x3db: {  	p5 =	slt.u32 s18, $0x4C;
	v10 =	vld [tilespmem:s23+$0xFFFFFE10];
	v5 =	vadd.f32 v11, v5;
	[tilespmem:s10+$0xFFFFFEF0] =	vst v6  }
0x3dc: {  	v6 =	vld [tilespmem:s11+$0xFFFFFE90];
	v7 =	vmax.f32 v7, $0.0e+00  }
0x3dd: {  	v11 =	vld [tilespmem:s23+$0xFFFFFE90];
	v5 =	vmax.f32 v5, $0.0e+00;
	[tilespmem:s10+$0xFFFFFF70] =	vst v7  }
0x3de: {  	v7 =	vld [tilespmem:s11+$0xFFFFFF10];
	[tilespmem:s10+$0xFFFFFE70] =	vst v5;
	v5 =	vadd.f32 v9, v8  }
0x3df: {  	v8 =	vld [tilespmem:s23+$0xFFFFFF10];
	v9 =	vadd.f32 v12, v13  }
0x3e0: {  	v12 =	vld [tilespmem:s11+$0xFFFFFE10];
	v5 =	vmax.f32 v5, $0.0e+00  }
0x3e1: {  	v13 =	vld [tilespmem:s11+$0xFFFFFE20];
	v9 =	vmax.f32 v9, $0.0e+00;
	[tilespmem:s10+$0x0] =	vst v5  }
0x3e2: {  	v5 =	vadd.f32 v11, v6;
	[tilespmem:s11+$0xFFFFFF90] =	vst v9;
	v6 =	vld [tilespmem:s11+$0xFFFFFFA0]  }
0x3e3: {  	v9 =	vld [tilespmem:s23+$0xFFFFFFA0]  }
0x3e4: {  	v5 =	vmax.f32 v5, $0.0e+00;
	v11 =	vld [tilespmem:s11+$0xFFFFFEA0];
	v7 =	vadd.f32 v8, v7  }
0x3e5: {  	v8 =	vadd.f32 v10, v12;
	[tilespmem:s11+$0xFFFFFE90] =	vst v5;
	v5 =	vld [tilespmem:s11+$0xFFFFFF20]  }
0x3e6: {  	v10 =	vld [tilespmem:s23+$0xFFFFFEA0];
	v7 =	vmax.f32 v7, $0.0e+00  }
0x3e7: {  	v8 =	vmax.f32 v8, $0.0e+00;
	v12 =	vld [tilespmem:s11+$0xFFFFFE30];
	[tilespmem:s11+$0xFFFFFF10] =	vst v7  }
0x3e8: {  	[tilespmem:s11+$0xFFFFFE10] =	vst v8;
	v7 =	vld [tilespmem:s23+$0xFFFFFF20];
	v6 =	vadd.f32 v9, v6  }
0x3e9: {  	v8 =	vld [tilespmem:s23+$0xFFFFFE20]  }
0x3ea: {  	v9 =	vld [tilespmem:s11+$0xFFFFFEB0];
	v6 =	vmax.f32 v6, $0.0e+00  }
0x3eb: {  	v10 =	vadd.f32 v10, v11;
	[tilespmem:s11+$0xFFFFFFA0] =	vst v6;
	v6 =	vld [tilespmem:s11+$0xFFFFFFB0]  }
0x3ec: {  	v11 =	vld [tilespmem:s23+$0xFFFFFFB0]  }
0x3ed: {  	v10 =	vmax.f32 v10, $0.0e+00;
	v5 =	vadd.f32 v7, v5;
	v7 =	vld [tilespmem:s11+$0xFFFFFF30]  }
0x3ee: {  	v8 =	vadd.f32 v8, v13;
	v13 =	vld [tilespmem:s11+$0xFFFFFE40];
	[tilespmem:s11+$0xFFFFFEA0] =	vst v10  }
0x3ef: {  	v10 =	vld [tilespmem:s23+$0xFFFFFEB0];
	v5 =	vmax.f32 v5, $0.0e+00  }
0x3f0: {  	v8 =	vmax.f32 v8, $0.0e+00;
	v14 =	vld [tilespmem:s11+$0xFFFFFEC0];
	[tilespmem:s11+$0xFFFFFF20] =	vst v5  }
0x3f1: {  	[tilespmem:s11+$0xFFFFFE20] =	vst v8;
	v5 =	vld [tilespmem:s23+$0xFFFFFF30];
	v6 =	vadd.f32 v11, v6  }
0x3f2: {  	v8 =	vld [tilespmem:s23+$0xFFFFFE30]  }
0x3f3: {  	v11 =	vld [tilespmem:s11+$0xFFFFFF40];
	v6 =	vmax.f32 v6, $0.0e+00  }
0x3f4: {  	v9 =	vadd.f32 v10, v9;
	[tilespmem:s11+$0xFFFFFFB0] =	vst v6;
	v6 =	vld [tilespmem:s11+$0xFFFFFFC0]  }
0x3f5: {  	v10 =	vld [tilespmem:s23+$0xFFFFFFC0]  }
0x3f6: {  	v15 =	vld [tilespmem:s11+$0xFFFFFE50];
	v9 =	vmax.f32 v9, $0.0e+00;
	v5 =	vadd.f32 v5, v7  }
0x3f7: {  	v7 =	vadd.f32 v8, v12;
	[tilespmem:s11+$0xFFFFFEB0] =	vst v9;
	v8 =	vld [tilespmem:s11+$0xFFFFFED0]  }
0x3f8: {  	v9 =	vld [tilespmem:s23+$0xFFFFFEC0];
	v5 =	vmax.f32 v5, $0.0e+00  }
0x3f9: {  	v7 =	vmax.f32 v7, $0.0e+00;
	[tilespmem:s11+$0xFFFFFF30] =	vst v5;
	v12 =	vld [tilespmem:s11+$0xFFFFFF50]  }
0x3fa: {  	[tilespmem:s11+$0xFFFFFE30] =	vst v7;
	v5 =	vld [tilespmem:s23+$0xFFFFFF40];
	v6 =	vadd.f32 v10, v6  }
0x3fb: {  	v7 =	vld [tilespmem:s23+$0xFFFFFE40]  }
0x3fc: {  	v10 =	vld [tilespmem:s11+$0xFFFFFE60];
	v6 =	vmax.f32 v6, $0.0e+00  }
0x3fd: {  	v9 =	vadd.f32 v9, v14;
	[tilespmem:s11+$0xFFFFFFC0] =	vst v6;
	v6 =	vld [tilespmem:s11+$0xFFFFFFD0]  }
0x3fe: {  	v14 =	vld [tilespmem:s23+$0xFFFFFFD0]  }
0x3ff: {  	v9 =	vmax.f32 v9, $0.0e+00;
	v16 =	vld [tilespmem:s11+$0xFFFFFEE0];
	v5 =	vadd.f32 v5, v11  }
0x400: {  	v7 =	vadd.f32 v7, v13;
	[tilespmem:s11+$0xFFFFFEC0] =	vst v9;
	v9 =	vld [tilespmem:s11+$0xFFFFFF60]  }
0x401: {  	v11 =	vld [tilespmem:s23+$0xFFFFFED0];
	v13 =	vmax.f32 v5, $0.0e+00  }
0x402: {  	v7 =	vmax.f32 v7, $0.0e+00;
	v5 =	vld [tilespmem:s11+$0xFFFFFE70];
	[tilespmem:s11+$0xFFFFFF40] =	vst v13  }
0x403: {  	[tilespmem:s11+$0xFFFFFE40] =	vst v7;
	v7 =	vld [tilespmem:s23+$0xFFFFFF50];
	v13 =	vadd.f32 v14, v6  }
0x404: {  	v14 =	vld [tilespmem:s23+$0xFFFFFE50]  }
0x405: {  	v6 =	vld [tilespmem:s11+$0xFFFFFEF0];
	v13 =	vmax.f32 v13, $0.0e+00  }
0x406: {  	v8 =	vadd.f32 v11, v8;
	[tilespmem:s11+$0xFFFFFFD0] =	vst v13;
	v11 =	vld [tilespmem:s11+$0xFFFFFFE0]  }
0x407: {  	v13 =	vld [tilespmem:s23+$0xFFFFFFE0]  }
0x408: {  	v8 =	vmax.f32 v8, $0.0e+00;
	v12 =	vadd.f32 v7, v12;
	v7 =	vld [tilespmem:s11+$0xFFFFFF70]  }
0x409: {  	v14 =	vadd.f32 v14, v15;
	[tilespmem:s11+$0xFFFFFED0] =	vst v8;
	v8 =	vld [tilespmem:s14+$0xFFFFFE80]  }
0x40a: {  	v15 =	vld [tilespmem:s23+$0xFFFFFEE0];
	v12 =	vmax.f32 v12, $0.0e+00  }
0x40b: {  	v14 =	vmax.f32 v14, $0.0e+00;
	[tilespmem:s11+$0xFFFFFF50] =	vst v12;
	v12 =	vld [tilespmem:s14+$0xFFFFFF00]  }
0x40c: {  	[tilespmem:s11+$0xFFFFFE50] =	vst v14;
	v14 =	vld [tilespmem:s23+$0xFFFFFF60];
	v11 =	vadd.f32 v13, v11  }
0x40d: {  	v13 =	vld [tilespmem:s23+$0xFFFFFE60]  }
0x40e: {  	v11 =	vmax.f32 v11, $0.0e+00;
	v4 =	vadd.f32 v8, v4;
	v8 =	vld [tilespmem:s14+$0xFFFFFF80];
	s14 =	smov.u32 s23  }
0x40f: {  	v15 =	vadd.f32 v15, v16;
	[tilespmem:s11+$0xFFFFFFE0] =	vst v11;
	v11 =	vld [tilespmem:s11+$0xFFFFFFF0]  }
0x410: {  	v16 =	vld [tilespmem:s23+$0xFFFFFFF0];
	v17 =	vmax.f32 v4, $0.0e+00;
	v12 =	vadd.f32 v12, v3  }
0x411: {  	v4 =	vld [tilespmem:s11+$0xFFFFFE80];
	v3 =	vmax.f32 v15, $0.0e+00;
	v14 =	vadd.f32 v14, v9;
	[tilespmem:s10+$0xFFFFFE80] =	vst v17  }
0x412: {  	v10 =	vadd.f32 v13, v10;
	[tilespmem:s11+$0xFFFFFEE0] =	vst v3;
	v3 =	vld [tilespmem:s11+$0xFFFFFF00];
	v12 =	vmax.f32 v12, $0.0e+00  }
.Ltmp17:
0x413: {  	v9 =	vld [tilespmem:s23+$0xFFFFFEF0];
	v13 =	vmax.f32 v14, $0.0e+00;
	[tilespmem:s10+$0xFFFFFF00] =	vst v12;
	v8 =	vadd.f32 v8, v2;
	(pc) =	sbr.rel @p5 .LBB2_25-.Ltmp17, $4  }
0x414: {  	v10 =	vmax.f32 v10, $0.0e+00;
	[tilespmem:s11+$0xFFFFFF60] =	vst v13;
	v2 =	vld [tilespmem:s11+$0xFFFFFF80]  }
0x415: {  	[tilespmem:s11+$0xFFFFFE60] =	vst v10;
	v10 =	vld [tilespmem:s23+$0xFFFFFF70];
	v12 =	vadd.f32 v16, v11;
	v8 =	vmax.f32 v8, $0.0e+00  }
0x416: {  	v11 =	vld [tilespmem:s23+$0xFFFFFE70];
	[tilespmem:s10+$0xFFFFFF80] =	vst v8;
	s10 =	smov.u32 s11  }
0x417: {  	s11 =	sadd.s32 $0x200, s11;
	v12 =	vmax.f32 v12, $0.0e+00;
	v8 =	vld [tilespmem:s10+$0x0]  }
0x418: {  	_ = 	snop  }
0x419: {  	v6 =	vadd.f32 v9, v6  }
0x41a: {  	v7 =	vadd.f32 v10, v7  }
0x41b: {  	[tilespmem:s10+$0xFFFFFFF0] =	vst v12;
	v6 =	vmax.f32 v6, $0.0e+00;
	v5 =	vadd.f32 v11, v5  }
0x41c: {  	v58 =	vld [tilespmem:s14+$0x0];
	[tilespmem:s10+$0xFFFFFEF0] =	vst v6;
	v59 =	vmax.f32 v7, $0.0e+00  }
0x41d: {  	v61 =	vld [tilespmem:s14+$0xFFFFFF00];
	v5 =	vmax.f32 v5, $0.0e+00;
	[tilespmem:s10+$0xFFFFFF70] =	vst v59  }
0x41e: {  	[tilespmem:s10+$0xFFFFFE70] =	vst v5;
	v62 =	vld [tilespmem:s14+$0xFFFFFF80]  }
0x41f: {  	v60 =	vld [tilespmem:s14+$0xFFFFFE80];
	_ =	sdelay $0x1  }
0x420: {  	v8 =	vadd.f32 v58, v8  }
0x421: {  	v3 =	vadd.f32 v61, v3  }
0x422: {  	p5 =	seq.s32 s26, $0x3D;
	v63 =	vmax.f32 v8, $0.0e+00;
	v2 =	vadd.f32 v62, v2  }
.Ltmp18:
0x423: {  	[tilespmem:s10+$0x0] =	vst v63;
	v3 =	vmax.f32 v3, $0.0e+00;
	v4 =	vadd.f32 v60, v4;
	(pc) =	sbr.rel @p5 .LBB2_28-.Ltmp18, $4  }
0x424: {  	[tilespmem:s10+$0xFFFFFF00] =	vst v3;
	v2 =	vmax.f32 v2, $0.0e+00  }
0x425: {  	v4 =	vmax.f32 v4, $0.0e+00;
	[tilespmem:s10+$0xFFFFFF80] =	vst v2  }
0x426: {  	s30 =	sadd.s32 $0x13CF8, s28;
	[tilespmem:s10+$0xFFFFFE80] =	vst v4  }
0x427: {  	[spmem:s3] =	stream.indirect.scatter.add.f32 [tilespmem:s16], [sflag:$0x4], $0x80, s30, s29, $0xb8;
	[tilespmem:$0x1E778] =	vst v63  }
0x428: {  	s5 =	sadd.s32 $0x3, s5  }
0x429: {  	s10 =	smul.u32 $0x50, s5;
	_ =	sdelay $0x1  }
0x42a: {  	s5 =	sshll.u32 s5, $0x7;
	s10 =	sadd.s32 s25, s10  }
.Ltmp19:
0x42b: {  	s5 =	sand.u32 $0x180, s5;
	s10 =	sshrl.u32 s10, $0x3;
	(pc) =	sbr.rel .LBB2_22-.Ltmp19, $4  }
0x42c: {  	s11 =	sadd.s32 $0x13AF8, s5;
	s14 =	sadd.s32 s8, s10  }
0x42d: {  	[tilespmem:s11], [sflag:$0x6] =	stream.linear.gather [hbm4b:s14+s6], $0x50, $0x38;
	[tilespmem:$0x1E778] =	vst v63  }
0x42e: {  	s26 =	sadd.s32 $0x1, s26;
	s5 =	sadd.s32 $0x13CF8, s5;
	s10 =	sadd.s32 s9, s10  }
0x42f: {  	[tilespmem:s5], [sflag:$0x6] =	stream.linear.gather [hbm4b:s10+s6], $0x50, $0x38;
	[tilespmem:$0x1E778] =	vst v63  }
.LBB2_28:
0x430: {  	_ =	swait.ge [sflag:s12], $0x2800  }
0x431: {  	[sflag:s12] =	ssyncset.done $0x0  }
0x432: {  	[sflag:s12] =	ssyncadd.s32 $0xFFFFD800  }
0x433: {  	_ =	swait.ge [sflag:s12], $0x2800  }
0x434: {  	[sflag:s12] =	ssyncset.done $0x0  }
0x435: {  	s5 =	simm.s32 $0x4;
	[sflag:s12] =	ssyncadd.s32 $0xFFFFD800  }
0x436: {  	_ =	swait.ge [sflag:s5], $0x2800  }
0x437: {  	[sflag:s5] =	ssyncset.done $0x0  }
0x438: {  	[sflag:s5] =	ssyncadd.s32 $0xFFFFD800;
	s5 =	simm.s32 $0x18FF8  }
0x439: {  	s10 =	simm.s32 $0x13FF8;
	v2 =	vld [tilespmem:s5+$0x80]  }
0x43a: {  	v3 =	vld [tilespmem:s10+$0x80]  }
0x43b: {  	v4 =	vld [tilespmem:s10+$0xFFFFFF00]  }
0x43c: {  	v5 =	vld [tilespmem:s5+$0xFFFFFF80]  }
0x43d: {  	v6 =	vld [tilespmem:s10+$0xFFFFFF80]  }
0x43e: {  	v7 =	vld [tilespmem:s10+$0x0]  }
0x43f: {  	v2 =	vadd.f32 v3, v2;
	v3 =	vld [tilespmem:s5+$0x0]  }
0x440: {  	v8 =	vld [tilespmem:s5+$0xFFFFFF00]  }
0x441: {  	v2 =	vmax.f32 v2, $0.0e+00  }
0x442: {  	v5 =	vadd.f32 v6, v5;
	[tilespmem:s5+$0x80] =	vst v2;
	v2 =	vld [tilespmem:s5+$0x90]  }
0x443: {  	v9 =	vld [tilespmem:s10+$0x90]  }
0x444: {  	v10 =	vld [tilespmem:s5+$0xFFFFFF90];
	v5 =	vmax.f32 v5, $0.0e+00;
	v3 =	vadd.f32 v7, v3  }
0x445: {  	v6 =	vld [tilespmem:s5+$0xFFFFFF10];
	v4 =	vadd.f32 v4, v8;
	[tilespmem:s5+$0xFFFFFF80] =	vst v5  }
0x446: {  	v7 =	vld [tilespmem:s10+$0xFFFFFF90];
	v3 =	vmax.f32 v3, $0.0e+00  }
0x447: {  	v4 =	vmax.f32 v4, $0.0e+00;
	v5 =	vld [tilespmem:s5+$0x10];
	[tilespmem:s5+$0x0] =	vst v3  }
0x448: {  	[tilespmem:s5+$0xFFFFFF00] =	vst v4;
	v2 =	vadd.f32 v9, v2;
	v3 =	vld [tilespmem:s10+$0x10]  }
0x449: {  	v4 =	vld [tilespmem:s10+$0xFFFFFF10]  }
0x44a: {  	v2 =	vmax.f32 v2, $0.0e+00  }
0x44b: {  	v7 =	vadd.f32 v7, v10;
	[tilespmem:s5+$0x90] =	vst v2;
	v2 =	vld [tilespmem:s5+$0xA0]  }
0x44c: {  	v9 =	vld [tilespmem:s10+$0xA0]  }
0x44d: {  	v8 =	vld [tilespmem:s5+$0xFFFFFF20];
	v7 =	vmax.f32 v7, $0.0e+00;
	v3 =	vadd.f32 v3, v5  }
0x44e: {  	v4 =	vadd.f32 v4, v6;
	v10 =	vld [tilespmem:s5+$0xFFFFFFA0];
	[tilespmem:s5+$0xFFFFFF90] =	vst v7  }
0x44f: {  	v6 =	vld [tilespmem:s10+$0xFFFFFFA0];
	v3 =	vmax.f32 v3, $0.0e+00  }
0x450: {  	v4 =	vmax.f32 v4, $0.0e+00;
	v5 =	vld [tilespmem:s5+$0x20];
	[tilespmem:s5+$0x10] =	vst v3  }
0x451: {  	[tilespmem:s5+$0xFFFFFF10] =	vst v4;
	v2 =	vadd.f32 v9, v2;
	v3 =	vld [tilespmem:s10+$0x20]  }
0x452: {  	v4 =	vld [tilespmem:s10+$0xFFFFFF20]  }
0x453: {  	v2 =	vmax.f32 v2, $0.0e+00  }
0x454: {  	v6 =	vadd.f32 v6, v10;
	[tilespmem:s5+$0xA0] =	vst v2;
	v2 =	vld [tilespmem:s5+$0xB0]  }
0x455: {  	v9 =	vld [tilespmem:s10+$0xB0]  }
0x456: {  	v11 =	vld [tilespmem:s5+$0x30];
	v6 =	vmax.f32 v6, $0.0e+00;
	v3 =	vadd.f32 v3, v5  }
0x457: {  	v4 =	vadd.f32 v4, v8;
	v10 =	vld [tilespmem:s5+$0xFFFFFFB0];
	[tilespmem:s5+$0xFFFFFFA0] =	vst v6  }
0x458: {  	v5 =	vld [tilespmem:s10+$0xFFFFFFB0];
	v3 =	vmax.f32 v3, $0.0e+00  }
0x459: {  	v7 =	vld [tilespmem:s5+$0xFFFFFF30];
	[tilespmem:s5+$0x20] =	vst v3;
	v3 =	vmax.f32 v4, $0.0e+00  }
0x45a: {  	v2 =	vadd.f32 v9, v2;
	[tilespmem:s5+$0xFFFFFF20] =	vst v3;
	v3 =	vld [tilespmem:s10+$0x30]  }
0x45b: {  	v8 =	vld [tilespmem:s10+$0xFFFFFF30]  }
0x45c: {  	v12 =	vld [tilespmem:s5+$0xFFFFFF40];
	v2 =	vmax.f32 v2, $0.0e+00  }
0x45d: {  	v5 =	vadd.f32 v5, v10;
	[tilespmem:s5+$0xB0] =	vst v2;
	v2 =	vld [tilespmem:s5+$0xC0]  }
0x45e: {  	v9 =	vld [tilespmem:s10+$0xC0]  }
0x45f: {  	v13 =	vld [tilespmem:s5+$0xFFFFFFD0];
	v5 =	vmax.f32 v5, $0.0e+00;
	v3 =	vadd.f32 v3, v11  }
0x460: {  	v6 =	vld [tilespmem:s5+$0xFFFFFFC0];
	[tilespmem:s5+$0xFFFFFFB0] =	vst v5;
	v7 =	vadd.f32 v8, v7  }
0x461: {  	v8 =	vld [tilespmem:s10+$0xFFFFFFC0];
	v3 =	vmax.f32 v3, $0.0e+00  }
0x462: {  	v4 =	vld [tilespmem:s5+$0x40];
	[tilespmem:s5+$0x30] =	vst v3;
	v3 =	vmax.f32 v7, $0.0e+00  }
0x463: {  	v2 =	vadd.f32 v9, v2;
	v7 =	vld [tilespmem:s10+$0x40];
	[tilespmem:s5+$0xFFFFFF30] =	vst v3  }
0x464: {  	v3 =	vld [tilespmem:s10+$0xFFFFFF40]  }
0x465: {  	v10 =	vld [tilespmem:s5+$0xFFFFFF50];
	v2 =	vmax.f32 v2, $0.0e+00  }
0x466: {  	[tilespmem:s5+$0xC0] =	vst v2;
	v2 =	vadd.f32 v8, v6;
	v8 =	vld [tilespmem:s5+$0xD0]  }
0x467: {  	v9 =	vld [tilespmem:s10+$0xD0]  }
0x468: {  	v5 =	vld [tilespmem:s5+$0xFFFFFF60];
	v2 =	vmax.f32 v2, $0.0e+00;
	v4 =	vadd.f32 v7, v4  }
0x469: {  	v11 =	vld [tilespmem:s5+$0x50];
	[tilespmem:s5+$0xFFFFFFC0] =	vst v2;
	v2 =	vadd.f32 v3, v12  }
0x46a: {  	v3 =	vld [tilespmem:s10+$0xFFFFFFD0];
	v4 =	vmax.f32 v4, $0.0e+00  }
0x46b: {  	v6 =	vld [tilespmem:s5+$0xFFFFFFE0];
	[tilespmem:s5+$0x40] =	vst v4;
	v2 =	vmax.f32 v2, $0.0e+00  }
0x46c: {  	v4 =	vld [tilespmem:s10+$0x50];
	v8 =	vadd.f32 v9, v8;
	[tilespmem:s5+$0xFFFFFF40] =	vst v2  }
0x46d: {  	v2 =	vld [tilespmem:s10+$0xFFFFFF50]  }
0x46e: {  	v7 =	vld [tilespmem:s5+$0x60];
	v8 =	vmax.f32 v8, $0.0e+00  }
0x46f: {  	v3 =	vadd.f32 v3, v13;
	[tilespmem:s5+$0xD0] =	vst v8;
	v8 =	vld [tilespmem:s5+$0xE0]  }
0x470: {  	v12 =	vld [tilespmem:s10+$0xE0]  }
0x471: {  	v3 =	vmax.f32 v3, $0.0e+00;
	v9 =	vadd.f32 v4, v11;
	v4 =	vld [tilespmem:s5+$0xFFFFFF70]  }
0x472: {  	[tilespmem:s5+$0xFFFFFFD0] =	vst v3;
	v2 =	vadd.f32 v2, v10;
	v3 =	vld [tilespmem:s5+$0xFFFFFFF0]  }
0x473: {  	v10 =	vmax.f32 v9, $0.0e+00;
	v9 =	vld [tilespmem:s10+$0xFFFFFFE0]  }
0x474: {  	[tilespmem:s5+$0x50] =	vst v10;
	v10 =	vmax.f32 v2, $0.0e+00;
	v2 =	vld [tilespmem:s5+$0x70]  }
0x475: {  	[tilespmem:s5+$0xFFFFFF50] =	vst v10;
	v10 =	vld [tilespmem:s10+$0x60];
	v8 =	vadd.f32 v12, v8  }
0x476: {  	v11 =	vld [tilespmem:s10+$0xFFFFFF60]  }
0x477: {  	s14 =	simm.s32 $0x0;
	s11 =	simm.s32 $0x191F8;
	s18 =	simm.s32 $0x13FF8;
	v12 =	vmax.f32 v8, $0.0e+00;
	v8 =	vld [tilespmem:s5+$0xF0]  }
.LBB2_29:
0x478: {  	v13 =	vld [tilespmem:s11+$0x80];
	v6 =	vadd.f32 v9, v6;
	[tilespmem:s5+$0xE0] =	vst v12  }
0x479: {  	s18 =	sadd.s32 $0x200, s18;
	v9 =	vld [tilespmem:s10+$0xF0]  }
0x47a: {  	s14 =	sadd.s32 $0x4, s14;
	v12 =	vld [tilespmem:s18+$0x80];
	v6 =	vmax.f32 v6, $0.0e+00;
	v7 =	vadd.f32 v10, v7  }
0x47b: {  	p5 =	slt.u32 s14, $0x4C;
	v10 =	vld [tilespmem:s18+$0xFFFFFF00];
	v5 =	vadd.f32 v11, v5;
	[tilespmem:s5+$0xFFFFFFE0] =	vst v6  }
0x47c: {  	v6 =	vld [tilespmem:s11+$0xFFFFFF80];
	v7 =	vmax.f32 v7, $0.0e+00  }
0x47d: {  	v11 =	vld [tilespmem:s18+$0xFFFFFF80];
	v5 =	vmax.f32 v5, $0.0e+00;
	[tilespmem:s5+$0x60] =	vst v7  }
0x47e: {  	v7 =	vld [tilespmem:s11+$0x0];
	[tilespmem:s5+$0xFFFFFF60] =	vst v5;
	v5 =	vadd.f32 v9, v8  }
0x47f: {  	v8 =	vld [tilespmem:s18+$0x0];
	v9 =	vadd.f32 v12, v13  }
0x480: {  	v12 =	vld [tilespmem:s11+$0xFFFFFF00];
	v5 =	vmax.f32 v5, $0.0e+00  }
0x481: {  	v13 =	vld [tilespmem:s11+$0xFFFFFF10];
	v9 =	vmax.f32 v9, $0.0e+00;
	[tilespmem:s5+$0xF0] =	vst v5  }
0x482: {  	v5 =	vadd.f32 v11, v6;
	[tilespmem:s11+$0x80] =	vst v9;
	v6 =	vld [tilespmem:s11+$0x90]  }
0x483: {  	v9 =	vld [tilespmem:s18+$0x90]  }
0x484: {  	v5 =	vmax.f32 v5, $0.0e+00;
	v11 =	vld [tilespmem:s11+$0xFFFFFF90];
	v7 =	vadd.f32 v8, v7  }
0x485: {  	v8 =	vadd.f32 v10, v12;
	[tilespmem:s11+$0xFFFFFF80] =	vst v5;
	v5 =	vld [tilespmem:s11+$0x10]  }
0x486: {  	v10 =	vld [tilespmem:s18+$0xFFFFFF90];
	v7 =	vmax.f32 v7, $0.0e+00  }
0x487: {  	v8 =	vmax.f32 v8, $0.0e+00;
	v12 =	vld [tilespmem:s11+$0xFFFFFF20];
	[tilespmem:s11+$0x0] =	vst v7  }
0x488: {  	[tilespmem:s11+$0xFFFFFF00] =	vst v8;
	v7 =	vld [tilespmem:s18+$0x10];
	v6 =	vadd.f32 v9, v6  }
0x489: {  	v8 =	vld [tilespmem:s18+$0xFFFFFF10]  }
0x48a: {  	v9 =	vld [tilespmem:s11+$0xFFFFFFA0];
	v6 =	vmax.f32 v6, $0.0e+00  }
0x48b: {  	v10 =	vadd.f32 v10, v11;
	[tilespmem:s11+$0x90] =	vst v6;
	v6 =	vld [tilespmem:s11+$0xA0]  }
0x48c: {  	v11 =	vld [tilespmem:s18+$0xA0]  }
0x48d: {  	v10 =	vmax.f32 v10, $0.0e+00;
	v5 =	vadd.f32 v7, v5;
	v7 =	vld [tilespmem:s11+$0x20]  }
0x48e: {  	v8 =	vadd.f32 v8, v13;
	v13 =	vld [tilespmem:s11+$0xFFFFFF30];
	[tilespmem:s11+$0xFFFFFF90] =	vst v10  }
0x48f: {  	v10 =	vld [tilespmem:s18+$0xFFFFFFA0];
	v5 =	vmax.f32 v5, $0.0e+00  }
0x490: {  	v8 =	vmax.f32 v8, $0.0e+00;
	v14 =	vld [tilespmem:s11+$0xFFFFFFB0];
	[tilespmem:s11+$0x10] =	vst v5  }
0x491: {  	[tilespmem:s11+$0xFFFFFF10] =	vst v8;
	v5 =	vld [tilespmem:s18+$0x20];
	v6 =	vadd.f32 v11, v6  }
0x492: {  	v8 =	vld [tilespmem:s18+$0xFFFFFF20]  }
0x493: {  	v11 =	vld [tilespmem:s11+$0x30];
	v6 =	vmax.f32 v6, $0.0e+00  }
0x494: {  	v9 =	vadd.f32 v10, v9;
	[tilespmem:s11+$0xA0] =	vst v6;
	v6 =	vld [tilespmem:s11+$0xB0]  }
0x495: {  	v10 =	vld [tilespmem:s18+$0xB0]  }
0x496: {  	v15 =	vld [tilespmem:s11+$0xFFFFFF40];
	v9 =	vmax.f32 v9, $0.0e+00;
	v5 =	vadd.f32 v5, v7  }
0x497: {  	v7 =	vadd.f32 v8, v12;
	[tilespmem:s11+$0xFFFFFFA0] =	vst v9;
	v8 =	vld [tilespmem:s11+$0xFFFFFFC0]  }
0x498: {  	v9 =	vld [tilespmem:s18+$0xFFFFFFB0];
	v5 =	vmax.f32 v5, $0.0e+00  }
0x499: {  	v7 =	vmax.f32 v7, $0.0e+00;
	[tilespmem:s11+$0x20] =	vst v5;
	v12 =	vld [tilespmem:s11+$0x40]  }
0x49a: {  	[tilespmem:s11+$0xFFFFFF20] =	vst v7;
	v5 =	vld [tilespmem:s18+$0x30];
	v6 =	vadd.f32 v10, v6  }
0x49b: {  	v7 =	vld [tilespmem:s18+$0xFFFFFF30]  }
0x49c: {  	v10 =	vld [tilespmem:s11+$0xFFFFFF50];
	v6 =	vmax.f32 v6, $0.0e+00  }
0x49d: {  	v9 =	vadd.f32 v9, v14;
	[tilespmem:s11+$0xB0] =	vst v6;
	v6 =	vld [tilespmem:s11+$0xC0]  }
0x49e: {  	v14 =	vld [tilespmem:s18+$0xC0]  }
0x49f: {  	v9 =	vmax.f32 v9, $0.0e+00;
	v16 =	vld [tilespmem:s11+$0xFFFFFFD0];
	v5 =	vadd.f32 v5, v11  }
0x4a0: {  	v7 =	vadd.f32 v7, v13;
	[tilespmem:s11+$0xFFFFFFB0] =	vst v9;
	v9 =	vld [tilespmem:s11+$0x50]  }
0x4a1: {  	v11 =	vld [tilespmem:s18+$0xFFFFFFC0];
	v13 =	vmax.f32 v5, $0.0e+00  }
0x4a2: {  	v7 =	vmax.f32 v7, $0.0e+00;
	v5 =	vld [tilespmem:s11+$0xFFFFFF60];
	[tilespmem:s11+$0x30] =	vst v13  }
0x4a3: {  	[tilespmem:s11+$0xFFFFFF30] =	vst v7;
	v7 =	vld [tilespmem:s18+$0x40];
	v13 =	vadd.f32 v14, v6  }
0x4a4: {  	v14 =	vld [tilespmem:s18+$0xFFFFFF40]  }
0x4a5: {  	v6 =	vld [tilespmem:s11+$0xFFFFFFE0];
	v13 =	vmax.f32 v13, $0.0e+00  }
0x4a6: {  	v8 =	vadd.f32 v11, v8;
	[tilespmem:s11+$0xC0] =	vst v13;
	v11 =	vld [tilespmem:s11+$0xD0]  }
0x4a7: {  	v13 =	vld [tilespmem:s18+$0xD0]  }
0x4a8: {  	v8 =	vmax.f32 v8, $0.0e+00;
	v12 =	vadd.f32 v7, v12;
	v7 =	vld [tilespmem:s11+$0x60]  }
0x4a9: {  	v14 =	vadd.f32 v14, v15;
	[tilespmem:s11+$0xFFFFFFC0] =	vst v8;
	v8 =	vld [tilespmem:s10+$0xFFFFFF70]  }
0x4aa: {  	v15 =	vld [tilespmem:s18+$0xFFFFFFD0];
	v12 =	vmax.f32 v12, $0.0e+00  }
0x4ab: {  	v14 =	vmax.f32 v14, $0.0e+00;
	[tilespmem:s11+$0x40] =	vst v12;
	v12 =	vld [tilespmem:s10+$0xFFFFFFF0]  }
0x4ac: {  	[tilespmem:s11+$0xFFFFFF40] =	vst v14;
	v14 =	vld [tilespmem:s18+$0x50];
	v11 =	vadd.f32 v13, v11  }
0x4ad: {  	v13 =	vld [tilespmem:s18+$0xFFFFFF50]  }
0x4ae: {  	v11 =	vmax.f32 v11, $0.0e+00;
	v4 =	vadd.f32 v8, v4;
	v8 =	vld [tilespmem:s10+$0x70];
	s10 =	smov.u32 s18  }
0x4af: {  	v15 =	vadd.f32 v15, v16;
	[tilespmem:s11+$0xD0] =	vst v11;
	v11 =	vld [tilespmem:s11+$0xE0]  }
0x4b0: {  	v16 =	vld [tilespmem:s18+$0xE0];
	v17 =	vmax.f32 v4, $0.0e+00;
	v12 =	vadd.f32 v12, v3  }
0x4b1: {  	v4 =	vld [tilespmem:s11+$0xFFFFFF70];
	v3 =	vmax.f32 v15, $0.0e+00;
	v14 =	vadd.f32 v14, v9;
	[tilespmem:s5+$0xFFFFFF70] =	vst v17  }
0x4b2: {  	v10 =	vadd.f32 v13, v10;
	[tilespmem:s11+$0xFFFFFFD0] =	vst v3;
	v3 =	vld [tilespmem:s11+$0xFFFFFFF0];
	v12 =	vmax.f32 v12, $0.0e+00  }
.Ltmp20:
0x4b3: {  	v9 =	vld [tilespmem:s18+$0xFFFFFFE0];
	v13 =	vmax.f32 v14, $0.0e+00;
	[tilespmem:s5+$0xFFFFFFF0] =	vst v12;
	v8 =	vadd.f32 v8, v2;
	(pc) =	sbr.rel @p5 .LBB2_29-.Ltmp20, $4  }
0x4b4: {  	v10 =	vmax.f32 v10, $0.0e+00;
	[tilespmem:s11+$0x50] =	vst v13;
	v2 =	vld [tilespmem:s11+$0x70]  }
0x4b5: {  	[tilespmem:s11+$0xFFFFFF50] =	vst v10;
	v10 =	vld [tilespmem:s18+$0x60];
	v12 =	vadd.f32 v16, v11;
	v8 =	vmax.f32 v8, $0.0e+00  }
0x4b6: {  	v11 =	vld [tilespmem:s18+$0xFFFFFF60];
	[tilespmem:s5+$0x70] =	vst v8;
	s5 =	smov.u32 s11  }
0x4b7: {  	s11 =	sadd.s32 $0x200, s11;
	v12 =	vmax.f32 v12, $0.0e+00;
	v8 =	vld [tilespmem:s5+$0xF0]  }
0x4b8: {  	_ = 	snop  }
0x4b9: {  	v6 =	vadd.f32 v9, v6  }
0x4ba: {  	v7 =	vadd.f32 v10, v7  }
0x4bb: {  	[tilespmem:s5+$0xE0] =	vst v12;
	v6 =	vmax.f32 v6, $0.0e+00;
	v5 =	vadd.f32 v11, v5  }
0x4bc: {  	v58 =	vld [tilespmem:s10+$0xF0];
	[tilespmem:s5+$0xFFFFFFE0] =	vst v6;
	v59 =	vmax.f32 v7, $0.0e+00  }
0x4bd: {  	v61 =	vld [tilespmem:s10+$0xFFFFFFF0];
	v5 =	vmax.f32 v5, $0.0e+00;
	[tilespmem:s5+$0x60] =	vst v59  }
0x4be: {  	[tilespmem:s5+$0xFFFFFF60] =	vst v5;
	v62 =	vld [tilespmem:s10+$0x70]  }
0x4bf: {  	v60 =	vld [tilespmem:s10+$0xFFFFFF70];
	_ =	sdelay $0x1  }
0x4c0: {  	v8 =	vadd.f32 v58, v8  }
0x4c1: {  	v3 =	vadd.f32 v61, v3  }
0x4c2: {  	v63 =	vmax.f32 v8, $0.0e+00;
	v2 =	vadd.f32 v62, v2  }
0x4c3: {  	[tilespmem:s5+$0xF0] =	vst v63;
	v3 =	vmax.f32 v3, $0.0e+00;
	v4 =	vadd.f32 v60, v4  }
0x4c4: {  	[tilespmem:s5+$0xFFFFFFF0] =	vst v3;
	v2 =	vmax.f32 v2, $0.0e+00  }
0x4c5: {  	v4 =	vmax.f32 v4, $0.0e+00;
	[tilespmem:s5+$0x70] =	vst v2  }
.Ltmp21:
0x4c6: {  	s24 =	simm.s32 $0x13CF8;
	[tilespmem:s5+$0xFFFFFF70] =	vst v4;
	(pc) =	sbr.rel .LBB2_31-.Ltmp21, $4  }
0x4c7: {  	[spmem:s3] =	stream.indirect.scatter.add.f32 [tilespmem:s13], [sflag:$0x3], $0x80, s24, s29, $0xb8;
	[tilespmem:$0x1E778] =	vst v63  }
0x4c8: {  	_ =	swait.ge [sflag:s21], $0x2800  }
0x4c9: {  	[sflag:s21] =	ssyncset.done $0x0  }
0x4ca: {  	s23 =	simm.s32 $0x7;
	s26 =	rddreg [dreg:$0x1e];
	[sflag:s21] =	ssyncadd.s32 $0xFFFFD800  }
.LBB2_32:
0x4cb: {  	_ =	sfence.sel $0x180000  }
0x4cc: {  	[bflag:$0x0] =	sbarrier.arrive $0xFFFF  }
0x4cd: {  	_ =	strace $0x90000047  }
0x4ce: {  	[bflag:$0x2] =	sbarrier.arrive $0xFFFF  }
0x4cf: {  	p0 =	sne.s32 s14, $0x0;
	s0 =	rddreg [dreg:$0x5]  }
0x4d0: {  	s0 =	sadd.s32 @!p0 $0x100000, s0  }
0x4d1: {  	[sflag:s0] =	ssyncadd.tile.s32 @!p0 $0x1;
	_ =	shalt  }
.Lfunc_end2:
_tile_overlayer_lowered:
.L_overlay_start_2:
0x4d2: {  	(tag) =	ssettag $0x2  }
0x4d3: {  	s0 =	rddreg [dreg:$0x0];
	s2 =	stileid.u32  }
0x4d4: {  	s1 =	rddreg [dreg:$0x1];
	p0 =	sne.s32 s2, $0x0  }
0x4d5: {  	s3 =	rddreg [dreg:$0x2];
	[bflag:$0x3] =	sbarrier.arrive $0xFFFF;
	s2 =	simm.s32 @!p0 $0x1C07  }
0x4d6: {  	[timem:s3], [sflag:s2] =	dma.local @!p0 [hbm:s0], s1  }
0x4d7: {  	s0 =	simm.s32 @!p0 $0x7  }
0x4d8: {  	_ =	swait.ge @!p0 [sflag:s0], s1  }
0x4d9: {  	s1 =	ssub.s32 @!p0 $0x0, s1;
	[sflag:s0] =	ssyncset.done @!p0 $0x0  }
0x4da: {  	[sflag:s0] =	ssyncadd.s32 @!p0 s1  }
0x4db: {  	[bflag:$0x3] =	sbarrier.arrive $0xFFFF  }
0x4dc: {  	_ =	shalt  }

</sc_bundles>
